<compile_context>
chip_gen: v7x
topology: tpu7x:2x2x1
jax: 0.10.2.dev20260603
libtpu: 0.0.44.dev20260713+nightly
codegen_flags: <defaults>
</compile_context>

<pallas_src>
import functools

import jax
import jax.numpy as jnp
from jax import lax
from jax.experimental import pallas as pl
from jax.experimental.pallas import tpu as pltpu
from jax.experimental.pallas import tpu_sc as plsc

H = 100
HP = 128
K = 4

_NC = 2
_NS = 16
_NW = _NC * _NS

_CH = 80


def _cdiv(a, b):
    return (a + b - 1) // b



def _stage1_body(vvt_ref, aw_ref, ab_ref, wself_ref, wnbr_ref, tself_ref,
                 t1_ref, t2_ref, t3_ref, t4_ref):
    uu = lax.dot_general(vvt_ref[...], aw_ref[...],
                         (((0,), (0,)), ((), ())),
                         preferred_element_type=jnp.float32)
    uu = jnp.maximum(uu + ab_ref[...], 0.0)
    tself_ref[...] = jnp.dot(uu, wself_ref[...], preferred_element_type=jnp.float32).astype(jnp.bfloat16)
    tn = jnp.dot(uu, wnbr_ref[...], preferred_element_type=jnp.float32)
    for kk, ref in enumerate((t1_ref, t2_ref, t3_ref, t4_ref)):
        ref[...] = tn[:, kk * HP:(kk + 1) * HP]


def _stage1(vvt, A_W, A_b, W_self, W_nbr, bn):
    d_in, n = vvt.shape
    grid = (_cdiv(n, bn),)
    return pl.pallas_call(
        _stage1_body,
        grid=grid,
        in_specs=[
            pl.BlockSpec((d_in, bn), lambda i: (0, i)),
            pl.BlockSpec((d_in, H), lambda i: (0, 0)),
            pl.BlockSpec((1, H), lambda i: (0, 0)),
            pl.BlockSpec((H, H), lambda i: (0, 0)),
            pl.BlockSpec((H, K * HP), lambda i: (0, 0)),
        ],
        out_specs=[pl.BlockSpec((bn, H), lambda i: (i, 0))]
        + [pl.BlockSpec((bn, HP), lambda i: (i, 0)) for _ in range(K)],
        out_shape=[jax.ShapeDtypeStruct((n, H), jnp.bfloat16)]
        + [jax.ShapeDtypeStruct((n, HP), jnp.float32) for _ in range(K)],
    )(vvt, A_W, A_b.reshape(1, H), W_self, W_nbr)



def _sc_gather_sum(idxt, tables, row0, n_rows):
    mesh = plsc.VectorSubcoreMesh(core_axis_name="c", subcore_axis_name="s",
                                  num_cores=_NC, num_subcores=_NS)

    cpw = n_rows // (_NW * _CH)
    max_rows = cpw * _CH

    @functools.partial(
        pl.kernel,
        out_type=jax.ShapeDtypeStruct((n_rows, H), jnp.float32),
        mesh=mesh,
        scratch_types=[
            pltpu.VMEM((K * max_rows,), jnp.int32),
            [pltpu.VMEM((_CH, HP), jnp.float32) for _ in range(2 * K)],
            pltpu.VMEM((_CH, H), jnp.float32),
            pltpu.VMEM((_CH, H), jnp.float32),
            pltpu.SemaphoreType.DMA,
            pltpu.SemaphoreType.DMA,
            pltpu.SemaphoreType.DMA,
            pltpu.SemaphoreType.DMA,
        ],
    )
    def k(idxt_hbm, t1_hbm, t2_hbm, t3_hbm, t4_hbm, out_hbm, idx_v, bufs,
          o0, o1, sg0, sg1, so0, so1):
        tabs = (t1_hbm, t2_hbm, t3_hbm, t4_hbm)
        wid = lax.axis_index("c") * _NS + lax.axis_index("s")
        my_chunks = cpw
        wbase = _CH * wid * cpw
        for kk in range(K):
            pltpu.sync_copy(idxt_hbm.at[kk, pl.ds(row0 + wbase, max_rows)],
                            idx_v.at[pl.ds(kk * max_rows, max_rows)])

        def start_gathers(t, bset, sem):
            return [
                pltpu.async_copy(
                    tabs[kk].at[idx_v.at[pl.ds(kk * max_rows + t * _CH, _CH)]],
                    bset[kk], sem)
                for kk in range(K)
            ]

        def rows_sum(bset, obuf):
            def row(r, c2):
                for off in (0, 16, 32, 48, 64, 80, 84):
                    sl = pl.ds(off, 16)
                    obuf[r, sl] = ((bset[0][r, sl] + bset[1][r, sl])
                                   + (bset[2][r, sl] + bset[3][r, sl]))
                return c2

            lax.fori_loop(0, _CH, row, 0)

        def pair(p, carry):
            t0 = 2 * p
            t1 = t0 + 1
            set0 = bufs[:K]
            set1 = bufs[K:]
            cps0 = start_gathers(t0, set0, sg0)
            cps1 = start_gathers(t1, set1, sg1)
            for cp in cps0:
                cp.wait()
            rows_sum(set0, o0)
            w0 = pltpu.async_copy(
                o0, out_hbm.at[pl.ds(wbase + t0 * _CH, _CH)], so0)
            for cp in cps1:
                cp.wait()
            rows_sum(set1, o1)
            w1 = pltpu.async_copy(
                o1, out_hbm.at[pl.ds(wbase + t1 * _CH, _CH)], so1)
            w0.wait()
            w1.wait()
            return carry

        lax.fori_loop(0, my_chunks // 2, pair, 0)

    return k(idxt, *tables)



def _stage3_body(pre_ref, tself_ref, bb_ref, wo_ref, bo_ref, cwt_ref, cbt_ref, llt_ref):
    bb = jnp.maximum(pre_ref[...] + tself_ref[...].astype(jnp.float32) + bb_ref[...], 0.0)
    oo = jnp.tanh(jnp.dot(bb, wo_ref[...], preferred_element_type=jnp.float32) + bo_ref[...])
    llt_ref[...] = lax.dot_general(cwt_ref[...], oo,
                                   (((1,), (1,)), ((), ())),
                                   preferred_element_type=jnp.float32) + cbt_ref[...]


def _stage3(pre, tself, B_b, B2_Wo, B2_bo, C_W, C_b, bn, row0, n_rows):
    n_out = C_W.shape[1]
    grid = (_cdiv(n_rows, bn),)
    blk0 = row0 // bn
    return pl.pallas_call(
        _stage3_body,
        grid=grid,
        in_specs=[
            pl.BlockSpec((bn, H), lambda i: (i, 0)),
            pl.BlockSpec((bn, H), lambda i: (i + blk0, 0)),
            pl.BlockSpec((1, H), lambda i: (0, 0)),
            pl.BlockSpec((H, H), lambda i: (0, 0)),
            pl.BlockSpec((1, H), lambda i: (0, 0)),
            pl.BlockSpec((n_out, H), lambda i: (0, 0)),
            pl.BlockSpec((n_out, 1), lambda i: (0, 0)),
        ],
        out_specs=pl.BlockSpec((n_out, bn), lambda i: (0, i)),
        out_shape=jax.ShapeDtypeStruct((n_out, n_rows), jnp.float32),
    )(pre, tself, B_b.reshape(1, H), B2_Wo, B2_bo.reshape(1, H),
      C_W.T, C_b.reshape(n_out, 1))



def kernel(indices, vv, num_words, A_W, A_b, B_W, B_b, B2_Wo, B2_bo,
           B2_Wh, B2_bh, C_W, C_b, D_W, D_b):
    n = vv.shape[0]

    W_self = B_W[0:H, :]
    W_nbr = jnp.concatenate(
        [jnp.pad(B_W[H * (kk + 1):H * (kk + 2), :], ((0, 0), (0, HP - H)))
         for kk in range(K)], axis=1)

    per_w = _CH * _cdiv(n, _NW * _CH)
    n_pad = per_w * _NW

    pad_idx = jnp.arange(n_pad - n, dtype=jnp.int32) % jnp.int32(n)
    idxt = jnp.concatenate(
        [indices.astype(jnp.int32).T,
         jnp.broadcast_to(pad_idx, (K, n_pad - n))], axis=1)

    tself, t1, t2, t3, t4 = _stage1(vv.T, A_W, A_b, W_self, W_nbr, bn=4096)
    tabs = (t1, t2, t3, t4)

    cpw_total = n_pad // (_NW * _CH)
    part = 8
    if cpw_total % part != 0:
        part = cpw_total
    rows_part = part * _NW * _CH
    lls = []
    for row0 in range(0, n_pad, rows_part):
        pre_i = _sc_gather_sum(idxt, tabs, row0, rows_part)
        nr = min(n, row0 + rows_part) - row0
        lls.append(_stage3(pre_i, tself, B_b, B2_Wo, B2_bo, C_W, C_b,
                           bn=2048, row0=row0, n_rows=nr))
    if len(lls) == 1:
        return lls[0].T
    return jnp.concatenate(lls, axis=1).T

# --- scband reference (transcript-rebuilt; emitter-appended) ---
"""Pipeline reference for scband-simple-doc-proc-model-76647986364631 (READ-ONLY COPY).

The authoritative reference and input builder live on the scoring server;
editing this copy changes nothing except your own understanding.
"""

import jax, jax.numpy as jnp
import numpy as np

D_IN = 310
H = 100
N = 100000


def _lin(key, fan_in, fan_out):
    return jax.random.normal(key, (fan_in, fan_out), dtype=jnp.float32) * 0.02


def setup_inputs(seed: int = 0) -> dict:
    key = jax.random.key(seed)
    ks = jax.random.split(key, 12)
    vv = jax.random.normal(ks[0], (N, D_IN), dtype=jnp.float32)
    indices = jax.random.randint(ks[1], (N, 4), 0, N, dtype=jnp.int32)
    return {
        'indices': indices,
        'vv': vv,
        'num_words': N,
        'A_W': _lin(ks[2], D_IN, H), 'A_b': jnp.zeros((H,), jnp.float32),
        'B_W': _lin(ks[3], 5 * H + H, H), 'B_b': jnp.zeros((H,), jnp.float32),
        'B2_Wo': _lin(ks[4], H, H), 'B2_bo': jnp.zeros((H,), jnp.float32),
        'B2_Wh': _lin(ks[5], H, H), 'B2_bh': jnp.zeros((H,), jnp.float32),
        'C_W': _lin(ks[6], H, 2), 'C_b': jnp.zeros((2,), jnp.float32),
        'D_W': _lin(ks[7], H, H), 'D_b': jnp.zeros((H,), jnp.float32),
    }


def _concat(uu, indices):
    # gather 4 neighbor representations; index -1 means missing -> zeroed
    idx = jnp.maximum(indices, 0)
    mask = (indices != -1).astype(jnp.float32)[:, :, None]
    gathered = jnp.take(uu, idx, axis=0) * mask  # [N, 4, H]
    return jnp.concatenate([uu, gathered.reshape(gathered.shape[0], 4 * H)], axis=1)  # [N, 5H]


def reference(indices, vv, num_words, A_W, A_b, B_W, B_b, B2_Wo, B2_bo, B2_Wh, B2_bh, C_W, C_b, D_W, D_b):
    uu = jax.nn.relu(vv @ A_W + A_b)              # ModuleA: D_in -> 100
    hh = jnp.zeros((vv.shape[0], H), jnp.float32) * num_words
    iterations = 1
    ll = None
    for _ in range(iterations):
        ww = _concat(uu, indices)                 # [N, 5H]
        bb = jax.nn.relu(jnp.concatenate([ww, hh], axis=1) @ B_W + B_b)  # ModuleB
        oo = jnp.tanh(bb @ B2_Wo + B2_bo)         # ModuleB2 -> oo
        hh = jnp.tanh(bb @ B2_Wh + B2_bh)         # ModuleB2 -> hh
        ll = oo @ C_W + C_b                       # ModuleC: 100 -> 2
        uu = jax.nn.relu(hh @ D_W + D_b)          # ModuleD: 100 -> 100
    return ll

if __name__ == "__main__":
    import jax
    _d = setup_inputs()
    print(jax.jit(kernel)(*tuple(_d.values())))

</pallas_src>

<mosaic_0001>
#map = affine_map<(d0, d1) -> (0, 0)>
module attributes {stable_mosaic.version = 14 : i64} {
  func.func @k(%arg0: i32, %arg1: i32, %arg2: memref<4x102400xi32, #tpu.memory_space<hbm>>, %arg3: memref<100000x128xf32, #tpu.memory_space<hbm>>, %arg4: memref<100000x128xf32, #tpu.memory_space<hbm>>, %arg5: memref<100000x128xf32, #tpu.memory_space<hbm>>, %arg6: memref<100000x128xf32, #tpu.memory_space<hbm>>, %arg7: memref<20480x100xf32, #tpu.memory_space<hbm>>, %arg8: memref<2560xi32, #tpu.memory_space<vmem>>, %arg9: memref<80x128xf32, #tpu.memory_space<vmem>>, %arg10: memref<80x128xf32, #tpu.memory_space<vmem>>, %arg11: memref<80x128xf32, #tpu.memory_space<vmem>>, %arg12: memref<80x128xf32, #tpu.memory_space<vmem>>, %arg13: memref<80x128xf32, #tpu.memory_space<vmem>>, %arg14: memref<80x128xf32, #tpu.memory_space<vmem>>, %arg15: memref<80x128xf32, #tpu.memory_space<vmem>>, %arg16: memref<80x128xf32, #tpu.memory_space<vmem>>, %arg17: memref<80x100xf32, #tpu.memory_space<vmem>>, %arg18: memref<80x100xf32, #tpu.memory_space<vmem>>, %arg19: memref<!tpu.dma_semaphore, #tpu.memory_space<semaphore_mem>>, %arg20: memref<!tpu.dma_semaphore, #tpu.memory_space<semaphore_mem>>, %arg21: memref<!tpu.dma_semaphore, #tpu.memory_space<semaphore_mem>>, %arg22: memref<!tpu.dma_semaphore, #tpu.memory_space<semaphore_mem>>) attributes {dimension_semantics = [#tpu.dimension_semantics<core_parallel>, #tpu.dimension_semantics<subcore_parallel>], iteration_bounds = array<i64: 2, 16>, scalar_prefetch = 0 : i64, scratch_operands = 15 : i64, tpu.core_type = #tpu.core_type<sc_vector_subcore>, window_params = [{transform_indices = #map}, {transform_indices = #map}, {transform_indices = #map}, {transform_indices = #map}, {transform_indices = #map}, {transform_indices = #map}]} {
    %mul3A = arith.constant 16 : i32
    %mul3A_0 = arith.muli %arg0, %mul3A : i32
    %add3A = arith.addi %mul3A_0, %arg1 : i32
    %mul3A_1 = arith.constant 80 : i32
    %mul3A_2 = arith.muli %mul3A_1, %add3A : i32
    %mul3A_3 = arith.constant 8 : i32
    %mul3A_4 = arith.muli %mul3A_2, %mul3A_3 : i32
    %add3A_5 = arith.constant 40960 : i32
    %add3A_6 = arith.addi %add3A_5, %mul3A_4 : i32
    %run_scoped3A = arith.constant 0 : i32
    "tpu.region"() ({
      %run_scoped3A_21 = tpu.sem_alloc : memref<!tpu.dma_semaphore, #tpu.memory_space<semaphore_mem>>
      %dma_start3A = arith.constant 0 : i32
      %dma_start3A_22 = tpu.memref_slice %arg8[%dma_start3A] : memref<2560xi32, #tpu.memory_space<vmem>> -> memref<640xi32, #tpu.memory_space<vmem>>
      %dma_start3A_23 = tpu.memref_slice %arg2[%run_scoped3A, %add3A_6] : memref<4x102400xi32, #tpu.memory_space<hbm>> -> memref<1x640xi32, #tpu.memory_space<hbm>>
      %dma_start3A_24 = tpu.memref_squeeze %dma_start3A_23 : memref<1x640xi32, #tpu.memory_space<hbm>> -> memref<640xi32, #tpu.memory_space<hbm>>
      %dma_start3A_25 = arith.constant 0 : i32
      %dma_start3A_26 = tpu.memref_slice %arg8[%dma_start3A_25] : memref<2560xi32, #tpu.memory_space<vmem>> -> memref<640xi32, #tpu.memory_space<vmem>>
      %dma_start3A_27 = tpu.memref_slice %arg2[%run_scoped3A, %add3A_6] : memref<4x102400xi32, #tpu.memory_space<hbm>> -> memref<1x640xi32, #tpu.memory_space<hbm>>
      %dma_start3A_28 = tpu.memref_squeeze %dma_start3A_27 : memref<1x640xi32, #tpu.memory_space<hbm>> -> memref<640xi32, #tpu.memory_space<hbm>>
      tpu.enqueue_dma source(%dma_start3A_28 : memref<640xi32, #tpu.memory_space<hbm>>) target(%dma_start3A_26 : memref<640xi32, #tpu.memory_space<vmem>>) target_semaphore(%run_scoped3A_21 : memref<!tpu.dma_semaphore, #tpu.memory_space<semaphore_mem>>)
      %dma_wait3A = arith.constant 0 : i32
      %dma_wait3A_29 = tpu.memref_slice %arg8[%dma_wait3A] : memref<2560xi32, #tpu.memory_space<vmem>> -> memref<640xi32, #tpu.memory_space<vmem>>
      %dma_wait3A_30 = tpu.memref_slice %arg2[%run_scoped3A, %add3A_6] : memref<4x102400xi32, #tpu.memory_space<hbm>> -> memref<1x640xi32, #tpu.memory_space<hbm>>
      %dma_wait3A_31 = tpu.memref_squeeze %dma_wait3A_30 : memref<1x640xi32, #tpu.memory_space<hbm>> -> memref<640xi32, #tpu.memory_space<hbm>>
      %dma_wait3A_32 = arith.constant 0 : i32
      %dma_wait3A_33 = tpu.memref_slice %arg8[%dma_wait3A_32] : memref<2560xi32, #tpu.memory_space<vmem>> -> memref<640xi32, #tpu.memory_space<vmem>>
      %dma_wait3A_34 = tpu.memref_slice %arg2[%run_scoped3A, %add3A_6] : memref<4x102400xi32, #tpu.memory_space<hbm>> -> memref<1x640xi32, #tpu.memory_space<hbm>>
      %dma_wait3A_35 = tpu.memref_squeeze %dma_wait3A_34 : memref<1x640xi32, #tpu.memory_space<hbm>> -> memref<640xi32, #tpu.memory_space<hbm>>
      tpu.wait_dma2 semaphore(%run_scoped3A_21 : memref<!tpu.dma_semaphore, #tpu.memory_space<semaphore_mem>>) src(%dma_wait3A_35 : memref<640xi32, #tpu.memory_space<hbm>>) dst(%dma_wait3A_33 : memref<640xi32, #tpu.memory_space<vmem>>)
      tpu.yield
    }) : () -> ()
    %add3A_7 = arith.constant 40960 : i32
    %add3A_8 = arith.addi %add3A_7, %mul3A_4 : i32
    %run_scoped3A_9 = arith.constant 1 : i32
    "tpu.region"() ({
      %run_scoped3A_21 = tpu.sem_alloc : memref<!tpu.dma_semaphore, #tpu.memory_space<semaphore_mem>>
      %dma_start3A = arith.constant 640 : i32
      %dma_start3A_22 = tpu.memref_slice %arg8[%dma_start3A] : memref<2560xi32, #tpu.memory_space<vmem>> -> memref<640xi32, #tpu.memory_space<vmem>>
      %dma_start3A_23 = tpu.memref_slice %arg2[%run_scoped3A_9, %add3A_8] : memref<4x102400xi32, #tpu.memory_space<hbm>> -> memref<1x640xi32, #tpu.memory_space<hbm>>
      %dma_start3A_24 = tpu.memref_squeeze %dma_start3A_23 : memref<1x640xi32, #tpu.memory_space<hbm>> -> memref<640xi32, #tpu.memory_space<hbm>>
      %dma_start3A_25 = arith.constant 640 : i32
      %dma_start3A_26 = tpu.memref_slice %arg8[%dma_start3A_25] : memref<2560xi32, #tpu.memory_space<vmem>> -> memref<640xi32, #tpu.memory_space<vmem>>
      %dma_start3A_27 = tpu.memref_slice %arg2[%run_scoped3A_9, %add3A_8] : memref<4x102400xi32, #tpu.memory_space<hbm>> -> memref<1x640xi32, #tpu.memory_space<hbm>>
      %dma_start3A_28 = tpu.memref_squeeze %dma_start3A_27 : memref<1x640xi32, #tpu.memory_space<hbm>> -> memref<640xi32, #tpu.memory_space<hbm>>
      tpu.enqueue_dma source(%dma_start3A_28 : memref<640xi32, #tpu.memory_space<hbm>>) target(%dma_start3A_26 : memref<640xi32, #tpu.memory_space<vmem>>) target_semaphore(%run_scoped3A_21 : memref<!tpu.dma_semaphore, #tpu.memory_space<semaphore_mem>>)
      %dma_wait3A = arith.constant 640 : i32
      %dma_wait3A_29 = tpu.memref_slice %arg8[%dma_wait3A] : memref<2560xi32, #tpu.memory_space<vmem>> -> memref<640xi32, #tpu.memory_space<vmem>>
      %dma_wait3A_30 = tpu.memref_slice %arg2[%run_scoped3A_9, %add3A_8] : memref<4x102400xi32, #tpu.memory_space<hbm>> -> memref<1x640xi32, #tpu.memory_space<hbm>>
      %dma_wait3A_31 = tpu.memref_squeeze %dma_wait3A_30 : memref<1x640xi32, #tpu.memory_space<hbm>> -> memref<640xi32, #tpu.memory_space<hbm>>
      %dma_wait3A_32 = arith.constant 640 : i32
      %dma_wait3A_33 = tpu.memref_slice %arg8[%dma_wait3A_32] : memref<2560xi32, #tpu.memory_space<vmem>> -> memref<640xi32, #tpu.memory_space<vmem>>
      %dma_wait3A_34 = tpu.memref_slice %arg2[%run_scoped3A_9, %add3A_8] : memref<4x102400xi32, #tpu.memory_space<hbm>> -> memref<1x640xi32, #tpu.memory_space<hbm>>
      %dma_wait3A_35 = tpu.memref_squeeze %dma_wait3A_34 : memref<1x640xi32, #tpu.memory_space<hbm>> -> memref<640xi32, #tpu.memory_space<hbm>>
      tpu.wait_dma2 semaphore(%run_scoped3A_21 : memref<!tpu.dma_semaphore, #tpu.memory_space<semaphore_mem>>) src(%dma_wait3A_35 : memref<640xi32, #tpu.memory_space<hbm>>) dst(%dma_wait3A_33 : memref<640xi32, #tpu.memory_space<vmem>>)
      tpu.yield
    }) : () -> ()
    %add3A_10 = arith.constant 40960 : i32
    %add3A_11 = arith.addi %add3A_10, %mul3A_4 : i32
    %run_scoped3A_12 = arith.constant 2 : i32
    "tpu.region"() ({
      %run_scoped3A_21 = tpu.sem_alloc : memref<!tpu.dma_semaphore, #tpu.memory_space<semaphore_mem>>
      %dma_start3A = arith.constant 1280 : i32
      %dma_start3A_22 = tpu.memref_slice %arg8[%dma_start3A] : memref<2560xi32, #tpu.memory_space<vmem>> -> memref<640xi32, #tpu.memory_space<vmem>>
      %dma_start3A_23 = tpu.memref_slice %arg2[%run_scoped3A_12, %add3A_11] : memref<4x102400xi32, #tpu.memory_space<hbm>> -> memref<1x640xi32, #tpu.memory_space<hbm>>
      %dma_start3A_24 = tpu.memref_squeeze %dma_start3A_23 : memref<1x640xi32, #tpu.memory_space<hbm>> -> memref<640xi32, #tpu.memory_space<hbm>>
      %dma_start3A_25 = arith.constant 1280 : i32
      %dma_start3A_26 = tpu.memref_slice %arg8[%dma_start3A_25] : memref<2560xi32, #tpu.memory_space<vmem>> -> memref<640xi32, #tpu.memory_space<vmem>>
      %dma_start3A_27 = tpu.memref_slice %arg2[%run_scoped3A_12, %add3A_11] : memref<4x102400xi32, #tpu.memory_space<hbm>> -> memref<1x640xi32, #tpu.memory_space<hbm>>
      %dma_start3A_28 = tpu.memref_squeeze %dma_start3A_27 : memref<1x640xi32, #tpu.memory_space<hbm>> -> memref<640xi32, #tpu.memory_space<hbm>>
      tpu.enqueue_dma source(%dma_start3A_28 : memref<640xi32, #tpu.memory_space<hbm>>) target(%dma_start3A_26 : memref<640xi32, #tpu.memory_space<vmem>>) target_semaphore(%run_scoped3A_21 : memref<!tpu.dma_semaphore, #tpu.memory_space<semaphore_mem>>)
      %dma_wait3A = arith.constant 1280 : i32
      %dma_wait3A_29 = tpu.memref_slice %arg8[%dma_wait3A] : memref<2560xi32, #tpu.memory_space<vmem>> -> memref<640xi32, #tpu.memory_space<vmem>>
      %dma_wait3A_30 = tpu.memref_slice %arg2[%run_scoped3A_12, %add3A_11] : memref<4x102400xi32, #tpu.memory_space<hbm>> -> memref<1x640xi32, #tpu.memory_space<hbm>>
      %dma_wait3A_31 = tpu.memref_squeeze %dma_wait3A_30 : memref<1x640xi32, #tpu.memory_space<hbm>> -> memref<640xi32, #tpu.memory_space<hbm>>
      %dma_wait3A_32 = arith.constant 1280 : i32
      %dma_wait3A_33 = tpu.memref_slice %arg8[%dma_wait3A_32] : memref<2560xi32, #tpu.memory_space<vmem>> -> memref<640xi32, #tpu.memory_space<vmem>>
      %dma_wait3A_34 = tpu.memref_slice %arg2[%run_scoped3A_12, %add3A_11] : memref<4x102400xi32, #tpu.memory_space<hbm>> -> memref<1x640xi32, #tpu.memory_space<hbm>>
      %dma_wait3A_35 = tpu.memref_squeeze %dma_wait3A_34 : memref<1x640xi32, #tpu.memory_space<hbm>> -> memref<640xi32, #tpu.memory_space<hbm>>
      tpu.wait_dma2 semaphore(%run_scoped3A_21 : memref<!tpu.dma_semaphore, #tpu.memory_space<semaphore_mem>>) src(%dma_wait3A_35 : memref<640xi32, #tpu.memory_space<hbm>>) dst(%dma_wait3A_33 : memref<640xi32, #tpu.memory_space<vmem>>)
      tpu.yield
    }) : () -> ()
    %add3A_13 = arith.constant 40960 : i32
    %add3A_14 = arith.addi %add3A_13, %mul3A_4 : i32
    %run_scoped3A_15 = arith.constant 3 : i32
    "tpu.region"() ({
      %run_scoped3A_21 = tpu.sem_alloc : memref<!tpu.dma_semaphore, #tpu.memory_space<semaphore_mem>>
      %dma_start3A = arith.constant 1920 : i32
      %dma_start3A_22 = tpu.memref_slice %arg8[%dma_start3A] : memref<2560xi32, #tpu.memory_space<vmem>> -> memref<640xi32, #tpu.memory_space<vmem>>
      %dma_start3A_23 = tpu.memref_slice %arg2[%run_scoped3A_15, %add3A_14] : memref<4x102400xi32, #tpu.memory_space<hbm>> -> memref<1x640xi32, #tpu.memory_space<hbm>>
      %dma_start3A_24 = tpu.memref_squeeze %dma_start3A_23 : memref<1x640xi32, #tpu.memory_space<hbm>> -> memref<640xi32, #tpu.memory_space<hbm>>
      %dma_start3A_25 = arith.constant 1920 : i32
      %dma_start3A_26 = tpu.memref_slice %arg8[%dma_start3A_25] : memref<2560xi32, #tpu.memory_space<vmem>> -> memref<640xi32, #tpu.memory_space<vmem>>
      %dma_start3A_27 = tpu.memref_slice %arg2[%run_scoped3A_15, %add3A_14] : memref<4x102400xi32, #tpu.memory_space<hbm>> -> memref<1x640xi32, #tpu.memory_space<hbm>>
      %dma_start3A_28 = tpu.memref_squeeze %dma_start3A_27 : memref<1x640xi32, #tpu.memory_space<hbm>> -> memref<640xi32, #tpu.memory_space<hbm>>
      tpu.enqueue_dma source(%dma_start3A_28 : memref<640xi32, #tpu.memory_space<hbm>>) target(%dma_start3A_26 : memref<640xi32, #tpu.memory_space<vmem>>) target_semaphore(%run_scoped3A_21 : memref<!tpu.dma_semaphore, #tpu.memory_space<semaphore_mem>>)
      %dma_wait3A = arith.constant 1920 : i32
      %dma_wait3A_29 = tpu.memref_slice %arg8[%dma_wait3A] : memref<2560xi32, #tpu.memory_space<vmem>> -> memref<640xi32, #tpu.memory_space<vmem>>
      %dma_wait3A_30 = tpu.memref_slice %arg2[%run_scoped3A_15, %add3A_14] : memref<4x102400xi32, #tpu.memory_space<hbm>> -> memref<1x640xi32, #tpu.memory_space<hbm>>
      %dma_wait3A_31 = tpu.memref_squeeze %dma_wait3A_30 : memref<1x640xi32, #tpu.memory_space<hbm>> -> memref<640xi32, #tpu.memory_space<hbm>>
      %dma_wait3A_32 = arith.constant 1920 : i32
      %dma_wait3A_33 = tpu.memref_slice %arg8[%dma_wait3A_32] : memref<2560xi32, #tpu.memory_space<vmem>> -> memref<640xi32, #tpu.memory_space<vmem>>
      %dma_wait3A_34 = tpu.memref_slice %arg2[%run_scoped3A_15, %add3A_14] : memref<4x102400xi32, #tpu.memory_space<hbm>> -> memref<1x640xi32, #tpu.memory_space<hbm>>
      %dma_wait3A_35 = tpu.memref_squeeze %dma_wait3A_34 : memref<1x640xi32, #tpu.memory_space<hbm>> -> memref<640xi32, #tpu.memory_space<hbm>>
      tpu.wait_dma2 semaphore(%run_scoped3A_21 : memref<!tpu.dma_semaphore, #tpu.memory_space<semaphore_mem>>) src(%dma_wait3A_35 : memref<640xi32, #tpu.memory_space<hbm>>) dst(%dma_wait3A_33 : memref<640xi32, #tpu.memory_space<vmem>>)
      tpu.yield
    }) : () -> ()
    %scan3A = arith.constant 0 : i32
    %scan3A_16 = arith.constant 0 : i32
    %scan3A_17 = arith.constant 4 : i32
    %scan3A_18 = arith.addi %scan3A_16, %scan3A_17 : i32
    %scan3A_19 = arith.constant 1 : i32
    scf.for %scan3A_21 = %scan3A_16 to %scan3A_18 step %scan3A_19  : i32 {
      %mul3A_22 = arith.constant 2 : i32
      %mul3A_23 = arith.muli %mul3A_22, %scan3A_21 : i32
      %add3A_24 = arith.constant 1 : i32
      %add3A_25 = arith.addi %mul3A_23, %add3A_24 : i32
      %mul3A_26 = arith.constant 80 : i32
      %mul3A_27 = arith.muli %mul3A_23, %mul3A_26 : i32
      %add3A_28 = arith.constant 0 : i32
      %add3A_29 = arith.addi %add3A_28, %mul3A_27 : i32
      %dma_start3A = tpu.memref_slice %arg8[%add3A_29] : memref<2560xi32, #tpu.memory_space<vmem>> -> memref<80xi32, #tpu.memory_space<vmem>>
      %dma_start3A_30 = arith.constant 0 : i32
      %dma_start3A_31 = arith.constant 0 : i32
      %dma_start3A_32 = tpu.memref_slice %arg3[%dma_start3A_30, %dma_start3A_31] : memref<100000x128xf32, #tpu.memory_space<hbm>> -> memref<100000x128xf32, #tpu.memory_space<hbm>>
      tpu.enqueue_indirect_dma source(%dma_start3A_32 : memref<100000x128xf32, #tpu.memory_space<hbm>>) target(%arg9 : memref<80x128xf32, #tpu.memory_space<vmem>>) offsets(%dma_start3A : memref<80xi32, #tpu.memory_space<vmem>>) semaphore(%arg19 : memref<!tpu.dma_semaphore, #tpu.memory_space<semaphore_mem>>)
      %mul3A_33 = arith.constant 80 : i32
      %mul3A_34 = arith.muli %mul3A_23, %mul3A_33 : i32
      %add3A_35 = arith.constant 640 : i32
      %add3A_36 = arith.addi %add3A_35, %mul3A_34 : i32
      %dma_start3A_37 = tpu.memref_slice %arg8[%add3A_36] : memref<2560xi32, #tpu.memory_space<vmem>> -> memref<80xi32, #tpu.memory_space<vmem>>
      %dma_start3A_38 = arith.constant 0 : i32
      %dma_start3A_39 = arith.constant 0 : i32
      %dma_start3A_40 = tpu.memref_slice %arg4[%dma_start3A_38, %dma_start3A_39] : memref<100000x128xf32, #tpu.memory_space<hbm>> -> memref<100000x128xf32, #tpu.memory_space<hbm>>
      tpu.enqueue_indirect_dma source(%dma_start3A_40 : memref<100000x128xf32, #tpu.memory_space<hbm>>) target(%arg10 : memref<80x128xf32, #tpu.memory_space<vmem>>) offsets(%dma_start3A_37 : memref<80xi32, #tpu.memory_space<vmem>>) semaphore(%arg19 : memref<!tpu.dma_semaphore, #tpu.memory_space<semaphore_mem>>)
      %mul3A_41 = arith.constant 80 : i32
      %mul3A_42 = arith.muli %mul3A_23, %mul3A_41 : i32
      %add3A_43 = arith.constant 1280 : i32
      %add3A_44 = arith.addi %add3A_43, %mul3A_42 : i32
      %dma_start3A_45 = tpu.memref_slice %arg8[%add3A_44] : memref<2560xi32, #tpu.memory_space<vmem>> -> memref<80xi32, #tpu.memory_space<vmem>>
      %dma_start3A_46 = arith.constant 0 : i32
      %dma_start3A_47 = arith.constant 0 : i32
      %dma_start3A_48 = tpu.memref_slice %arg5[%dma_start3A_46, %dma_start3A_47] : memref<100000x128xf32, #tpu.memory_space<hbm>> -> memref<100000x128xf32, #tpu.memory_space<hbm>>
      tpu.enqueue_indirect_dma source(%dma_start3A_48 : memref<100000x128xf32, #tpu.memory_space<hbm>>) target(%arg11 : memref<80x128xf32, #tpu.memory_space<vmem>>) offsets(%dma_start3A_45 : memref<80xi32, #tpu.memory_space<vmem>>) semaphore(%arg19 : memref<!tpu.dma_semaphore, #tpu.memory_space<semaphore_mem>>)
      %mul3A_49 = arith.constant 80 : i32
      %mul3A_50 = arith.muli %mul3A_23, %mul3A_49 : i32
      %add3A_51 = arith.constant 1920 : i32
      %add3A_52 = arith.addi %add3A_51, %mul3A_50 : i32
      %dma_start3A_53 = tpu.memref_slice %arg8[%add3A_52] : memref<2560xi32, #tpu.memory_space<vmem>> -> memref<80xi32, #tpu.memory_space<vmem>>
      %dma_start3A_54 = arith.constant 0 : i32
      %dma_start3A_55 = arith.constant 0 : i32
      %dma_start3A_56 = tpu.memref_slice %arg6[%dma_start3A_54, %dma_start3A_55] : memref<100000x128xf32, #tpu.memory_space<hbm>> -> memref<100000x128xf32, #tpu.memory_space<hbm>>
      tpu.enqueue_indirect_dma source(%dma_start3A_56 : memref<100000x128xf32, #tpu.memory_space<hbm>>) target(%arg12 : memref<80x128xf32, #tpu.memory_space<vmem>>) offsets(%dma_start3A_53 : memref<80xi32, #tpu.memory_space<vmem>>) semaphore(%arg19 : memref<!tpu.dma_semaphore, #tpu.memory_space<semaphore_mem>>)
      %mul3A_57 = arith.constant 80 : i32
      %mul3A_58 = arith.muli %add3A_25, %mul3A_57 : i32
      %add3A_59 = arith.constant 0 : i32
      %add3A_60 = arith.addi %add3A_59, %mul3A_58 : i32
      %dma_start3A_61 = tpu.memref_slice %arg8[%add3A_60] : memref<2560xi32, #tpu.memory_space<vmem>> -> memref<80xi32, #tpu.memory_space<vmem>>
      %dma_start3A_62 = arith.constant 0 : i32
      %dma_start3A_63 = arith.constant 0 : i32
      %dma_start3A_64 = tpu.memref_slice %arg3[%dma_start3A_62, %dma_start3A_63] : memref<100000x128xf32, #tpu.memory_space<hbm>> -> memref<100000x128xf32, #tpu.memory_space<hbm>>
      tpu.enqueue_indirect_dma source(%dma_start3A_64 : memref<100000x128xf32, #tpu.memory_space<hbm>>) target(%arg13 : memref<80x128xf32, #tpu.memory_space<vmem>>) offsets(%dma_start3A_61 : memref<80xi32, #tpu.memory_space<vmem>>) semaphore(%arg20 : memref<!tpu.dma_semaphore, #tpu.memory_space<semaphore_mem>>)
      %mul3A_65 = arith.constant 80 : i32
      %mul3A_66 = arith.muli %add3A_25, %mul3A_65 : i32
      %add3A_67 = arith.constant 640 : i32
      %add3A_68 = arith.addi %add3A_67, %mul3A_66 : i32
      %dma_start3A_69 = tpu.memref_slice %arg8[%add3A_68] : memref<2560xi32, #tpu.memory_space<vmem>> -> memref<80xi32, #tpu.memory_space<vmem>>
      %dma_start3A_70 = arith.constant 0 : i32
      %dma_start3A_71 = arith.constant 0 : i32
      %dma_start3A_72 = tpu.memref_slice %arg4[%dma_start3A_70, %dma_start3A_71] : memref<100000x128xf32, #tpu.memory_space<hbm>> -> memref<100000x128xf32, #tpu.memory_space<hbm>>
      tpu.enqueue_indirect_dma source(%dma_start3A_72 : memref<100000x128xf32, #tpu.memory_space<hbm>>) target(%arg14 : memref<80x128xf32, #tpu.memory_space<vmem>>) offsets(%dma_start3A_69 : memref<80xi32, #tpu.memory_space<vmem>>) semaphore(%arg20 : memref<!tpu.dma_semaphore, #tpu.memory_space<semaphore_mem>>)
      %mul3A_73 = arith.constant 80 : i32
      %mul3A_74 = arith.muli %add3A_25, %mul3A_73 : i32
      %add3A_75 = arith.constant 1280 : i32
      %add3A_76 = arith.addi %add3A_75, %mul3A_74 : i32
      %dma_start3A_77 = tpu.memref_slice %arg8[%add3A_76] : memref<2560xi32, #tpu.memory_space<vmem>> -> memref<80xi32, #tpu.memory_space<vmem>>
      %dma_start3A_78 = arith.constant 0 : i32
      %dma_start3A_79 = arith.constant 0 : i32
      %dma_start3A_80 = tpu.memref_slice %arg5[%dma_start3A_78, %dma_start3A_79] : memref<100000x128xf32, #tpu.memory_space<hbm>> -> memref<100000x128xf32, #tpu.memory_space<hbm>>
      tpu.enqueue_indirect_dma source(%dma_start3A_80 : memref<100000x128xf32, #tpu.memory_space<hbm>>) target(%arg15 : memref<80x128xf32, #tpu.memory_space<vmem>>) offsets(%dma_start3A_77 : memref<80xi32, #tpu.memory_space<vmem>>) semaphore(%arg20 : memref<!tpu.dma_semaphore, #tpu.memory_space<semaphore_mem>>)
      %mul3A_81 = arith.constant 80 : i32
      %mul3A_82 = arith.muli %add3A_25, %mul3A_81 : i32
      %add3A_83 = arith.constant 1920 : i32
      %add3A_84 = arith.addi %add3A_83, %mul3A_82 : i32
      %dma_start3A_85 = tpu.memref_slice %arg8[%add3A_84] : memref<2560xi32, #tpu.memory_space<vmem>> -> memref<80xi32, #tpu.memory_space<vmem>>
      %dma_start3A_86 = arith.constant 0 : i32
      %dma_start3A_87 = arith.constant 0 : i32
      %dma_start3A_88 = tpu.memref_slice %arg6[%dma_start3A_86, %dma_start3A_87] : memref<100000x128xf32, #tpu.memory_space<hbm>> -> memref<100000x128xf32, #tpu.memory_space<hbm>>
      tpu.enqueue_indirect_dma source(%dma_start3A_88 : memref<100000x128xf32, #tpu.memory_space<hbm>>) target(%arg16 : memref<80x128xf32, #tpu.memory_space<vmem>>) offsets(%dma_start3A_85 : memref<80xi32, #tpu.memory_space<vmem>>) semaphore(%arg20 : memref<!tpu.dma_semaphore, #tpu.memory_space<semaphore_mem>>)
      %dma_wait3A = tpu.memref_slice %arg8[%add3A_29] : memref<2560xi32, #tpu.memory_space<vmem>> -> memref<80xi32, #tpu.memory_space<vmem>>
      %dma_wait3A_89 = arith.constant 0 : i32
      %dma_wait3A_90 = arith.constant 0 : i32
      %dma_wait3A_91 = tpu.memref_slice %arg3[%dma_wait3A_89, %dma_wait3A_90] : memref<100000x128xf32, #tpu.memory_space<hbm>> -> memref<100000x128xf32, #tpu.memory_space<hbm>>
      tpu.wait_indirect_dma semaphore(%arg19 : memref<!tpu.dma_semaphore, #tpu.memory_space<semaphore_mem>>) src(%dma_wait3A_91 : memref<100000x128xf32, #tpu.memory_space<hbm>>) dst(%arg9 : memref<80x128xf32, #tpu.memory_space<vmem>>)
      %dma_wait3A_92 = tpu.memref_slice %arg8[%add3A_36] : memref<2560xi32, #tpu.memory_space<vmem>> -> memref<80xi32, #tpu.memory_space<vmem>>
      %dma_wait3A_93 = arith.constant 0 : i32
      %dma_wait3A_94 = arith.constant 0 : i32
      %dma_wait3A_95 = tpu.memref_slice %arg4[%dma_wait3A_93, %dma_wait3A_94] : memref<100000x128xf32, #tpu.memory_space<hbm>> -> memref<100000x128xf32, #tpu.memory_space<hbm>>
      tpu.wait_indirect_dma semaphore(%arg19 : memref<!tpu.dma_semaphore, #tpu.memory_space<semaphore_mem>>) src(%dma_wait3A_95 : memref<100000x128xf32, #tpu.memory_space<hbm>>) dst(%arg10 : memref<80x128xf32, #tpu.memory_space<vmem>>)
      %dma_wait3A_96 = tpu.memref_slice %arg8[%add3A_44] : memref<2560xi32, #tpu.memory_space<vmem>> -> memref<80xi32, #tpu.memory_space<vmem>>
      %dma_wait3A_97 = arith.constant 0 : i32
      %dma_wait3A_98 = arith.constant 0 : i32
      %dma_wait3A_99 = tpu.memref_slice %arg5[%dma_wait3A_97, %dma_wait3A_98] : memref<100000x128xf32, #tpu.memory_space<hbm>> -> memref<100000x128xf32, #tpu.memory_space<hbm>>
      tpu.wait_indirect_dma semaphore(%arg19 : memref<!tpu.dma_semaphore, #tpu.memory_space<semaphore_mem>>) src(%dma_wait3A_99 : memref<100000x128xf32, #tpu.memory_space<hbm>>) dst(%arg11 : memref<80x128xf32, #tpu.memory_space<vmem>>)
      %dma_wait3A_100 = tpu.memref_slice %arg8[%add3A_52] : memref<2560xi32, #tpu.memory_space<vmem>> -> memref<80xi32, #tpu.memory_space<vmem>>
      %dma_wait3A_101 = arith.constant 0 : i32
      %dma_wait3A_102 = arith.constant 0 : i32
      %dma_wait3A_103 = tpu.memref_slice %arg6[%dma_wait3A_101, %dma_wait3A_102] : memref<100000x128xf32, #tpu.memory_space<hbm>> -> memref<100000x128xf32, #tpu.memory_space<hbm>>
      tpu.wait_indirect_dma semaphore(%arg19 : memref<!tpu.dma_semaphore, #tpu.memory_space<semaphore_mem>>) src(%dma_wait3A_103 : memref<100000x128xf32, #tpu.memory_space<hbm>>) dst(%arg12 : memref<80x128xf32, #tpu.memory_space<vmem>>)
      %scan3A_104 = arith.constant 0 : i32
      %scan3A_105 = arith.constant 0 : i32
      %scan3A_106 = arith.constant 80 : i32
      %scan3A_107 = arith.addi %scan3A_105, %scan3A_106 : i32
      %scan3A_108 = arith.constant 1 : i32
      scf.for %scan3A_154 = %scan3A_105 to %scan3A_107 step %scan3A_108  : i32 {
        %get3A = arith.index_cast %scan3A_154 : i32 to index
        %get3A_155 = arith.constant 0 : index
        %get3A_156 = tpu.vector_load %arg9[%get3A, %get3A_155] {strides = array<i32>} : memref<80x128xf32, #tpu.memory_space<vmem>>, vector<1x16xf32>,
        %get3A_157 = vector.shape_cast %get3A_156 : vector<1x16xf32> to vector<16xf32>
        %get3A_158 = arith.index_cast %scan3A_154 : i32 to index
        %get3A_159 = arith.constant 0 : index
        %get3A_160 = tpu.vector_load %arg10[%get3A_158, %get3A_159] {strides = array<i32>} : memref<80x128xf32, #tpu.memory_space<vmem>>, vector<1x16xf32>,
        %get3A_161 = vector.shape_cast %get3A_160 : vector<1x16xf32> to vector<16xf32>
        %add3A_162 = arith.addf %get3A_157, %get3A_161 : vector<16xf32>
        %get3A_163 = arith.index_cast %scan3A_154 : i32 to index
        %get3A_164 = arith.constant 0 : index
        %get3A_165 = tpu.vector_load %arg11[%get3A_163, %get3A_164] {strides = array<i32>} : memref<80x128xf32, #tpu.memory_space<vmem>>, vector<1x16xf32>,
        %get3A_166 = vector.shape_cast %get3A_165 : vector<1x16xf32> to vector<16xf32>
        %get3A_167 = arith.index_cast %scan3A_154 : i32 to index
        %get3A_168 = arith.constant 0 : index
        %get3A_169 = tpu.vector_load %arg12[%get3A_167, %get3A_168] {strides = array<i32>} : memref<80x128xf32, #tpu.memory_space<vmem>>, vector<1x16xf32>,
        %get3A_170 = vector.shape_cast %get3A_169 : vector<1x16xf32> to vector<16xf32>
        %add3A_171 = arith.addf %get3A_166, %get3A_170 : vector<16xf32>
        %add3A_172 = arith.addf %add3A_162, %add3A_171 : vector<16xf32>
        %swap3A = arith.index_cast %scan3A_154 : i32 to index
        %swap3A_173 = arith.constant 0 : index
        %swap3A_174 = tpu.vector_load %arg17[%swap3A, %swap3A_173] {strides = array<i32>} : memref<80x100xf32, #tpu.memory_space<vmem>>, vector<1x16xf32>,
        %swap3A_175 = vector.shape_cast %swap3A_174 : vector<1x16xf32> to vector<16xf32>
        %swap3A_176 = vector.shape_cast %add3A_172 : vector<16xf32> to vector<1x16xf32>
        tpu.vector_store %arg17[%swap3A, %swap3A_173], %swap3A_176 {strides = array<i32>} : memref<80x100xf32, #tpu.memory_space<vmem>>, vector<1x16xf32>,
        %get3A_177 = arith.index_cast %scan3A_154 : i32 to index
        %get3A_178 = arith.constant 16 : index
        %get3A_179 = tpu.vector_load %arg9[%get3A_177, %get3A_178] {strides = array<i32>} : memref<80x128xf32, #tpu.memory_space<vmem>>, vector<1x16xf32>,
        %get3A_180 = vector.shape_cast %get3A_179 : vector<1x16xf32> to vector<16xf32>
        %get3A_181 = arith.index_cast %scan3A_154 : i32 to index
        %get3A_182 = arith.constant 16 : index
        %get3A_183 = tpu.vector_load %arg10[%get3A_181, %get3A_182] {strides = array<i32>} : memref<80x128xf32, #tpu.memory_space<vmem>>, vector<1x16xf32>,
        %get3A_184 = vector.shape_cast %get3A_183 : vector<1x16xf32> to vector<16xf32>
        %add3A_185 = arith.addf %get3A_180, %get3A_184 : vector<16xf32>
        %get3A_186 = arith.index_cast %scan3A_154 : i32 to index
        %get3A_187 = arith.constant 16 : index
        %get3A_188 = tpu.vector_load %arg11[%get3A_186, %get3A_187] {strides = array<i32>} : memref<80x128xf32, #tpu.memory_space<vmem>>, vector<1x16xf32>,
        %get3A_189 = vector.shape_cast %get3A_188 : vector<1x16xf32> to vector<16xf32>
        %get3A_190 = arith.index_cast %scan3A_154 : i32 to index
        %get3A_191 = arith.constant 16 : index
        %get3A_192 = tpu.vector_load %arg12[%get3A_190, %get3A_191] {strides = array<i32>} : memref<80x128xf32, #tpu.memory_space<vmem>>, vector<1x16xf32>,
        %get3A_193 = vector.shape_cast %get3A_192 : vector<1x16xf32> to vector<16xf32>
        %add3A_194 = arith.addf %get3A_189, %get3A_193 : vector<16xf32>
        %add3A_195 = arith.addf %add3A_185, %add3A_194 : vector<16xf32>
        %swap3A_196 = arith.index_cast %scan3A_154 : i32 to index
        %swap3A_197 = arith.constant 16 : index
        %swap3A_198 = tpu.vector_load %arg17[%swap3A_196, %swap3A_197] {strides = array<i32>} : memref<80x100xf32, #tpu.memory_space<vmem>>, vector<1x16xf32>,
        %swap3A_199 = vector.shape_cast %swap3A_198 : vector<1x16xf32> to vector<16xf32>
        %swap3A_200 = vector.shape_cast %add3A_195 : vector<16xf32> to vector<1x16xf32>
        tpu.vector_store %arg17[%swap3A_196, %swap3A_197], %swap3A_200 {strides = array<i32>} : memref<80x100xf32, #tpu.memory_space<vmem>>, vector<1x16xf32>,
        %get3A_201 = arith.index_cast %scan3A_154 : i32 to index
        %get3A_202 = arith.constant 32 : index
        %get3A_203 = tpu.vector_load %arg9[%get3A_201, %get3A_202] {strides = array<i32>} : memref<80x128xf32, #tpu.memory_space<vmem>>, vector<1x16xf32>,
        %get3A_204 = vector.shape_cast %get3A_203 : vector<1x16xf32> to vector<16xf32>
        %get3A_205 = arith.index_cast %scan3A_154 : i32 to index
        %get3A_206 = arith.constant 32 : index
        %get3A_207 = tpu.vector_load %arg10[%get3A_205, %get3A_206] {strides = array<i32>} : memref<80x128xf32, #tpu.memory_space<vmem>>, vector<1x16xf32>,
        %get3A_208 = vector.shape_cast %get3A_207 : vector<1x16xf32> to vector<16xf32>
        %add3A_209 = arith.addf %get3A_204, %get3A_208 : vector<16xf32>
        %get3A_210 = arith.index_cast %scan3A_154 : i32 to index
        %get3A_211 = arith.constant 32 : index
        %get3A_212 = tpu.vector_load %arg11[%get3A_210, %get3A_211] {strides = array<i32>} : memref<80x128xf32, #tpu.memory_space<vmem>>, vector<1x16xf32>,
        %get3A_213 = vector.shape_cast %get3A_212 : vector<1x16xf32> to vector<16xf32>
        %get3A_214 = arith.index_cast %scan3A_154 : i32 to index
        %get3A_215 = arith.constant 32 : index
        %get3A_216 = tpu.vector_load %arg12[%get3A_214, %get3A_215] {strides = array<i32>} : memref<80x128xf32, #tpu.memory_space<vmem>>, vector<1x16xf32>,
        %get3A_217 = vector.shape_cast %get3A_216 : vector<1x16xf32> to vector<16xf32>
        %add3A_218 = arith.addf %get3A_213, %get3A_217 : vector<16xf32>
        %add3A_219 = arith.addf %add3A_209, %add3A_218 : vector<16xf32>
        %swap3A_220 = arith.index_cast %scan3A_154 : i32 to index
        %swap3A_221 = arith.constant 32 : index
        %swap3A_222 = tpu.vector_load %arg17[%swap3A_220, %swap3A_221] {strides = array<i32>} : memref<80x100xf32, #tpu.memory_space<vmem>>, vector<1x16xf32>,
        %swap3A_223 = vector.shape_cast %swap3A_222 : vector<1x16xf32> to vector<16xf32>
        %swap3A_224 = vector.shape_cast %add3A_219 : vector<16xf32> to vector<1x16xf32>
        tpu.vector_store %arg17[%swap3A_220, %swap3A_221], %swap3A_224 {strides = array<i32>} : memref<80x100xf32, #tpu.memory_space<vmem>>, vector<1x16xf32>,
        %get3A_225 = arith.index_cast %scan3A_154 : i32 to index
        %get3A_226 = arith.constant 48 : index
        %get3A_227 = tpu.vector_load %arg9[%get3A_225, %get3A_226] {strides = array<i32>} : memref<80x128xf32, #tpu.memory_space<vmem>>, vector<1x16xf32>,
        %get3A_228 = vector.shape_cast %get3A_227 : vector<1x16xf32> to vector<16xf32>
        %get3A_229 = arith.index_cast %scan3A_154 : i32 to index
        %get3A_230 = arith.constant 48 : index
        %get3A_231 = tpu.vector_load %arg10[%get3A_229, %get3A_230] {strides = array<i32>} : memref<80x128xf32, #tpu.memory_space<vmem>>, vector<1x16xf32>,
        %get3A_232 = vector.shape_cast %get3A_231 : vector<1x16xf32> to vector<16xf32>
        %add3A_233 = arith.addf %get3A_228, %get3A_232 : vector<16xf32>
        %get3A_234 = arith.index_cast %scan3A_154 : i32 to index
        %get3A_235 = arith.constant 48 : index
        %get3A_236 = tpu.vector_load %arg11[%get3A_234, %get3A_235] {strides = array<i32>} : memref<80x128xf32, #tpu.memory_space<vmem>>, vector<1x16xf32>,
        %get3A_237 = vector.shape_cast %get3A_236 : vector<1x16xf32> to vector<16xf32>
        %get3A_238 = arith.index_cast %scan3A_154 : i32 to index
        %get3A_239 = arith.constant 48 : index
        %get3A_240 = tpu.vector_load %arg12[%get3A_238, %get3A_239] {strides = array<i32>} : memref<80x128xf32, #tpu.memory_space<vmem>>, vector<1x16xf32>,
        %get3A_241 = vector.shape_cast %get3A_240 : vector<1x16xf32> to vector<16xf32>
        %add3A_242 = arith.addf %get3A_237, %get3A_241 : vector<16xf32>
        %add3A_243 = arith.addf %add3A_233, %add3A_242 : vector<16xf32>
        %swap3A_244 = arith.index_cast %scan3A_154 : i32 to index
        %swap3A_245 = arith.constant 48 : index
        %swap3A_246 = tpu.vector_load %arg17[%swap3A_244, %swap3A_245] {strides = array<i32>} : memref<80x100xf32, #tpu.memory_space<vmem>>, vector<1x16xf32>,
        %swap3A_247 = vector.shape_cast %swap3A_246 : vector<1x16xf32> to vector<16xf32>
        %swap3A_248 = vector.shape_cast %add3A_243 : vector<16xf32> to vector<1x16xf32>
        tpu.vector_store %arg17[%swap3A_244, %swap3A_245], %swap3A_248 {strides = array<i32>} : memref<80x100xf32, #tpu.memory_space<vmem>>, vector<1x16xf32>,
        %get3A_249 = arith.index_cast %scan3A_154 : i32 to index
        %get3A_250 = arith.constant 64 : index
        %get3A_251 = tpu.vector_load %arg9[%get3A_249, %get3A_250] {strides = array<i32>} : memref<80x128xf32, #tpu.memory_space<vmem>>, vector<1x16xf32>,
        %get3A_252 = vector.shape_cast %get3A_251 : vector<1x16xf32> to vector<16xf32>
        %get3A_253 = arith.index_cast %scan3A_154 : i32 to index
        %get3A_254 = arith.constant 64 : index
        %get3A_255 = tpu.vector_load %arg10[%get3A_253, %get3A_254] {strides = array<i32>} : memref<80x128xf32, #tpu.memory_space<vmem>>, vector<1x16xf32>,
        %get3A_256 = vector.shape_cast %get3A_255 : vector<1x16xf32> to vector<16xf32>
        %add3A_257 = arith.addf %get3A_252, %get3A_256 : vector<16xf32>
        %get3A_258 = arith.index_cast %scan3A_154 : i32 to index
        %get3A_259 = arith.constant 64 : index
        %get3A_260 = tpu.vector_load %arg11[%get3A_258, %get3A_259] {strides = array<i32>} : memref<80x128xf32, #tpu.memory_space<vmem>>, vector<1x16xf32>,
        %get3A_261 = vector.shape_cast %get3A_260 : vector<1x16xf32> to vector<16xf32>
        %get3A_262 = arith.index_cast %scan3A_154 : i32 to index
        %get3A_263 = arith.constant 64 : index
        %get3A_264 = tpu.vector_load %arg12[%get3A_262, %get3A_263] {strides = array<i32>} : memref<80x128xf32, #tpu.memory_space<vmem>>, vector<1x16xf32>,
        %get3A_265 = vector.shape_cast %get3A_264 : vector<1x16xf32> to vector<16xf32>
        %add3A_266 = arith.addf %get3A_261, %get3A_265 : vector<16xf32>
        %add3A_267 = arith.addf %add3A_257, %add3A_266 : vector<16xf32>
        %swap3A_268 = arith.index_cast %scan3A_154 : i32 to index
        %swap3A_269 = arith.constant 64 : index
        %swap3A_270 = tpu.vector_load %arg17[%swap3A_268, %swap3A_269] {strides = array<i32>} : memref<80x100xf32, #tpu.memory_space<vmem>>, vector<1x16xf32>,
        %swap3A_271 = vector.shape_cast %swap3A_270 : vector<1x16xf32> to vector<16xf32>
        %swap3A_272 = vector.shape_cast %add3A_267 : vector<16xf32> to vector<1x16xf32>
        tpu.vector_store %arg17[%swap3A_268, %swap3A_269], %swap3A_272 {strides = array<i32>} : memref<80x100xf32, #tpu.memory_space<vmem>>, vector<1x16xf32>,
        %get3A_273 = arith.index_cast %scan3A_154 : i32 to index
        %get3A_274 = arith.constant 80 : index
        %get3A_275 = tpu.vector_load %arg9[%get3A_273, %get3A_274] {strides = array<i32>} : memref<80x128xf32, #tpu.memory_space<vmem>>, vector<1x16xf32>,
        %get3A_276 = vector.shape_cast %get3A_275 : vector<1x16xf32> to vector<16xf32>
        %get3A_277 = arith.index_cast %scan3A_154 : i32 to index
        %get3A_278 = arith.constant 80 : index
        %get3A_279 = tpu.vector_load %arg10[%get3A_277, %get3A_278] {strides = array<i32>} : memref<80x128xf32, #tpu.memory_space<vmem>>, vector<1x16xf32>,
        %get3A_280 = vector.shape_cast %get3A_279 : vector<1x16xf32> to vector<16xf32>
        %add3A_281 = arith.addf %get3A_276, %get3A_280 : vector<16xf32>
        %get3A_282 = arith.index_cast %scan3A_154 : i32 to index
        %get3A_283 = arith.constant 80 : index
        %get3A_284 = tpu.vector_load %arg11[%get3A_282, %get3A_283] {strides = array<i32>} : memref<80x128xf32, #tpu.memory_space<vmem>>, vector<1x16xf32>,
        %get3A_285 = vector.shape_cast %get3A_284 : vector<1x16xf32> to vector<16xf32>
        %get3A_286 = arith.index_cast %scan3A_154 : i32 to index
        %get3A_287 = arith.constant 80 : index
        %get3A_288 = tpu.vector_load %arg12[%get3A_286, %get3A_287] {strides = array<i32>} : memref<80x128xf32, #tpu.memory_space<vmem>>, vector<1x16xf32>,
        %get3A_289 = vector.shape_cast %get3A_288 : vector<1x16xf32> to vector<16xf32>
        %add3A_290 = arith.addf %get3A_285, %get3A_289 : vector<16xf32>
        %add3A_291 = arith.addf %add3A_281, %add3A_290 : vector<16xf32>
        %swap3A_292 = arith.index_cast %scan3A_154 : i32 to index
        %swap3A_293 = arith.constant 80 : index
        %swap3A_294 = tpu.vector_load %arg17[%swap3A_292, %swap3A_293] {strides = array<i32>} : memref<80x100xf32, #tpu.memory_space<vmem>>, vector<1x16xf32>,
        %swap3A_295 = vector.shape_cast %swap3A_294 : vector<1x16xf32> to vector<16xf32>
        %swap3A_296 = vector.shape_cast %add3A_291 : vector<16xf32> to vector<1x16xf32>
        tpu.vector_store %arg17[%swap3A_292, %swap3A_293], %swap3A_296 {strides = array<i32>} : memref<80x100xf32, #tpu.memory_space<vmem>>, vector<1x16xf32>,
        %get3A_297 = arith.index_cast %scan3A_154 : i32 to index
        %get3A_298 = arith.constant 84 : index
        %get3A_299 = tpu.vector_load %arg9[%get3A_297, %get3A_298] {strides = array<i32>} : memref<80x128xf32, #tpu.memory_space<vmem>>, vector<1x16xf32>,
        %get3A_300 = vector.shape_cast %get3A_299 : vector<1x16xf32> to vector<16xf32>
        %get3A_301 = arith.index_cast %scan3A_154 : i32 to index
        %get3A_302 = arith.constant 84 : index
        %get3A_303 = tpu.vector_load %arg10[%get3A_301, %get3A_302] {strides = array<i32>} : memref<80x128xf32, #tpu.memory_space<vmem>>, vector<1x16xf32>,
        %get3A_304 = vector.shape_cast %get3A_303 : vector<1x16xf32> to vector<16xf32>
        %add3A_305 = arith.addf %get3A_300, %get3A_304 : vector<16xf32>
        %get3A_306 = arith.index_cast %scan3A_154 : i32 to index
        %get3A_307 = arith.constant 84 : index
        %get3A_308 = tpu.vector_load %arg11[%get3A_306, %get3A_307] {strides = array<i32>} : memref<80x128xf32, #tpu.memory_space<vmem>>, vector<1x16xf32>,
        %get3A_309 = vector.shape_cast %get3A_308 : vector<1x16xf32> to vector<16xf32>
        %get3A_310 = arith.index_cast %scan3A_154 : i32 to index
        %get3A_311 = arith.constant 84 : index
        %get3A_312 = tpu.vector_load %arg12[%get3A_310, %get3A_311] {strides = array<i32>} : memref<80x128xf32, #tpu.memory_space<vmem>>, vector<1x16xf32>,
        %get3A_313 = vector.shape_cast %get3A_312 : vector<1x16xf32> to vector<16xf32>
        %add3A_314 = arith.addf %get3A_309, %get3A_313 : vector<16xf32>
        %add3A_315 = arith.addf %add3A_305, %add3A_314 : vector<16xf32>
        %swap3A_316 = arith.index_cast %scan3A_154 : i32 to index
        %swap3A_317 = arith.constant 84 : index
        %swap3A_318 = tpu.vector_load %arg17[%swap3A_316, %swap3A_317] {strides = array<i32>} : memref<80x100xf32, #tpu.memory_space<vmem>>, vector<1x16xf32>,
        %swap3A_319 = vector.shape_cast %swap3A_318 : vector<1x16xf32> to vector<16xf32>
        %swap3A_320 = vector.shape_cast %add3A_315 : vector<16xf32> to vector<1x16xf32>
        tpu.vector_store %arg17[%swap3A_316, %swap3A_317], %swap3A_320 {strides = array<i32>} : memref<80x100xf32, #tpu.memory_space<vmem>>, vector<1x16xf32>,
      }
      %scan3A_109 = arith.constant 80 : i32
      %mul3A_110 = arith.constant 80 : i32
      %mul3A_111 = arith.muli %mul3A_23, %mul3A_110 : i32
      %add3A_112 = arith.addi %mul3A_4, %mul3A_111 : i32
      %dma_start3A_113 = arith.constant 0 : i32
      %dma_start3A_114 = tpu.memref_slice %arg7[%add3A_112, %dma_start3A_113] : memref<20480x100xf32, #tpu.memory_space<hbm>> -> memref<80x100xf32, #tpu.memory_space<hbm>>
      %dma_start3A_115 = arith.constant 0 : i32
      %dma_start3A_116 = tpu.memref_slice %arg7[%add3A_112, %dma_start3A_115] : memref<20480x100xf32, #tpu.memory_space<hbm>> -> memref<80x100xf32, #tpu.memory_space<hbm>>
      tpu.enqueue_dma source(%arg17 : memref<80x100xf32, #tpu.memory_space<vmem>>) target(%dma_start3A_116 : memref<80x100xf32, #tpu.memory_space<hbm>>) target_semaphore(%arg21 : memref<!tpu.dma_semaphore, #tpu.memory_space<semaphore_mem>>)
      %dma_wait3A_117 = tpu.memref_slice %arg8[%add3A_60] : memref<2560xi32, #tpu.memory_space<vmem>> -> memref<80xi32, #tpu.memory_space<vmem>>
      %dma_wait3A_118 = arith.constant 0 : i32
      %dma_wait3A_119 = arith.constant 0 : i32
      %dma_wait3A_120 = tpu.memref_slice %arg3[%dma_wait3A_118, %dma_wait3A_119] : memref<100000x128xf32, #tpu.memory_space<hbm>> -> memref<100000x128xf32, #tpu.memory_space<hbm>>
      tpu.wait_indirect_dma semaphore(%arg20 : memref<!tpu.dma_semaphore, #tpu.memory_space<semaphore_mem>>) src(%dma_wait3A_120 : memref<100000x128xf32, #tpu.memory_space<hbm>>) dst(%arg13 : memref<80x128xf32, #tpu.memory_space<vmem>>)
      %dma_wait3A_121 = tpu.memref_slice %arg8[%add3A_68] : memref<2560xi32, #tpu.memory_space<vmem>> -> memref<80xi32, #tpu.memory_space<vmem>>
      %dma_wait3A_122 = arith.constant 0 : i32
      %dma_wait3A_123 = arith.constant 0 : i32
      %dma_wait3A_124 = tpu.memref_slice %arg4[%dma_wait3A_122, %dma_wait3A_123] : memref<100000x128xf32, #tpu.memory_space<hbm>> -> memref<100000x128xf32, #tpu.memory_space<hbm>>
      tpu.wait_indirect_dma semaphore(%arg20 : memref<!tpu.dma_semaphore, #tpu.memory_space<semaphore_mem>>) src(%dma_wait3A_124 : memref<100000x128xf32, #tpu.memory_space<hbm>>) dst(%arg14 : memref<80x128xf32, #tpu.memory_space<vmem>>)
      %dma_wait3A_125 = tpu.memref_slice %arg8[%add3A_76] : memref<2560xi32, #tpu.memory_space<vmem>> -> memref<80xi32, #tpu.memory_space<vmem>>
      %dma_wait3A_126 = arith.constant 0 : i32
      %dma_wait3A_127 = arith.constant 0 : i32
      %dma_wait3A_128 = tpu.memref_slice %arg5[%dma_wait3A_126, %dma_wait3A_127] : memref<100000x128xf32, #tpu.memory_space<hbm>> -> memref<100000x128xf32, #tpu.memory_space<hbm>>
      tpu.wait_indirect_dma semaphore(%arg20 : memref<!tpu.dma_semaphore, #tpu.memory_space<semaphore_mem>>) src(%dma_wait3A_128 : memref<100000x128xf32, #tpu.memory_space<hbm>>) dst(%arg15 : memref<80x128xf32, #tpu.memory_space<vmem>>)
      %dma_wait3A_129 = tpu.memref_slice %arg8[%add3A_84] : memref<2560xi32, #tpu.memory_space<vmem>> -> memref<80xi32, #tpu.memory_space<vmem>>
      %dma_wait3A_130 = arith.constant 0 : i32
      %dma_wait3A_131 = arith.constant 0 : i32
      %dma_wait3A_132 = tpu.memref_slice %arg6[%dma_wait3A_130, %dma_wait3A_131] : memref<100000x128xf32, #tpu.memory_space<hbm>> -> memref<100000x128xf32, #tpu.memory_space<hbm>>
      tpu.wait_indirect_dma semaphore(%arg20 : memref<!tpu.dma_semaphore, #tpu.memory_space<semaphore_mem>>) src(%dma_wait3A_132 : memref<100000x128xf32, #tpu.memory_space<hbm>>) dst(%arg16 : memref<80x128xf32, #tpu.memory_space<vmem>>)
      %scan3A_133 = arith.constant 0 : i32
      %scan3A_134 = arith.constant 0 : i32
      %scan3A_135 = arith.constant 80 : i32
      %scan3A_136 = arith.addi %scan3A_134, %scan3A_135 : i32
      %scan3A_137 = arith.constant 1 : i32
      scf.for %scan3A_154 = %scan3A_134 to %scan3A_136 step %scan3A_137  : i32 {
        %get3A = arith.index_cast %scan3A_154 : i32 to index
        %get3A_155 = arith.constant 0 : index
        %get3A_156 = tpu.vector_load %arg13[%get3A, %get3A_155] {strides = array<i32>} : memref<80x128xf32, #tpu.memory_space<vmem>>, vector<1x16xf32>,
        %get3A_157 = vector.shape_cast %get3A_156 : vector<1x16xf32> to vector<16xf32>
        %get3A_158 = arith.index_cast %scan3A_154 : i32 to index
        %get3A_159 = arith.constant 0 : index
        %get3A_160 = tpu.vector_load %arg14[%get3A_158, %get3A_159] {strides = array<i32>} : memref<80x128xf32, #tpu.memory_space<vmem>>, vector<1x16xf32>,
        %get3A_161 = vector.shape_cast %get3A_160 : vector<1x16xf32> to vector<16xf32>
        %add3A_162 = arith.addf %get3A_157, %get3A_161 : vector<16xf32>
        %get3A_163 = arith.index_cast %scan3A_154 : i32 to index
        %get3A_164 = arith.constant 0 : index
        %get3A_165 = tpu.vector_load %arg15[%get3A_163, %get3A_164] {strides = array<i32>} : memref<80x128xf32, #tpu.memory_space<vmem>>, vector<1x16xf32>,
        %get3A_166 = vector.shape_cast %get3A_165 : vector<1x16xf32> to vector<16xf32>
        %get3A_167 = arith.index_cast %scan3A_154 : i32 to index
        %get3A_168 = arith.constant 0 : index
        %get3A_169 = tpu.vector_load %arg16[%get3A_167, %get3A_168] {strides = array<i32>} : memref<80x128xf32, #tpu.memory_space<vmem>>, vector<1x16xf32>,
        %get3A_170 = vector.shape_cast %get3A_169 : vector<1x16xf32> to vector<16xf32>
        %add3A_171 = arith.addf %get3A_166, %get3A_170 : vector<16xf32>
        %add3A_172 = arith.addf %add3A_162, %add3A_171 : vector<16xf32>
        %swap3A = arith.index_cast %scan3A_154 : i32 to index
        %swap3A_173 = arith.constant 0 : index
        %swap3A_174 = tpu.vector_load %arg18[%swap3A, %swap3A_173] {strides = array<i32>} : memref<80x100xf32, #tpu.memory_space<vmem>>, vector<1x16xf32>,
        %swap3A_175 = vector.shape_cast %swap3A_174 : vector<1x16xf32> to vector<16xf32>
        %swap3A_176 = vector.shape_cast %add3A_172 : vector<16xf32> to vector<1x16xf32>
        tpu.vector_store %arg18[%swap3A, %swap3A_173], %swap3A_176 {strides = array<i32>} : memref<80x100xf32, #tpu.memory_space<vmem>>, vector<1x16xf32>,
        %get3A_177 = arith.index_cast %scan3A_154 : i32 to index
        %get3A_178 = arith.constant 16 : index
        %get3A_179 = tpu.vector_load %arg13[%get3A_177, %get3A_178] {strides = array<i32>} : memref<80x128xf32, #tpu.memory_space<vmem>>, vector<1x16xf32>,
        %get3A_180 = vector.shape_cast %get3A_179 : vector<1x16xf32> to vector<16xf32>
        %get3A_181 = arith.index_cast %scan3A_154 : i32 to index
        %get3A_182 = arith.constant 16 : index
        %get3A_183 = tpu.vector_load %arg14[%get3A_181, %get3A_182] {strides = array<i32>} : memref<80x128xf32, #tpu.memory_space<vmem>>, vector<1x16xf32>,
        %get3A_184 = vector.shape_cast %get3A_183 : vector<1x16xf32> to vector<16xf32>
        %add3A_185 = arith.addf %get3A_180, %get3A_184 : vector<16xf32>
        %get3A_186 = arith.index_cast %scan3A_154 : i32 to index
        %get3A_187 = arith.constant 16 : index
        %get3A_188 = tpu.vector_load %arg15[%get3A_186, %get3A_187] {strides = array<i32>} : memref<80x128xf32, #tpu.memory_space<vmem>>, vector<1x16xf32>,
        %get3A_189 = vector.shape_cast %get3A_188 : vector<1x16xf32> to vector<16xf32>
        %get3A_190 = arith.index_cast %scan3A_154 : i32 to index
        %get3A_191 = arith.constant 16 : index
        %get3A_192 = tpu.vector_load %arg16[%get3A_190, %get3A_191] {strides = array<i32>} : memref<80x128xf32, #tpu.memory_space<vmem>>, vector<1x16xf32>,
        %get3A_193 = vector.shape_cast %get3A_192 : vector<1x16xf32> to vector<16xf32>
        %add3A_194 = arith.addf %get3A_189, %get3A_193 : vector<16xf32>
        %add3A_195 = arith.addf %add3A_185, %add3A_194 : vector<16xf32>
        %swap3A_196 = arith.index_cast %scan3A_154 : i32 to index
        %swap3A_197 = arith.constant 16 : index
        %swap3A_198 = tpu.vector_load %arg18[%swap3A_196, %swap3A_197] {strides = array<i32>} : memref<80x100xf32, #tpu.memory_space<vmem>>, vector<1x16xf32>,
        %swap3A_199 = vector.shape_cast %swap3A_198 : vector<1x16xf32> to vector<16xf32>
        %swap3A_200 = vector.shape_cast %add3A_195 : vector<16xf32> to vector<1x16xf32>
        tpu.vector_store %arg18[%swap3A_196, %swap3A_197], %swap3A_200 {strides = array<i32>} : memref<80x100xf32, #tpu.memory_space<vmem>>, vector<1x16xf32>,
        %get3A_201 = arith.index_cast %scan3A_154 : i32 to index
        %get3A_202 = arith.constant 32 : index
        %get3A_203 = tpu.vector_load %arg13[%get3A_201, %get3A_202] {strides = array<i32>} : memref<80x128xf32, #tpu.memory_space<vmem>>, vector<1x16xf32>,
        %get3A_204 = vector.shape_cast %get3A_203 : vector<1x16xf32> to vector<16xf32>
        %get3A_205 = arith.index_cast %scan3A_154 : i32 to index
        %get3A_206 = arith.constant 32 : index
        %get3A_207 = tpu.vector_load %arg14[%get3A_205, %get3A_206] {strides = array<i32>} : memref<80x128xf32, #tpu.memory_space<vmem>>, vector<1x16xf32>,
        %get3A_208 = vector.shape_cast %get3A_207 : vector<1x16xf32> to vector<16xf32>
        %add3A_209 = arith.addf %get3A_204, %get3A_208 : vector<16xf32>
        %get3A_210 = arith.index_cast %scan3A_154 : i32 to index
        %get3A_211 = arith.constant 32 : index
        %get3A_212 = tpu.vector_load %arg15[%get3A_210, %get3A_211] {strides = array<i32>} : memref<80x128xf32, #tpu.memory_space<vmem>>, vector<1x16xf32>,
        %get3A_213 = vector.shape_cast %get3A_212 : vector<1x16xf32> to vector<16xf32>
        %get3A_214 = arith.index_cast %scan3A_154 : i32 to index
        %get3A_215 = arith.constant 32 : index
        %get3A_216 = tpu.vector_load %arg16[%get3A_214, %get3A_215] {strides = array<i32>} : memref<80x128xf32, #tpu.memory_space<vmem>>, vector<1x16xf32>,
        %get3A_217 = vector.shape_cast %get3A_216 : vector<1x16xf32> to vector<16xf32>
        %add3A_218 = arith.addf %get3A_213, %get3A_217 : vector<16xf32>
        %add3A_219 = arith.addf %add3A_209, %add3A_218 : vector<16xf32>
        %swap3A_220 = arith.index_cast %scan3A_154 : i32 to index
        %swap3A_221 = arith.constant 32 : index
        %swap3A_222 = tpu.vector_load %arg18[%swap3A_220, %swap3A_221] {strides = array<i32>} : memref<80x100xf32, #tpu.memory_space<vmem>>, vector<1x16xf32>,
        %swap3A_223 = vector.shape_cast %swap3A_222 : vector<1x16xf32> to vector<16xf32>
        %swap3A_224 = vector.shape_cast %add3A_219 : vector<16xf32> to vector<1x16xf32>
        tpu.vector_store %arg18[%swap3A_220, %swap3A_221], %swap3A_224 {strides = array<i32>} : memref<80x100xf32, #tpu.memory_space<vmem>>, vector<1x16xf32>,
        %get3A_225 = arith.index_cast %scan3A_154 : i32 to index
        %get3A_226 = arith.constant 48 : index
        %get3A_227 = tpu.vector_load %arg13[%get3A_225, %get3A_226] {strides = array<i32>} : memref<80x128xf32, #tpu.memory_space<vmem>>, vector<1x16xf32>,
        %get3A_228 = vector.shape_cast %get3A_227 : vector<1x16xf32> to vector<16xf32>
        %get3A_229 = arith.index_cast %scan3A_154 : i32 to index
        %get3A_230 = arith.constant 48 : index
        %get3A_231 = tpu.vector_load %arg14[%get3A_229, %get3A_230] {strides = array<i32>} : memref<80x128xf32, #tpu.memory_space<vmem>>, vector<1x16xf32>,
        %get3A_232 = vector.shape_cast %get3A_231 : vector<1x16xf32> to vector<16xf32>
        %add3A_233 = arith.addf %get3A_228, %get3A_232 : vector<16xf32>
        %get3A_234 = arith.index_cast %scan3A_154 : i32 to index
        %get3A_235 = arith.constant 48 : index
        %get3A_236 = tpu.vector_load %arg15[%get3A_234, %get3A_235] {strides = array<i32>} : memref<80x128xf32, #tpu.memory_space<vmem>>, vector<1x16xf32>,
        %get3A_237 = vector.shape_cast %get3A_236 : vector<1x16xf32> to vector<16xf32>
        %get3A_238 = arith.index_cast %scan3A_154 : i32 to index
        %get3A_239 = arith.constant 48 : index
        %get3A_240 = tpu.vector_load %arg16[%get3A_238, %get3A_239] {strides = array<i32>} : memref<80x128xf32, #tpu.memory_space<vmem>>, vector<1x16xf32>,
        %get3A_241 = vector.shape_cast %get3A_240 : vector<1x16xf32> to vector<16xf32>
        %add3A_242 = arith.addf %get3A_237, %get3A_241 : vector<16xf32>
        %add3A_243 = arith.addf %add3A_233, %add3A_242 : vector<16xf32>
        %swap3A_244 = arith.index_cast %scan3A_154 : i32 to index
        %swap3A_245 = arith.constant 48 : index
        %swap3A_246 = tpu.vector_load %arg18[%swap3A_244, %swap3A_245] {strides = array<i32>} : memref<80x100xf32, #tpu.memory_space<vmem>>, vector<1x16xf32>,
        %swap3A_247 = vector.shape_cast %swap3A_246 : vector<1x16xf32> to vector<16xf32>
        %swap3A_248 = vector.shape_cast %add3A_243 : vector<16xf32> to vector<1x16xf32>
        tpu.vector_store %arg18[%swap3A_244, %swap3A_245], %swap3A_248 {strides = array<i32>} : memref<80x100xf32, #tpu.memory_space<vmem>>, vector<1x16xf32>,
        %get3A_249 = arith.index_cast %scan3A_154 : i32 to index
        %get3A_250 = arith.constant 64 : index
        %get3A_251 = tpu.vector_load %arg13[%get3A_249, %get3A_250] {strides = array<i32>} : memref<80x128xf32, #tpu.memory_space<vmem>>, vector<1x16xf32>,
        %get3A_252 = vector.shape_cast %get3A_251 : vector<1x16xf32> to vector<16xf32>
        %get3A_253 = arith.index_cast %scan3A_154 : i32 to index
        %get3A_254 = arith.constant 64 : index
        %get3A_255 = tpu.vector_load %arg14[%get3A_253, %get3A_254] {strides = array<i32>} : memref<80x128xf32, #tpu.memory_space<vmem>>, vector<1x16xf32>,
        %get3A_256 = vector.shape_cast %get3A_255 : vector<1x16xf32> to vector<16xf32>
        %add3A_257 = arith.addf %get3A_252, %get3A_256 : vector<16xf32>
        %get3A_258 = arith.index_cast %scan3A_154 : i32 to index
        %get3A_259 = arith.constant 64 : index
        %get3A_260 = tpu.vector_load %arg15[%get3A_258, %get3A_259] {strides = array<i32>} : memref<80x128xf32, #tpu.memory_space<vmem>>, vector<1x16xf32>,
        %get3A_261 = vector.shape_cast %get3A_260 : vector<1x16xf32> to vector<16xf32>
        %get3A_262 = arith.index_cast %scan3A_154 : i32 to index
        %get3A_263 = arith.constant 64 : index
        %get3A_264 = tpu.vector_load %arg16[%get3A_262, %get3A_263] {strides = array<i32>} : memref<80x128xf32, #tpu.memory_space<vmem>>, vector<1x16xf32>,
        %get3A_265 = vector.shape_cast %get3A_264 : vector<1x16xf32> to vector<16xf32>
        %add3A_266 = arith.addf %get3A_261, %get3A_265 : vector<16xf32>
        %add3A_267 = arith.addf %add3A_257, %add3A_266 : vector<16xf32>
        %swap3A_268 = arith.index_cast %scan3A_154 : i32 to index
        %swap3A_269 = arith.constant 64 : index
        %swap3A_270 = tpu.vector_load %arg18[%swap3A_268, %swap3A_269] {strides = array<i32>} : memref<80x100xf32, #tpu.memory_space<vmem>>, vector<1x16xf32>,
        %swap3A_271 = vector.shape_cast %swap3A_270 : vector<1x16xf32> to vector<16xf32>
        %swap3A_272 = vector.shape_cast %add3A_267 : vector<16xf32> to vector<1x16xf32>
        tpu.vector_store %arg18[%swap3A_268, %swap3A_269], %swap3A_272 {strides = array<i32>} : memref<80x100xf32, #tpu.memory_space<vmem>>, vector<1x16xf32>,
        %get3A_273 = arith.index_cast %scan3A_154 : i32 to index
        %get3A_274 = arith.constant 80 : index
        %get3A_275 = tpu.vector_load %arg13[%get3A_273, %get3A_274] {strides = array<i32>} : memref<80x128xf32, #tpu.memory_space<vmem>>, vector<1x16xf32>,
        %get3A_276 = vector.shape_cast %get3A_275 : vector<1x16xf32> to vector<16xf32>
        %get3A_277 = arith.index_cast %scan3A_154 : i32 to index
        %get3A_278 = arith.constant 80 : index
        %get3A_279 = tpu.vector_load %arg14[%get3A_277, %get3A_278] {strides = array<i32>} : memref<80x128xf32, #tpu.memory_space<vmem>>, vector<1x16xf32>,
        %get3A_280 = vector.shape_cast %get3A_279 : vector<1x16xf32> to vector<16xf32>
        %add3A_281 = arith.addf %get3A_276, %get3A_280 : vector<16xf32>
        %get3A_282 = arith.index_cast %scan3A_154 : i32 to index
        %get3A_283 = arith.constant 80 : index
        %get3A_284 = tpu.vector_load %arg15[%get3A_282, %get3A_283] {strides = array<i32>} : memref<80x128xf32, #tpu.memory_space<vmem>>, vector<1x16xf32>,
        %get3A_285 = vector.shape_cast %get3A_284 : vector<1x16xf32> to vector<16xf32>
        %get3A_286 = arith.index_cast %scan3A_154 : i32 to index
        %get3A_287 = arith.constant 80 : index
        %get3A_288 = tpu.vector_load %arg16[%get3A_286, %get3A_287] {strides = array<i32>} : memref<80x128xf32, #tpu.memory_space<vmem>>, vector<1x16xf32>,
        %get3A_289 = vector.shape_cast %get3A_288 : vector<1x16xf32> to vector<16xf32>
        %add3A_290 = arith.addf %get3A_285, %get3A_289 : vector<16xf32>
        %add3A_291 = arith.addf %add3A_281, %add3A_290 : vector<16xf32>
        %swap3A_292 = arith.index_cast %scan3A_154 : i32 to index
        %swap3A_293 = arith.constant 80 : index
        %swap3A_294 = tpu.vector_load %arg18[%swap3A_292, %swap3A_293] {strides = array<i32>} : memref<80x100xf32, #tpu.memory_space<vmem>>, vector<1x16xf32>,
        %swap3A_295 = vector.shape_cast %swap3A_294 : vector<1x16xf32> to vector<16xf32>
        %swap3A_296 = vector.shape_cast %add3A_291 : vector<16xf32> to vector<1x16xf32>
        tpu.vector_store %arg18[%swap3A_292, %swap3A_293], %swap3A_296 {strides = array<i32>} : memref<80x100xf32, #tpu.memory_space<vmem>>, vector<1x16xf32>,
        %get3A_297 = arith.index_cast %scan3A_154 : i32 to index
        %get3A_298 = arith.constant 84 : index
        %get3A_299 = tpu.vector_load %arg13[%get3A_297, %get3A_298] {strides = array<i32>} : memref<80x128xf32, #tpu.memory_space<vmem>>, vector<1x16xf32>,
        %get3A_300 = vector.shape_cast %get3A_299 : vector<1x16xf32> to vector<16xf32>
        %get3A_301 = arith.index_cast %scan3A_154 : i32 to index
        %get3A_302 = arith.constant 84 : index
        %get3A_303 = tpu.vector_load %arg14[%get3A_301, %get3A_302] {strides = array<i32>} : memref<80x128xf32, #tpu.memory_space<vmem>>, vector<1x16xf32>,
        %get3A_304 = vector.shape_cast %get3A_303 : vector<1x16xf32> to vector<16xf32>
        %add3A_305 = arith.addf %get3A_300, %get3A_304 : vector<16xf32>
        %get3A_306 = arith.index_cast %scan3A_154 : i32 to index
        %get3A_307 = arith.constant 84 : index
        %get3A_308 = tpu.vector_load %arg15[%get3A_306, %get3A_307] {strides = array<i32>} : memref<80x128xf32, #tpu.memory_space<vmem>>, vector<1x16xf32>,
        %get3A_309 = vector.shape_cast %get3A_308 : vector<1x16xf32> to vector<16xf32>
        %get3A_310 = arith.index_cast %scan3A_154 : i32 to index
        %get3A_311 = arith.constant 84 : index
        %get3A_312 = tpu.vector_load %arg16[%get3A_310, %get3A_311] {strides = array<i32>} : memref<80x128xf32, #tpu.memory_space<vmem>>, vector<1x16xf32>,
        %get3A_313 = vector.shape_cast %get3A_312 : vector<1x16xf32> to vector<16xf32>
        %add3A_314 = arith.addf %get3A_309, %get3A_313 : vector<16xf32>
        %add3A_315 = arith.addf %add3A_305, %add3A_314 : vector<16xf32>
        %swap3A_316 = arith.index_cast %scan3A_154 : i32 to index
        %swap3A_317 = arith.constant 84 : index
        %swap3A_318 = tpu.vector_load %arg18[%swap3A_316, %swap3A_317] {strides = array<i32>} : memref<80x100xf32, #tpu.memory_space<vmem>>, vector<1x16xf32>,
        %swap3A_319 = vector.shape_cast %swap3A_318 : vector<1x16xf32> to vector<16xf32>
        %swap3A_320 = vector.shape_cast %add3A_315 : vector<16xf32> to vector<1x16xf32>
        tpu.vector_store %arg18[%swap3A_316, %swap3A_317], %swap3A_320 {strides = array<i32>} : memref<80x100xf32, #tpu.memory_space<vmem>>, vector<1x16xf32>,
      }
      %scan3A_138 = arith.constant 80 : i32
      %mul3A_139 = arith.constant 80 : i32
      %mul3A_140 = arith.muli %add3A_25, %mul3A_139 : i32
      %add3A_141 = arith.addi %mul3A_4, %mul3A_140 : i32
      %dma_start3A_142 = arith.constant 0 : i32
      %dma_start3A_143 = tpu.memref_slice %arg7[%add3A_141, %dma_start3A_142] : memref<20480x100xf32, #tpu.memory_space<hbm>> -> memref<80x100xf32, #tpu.memory_space<hbm>>
      %dma_start3A_144 = arith.constant 0 : i32
      %dma_start3A_145 = tpu.memref_slice %arg7[%add3A_141, %dma_start3A_144] : memref<20480x100xf32, #tpu.memory_space<hbm>> -> memref<80x100xf32, #tpu.memory_space<hbm>>
      tpu.enqueue_dma source(%arg18 : memref<80x100xf32, #tpu.memory_space<vmem>>) target(%dma_start3A_145 : memref<80x100xf32, #tpu.memory_space<hbm>>) target_semaphore(%arg22 : memref<!tpu.dma_semaphore, #tpu.memory_space<semaphore_mem>>)
      %dma_wait3A_146 = arith.constant 0 : i32
      %dma_wait3A_147 = tpu.memref_slice %arg7[%add3A_112, %dma_wait3A_146] : memref<20480x100xf32, #tpu.memory_space<hbm>> -> memref<80x100xf32, #tpu.memory_space<hbm>>
      %dma_wait3A_148 = arith.constant 0 : i32
      %dma_wait3A_149 = tpu.memref_slice %arg7[%add3A_112, %dma_wait3A_148] : memref<20480x100xf32, #tpu.memory_space<hbm>> -> memref<80x100xf32, #tpu.memory_space<hbm>>
      tpu.wait_dma2 semaphore(%arg21 : memref<!tpu.dma_semaphore, #tpu.memory_space<semaphore_mem>>) src(%arg17 : memref<80x100xf32, #tpu.memory_space<vmem>>) dst(%dma_wait3A_149 : memref<80x100xf32, #tpu.memory_space<hbm>>)
      %dma_wait3A_150 = arith.constant 0 : i32
      %dma_wait3A_151 = tpu.memref_slice %arg7[%add3A_141, %dma_wait3A_150] : memref<20480x100xf32, #tpu.memory_space<hbm>> -> memref<80x100xf32, #tpu.memory_space<hbm>>
      %dma_wait3A_152 = arith.constant 0 : i32
      %dma_wait3A_153 = tpu.memref_slice %arg7[%add3A_141, %dma_wait3A_152] : memref<20480x100xf32, #tpu.memory_space<hbm>> -> memref<80x100xf32, #tpu.memory_space<hbm>>
      tpu.wait_dma2 semaphore(%arg22 : memref<!tpu.dma_semaphore, #tpu.memory_space<semaphore_mem>>) src(%arg18 : memref<80x100xf32, #tpu.memory_space<vmem>>) dst(%dma_wait3A_153 : memref<80x100xf32, #tpu.memory_space<hbm>>)
    }
    %scan3A_20 = arith.constant 4 : i32
    return
  }
}

#map = affine_map<(d0, d1) -> (0, 0)>
module attributes {stable_mosaic.version = 14 : i64} {
  func.func @k(%arg0: i32, %arg1: i32, %arg2: memref<4x102400xi32, #tpu.memory_space<hbm>>, %arg3: memref<100000x128xf32, #tpu.memory_space<hbm>>, %arg4: memref<100000x128xf32, #tpu.memory_space<hbm>>, %arg5: memref<100000x128xf32, #tpu.memory_space<hbm>>, %arg6: memref<100000x128xf32, #tpu.memory_space<hbm>>, %arg7: memref<20480x100xf32, #tpu.memory_space<hbm>>, %arg8: memref<2560xi32, #tpu.memory_space<vmem>>, %arg9: memref<80x128xf32, #tpu.memory_space<vmem>>, %arg10: memref<80x128xf32, #tpu.memory_space<vmem>>, %arg11: memref<80x128xf32, #tpu.memory_space<vmem>>, %arg12: memref<80x128xf32, #tpu.memory_space<vmem>>, %arg13: memref<80x128xf32, #tpu.memory_space<vmem>>, %arg14: memref<80x128xf32, #tpu.memory_space<vmem>>, %arg15: memref<80x128xf32, #tpu.memory_space<vmem>>, %arg16: memref<80x128xf32, #tpu.memory_space<vmem>>, %arg17: memref<80x100xf32, #tpu.memory_space<vmem>>, %arg18: memref<80x100xf32, #tpu.memory_space<vmem>>, %arg19: memref<!tpu.dma_semaphore, #tpu.memory_space<semaphore_mem>>, %arg20: memref<!tpu.dma_semaphore, #tpu.memory_space<semaphore_mem>>, %arg21: memref<!tpu.dma_semaphore, #tpu.memory_space<semaphore_mem>>, %arg22: memref<!tpu.dma_semaphore, #tpu.memory_space<semaphore_mem>>) attributes {dimension_semantics = [#tpu.dimension_semantics<core_parallel>, #tpu.dimension_semantics<subcore_parallel>], iteration_bounds = array<i64: 2, 16>, scalar_prefetch = 0 : i64, scratch_operands = 15 : i64, tpu.core_type = #tpu.core_type<sc_vector_subcore>, window_params = [{transform_indices = #map}, {transform_indices = #map}, {transform_indices = #map}, {transform_indices = #map}, {transform_indices = #map}, {transform_indices = #map}]} {
    %mul3A = arith.constant 16 : i32
    %mul3A_0 = arith.muli %arg0, %mul3A : i32
    %add3A = arith.addi %mul3A_0, %arg1 : i32
    %mul3A_1 = arith.constant 80 : i32
    %mul3A_2 = arith.muli %mul3A_1, %add3A : i32
    %mul3A_3 = arith.constant 8 : i32
    %mul3A_4 = arith.muli %mul3A_2, %mul3A_3 : i32
    %add3A_5 = arith.constant 20480 : i32
    %add3A_6 = arith.addi %add3A_5, %mul3A_4 : i32
    %run_scoped3A = arith.constant 0 : i32
    "tpu.region"() ({
      %run_scoped3A_21 = tpu.sem_alloc : memref<!tpu.dma_semaphore, #tpu.memory_space<semaphore_mem>>
      %dma_start3A = arith.constant 0 : i32
      %dma_start3A_22 = tpu.memref_slice %arg8[%dma_start3A] : memref<2560xi32, #tpu.memory_space<vmem>> -> memref<640xi32, #tpu.memory_space<vmem>>
      %dma_start3A_23 = tpu.memref_slice %arg2[%run_scoped3A, %add3A_6] : memref<4x102400xi32, #tpu.memory_space<hbm>> -> memref<1x640xi32, #tpu.memory_space<hbm>>
      %dma_start3A_24 = tpu.memref_squeeze %dma_start3A_23 : memref<1x640xi32, #tpu.memory_space<hbm>> -> memref<640xi32, #tpu.memory_space<hbm>>
      %dma_start3A_25 = arith.constant 0 : i32
      %dma_start3A_26 = tpu.memref_slice %arg8[%dma_start3A_25] : memref<2560xi32, #tpu.memory_space<vmem>> -> memref<640xi32, #tpu.memory_space<vmem>>
      %dma_start3A_27 = tpu.memref_slice %arg2[%run_scoped3A, %add3A_6] : memref<4x102400xi32, #tpu.memory_space<hbm>> -> memref<1x640xi32, #tpu.memory_space<hbm>>
      %dma_start3A_28 = tpu.memref_squeeze %dma_start3A_27 : memref<1x640xi32, #tpu.memory_space<hbm>> -> memref<640xi32, #tpu.memory_space<hbm>>
      tpu.enqueue_dma source(%dma_start3A_28 : memref<640xi32, #tpu.memory_space<hbm>>) target(%dma_start3A_26 : memref<640xi32, #tpu.memory_space<vmem>>) target_semaphore(%run_scoped3A_21 : memref<!tpu.dma_semaphore, #tpu.memory_space<semaphore_mem>>)
      %dma_wait3A = arith.constant 0 : i32
      %dma_wait3A_29 = tpu.memref_slice %arg8[%dma_wait3A] : memref<2560xi32, #tpu.memory_space<vmem>> -> memref<640xi32, #tpu.memory_space<vmem>>
      %dma_wait3A_30 = tpu.memref_slice %arg2[%run_scoped3A, %add3A_6] : memref<4x102400xi32, #tpu.memory_space<hbm>> -> memref<1x640xi32, #tpu.memory_space<hbm>>
      %dma_wait3A_31 = tpu.memref_squeeze %dma_wait3A_30 : memref<1x640xi32, #tpu.memory_space<hbm>> -> memref<640xi32, #tpu.memory_space<hbm>>
      %dma_wait3A_32 = arith.constant 0 : i32
      %dma_wait3A_33 = tpu.memref_slice %arg8[%dma_wait3A_32] : memref<2560xi32, #tpu.memory_space<vmem>> -> memref<640xi32, #tpu.memory_space<vmem>>
      %dma_wait3A_34 = tpu.memref_slice %arg2[%run_scoped3A, %add3A_6] : memref<4x102400xi32, #tpu.memory_space<hbm>> -> memref<1x640xi32, #tpu.memory_space<hbm>>
      %dma_wait3A_35 = tpu.memref_squeeze %dma_wait3A_34 : memref<1x640xi32, #tpu.memory_space<hbm>> -> memref<640xi32, #tpu.memory_space<hbm>>
      tpu.wait_dma2 semaphore(%run_scoped3A_21 : memref<!tpu.dma_semaphore, #tpu.memory_space<semaphore_mem>>) src(%dma_wait3A_35 : memref<640xi32, #tpu.memory_space<hbm>>) dst(%dma_wait3A_33 : memref<640xi32, #tpu.memory_space<vmem>>)
      tpu.yield
    }) : () -> ()
    %add3A_7 = arith.constant 20480 : i32
    %add3A_8 = arith.addi %add3A_7, %mul3A_4 : i32
    %run_scoped3A_9 = arith.constant 1 : i32
    "tpu.region"() ({
      %run_scoped3A_21 = tpu.sem_alloc : memref<!tpu.dma_semaphore, #tpu.memory_space<semaphore_mem>>
      %dma_start3A = arith.constant 640 : i32
      %dma_start3A_22 = tpu.memref_slice %arg8[%dma_start3A] : memref<2560xi32, #tpu.memory_space<vmem>> -> memref<640xi32, #tpu.memory_space<vmem>>
      %dma_start3A_23 = tpu.memref_slice %arg2[%run_scoped3A_9, %add3A_8] : memref<4x102400xi32, #tpu.memory_space<hbm>> -> memref<1x640xi32, #tpu.memory_space<hbm>>
      %dma_start3A_24 = tpu.memref_squeeze %dma_start3A_23 : memref<1x640xi32, #tpu.memory_space<hbm>> -> memref<640xi32, #tpu.memory_space<hbm>>
      %dma_start3A_25 = arith.constant 640 : i32
      %dma_start3A_26 = tpu.memref_slice %arg8[%dma_start3A_25] : memref<2560xi32, #tpu.memory_space<vmem>> -> memref<640xi32, #tpu.memory_space<vmem>>
      %dma_start3A_27 = tpu.memref_slice %arg2[%run_scoped3A_9, %add3A_8] : memref<4x102400xi32, #tpu.memory_space<hbm>> -> memref<1x640xi32, #tpu.memory_space<hbm>>
      %dma_start3A_28 = tpu.memref_squeeze %dma_start3A_27 : memref<1x640xi32, #tpu.memory_space<hbm>> -> memref<640xi32, #tpu.memory_space<hbm>>
      tpu.enqueue_dma source(%dma_start3A_28 : memref<640xi32, #tpu.memory_space<hbm>>) target(%dma_start3A_26 : memref<640xi32, #tpu.memory_space<vmem>>) target_semaphore(%run_scoped3A_21 : memref<!tpu.dma_semaphore, #tpu.memory_space<semaphore_mem>>)
      %dma_wait3A = arith.constant 640 : i32
      %dma_wait3A_29 = tpu.memref_slice %arg8[%dma_wait3A] : memref<2560xi32, #tpu.memory_space<vmem>> -> memref<640xi32, #tpu.memory_space<vmem>>
      %dma_wait3A_30 = tpu.memref_slice %arg2[%run_scoped3A_9, %add3A_8] : memref<4x102400xi32, #tpu.memory_space<hbm>> -> memref<1x640xi32, #tpu.memory_space<hbm>>
      %dma_wait3A_31 = tpu.memref_squeeze %dma_wait3A_30 : memref<1x640xi32, #tpu.memory_space<hbm>> -> memref<640xi32, #tpu.memory_space<hbm>>
      %dma_wait3A_32 = arith.constant 640 : i32
      %dma_wait3A_33 = tpu.memref_slice %arg8[%dma_wait3A_32] : memref<2560xi32, #tpu.memory_space<vmem>> -> memref<640xi32, #tpu.memory_space<vmem>>
      %dma_wait3A_34 = tpu.memref_slice %arg2[%run_scoped3A_9, %add3A_8] : memref<4x102400xi32, #tpu.memory_space<hbm>> -> memref<1x640xi32, #tpu.memory_space<hbm>>
      %dma_wait3A_35 = tpu.memref_squeeze %dma_wait3A_34 : memref<1x640xi32, #tpu.memory_space<hbm>> -> memref<640xi32, #tpu.memory_space<hbm>>
      tpu.wait_dma2 semaphore(%run_scoped3A_21 : memref<!tpu.dma_semaphore, #tpu.memory_space<semaphore_mem>>) src(%dma_wait3A_35 : memref<640xi32, #tpu.memory_space<hbm>>) dst(%dma_wait3A_33 : memref<640xi32, #tpu.memory_space<vmem>>)
      tpu.yield
    }) : () -> ()
    %add3A_10 = arith.constant 20480 : i32
    %add3A_11 = arith.addi %add3A_10, %mul3A_4 : i32
    %run_scoped3A_12 = arith.constant 2 : i32
    "tpu.region"() ({
      %run_scoped3A_21 = tpu.sem_alloc : memref<!tpu.dma_semaphore, #tpu.memory_space<semaphore_mem>>
      %dma_start3A = arith.constant 1280 : i32
      %dma_start3A_22 = tpu.memref_slice %arg8[%dma_start3A] : memref<2560xi32, #tpu.memory_space<vmem>> -> memref<640xi32, #tpu.memory_space<vmem>>
      %dma_start3A_23 = tpu.memref_slice %arg2[%run_scoped3A_12, %add3A_11] : memref<4x102400xi32, #tpu.memory_space<hbm>> -> memref<1x640xi32, #tpu.memory_space<hbm>>
      %dma_start3A_24 = tpu.memref_squeeze %dma_start3A_23 : memref<1x640xi32, #tpu.memory_space<hbm>> -> memref<640xi32, #tpu.memory_space<hbm>>
      %dma_start3A_25 = arith.constant 1280 : i32
      %dma_start3A_26 = tpu.memref_slice %arg8[%dma_start3A_25] : memref<2560xi32, #tpu.memory_space<vmem>> -> memref<640xi32, #tpu.memory_space<vmem>>
      %dma_start3A_27 = tpu.memref_slice %arg2[%run_scoped3A_12, %add3A_11] : memref<4x102400xi32, #tpu.memory_space<hbm>> -> memref<1x640xi32, #tpu.memory_space<hbm>>
      %dma_start3A_28 = tpu.memref_squeeze %dma_start3A_27 : memref<1x640xi32, #tpu.memory_space<hbm>> -> memref<640xi32, #tpu.memory_space<hbm>>
      tpu.enqueue_dma source(%dma_start3A_28 : memref<640xi32, #tpu.memory_space<hbm>>) target(%dma_start3A_26 : memref<640xi32, #tpu.memory_space<vmem>>) target_semaphore(%run_scoped3A_21 : memref<!tpu.dma_semaphore, #tpu.memory_space<semaphore_mem>>)
      %dma_wait3A = arith.constant 1280 : i32
      %dma_wait3A_29 = tpu.memref_slice %arg8[%dma_wait3A] : memref<2560xi32, #tpu.memory_space<vmem>> -> memref<640xi32, #tpu.memory_space<vmem>>
      %dma_wait3A_30 = tpu.memref_slice %arg2[%run_scoped3A_12, %add3A_11] : memref<4x102400xi32, #tpu.memory_space<hbm>> -> memref<1x640xi32, #tpu.memory_space<hbm>>
      %dma_wait3A_31 = tpu.memref_squeeze %dma_wait3A_30 : memref<1x640xi32, #tpu.memory_space<hbm>> -> memref<640xi32, #tpu.memory_space<hbm>>
      %dma_wait3A_32 = arith.constant 1280 : i32
      %dma_wait3A_33 = tpu.memref_slice %arg8[%dma_wait3A_32] : memref<2560xi32, #tpu.memory_space<vmem>> -> memref<640xi32, #tpu.memory_space<vmem>>
      %dma_wait3A_34 = tpu.memref_slice %arg2[%run_scoped3A_12, %add3A_11] : memref<4x102400xi32, #tpu.memory_space<hbm>> -> memref<1x640xi32, #tpu.memory_space<hbm>>
      %dma_wait3A_35 = tpu.memref_squeeze %dma_wait3A_34 : memref<1x640xi32, #tpu.memory_space<hbm>> -> memref<640xi32, #tpu.memory_space<hbm>>
      tpu.wait_dma2 semaphore(%run_scoped3A_21 : memref<!tpu.dma_semaphore, #tpu.memory_space<semaphore_mem>>) src(%dma_wait3A_35 : memref<640xi32, #tpu.memory_space<hbm>>) dst(%dma_wait3A_33 : memref<640xi32, #tpu.memory_space<vmem>>)
      tpu.yield
    }) : () -> ()
    %add3A_13 = arith.constant 20480 : i32
    %add3A_14 = arith.addi %add3A_13, %mul3A_4 : i32
    %run_scoped3A_15 = arith.constant 3 : i32
    "tpu.region"() ({
      %run_scoped3A_21 = tpu.sem_alloc : memref<!tpu.dma_semaphore, #tpu.memory_space<semaphore_mem>>
      %dma_start3A = arith.constant 1920 : i32
      %dma_start3A_22 = tpu.memref_slice %arg8[%dma_start3A] : memref<2560xi32, #tpu.memory_space<vmem>> -> memref<640xi32, #tpu.memory_space<vmem>>
      %dma_start3A_23 = tpu.memref_slice %arg2[%run_scoped3A_15, %add3A_14] : memref<4x102400xi32, #tpu.memory_space<hbm>> -> memref<1x640xi32, #tpu.memory_space<hbm>>
      %dma_start3A_24 = tpu.memref_squeeze %dma_start3A_23 : memref<1x640xi32, #tpu.memory_space<hbm>> -> memref<640xi32, #tpu.memory_space<hbm>>
      %dma_start3A_25 = arith.constant 1920 : i32
      %dma_start3A_26 = tpu.memref_slice %arg8[%dma_start3A_25] : memref<2560xi32, #tpu.memory_space<vmem>> -> memref<640xi32, #tpu.memory_space<vmem>>
      %dma_start3A_27 = tpu.memref_slice %arg2[%run_scoped3A_15, %add3A_14] : memref<4x102400xi32, #tpu.memory_space<hbm>> -> memref<1x640xi32, #tpu.memory_space<hbm>>
      %dma_start3A_28 = tpu.memref_squeeze %dma_start3A_27 : memref<1x640xi32, #tpu.memory_space<hbm>> -> memref<640xi32, #tpu.memory_space<hbm>>
      tpu.enqueue_dma source(%dma_start3A_28 : memref<640xi32, #tpu.memory_space<hbm>>) target(%dma_start3A_26 : memref<640xi32, #tpu.memory_space<vmem>>) target_semaphore(%run_scoped3A_21 : memref<!tpu.dma_semaphore, #tpu.memory_space<semaphore_mem>>)
      %dma_wait3A = arith.constant 1920 : i32
      %dma_wait3A_29 = tpu.memref_slice %arg8[%dma_wait3A] : memref<2560xi32, #tpu.memory_space<vmem>> -> memref<640xi32, #tpu.memory_space<vmem>>
      %dma_wait3A_30 = tpu.memref_slice %arg2[%run_scoped3A_15, %add3A_14] : memref<4x102400xi32, #tpu.memory_space<hbm>> -> memref<1x640xi32, #tpu.memory_space<hbm>>
      %dma_wait3A_31 = tpu.memref_squeeze %dma_wait3A_30 : memref<1x640xi32, #tpu.memory_space<hbm>> -> memref<640xi32, #tpu.memory_space<hbm>>
      %dma_wait3A_32 = arith.constant 1920 : i32
      %dma_wait3A_33 = tpu.memref_slice %arg8[%dma_wait3A_32] : memref<2560xi32, #tpu.memory_space<vmem>> -> memref<640xi32, #tpu.memory_space<vmem>>
      %dma_wait3A_34 = tpu.memref_slice %arg2[%run_scoped3A_15, %add3A_14] : memref<4x102400xi32, #tpu.memory_space<hbm>> -> memref<1x640xi32, #tpu.memory_space<hbm>>
      %dma_wait3A_35 = tpu.memref_squeeze %dma_wait3A_34 : memref<1x640xi32, #tpu.memory_space<hbm>> -> memref<640xi32, #tpu.memory_space<hbm>>
      tpu.wait_dma2 semaphore(%run_scoped3A_21 : memref<!tpu.dma_semaphore, #tpu.memory_space<semaphore_mem>>) src(%dma_wait3A_35 : memref<640xi32, #tpu.memory_space<hbm>>) dst(%dma_wait3A_33 : memref<640xi32, #tpu.memory_space<vmem>>)
      tpu.yield
    }) : () -> ()
    %scan3A = arith.constant 0 : i32
    %scan3A_16 = arith.constant 0 : i32
    %scan3A_17 = arith.constant 4 : i32
    %scan3A_18 = arith.addi %scan3A_16, %scan3A_17 : i32
    %scan3A_19 = arith.constant 1 : i32
    scf.for %scan3A_21 = %scan3A_16 to %scan3A_18 step %scan3A_19  : i32 {
      %mul3A_22 = arith.constant 2 : i32
      %mul3A_23 = arith.muli %mul3A_22, %scan3A_21 : i32
      %add3A_24 = arith.constant 1 : i32
      %add3A_25 = arith.addi %mul3A_23, %add3A_24 : i32
      %mul3A_26 = arith.constant 80 : i32
      %mul3A_27 = arith.muli %mul3A_23, %mul3A_26 : i32
      %add3A_28 = arith.constant 0 : i32
      %add3A_29 = arith.addi %add3A_28, %mul3A_27 : i32
      %dma_start3A = tpu.memref_slice %arg8[%add3A_29] : memref<2560xi32, #tpu.memory_space<vmem>> -> memref<80xi32, #tpu.memory_space<vmem>>
      %dma_start3A_30 = arith.constant 0 : i32
      %dma_start3A_31 = arith.constant 0 : i32
      %dma_start3A_32 = tpu.memref_slice %arg3[%dma_start3A_30, %dma_start3A_31] : memref<100000x128xf32, #tpu.memory_space<hbm>> -> memref<100000x128xf32, #tpu.memory_space<hbm>>
      tpu.enqueue_indirect_dma source(%dma_start3A_32 : memref<100000x128xf32, #tpu.memory_space<hbm>>) target(%arg9 : memref<80x128xf32, #tpu.memory_space<vmem>>) offsets(%dma_start3A : memref<80xi32, #tpu.memory_space<vmem>>) semaphore(%arg19 : memref<!tpu.dma_semaphore, #tpu.memory_space<semaphore_mem>>)
      %mul3A_33 = arith.constant 80 : i32
      %mul3A_34 = arith.muli %mul3A_23, %mul3A_33 : i32
      %add3A_35 = arith.constant 640 : i32
      %add3A_36 = arith.addi %add3A_35, %mul3A_34 : i32
      %dma_start3A_37 = tpu.memref_slice %arg8[%add3A_36] : memref<2560xi32, #tpu.memory_space<vmem>> -> memref<80xi32, #tpu.memory_space<vmem>>
      %dma_start3A_38 = arith.constant 0 : i32
      %dma_start3A_39 = arith.constant 0 : i32
      %dma_start3A_40 = tpu.memref_slice %arg4[%dma_start3A_38, %dma_start3A_39] : memref<100000x128xf32, #tpu.memory_space<hbm>> -> memref<100000x128xf32, #tpu.memory_space<hbm>>
      tpu.enqueue_indirect_dma source(%dma_start3A_40 : memref<100000x128xf32, #tpu.memory_space<hbm>>) target(%arg10 : memref<80x128xf32, #tpu.memory_space<vmem>>) offsets(%dma_start3A_37 : memref<80xi32, #tpu.memory_space<vmem>>) semaphore(%arg19 : memref<!tpu.dma_semaphore, #tpu.memory_space<semaphore_mem>>)
      %mul3A_41 = arith.constant 80 : i32
      %mul3A_42 = arith.muli %mul3A_23, %mul3A_41 : i32
      %add3A_43 = arith.constant 1280 : i32
      %add3A_44 = arith.addi %add3A_43, %mul3A_42 : i32
      %dma_start3A_45 = tpu.memref_slice %arg8[%add3A_44] : memref<2560xi32, #tpu.memory_space<vmem>> -> memref<80xi32, #tpu.memory_space<vmem>>
      %dma_start3A_46 = arith.constant 0 : i32
      %dma_start3A_47 = arith.constant 0 : i32
      %dma_start3A_48 = tpu.memref_slice %arg5[%dma_start3A_46, %dma_start3A_47] : memref<100000x128xf32, #tpu.memory_space<hbm>> -> memref<100000x128xf32, #tpu.memory_space<hbm>>
      tpu.enqueue_indirect_dma source(%dma_start3A_48 : memref<100000x128xf32, #tpu.memory_space<hbm>>) target(%arg11 : memref<80x128xf32, #tpu.memory_space<vmem>>) offsets(%dma_start3A_45 : memref<80xi32, #tpu.memory_space<vmem>>) semaphore(%arg19 : memref<!tpu.dma_semaphore, #tpu.memory_space<semaphore_mem>>)
      %mul3A_49 = arith.constant 80 : i32
      %mul3A_50 = arith.muli %mul3A_23, %mul3A_49 : i32
      %add3A_51 = arith.constant 1920 : i32
      %add3A_52 = arith.addi %add3A_51, %mul3A_50 : i32
      %dma_start3A_53 = tpu.memref_slice %arg8[%add3A_52] : memref<2560xi32, #tpu.memory_space<vmem>> -> memref<80xi32, #tpu.memory_space<vmem>>
      %dma_start3A_54 = arith.constant 0 : i32
      %dma_start3A_55 = arith.constant 0 : i32
      %dma_start3A_56 = tpu.memref_slice %arg6[%dma_start3A_54, %dma_start3A_55] : memref<100000x128xf32, #tpu.memory_space<hbm>> -> memref<100000x128xf32, #tpu.memory_space<hbm>>
      tpu.enqueue_indirect_dma source(%dma_start3A_56 : memref<100000x128xf32, #tpu.memory_space<hbm>>) target(%arg12 : memref<80x128xf32, #tpu.memory_space<vmem>>) offsets(%dma_start3A_53 : memref<80xi32, #tpu.memory_space<vmem>>) semaphore(%arg19 : memref<!tpu.dma_semaphore, #tpu.memory_space<semaphore_mem>>)
      %mul3A_57 = arith.constant 80 : i32
      %mul3A_58 = arith.muli %add3A_25, %mul3A_57 : i32
      %add3A_59 = arith.constant 0 : i32
      %add3A_60 = arith.addi %add3A_59, %mul3A_58 : i32
      %dma_start3A_61 = tpu.memref_slice %arg8[%add3A_60] : memref<2560xi32, #tpu.memory_space<vmem>> -> memref<80xi32, #tpu.memory_space<vmem>>
      %dma_start3A_62 = arith.constant 0 : i32
      %dma_start3A_63 = arith.constant 0 : i32
      %dma_start3A_64 = tpu.memref_slice %arg3[%dma_start3A_62, %dma_start3A_63] : memref<100000x128xf32, #tpu.memory_space<hbm>> -> memref<100000x128xf32, #tpu.memory_space<hbm>>
      tpu.enqueue_indirect_dma source(%dma_start3A_64 : memref<100000x128xf32, #tpu.memory_space<hbm>>) target(%arg13 : memref<80x128xf32, #tpu.memory_space<vmem>>) offsets(%dma_start3A_61 : memref<80xi32, #tpu.memory_space<vmem>>) semaphore(%arg20 : memref<!tpu.dma_semaphore, #tpu.memory_space<semaphore_mem>>)
      %mul3A_65 = arith.constant 80 : i32
      %mul3A_66 = arith.muli %add3A_25, %mul3A_65 : i32
      %add3A_67 = arith.constant 640 : i32
      %add3A_68 = arith.addi %add3A_67, %mul3A_66 : i32
      %dma_start3A_69 = tpu.memref_slice %arg8[%add3A_68] : memref<2560xi32, #tpu.memory_space<vmem>> -> memref<80xi32, #tpu.memory_space<vmem>>
      %dma_start3A_70 = arith.constant 0 : i32
      %dma_start3A_71 = arith.constant 0 : i32
      %dma_start3A_72 = tpu.memref_slice %arg4[%dma_start3A_70, %dma_start3A_71] : memref<100000x128xf32, #tpu.memory_space<hbm>> -> memref<100000x128xf32, #tpu.memory_space<hbm>>
      tpu.enqueue_indirect_dma source(%dma_start3A_72 : memref<100000x128xf32, #tpu.memory_space<hbm>>) target(%arg14 : memref<80x128xf32, #tpu.memory_space<vmem>>) offsets(%dma_start3A_69 : memref<80xi32, #tpu.memory_space<vmem>>) semaphore(%arg20 : memref<!tpu.dma_semaphore, #tpu.memory_space<semaphore_mem>>)
      %mul3A_73 = arith.constant 80 : i32
      %mul3A_74 = arith.muli %add3A_25, %mul3A_73 : i32
      %add3A_75 = arith.constant 1280 : i32
      %add3A_76 = arith.addi %add3A_75, %mul3A_74 : i32
      %dma_start3A_77 = tpu.memref_slice %arg8[%add3A_76] : memref<2560xi32, #tpu.memory_space<vmem>> -> memref<80xi32, #tpu.memory_space<vmem>>
      %dma_start3A_78 = arith.constant 0 : i32
      %dma_start3A_79 = arith.constant 0 : i32
      %dma_start3A_80 = tpu.memref_slice %arg5[%dma_start3A_78, %dma_start3A_79] : memref<100000x128xf32, #tpu.memory_space<hbm>> -> memref<100000x128xf32, #tpu.memory_space<hbm>>
      tpu.enqueue_indirect_dma source(%dma_start3A_80 : memref<100000x128xf32, #tpu.memory_space<hbm>>) target(%arg15 : memref<80x128xf32, #tpu.memory_space<vmem>>) offsets(%dma_start3A_77 : memref<80xi32, #tpu.memory_space<vmem>>) semaphore(%arg20 : memref<!tpu.dma_semaphore, #tpu.memory_space<semaphore_mem>>)
      %mul3A_81 = arith.constant 80 : i32
      %mul3A_82 = arith.muli %add3A_25, %mul3A_81 : i32
      %add3A_83 = arith.constant 1920 : i32
      %add3A_84 = arith.addi %add3A_83, %mul3A_82 : i32
      %dma_start3A_85 = tpu.memref_slice %arg8[%add3A_84] : memref<2560xi32, #tpu.memory_space<vmem>> -> memref<80xi32, #tpu.memory_space<vmem>>
      %dma_start3A_86 = arith.constant 0 : i32
      %dma_start3A_87 = arith.constant 0 : i32
      %dma_start3A_88 = tpu.memref_slice %arg6[%dma_start3A_86, %dma_start3A_87] : memref<100000x128xf32, #tpu.memory_space<hbm>> -> memref<100000x128xf32, #tpu.memory_space<hbm>>
      tpu.enqueue_indirect_dma source(%dma_start3A_88 : memref<100000x128xf32, #tpu.memory_space<hbm>>) target(%arg16 : memref<80x128xf32, #tpu.memory_space<vmem>>) offsets(%dma_start3A_85 : memref<80xi32, #tpu.memory_space<vmem>>) semaphore(%arg20 : memref<!tpu.dma_semaphore, #tpu.memory_space<semaphore_mem>>)
      %dma_wait3A = tpu.memref_slice %arg8[%add3A_29] : memref<2560xi32, #tpu.memory_space<vmem>> -> memref<80xi32, #tpu.memory_space<vmem>>
      %dma_wait3A_89 = arith.constant 0 : i32
      %dma_wait3A_90 = arith.constant 0 : i32
      %dma_wait3A_91 = tpu.memref_slice %arg3[%dma_wait3A_89, %dma_wait3A_90] : memref<100000x128xf32, #tpu.memory_space<hbm>> -> memref<100000x128xf32, #tpu.memory_space<hbm>>
      tpu.wait_indirect_dma semaphore(%arg19 : memref<!tpu.dma_semaphore, #tpu.memory_space<semaphore_mem>>) src(%dma_wait3A_91 : memref<100000x128xf32, #tpu.memory_space<hbm>>) dst(%arg9 : memref<80x128xf32, #tpu.memory_space<vmem>>)
      %dma_wait3A_92 = tpu.memref_slice %arg8[%add3A_36] : memref<2560xi32, #tpu.memory_space<vmem>> -> memref<80xi32, #tpu.memory_space<vmem>>
      %dma_wait3A_93 = arith.constant 0 : i32
      %dma_wait3A_94 = arith.constant 0 : i32
      %dma_wait3A_95 = tpu.memref_slice %arg4[%dma_wait3A_93, %dma_wait3A_94] : memref<100000x128xf32, #tpu.memory_space<hbm>> -> memref<100000x128xf32, #tpu.memory_space<hbm>>
      tpu.wait_indirect_dma semaphore(%arg19 : memref<!tpu.dma_semaphore, #tpu.memory_space<semaphore_mem>>) src(%dma_wait3A_95 : memref<100000x128xf32, #tpu.memory_space<hbm>>) dst(%arg10 : memref<80x128xf32, #tpu.memory_space<vmem>>)
      %dma_wait3A_96 = tpu.memref_slice %arg8[%add3A_44] : memref<2560xi32, #tpu.memory_space<vmem>> -> memref<80xi32, #tpu.memory_space<vmem>>
      %dma_wait3A_97 = arith.constant 0 : i32
      %dma_wait3A_98 = arith.constant 0 : i32
      %dma_wait3A_99 = tpu.memref_slice %arg5[%dma_wait3A_97, %dma_wait3A_98] : memref<100000x128xf32, #tpu.memory_space<hbm>> -> memref<100000x128xf32, #tpu.memory_space<hbm>>
      tpu.wait_indirect_dma semaphore(%arg19 : memref<!tpu.dma_semaphore, #tpu.memory_space<semaphore_mem>>) src(%dma_wait3A_99 : memref<100000x128xf32, #tpu.memory_space<hbm>>) dst(%arg11 : memref<80x128xf32, #tpu.memory_space<vmem>>)
      %dma_wait3A_100 = tpu.memref_slice %arg8[%add3A_52] : memref<2560xi32, #tpu.memory_space<vmem>> -> memref<80xi32, #tpu.memory_space<vmem>>
      %dma_wait3A_101 = arith.constant 0 : i32
      %dma_wait3A_102 = arith.constant 0 : i32
      %dma_wait3A_103 = tpu.memref_slice %arg6[%dma_wait3A_101, %dma_wait3A_102] : memref<100000x128xf32, #tpu.memory_space<hbm>> -> memref<100000x128xf32, #tpu.memory_space<hbm>>
      tpu.wait_indirect_dma semaphore(%arg19 : memref<!tpu.dma_semaphore, #tpu.memory_space<semaphore_mem>>) src(%dma_wait3A_103 : memref<100000x128xf32, #tpu.memory_space<hbm>>) dst(%arg12 : memref<80x128xf32, #tpu.memory_space<vmem>>)
      %scan3A_104 = arith.constant 0 : i32
      %scan3A_105 = arith.constant 0 : i32
      %scan3A_106 = arith.constant 80 : i32
      %scan3A_107 = arith.addi %scan3A_105, %scan3A_106 : i32
      %scan3A_108 = arith.constant 1 : i32
      scf.for %scan3A_154 = %scan3A_105 to %scan3A_107 step %scan3A_108  : i32 {
        %get3A = arith.index_cast %scan3A_154 : i32 to index
        %get3A_155 = arith.constant 0 : index
        %get3A_156 = tpu.vector_load %arg9[%get3A, %get3A_155] {strides = array<i32>} : memref<80x128xf32, #tpu.memory_space<vmem>>, vector<1x16xf32>,
        %get3A_157 = vector.shape_cast %get3A_156 : vector<1x16xf32> to vector<16xf32>
        %get3A_158 = arith.index_cast %scan3A_154 : i32 to index
        %get3A_159 = arith.constant 0 : index
        %get3A_160 = tpu.vector_load %arg10[%get3A_158, %get3A_159] {strides = array<i32>} : memref<80x128xf32, #tpu.memory_space<vmem>>, vector<1x16xf32>,
        %get3A_161 = vector.shape_cast %get3A_160 : vector<1x16xf32> to vector<16xf32>
        %add3A_162 = arith.addf %get3A_157, %get3A_161 : vector<16xf32>
        %get3A_163 = arith.index_cast %scan3A_154 : i32 to index
        %get3A_164 = arith.constant 0 : index
        %get3A_165 = tpu.vector_load %arg11[%get3A_163, %get3A_164] {strides = array<i32>} : memref<80x128xf32, #tpu.memory_space<vmem>>, vector<1x16xf32>,
        %get3A_166 = vector.shape_cast %get3A_165 : vector<1x16xf32> to vector<16xf32>
        %get3A_167 = arith.index_cast %scan3A_154 : i32 to index
        %get3A_168 = arith.constant 0 : index
        %get3A_169 = tpu.vector_load %arg12[%get3A_167, %get3A_168] {strides = array<i32>} : memref<80x128xf32, #tpu.memory_space<vmem>>, vector<1x16xf32>,
        %get3A_170 = vector.shape_cast %get3A_169 : vector<1x16xf32> to vector<16xf32>
        %add3A_171 = arith.addf %get3A_166, %get3A_170 : vector<16xf32>
        %add3A_172 = arith.addf %add3A_162, %add3A_171 : vector<16xf32>
        %swap3A = arith.index_cast %scan3A_154 : i32 to index
        %swap3A_173 = arith.constant 0 : index
        %swap3A_174 = tpu.vector_load %arg17[%swap3A, %swap3A_173] {strides = array<i32>} : memref<80x100xf32, #tpu.memory_space<vmem>>, vector<1x16xf32>,
        %swap3A_175 = vector.shape_cast %swap3A_174 : vector<1x16xf32> to vector<16xf32>
        %swap3A_176 = vector.shape_cast %add3A_172 : vector<16xf32> to vector<1x16xf32>
        tpu.vector_store %arg17[%swap3A, %swap3A_173], %swap3A_176 {strides = array<i32>} : memref<80x100xf32, #tpu.memory_space<vmem>>, vector<1x16xf32>,
        %get3A_177 = arith.index_cast %scan3A_154 : i32 to index
        %get3A_178 = arith.constant 16 : index
        %get3A_179 = tpu.vector_load %arg9[%get3A_177, %get3A_178] {strides = array<i32>} : memref<80x128xf32, #tpu.memory_space<vmem>>, vector<1x16xf32>,
        %get3A_180 = vector.shape_cast %get3A_179 : vector<1x16xf32> to vector<16xf32>
        %get3A_181 = arith.index_cast %scan3A_154 : i32 to index
        %get3A_182 = arith.constant 16 : index
        %get3A_183 = tpu.vector_load %arg10[%get3A_181, %get3A_182] {strides = array<i32>} : memref<80x128xf32, #tpu.memory_space<vmem>>, vector<1x16xf32>,
        %get3A_184 = vector.shape_cast %get3A_183 : vector<1x16xf32> to vector<16xf32>
        %add3A_185 = arith.addf %get3A_180, %get3A_184 : vector<16xf32>
        %get3A_186 = arith.index_cast %scan3A_154 : i32 to index
        %get3A_187 = arith.constant 16 : index
        %get3A_188 = tpu.vector_load %arg11[%get3A_186, %get3A_187] {strides = array<i32>} : memref<80x128xf32, #tpu.memory_space<vmem>>, vector<1x16xf32>,
        %get3A_189 = vector.shape_cast %get3A_188 : vector<1x16xf32> to vector<16xf32>
        %get3A_190 = arith.index_cast %scan3A_154 : i32 to index
        %get3A_191 = arith.constant 16 : index
        %get3A_192 = tpu.vector_load %arg12[%get3A_190, %get3A_191] {strides = array<i32>} : memref<80x128xf32, #tpu.memory_space<vmem>>, vector<1x16xf32>,
        %get3A_193 = vector.shape_cast %get3A_192 : vector<1x16xf32> to vector<16xf32>
        %add3A_194 = arith.addf %get3A_189, %get3A_193 : vector<16xf32>
        %add3A_195 = arith.addf %add3A_185, %add3A_194 : vector<16xf32>
        %swap3A_196 = arith.index_cast %scan3A_154 : i32 to index
        %swap3A_197 = arith.constant 16 : index
        %swap3A_198 = tpu.vector_load %arg17[%swap3A_196, %swap3A_197] {strides = array<i32>} : memref<80x100xf32, #tpu.memory_space<vmem>>, vector<1x16xf32>,
        %swap3A_199 = vector.shape_cast %swap3A_198 : vector<1x16xf32> to vector<16xf32>
        %swap3A_200 = vector.shape_cast %add3A_195 : vector<16xf32> to vector<1x16xf32>
        tpu.vector_store %arg17[%swap3A_196, %swap3A_197], %swap3A_200 {strides = array<i32>} : memref<80x100xf32, #tpu.memory_space<vmem>>, vector<1x16xf32>,
        %get3A_201 = arith.index_cast %scan3A_154 : i32 to index
        %get3A_202 = arith.constant 32 : index
        %get3A_203 = tpu.vector_load %arg9[%get3A_201, %get3A_202] {strides = array<i32>} : memref<80x128xf32, #tpu.memory_space<vmem>>, vector<1x16xf32>,
        %get3A_204 = vector.shape_cast %get3A_203 : vector<1x16xf32> to vector<16xf32>
        %get3A_205 = arith.index_cast %scan3A_154 : i32 to index
        %get3A_206 = arith.constant 32 : index
        %get3A_207 = tpu.vector_load %arg10[%get3A_205, %get3A_206] {strides = array<i32>} : memref<80x128xf32, #tpu.memory_space<vmem>>, vector<1x16xf32>,
        %get3A_208 = vector.shape_cast %get3A_207 : vector<1x16xf32> to vector<16xf32>
        %add3A_209 = arith.addf %get3A_204, %get3A_208 : vector<16xf32>
        %get3A_210 = arith.index_cast %scan3A_154 : i32 to index
        %get3A_211 = arith.constant 32 : index
        %get3A_212 = tpu.vector_load %arg11[%get3A_210, %get3A_211] {strides = array<i32>} : memref<80x128xf32, #tpu.memory_space<vmem>>, vector<1x16xf32>,
        %get3A_213 = vector.shape_cast %get3A_212 : vector<1x16xf32> to vector<16xf32>
        %get3A_214 = arith.index_cast %scan3A_154 : i32 to index
        %get3A_215 = arith.constant 32 : index
        %get3A_216 = tpu.vector_load %arg12[%get3A_214, %get3A_215] {strides = array<i32>} : memref<80x128xf32, #tpu.memory_space<vmem>>, vector<1x16xf32>,
        %get3A_217 = vector.shape_cast %get3A_216 : vector<1x16xf32> to vector<16xf32>
        %add3A_218 = arith.addf %get3A_213, %get3A_217 : vector<16xf32>
        %add3A_219 = arith.addf %add3A_209, %add3A_218 : vector<16xf32>
        %swap3A_220 = arith.index_cast %scan3A_154 : i32 to index
        %swap3A_221 = arith.constant 32 : index
        %swap3A_222 = tpu.vector_load %arg17[%swap3A_220, %swap3A_221] {strides = array<i32>} : memref<80x100xf32, #tpu.memory_space<vmem>>, vector<1x16xf32>,
        %swap3A_223 = vector.shape_cast %swap3A_222 : vector<1x16xf32> to vector<16xf32>
        %swap3A_224 = vector.shape_cast %add3A_219 : vector<16xf32> to vector<1x16xf32>
        tpu.vector_store %arg17[%swap3A_220, %swap3A_221], %swap3A_224 {strides = array<i32>} : memref<80x100xf32, #tpu.memory_space<vmem>>, vector<1x16xf32>,
        %get3A_225 = arith.index_cast %scan3A_154 : i32 to index
        %get3A_226 = arith.constant 48 : index
        %get3A_227 = tpu.vector_load %arg9[%get3A_225, %get3A_226] {strides = array<i32>} : memref<80x128xf32, #tpu.memory_space<vmem>>, vector<1x16xf32>,
        %get3A_228 = vector.shape_cast %get3A_227 : vector<1x16xf32> to vector<16xf32>
        %get3A_229 = arith.index_cast %scan3A_154 : i32 to index
        %get3A_230 = arith.constant 48 : index
        %get3A_231 = tpu.vector_load %arg10[%get3A_229, %get3A_230] {strides = array<i32>} : memref<80x128xf32, #tpu.memory_space<vmem>>, vector<1x16xf32>,
        %get3A_232 = vector.shape_cast %get3A_231 : vector<1x16xf32> to vector<16xf32>
        %add3A_233 = arith.addf %get3A_228, %get3A_232 : vector<16xf32>
        %get3A_234 = arith.index_cast %scan3A_154 : i32 to index
        %get3A_235 = arith.constant 48 : index
        %get3A_236 = tpu.vector_load %arg11[%get3A_234, %get3A_235] {strides = array<i32>} : memref<80x128xf32, #tpu.memory_space<vmem>>, vector<1x16xf32>,
        %get3A_237 = vector.shape_cast %get3A_236 : vector<1x16xf32> to vector<16xf32>
        %get3A_238 = arith.index_cast %scan3A_154 : i32 to index
        %get3A_239 = arith.constant 48 : index
        %get3A_240 = tpu.vector_load %arg12[%get3A_238, %get3A_239] {strides = array<i32>} : memref<80x128xf32, #tpu.memory_space<vmem>>, vector<1x16xf32>,
        %get3A_241 = vector.shape_cast %get3A_240 : vector<1x16xf32> to vector<16xf32>
        %add3A_242 = arith.addf %get3A_237, %get3A_241 : vector<16xf32>
        %add3A_243 = arith.addf %add3A_233, %add3A_242 : vector<16xf32>
        %swap3A_244 = arith.index_cast %scan3A_154 : i32 to index
        %swap3A_245 = arith.constant 48 : index
        %swap3A_246 = tpu.vector_load %arg17[%swap3A_244, %swap3A_245] {strides = array<i32>} : memref<80x100xf32, #tpu.memory_space<vmem>>, vector<1x16xf32>,
        %swap3A_247 = vector.shape_cast %swap3A_246 : vector<1x16xf32> to vector<16xf32>
        %swap3A_248 = vector.shape_cast %add3A_243 : vector<16xf32> to vector<1x16xf32>
        tpu.vector_store %arg17[%swap3A_244, %swap3A_245], %swap3A_248 {strides = array<i32>} : memref<80x100xf32, #tpu.memory_space<vmem>>, vector<1x16xf32>,
        %get3A_249 = arith.index_cast %scan3A_154 : i32 to index
        %get3A_250 = arith.constant 64 : index
        %get3A_251 = tpu.vector_load %arg9[%get3A_249, %get3A_250] {strides = array<i32>} : memref<80x128xf32, #tpu.memory_space<vmem>>, vector<1x16xf32>,
        %get3A_252 = vector.shape_cast %get3A_251 : vector<1x16xf32> to vector<16xf32>
        %get3A_253 = arith.index_cast %scan3A_154 : i32 to index
        %get3A_254 = arith.constant 64 : index
        %get3A_255 = tpu.vector_load %arg10[%get3A_253, %get3A_254] {strides = array<i32>} : memref<80x128xf32, #tpu.memory_space<vmem>>, vector<1x16xf32>,
        %get3A_256 = vector.shape_cast %get3A_255 : vector<1x16xf32> to vector<16xf32>
        %add3A_257 = arith.addf %get3A_252, %get3A_256 : vector<16xf32>
        %get3A_258 = arith.index_cast %scan3A_154 : i32 to index
        %get3A_259 = arith.constant 64 : index
        %get3A_260 = tpu.vector_load %arg11[%get3A_258, %get3A_259] {strides = array<i32>} : memref<80x128xf32, #tpu.memory_space<vmem>>, vector<1x16xf32>,
        %get3A_261 = vector.shape_cast %get3A_260 : vector<1x16xf32> to vector<16xf32>
        %get3A_262 = arith.index_cast %scan3A_154 : i32 to index
        %get3A_263 = arith.constant 64 : index
        %get3A_264 = tpu.vector_load %arg12[%get3A_262, %get3A_263] {strides = array<i32>} : memref<80x128xf32, #tpu.memory_space<vmem>>, vector<1x16xf32>,
        %get3A_265 = vector.shape_cast %get3A_264 : vector<1x16xf32> to vector<16xf32>
        %add3A_266 = arith.addf %get3A_261, %get3A_265 : vector<16xf32>
        %add3A_267 = arith.addf %add3A_257, %add3A_266 : vector<16xf32>
        %swap3A_268 = arith.index_cast %scan3A_154 : i32 to index
        %swap3A_269 = arith.constant 64 : index
        %swap3A_270 = tpu.vector_load %arg17[%swap3A_268, %swap3A_269] {strides = array<i32>} : memref<80x100xf32, #tpu.memory_space<vmem>>, vector<1x16xf32>,
        %swap3A_271 = vector.shape_cast %swap3A_270 : vector<1x16xf32> to vector<16xf32>
        %swap3A_272 = vector.shape_cast %add3A_267 : vector<16xf32> to vector<1x16xf32>
        tpu.vector_store %arg17[%swap3A_268, %swap3A_269], %swap3A_272 {strides = array<i32>} : memref<80x100xf32, #tpu.memory_space<vmem>>, vector<1x16xf32>,
        %get3A_273 = arith.index_cast %scan3A_154 : i32 to index
        %get3A_274 = arith.constant 80 : index
        %get3A_275 = tpu.vector_load %arg9[%get3A_273, %get3A_274] {strides = array<i32>} : memref<80x128xf32, #tpu.memory_space<vmem>>, vector<1x16xf32>,
        %get3A_276 = vector.shape_cast %get3A_275 : vector<1x16xf32> to vector<16xf32>
        %get3A_277 = arith.index_cast %scan3A_154 : i32 to index
        %get3A_278 = arith.constant 80 : index
        %get3A_279 = tpu.vector_load %arg10[%get3A_277, %get3A_278] {strides = array<i32>} : memref<80x128xf32, #tpu.memory_space<vmem>>, vector<1x16xf32>,
        %get3A_280 = vector.shape_cast %get3A_279 : vector<1x16xf32> to vector<16xf32>
        %add3A_281 = arith.addf %get3A_276, %get3A_280 : vector<16xf32>
        %get3A_282 = arith.index_cast %scan3A_154 : i32 to index
        %get3A_283 = arith.constant 80 : index
        %get3A_284 = tpu.vector_load %arg11[%get3A_282, %get3A_283] {strides = array<i32>} : memref<80x128xf32, #tpu.memory_space<vmem>>, vector<1x16xf32>,
        %get3A_285 = vector.shape_cast %get3A_284 : vector<1x16xf32> to vector<16xf32>
        %get3A_286 = arith.index_cast %scan3A_154 : i32 to index
        %get3A_287 = arith.constant 80 : index
        %get3A_288 = tpu.vector_load %arg12[%get3A_286, %get3A_287] {strides = array<i32>} : memref<80x128xf32, #tpu.memory_space<vmem>>, vector<1x16xf32>,
        %get3A_289 = vector.shape_cast %get3A_288 : vector<1x16xf32> to vector<16xf32>
        %add3A_290 = arith.addf %get3A_285, %get3A_289 : vector<16xf32>
        %add3A_291 = arith.addf %add3A_281, %add3A_290 : vector<16xf32>
        %swap3A_292 = arith.index_cast %scan3A_154 : i32 to index
        %swap3A_293 = arith.constant 80 : index
        %swap3A_294 = tpu.vector_load %arg17[%swap3A_292, %swap3A_293] {strides = array<i32>} : memref<80x100xf32, #tpu.memory_space<vmem>>, vector<1x16xf32>,
        %swap3A_295 = vector.shape_cast %swap3A_294 : vector<1x16xf32> to vector<16xf32>
        %swap3A_296 = vector.shape_cast %add3A_291 : vector<16xf32> to vector<1x16xf32>
        tpu.vector_store %arg17[%swap3A_292, %swap3A_293], %swap3A_296 {strides = array<i32>} : memref<80x100xf32, #tpu.memory_space<vmem>>, vector<1x16xf32>,
        %get3A_297 = arith.index_cast %scan3A_154 : i32 to index
        %get3A_298 = arith.constant 84 : index
        %get3A_299 = tpu.vector_load %arg9[%get3A_297, %get3A_298] {strides = array<i32>} : memref<80x128xf32, #tpu.memory_space<vmem>>, vector<1x16xf32>,
        %get3A_300 = vector.shape_cast %get3A_299 : vector<1x16xf32> to vector<16xf32>
        %get3A_301 = arith.index_cast %scan3A_154 : i32 to index
        %get3A_302 = arith.constant 84 : index
        %get3A_303 = tpu.vector_load %arg10[%get3A_301, %get3A_302] {strides = array<i32>} : memref<80x128xf32, #tpu.memory_space<vmem>>, vector<1x16xf32>,
        %get3A_304 = vector.shape_cast %get3A_303 : vector<1x16xf32> to vector<16xf32>
        %add3A_305 = arith.addf %get3A_300, %get3A_304 : vector<16xf32>
        %get3A_306 = arith.index_cast %scan3A_154 : i32 to index
        %get3A_307 = arith.constant 84 : index
        %get3A_308 = tpu.vector_load %arg11[%get3A_306, %get3A_307] {strides = array<i32>} : memref<80x128xf32, #tpu.memory_space<vmem>>, vector<1x16xf32>,
        %get3A_309 = vector.shape_cast %get3A_308 : vector<1x16xf32> to vector<16xf32>
        %get3A_310 = arith.index_cast %scan3A_154 : i32 to index
        %get3A_311 = arith.constant 84 : index
        %get3A_312 = tpu.vector_load %arg12[%get3A_310, %get3A_311] {strides = array<i32>} : memref<80x128xf32, #tpu.memory_space<vmem>>, vector<1x16xf32>,
        %get3A_313 = vector.shape_cast %get3A_312 : vector<1x16xf32> to vector<16xf32>
        %add3A_314 = arith.addf %get3A_309, %get3A_313 : vector<16xf32>
        %add3A_315 = arith.addf %add3A_305, %add3A_314 : vector<16xf32>
        %swap3A_316 = arith.index_cast %scan3A_154 : i32 to index
        %swap3A_317 = arith.constant 84 : index
        %swap3A_318 = tpu.vector_load %arg17[%swap3A_316, %swap3A_317] {strides = array<i32>} : memref<80x100xf32, #tpu.memory_space<vmem>>, vector<1x16xf32>,
        %swap3A_319 = vector.shape_cast %swap3A_318 : vector<1x16xf32> to vector<16xf32>
        %swap3A_320 = vector.shape_cast %add3A_315 : vector<16xf32> to vector<1x16xf32>
        tpu.vector_store %arg17[%swap3A_316, %swap3A_317], %swap3A_320 {strides = array<i32>} : memref<80x100xf32, #tpu.memory_space<vmem>>, vector<1x16xf32>,
      }
      %scan3A_109 = arith.constant 80 : i32
      %mul3A_110 = arith.constant 80 : i32
      %mul3A_111 = arith.muli %mul3A_23, %mul3A_110 : i32
      %add3A_112 = arith.addi %mul3A_4, %mul3A_111 : i32
      %dma_start3A_113 = arith.constant 0 : i32
      %dma_start3A_114 = tpu.memref_slice %arg7[%add3A_112, %dma_start3A_113] : memref<20480x100xf32, #tpu.memory_space<hbm>> -> memref<80x100xf32, #tpu.memory_space<hbm>>
      %dma_start3A_115 = arith.constant 0 : i32
      %dma_start3A_116 = tpu.memref_slice %arg7[%add3A_112, %dma_start3A_115] : memref<20480x100xf32, #tpu.memory_space<hbm>> -> memref<80x100xf32, #tpu.memory_space<hbm>>
      tpu.enqueue_dma source(%arg17 : memref<80x100xf32, #tpu.memory_space<vmem>>) target(%dma_start3A_116 : memref<80x100xf32, #tpu.memory_space<hbm>>) target_semaphore(%arg21 : memref<!tpu.dma_semaphore, #tpu.memory_space<semaphore_mem>>)
      %dma_wait3A_117 = tpu.memref_slice %arg8[%add3A_60] : memref<2560xi32, #tpu.memory_space<vmem>> -> memref<80xi32, #tpu.memory_space<vmem>>
      %dma_wait3A_118 = arith.constant 0 : i32
      %dma_wait3A_119 = arith.constant 0 : i32
      %dma_wait3A_120 = tpu.memref_slice %arg3[%dma_wait3A_118, %dma_wait3A_119] : memref<100000x128xf32, #tpu.memory_space<hbm>> -> memref<100000x128xf32, #tpu.memory_space<hbm>>
      tpu.wait_indirect_dma semaphore(%arg20 : memref<!tpu.dma_semaphore, #tpu.memory_space<semaphore_mem>>) src(%dma_wait3A_120 : memref<100000x128xf32, #tpu.memory_space<hbm>>) dst(%arg13 : memref<80x128xf32, #tpu.memory_space<vmem>>)
      %dma_wait3A_121 = tpu.memref_slice %arg8[%add3A_68] : memref<2560xi32, #tpu.memory_space<vmem>> -> memref<80xi32, #tpu.memory_space<vmem>>
      %dma_wait3A_122 = arith.constant 0 : i32
      %dma_wait3A_123 = arith.constant 0 : i32
      %dma_wait3A_124 = tpu.memref_slice %arg4[%dma_wait3A_122, %dma_wait3A_123] : memref<100000x128xf32, #tpu.memory_space<hbm>> -> memref<100000x128xf32, #tpu.memory_space<hbm>>
      tpu.wait_indirect_dma semaphore(%arg20 : memref<!tpu.dma_semaphore, #tpu.memory_space<semaphore_mem>>) src(%dma_wait3A_124 : memref<100000x128xf32, #tpu.memory_space<hbm>>) dst(%arg14 : memref<80x128xf32, #tpu.memory_space<vmem>>)
      %dma_wait3A_125 = tpu.memref_slice %arg8[%add3A_76] : memref<2560xi32, #tpu.memory_space<vmem>> -> memref<80xi32, #tpu.memory_space<vmem>>
      %dma_wait3A_126 = arith.constant 0 : i32
      %dma_wait3A_127 = arith.constant 0 : i32
      %dma_wait3A_128 = tpu.memref_slice %arg5[%dma_wait3A_126, %dma_wait3A_127] : memref<100000x128xf32, #tpu.memory_space<hbm>> -> memref<100000x128xf32, #tpu.memory_space<hbm>>
      tpu.wait_indirect_dma semaphore(%arg20 : memref<!tpu.dma_semaphore, #tpu.memory_space<semaphore_mem>>) src(%dma_wait3A_128 : memref<100000x128xf32, #tpu.memory_space<hbm>>) dst(%arg15 : memref<80x128xf32, #tpu.memory_space<vmem>>)
      %dma_wait3A_129 = tpu.memref_slice %arg8[%add3A_84] : memref<2560xi32, #tpu.memory_space<vmem>> -> memref<80xi32, #tpu.memory_space<vmem>>
      %dma_wait3A_130 = arith.constant 0 : i32
      %dma_wait3A_131 = arith.constant 0 : i32
      %dma_wait3A_132 = tpu.memref_slice %arg6[%dma_wait3A_130, %dma_wait3A_131] : memref<100000x128xf32, #tpu.memory_space<hbm>> -> memref<100000x128xf32, #tpu.memory_space<hbm>>
      tpu.wait_indirect_dma semaphore(%arg20 : memref<!tpu.dma_semaphore, #tpu.memory_space<semaphore_mem>>) src(%dma_wait3A_132 : memref<100000x128xf32, #tpu.memory_space<hbm>>) dst(%arg16 : memref<80x128xf32, #tpu.memory_space<vmem>>)
      %scan3A_133 = arith.constant 0 : i32
      %scan3A_134 = arith.constant 0 : i32
      %scan3A_135 = arith.constant 80 : i32
      %scan3A_136 = arith.addi %scan3A_134, %scan3A_135 : i32
      %scan3A_137 = arith.constant 1 : i32
      scf.for %scan3A_154 = %scan3A_134 to %scan3A_136 step %scan3A_137  : i32 {
        %get3A = arith.index_cast %scan3A_154 : i32 to index
        %get3A_155 = arith.constant 0 : index
        %get3A_156 = tpu.vector_load %arg13[%get3A, %get3A_155] {strides = array<i32>} : memref<80x128xf32, #tpu.memory_space<vmem>>, vector<1x16xf32>,
        %get3A_157 = vector.shape_cast %get3A_156 : vector<1x16xf32> to vector<16xf32>
        %get3A_158 = arith.index_cast %scan3A_154 : i32 to index
        %get3A_159 = arith.constant 0 : index
        %get3A_160 = tpu.vector_load %arg14[%get3A_158, %get3A_159] {strides = array<i32>} : memref<80x128xf32, #tpu.memory_space<vmem>>, vector<1x16xf32>,
        %get3A_161 = vector.shape_cast %get3A_160 : vector<1x16xf32> to vector<16xf32>
        %add3A_162 = arith.addf %get3A_157, %get3A_161 : vector<16xf32>
        %get3A_163 = arith.index_cast %scan3A_154 : i32 to index
        %get3A_164 = arith.constant 0 : index
        %get3A_165 = tpu.vector_load %arg15[%get3A_163, %get3A_164] {strides = array<i32>} : memref<80x128xf32, #tpu.memory_space<vmem>>, vector<1x16xf32>,
        %get3A_166 = vector.shape_cast %get3A_165 : vector<1x16xf32> to vector<16xf32>
        %get3A_167 = arith.index_cast %scan3A_154 : i32 to index
        %get3A_168 = arith.constant 0 : index
        %get3A_169 = tpu.vector_load %arg16[%get3A_167, %get3A_168] {strides = array<i32>} : memref<80x128xf32, #tpu.memory_space<vmem>>, vector<1x16xf32>,
        %get3A_170 = vector.shape_cast %get3A_169 : vector<1x16xf32> to vector<16xf32>
        %add3A_171 = arith.addf %get3A_166, %get3A_170 : vector<16xf32>
        %add3A_172 = arith.addf %add3A_162, %add3A_171 : vector<16xf32>
        %swap3A = arith.index_cast %scan3A_154 : i32 to index
        %swap3A_173 = arith.constant 0 : index
        %swap3A_174 = tpu.vector_load %arg18[%swap3A, %swap3A_173] {strides = array<i32>} : memref<80x100xf32, #tpu.memory_space<vmem>>, vector<1x16xf32>,
        %swap3A_175 = vector.shape_cast %swap3A_174 : vector<1x16xf32> to vector<16xf32>
        %swap3A_176 = vector.shape_cast %add3A_172 : vector<16xf32> to vector<1x16xf32>
        tpu.vector_store %arg18[%swap3A, %swap3A_173], %swap3A_176 {strides = array<i32>} : memref<80x100xf32, #tpu.memory_space<vmem>>, vector<1x16xf32>,
        %get3A_177 = arith.index_cast %scan3A_154 : i32 to index
        %get3A_178 = arith.constant 16 : index
        %get3A_179 = tpu.vector_load %arg13[%get3A_177, %get3A_178] {strides = array<i32>} : memref<80x128xf32, #tpu.memory_space<vmem>>, vector<1x16xf32>,
        %get3A_180 = vector.shape_cast %get3A_179 : vector<1x16xf32> to vector<16xf32>
        %get3A_181 = arith.index_cast %scan3A_154 : i32 to index
        %get3A_182 = arith.constant 16 : index
        %get3A_183 = tpu.vector_load %arg14[%get3A_181, %get3A_182] {strides = array<i32>} : memref<80x128xf32, #tpu.memory_space<vmem>>, vector<1x16xf32>,
        %get3A_184 = vector.shape_cast %get3A_183 : vector<1x16xf32> to vector<16xf32>
        %add3A_185 = arith.addf %get3A_180, %get3A_184 : vector<16xf32>
        %get3A_186 = arith.index_cast %scan3A_154 : i32 to index
        %get3A_187 = arith.constant 16 : index
        %get3A_188 = tpu.vector_load %arg15[%get3A_186, %get3A_187] {strides = array<i32>} : memref<80x128xf32, #tpu.memory_space<vmem>>, vector<1x16xf32>,
        %get3A_189 = vector.shape_cast %get3A_188 : vector<1x16xf32> to vector<16xf32>
        %get3A_190 = arith.index_cast %scan3A_154 : i32 to index
        %get3A_191 = arith.constant 16 : index
        %get3A_192 = tpu.vector_load %arg16[%get3A_190, %get3A_191] {strides = array<i32>} : memref<80x128xf32, #tpu.memory_space<vmem>>, vector<1x16xf32>,
        %get3A_193 = vector.shape_cast %get3A_192 : vector<1x16xf32> to vector<16xf32>
        %add3A_194 = arith.addf %get3A_189, %get3A_193 : vector<16xf32>
        %add3A_195 = arith.addf %add3A_185, %add3A_194 : vector<16xf32>
        %swap3A_196 = arith.index_cast %scan3A_154 : i32 to index
        %swap3A_197 = arith.constant 16 : index
        %swap3A_198 = tpu.vector_load %arg18[%swap3A_196, %swap3A_197] {strides = array<i32>} : memref<80x100xf32, #tpu.memory_space<vmem>>, vector<1x16xf32>,
        %swap3A_199 = vector.shape_cast %swap3A_198 : vector<1x16xf32> to vector<16xf32>
        %swap3A_200 = vector.shape_cast %add3A_195 : vector<16xf32> to vector<1x16xf32>
        tpu.vector_store %arg18[%swap3A_196, %swap3A_197], %swap3A_200 {strides = array<i32>} : memref<80x100xf32, #tpu.memory_space<vmem>>, vector<1x16xf32>,
        %get3A_201 = arith.index_cast %scan3A_154 : i32 to index
        %get3A_202 = arith.constant 32 : index
        %get3A_203 = tpu.vector_load %arg13[%get3A_201, %get3A_202] {strides = array<i32>} : memref<80x128xf32, #tpu.memory_space<vmem>>, vector<1x16xf32>,
        %get3A_204 = vector.shape_cast %get3A_203 : vector<1x16xf32> to vector<16xf32>
        %get3A_205 = arith.index_cast %scan3A_154 : i32 to index
        %get3A_206 = arith.constant 32 : index
        %get3A_207 = tpu.vector_load %arg14[%get3A_205, %get3A_206] {strides = array<i32>} : memref<80x128xf32, #tpu.memory_space<vmem>>, vector<1x16xf32>,
        %get3A_208 = vector.shape_cast %get3A_207 : vector<1x16xf32> to vector<16xf32>
        %add3A_209 = arith.addf %get3A_204, %get3A_208 : vector<16xf32>
        %get3A_210 = arith.index_cast %scan3A_154 : i32 to index
        %get3A_211 = arith.constant 32 : index
        %get3A_212 = tpu.vector_load %arg15[%get3A_210, %get3A_211] {strides = array<i32>} : memref<80x128xf32, #tpu.memory_space<vmem>>, vector<1x16xf32>,
        %get3A_213 = vector.shape_cast %get3A_212 : vector<1x16xf32> to vector<16xf32>
        %get3A_214 = arith.index_cast %scan3A_154 : i32 to index
        %get3A_215 = arith.constant 32 : index
        %get3A_216 = tpu.vector_load %arg16[%get3A_214, %get3A_215] {strides = array<i32>} : memref<80x128xf32, #tpu.memory_space<vmem>>, vector<1x16xf32>,
        %get3A_217 = vector.shape_cast %get3A_216 : vector<1x16xf32> to vector<16xf32>
        %add3A_218 = arith.addf %get3A_213, %get3A_217 : vector<16xf32>
        %add3A_219 = arith.addf %add3A_209, %add3A_218 : vector<16xf32>
        %swap3A_220 = arith.index_cast %scan3A_154 : i32 to index
        %swap3A_221 = arith.constant 32 : index
        %swap3A_222 = tpu.vector_load %arg18[%swap3A_220, %swap3A_221] {strides = array<i32>} : memref<80x100xf32, #tpu.memory_space<vmem>>, vector<1x16xf32>,
        %swap3A_223 = vector.shape_cast %swap3A_222 : vector<1x16xf32> to vector<16xf32>
        %swap3A_224 = vector.shape_cast %add3A_219 : vector<16xf32> to vector<1x16xf32>
        tpu.vector_store %arg18[%swap3A_220, %swap3A_221], %swap3A_224 {strides = array<i32>} : memref<80x100xf32, #tpu.memory_space<vmem>>, vector<1x16xf32>,
        %get3A_225 = arith.index_cast %scan3A_154 : i32 to index
        %get3A_226 = arith.constant 48 : index
        %get3A_227 = tpu.vector_load %arg13[%get3A_225, %get3A_226] {strides = array<i32>} : memref<80x128xf32, #tpu.memory_space<vmem>>, vector<1x16xf32>,
        %get3A_228 = vector.shape_cast %get3A_227 : vector<1x16xf32> to vector<16xf32>
        %get3A_229 = arith.index_cast %scan3A_154 : i32 to index
        %get3A_230 = arith.constant 48 : index
        %get3A_231 = tpu.vector_load %arg14[%get3A_229, %get3A_230] {strides = array<i32>} : memref<80x128xf32, #tpu.memory_space<vmem>>, vector<1x16xf32>,
        %get3A_232 = vector.shape_cast %get3A_231 : vector<1x16xf32> to vector<16xf32>
        %add3A_233 = arith.addf %get3A_228, %get3A_232 : vector<16xf32>
        %get3A_234 = arith.index_cast %scan3A_154 : i32 to index
        %get3A_235 = arith.constant 48 : index
        %get3A_236 = tpu.vector_load %arg15[%get3A_234, %get3A_235] {strides = array<i32>} : memref<80x128xf32, #tpu.memory_space<vmem>>, vector<1x16xf32>,
        %get3A_237 = vector.shape_cast %get3A_236 : vector<1x16xf32> to vector<16xf32>
        %get3A_238 = arith.index_cast %scan3A_154 : i32 to index
        %get3A_239 = arith.constant 48 : index
        %get3A_240 = tpu.vector_load %arg16[%get3A_238, %get3A_239] {strides = array<i32>} : memref<80x128xf32, #tpu.memory_space<vmem>>, vector<1x16xf32>,
        %get3A_241 = vector.shape_cast %get3A_240 : vector<1x16xf32> to vector<16xf32>
        %add3A_242 = arith.addf %get3A_237, %get3A_241 : vector<16xf32>
        %add3A_243 = arith.addf %add3A_233, %add3A_242 : vector<16xf32>
        %swap3A_244 = arith.index_cast %scan3A_154 : i32 to index
        %swap3A_245 = arith.constant 48 : index
        %swap3A_246 = tpu.vector_load %arg18[%swap3A_244, %swap3A_245] {strides = array<i32>} : memref<80x100xf32, #tpu.memory_space<vmem>>, vector<1x16xf32>,
        %swap3A_247 = vector.shape_cast %swap3A_246 : vector<1x16xf32> to vector<16xf32>
        %swap3A_248 = vector.shape_cast %add3A_243 : vector<16xf32> to vector<1x16xf32>
        tpu.vector_store %arg18[%swap3A_244, %swap3A_245], %swap3A_248 {strides = array<i32>} : memref<80x100xf32, #tpu.memory_space<vmem>>, vector<1x16xf32>,
        %get3A_249 = arith.index_cast %scan3A_154 : i32 to index
        %get3A_250 = arith.constant 64 : index
        %get3A_251 = tpu.vector_load %arg13[%get3A_249, %get3A_250] {strides = array<i32>} : memref<80x128xf32, #tpu.memory_space<vmem>>, vector<1x16xf32>,
        %get3A_252 = vector.shape_cast %get3A_251 : vector<1x16xf32> to vector<16xf32>
        %get3A_253 = arith.index_cast %scan3A_154 : i32 to index
        %get3A_254 = arith.constant 64 : index
        %get3A_255 = tpu.vector_load %arg14[%get3A_253, %get3A_254] {strides = array<i32>} : memref<80x128xf32, #tpu.memory_space<vmem>>, vector<1x16xf32>,
        %get3A_256 = vector.shape_cast %get3A_255 : vector<1x16xf32> to vector<16xf32>
        %add3A_257 = arith.addf %get3A_252, %get3A_256 : vector<16xf32>
        %get3A_258 = arith.index_cast %scan3A_154 : i32 to index
        %get3A_259 = arith.constant 64 : index
        %get3A_260 = tpu.vector_load %arg15[%get3A_258, %get3A_259] {strides = array<i32>} : memref<80x128xf32, #tpu.memory_space<vmem>>, vector<1x16xf32>,
        %get3A_261 = vector.shape_cast %get3A_260 : vector<1x16xf32> to vector<16xf32>
        %get3A_262 = arith.index_cast %scan3A_154 : i32 to index
        %get3A_263 = arith.constant 64 : index
        %get3A_264 = tpu.vector_load %arg16[%get3A_262, %get3A_263] {strides = array<i32>} : memref<80x128xf32, #tpu.memory_space<vmem>>, vector<1x16xf32>,
        %get3A_265 = vector.shape_cast %get3A_264 : vector<1x16xf32> to vector<16xf32>
        %add3A_266 = arith.addf %get3A_261, %get3A_265 : vector<16xf32>
        %add3A_267 = arith.addf %add3A_257, %add3A_266 : vector<16xf32>
        %swap3A_268 = arith.index_cast %scan3A_154 : i32 to index
        %swap3A_269 = arith.constant 64 : index
        %swap3A_270 = tpu.vector_load %arg18[%swap3A_268, %swap3A_269] {strides = array<i32>} : memref<80x100xf32, #tpu.memory_space<vmem>>, vector<1x16xf32>,
        %swap3A_271 = vector.shape_cast %swap3A_270 : vector<1x16xf32> to vector<16xf32>
        %swap3A_272 = vector.shape_cast %add3A_267 : vector<16xf32> to vector<1x16xf32>
        tpu.vector_store %arg18[%swap3A_268, %swap3A_269], %swap3A_272 {strides = array<i32>} : memref<80x100xf32, #tpu.memory_space<vmem>>, vector<1x16xf32>,
        %get3A_273 = arith.index_cast %scan3A_154 : i32 to index
        %get3A_274 = arith.constant 80 : index
        %get3A_275 = tpu.vector_load %arg13[%get3A_273, %get3A_274] {strides = array<i32>} : memref<80x128xf32, #tpu.memory_space<vmem>>, vector<1x16xf32>,
        %get3A_276 = vector.shape_cast %get3A_275 : vector<1x16xf32> to vector<16xf32>
        %get3A_277 = arith.index_cast %scan3A_154 : i32 to index
        %get3A_278 = arith.constant 80 : index
        %get3A_279 = tpu.vector_load %arg14[%get3A_277, %get3A_278] {strides = array<i32>} : memref<80x128xf32, #tpu.memory_space<vmem>>, vector<1x16xf32>,
        %get3A_280 = vector.shape_cast %get3A_279 : vector<1x16xf32> to vector<16xf32>
        %add3A_281 = arith.addf %get3A_276, %get3A_280 : vector<16xf32>
        %get3A_282 = arith.index_cast %scan3A_154 : i32 to index
        %get3A_283 = arith.constant 80 : index
        %get3A_284 = tpu.vector_load %arg15[%get3A_282, %get3A_283] {strides = array<i32>} : memref<80x128xf32, #tpu.memory_space<vmem>>, vector<1x16xf32>,
        %get3A_285 = vector.shape_cast %get3A_284 : vector<1x16xf32> to vector<16xf32>
        %get3A_286 = arith.index_cast %scan3A_154 : i32 to index
        %get3A_287 = arith.constant 80 : index
        %get3A_288 = tpu.vector_load %arg16[%get3A_286, %get3A_287] {strides = array<i32>} : memref<80x128xf32, #tpu.memory_space<vmem>>, vector<1x16xf32>,
        %get3A_289 = vector.shape_cast %get3A_288 : vector<1x16xf32> to vector<16xf32>
        %add3A_290 = arith.addf %get3A_285, %get3A_289 : vector<16xf32>
        %add3A_291 = arith.addf %add3A_281, %add3A_290 : vector<16xf32>
        %swap3A_292 = arith.index_cast %scan3A_154 : i32 to index
        %swap3A_293 = arith.constant 80 : index
        %swap3A_294 = tpu.vector_load %arg18[%swap3A_292, %swap3A_293] {strides = array<i32>} : memref<80x100xf32, #tpu.memory_space<vmem>>, vector<1x16xf32>,
        %swap3A_295 = vector.shape_cast %swap3A_294 : vector<1x16xf32> to vector<16xf32>
        %swap3A_296 = vector.shape_cast %add3A_291 : vector<16xf32> to vector<1x16xf32>
        tpu.vector_store %arg18[%swap3A_292, %swap3A_293], %swap3A_296 {strides = array<i32>} : memref<80x100xf32, #tpu.memory_space<vmem>>, vector<1x16xf32>,
        %get3A_297 = arith.index_cast %scan3A_154 : i32 to index
        %get3A_298 = arith.constant 84 : index
        %get3A_299 = tpu.vector_load %arg13[%get3A_297, %get3A_298] {strides = array<i32>} : memref<80x128xf32, #tpu.memory_space<vmem>>, vector<1x16xf32>,
        %get3A_300 = vector.shape_cast %get3A_299 : vector<1x16xf32> to vector<16xf32>
        %get3A_301 = arith.index_cast %scan3A_154 : i32 to index
        %get3A_302 = arith.constant 84 : index
        %get3A_303 = tpu.vector_load %arg14[%get3A_301, %get3A_302] {strides = array<i32>} : memref<80x128xf32, #tpu.memory_space<vmem>>, vector<1x16xf32>,
        %get3A_304 = vector.shape_cast %get3A_303 : vector<1x16xf32> to vector<16xf32>
        %add3A_305 = arith.addf %get3A_300, %get3A_304 : vector<16xf32>
        %get3A_306 = arith.index_cast %scan3A_154 : i32 to index
        %get3A_307 = arith.constant 84 : index
        %get3A_308 = tpu.vector_load %arg15[%get3A_306, %get3A_307] {strides = array<i32>} : memref<80x128xf32, #tpu.memory_space<vmem>>, vector<1x16xf32>,
        %get3A_309 = vector.shape_cast %get3A_308 : vector<1x16xf32> to vector<16xf32>
        %get3A_310 = arith.index_cast %scan3A_154 : i32 to index
        %get3A_311 = arith.constant 84 : index
        %get3A_312 = tpu.vector_load %arg16[%get3A_310, %get3A_311] {strides = array<i32>} : memref<80x128xf32, #tpu.memory_space<vmem>>, vector<1x16xf32>,
        %get3A_313 = vector.shape_cast %get3A_312 : vector<1x16xf32> to vector<16xf32>
        %add3A_314 = arith.addf %get3A_309, %get3A_313 : vector<16xf32>
        %add3A_315 = arith.addf %add3A_305, %add3A_314 : vector<16xf32>
        %swap3A_316 = arith.index_cast %scan3A_154 : i32 to index
        %swap3A_317 = arith.constant 84 : index
        %swap3A_318 = tpu.vector_load %arg18[%swap3A_316, %swap3A_317] {strides = array<i32>} : memref<80x100xf32, #tpu.memory_space<vmem>>, vector<1x16xf32>,
        %swap3A_319 = vector.shape_cast %swap3A_318 : vector<1x16xf32> to vector<16xf32>
        %swap3A_320 = vector.shape_cast %add3A_315 : vector<16xf32> to vector<1x16xf32>
        tpu.vector_store %arg18[%swap3A_316, %swap3A_317], %swap3A_320 {strides = array<i32>} : memref<80x100xf32, #tpu.memory_space<vmem>>, vector<1x16xf32>,
      }
      %scan3A_138 = arith.constant 80 : i32
      %mul3A_139 = arith.constant 80 : i32
      %mul3A_140 = arith.muli %add3A_25, %mul3A_139 : i32
      %add3A_141 = arith.addi %mul3A_4, %mul3A_140 : i32
      %dma_start3A_142 = arith.constant 0 : i32
      %dma_start3A_143 = tpu.memref_slice %arg7[%add3A_141, %dma_start3A_142] : memref<20480x100xf32, #tpu.memory_space<hbm>> -> memref<80x100xf32, #tpu.memory_space<hbm>>
      %dma_start3A_144 = arith.constant 0 : i32
      %dma_start3A_145 = tpu.memref_slice %arg7[%add3A_141, %dma_start3A_144] : memref<20480x100xf32, #tpu.memory_space<hbm>> -> memref<80x100xf32, #tpu.memory_space<hbm>>
      tpu.enqueue_dma source(%arg18 : memref<80x100xf32, #tpu.memory_space<vmem>>) target(%dma_start3A_145 : memref<80x100xf32, #tpu.memory_space<hbm>>) target_semaphore(%arg22 : memref<!tpu.dma_semaphore, #tpu.memory_space<semaphore_mem>>)
      %dma_wait3A_146 = arith.constant 0 : i32
      %dma_wait3A_147 = tpu.memref_slice %arg7[%add3A_112, %dma_wait3A_146] : memref<20480x100xf32, #tpu.memory_space<hbm>> -> memref<80x100xf32, #tpu.memory_space<hbm>>
      %dma_wait3A_148 = arith.constant 0 : i32
      %dma_wait3A_149 = tpu.memref_slice %arg7[%add3A_112, %dma_wait3A_148] : memref<20480x100xf32, #tpu.memory_space<hbm>> -> memref<80x100xf32, #tpu.memory_space<hbm>>
      tpu.wait_dma2 semaphore(%arg21 : memref<!tpu.dma_semaphore, #tpu.memory_space<semaphore_mem>>) src(%arg17 : memref<80x100xf32, #tpu.memory_space<vmem>>) dst(%dma_wait3A_149 : memref<80x100xf32, #tpu.memory_space<hbm>>)
      %dma_wait3A_150 = arith.constant 0 : i32
      %dma_wait3A_151 = tpu.memref_slice %arg7[%add3A_141, %dma_wait3A_150] : memref<20480x100xf32, #tpu.memory_space<hbm>> -> memref<80x100xf32, #tpu.memory_space<hbm>>
      %dma_wait3A_152 = arith.constant 0 : i32
      %dma_wait3A_153 = tpu.memref_slice %arg7[%add3A_141, %dma_wait3A_152] : memref<20480x100xf32, #tpu.memory_space<hbm>> -> memref<80x100xf32, #tpu.memory_space<hbm>>
      tpu.wait_dma2 semaphore(%arg22 : memref<!tpu.dma_semaphore, #tpu.memory_space<semaphore_mem>>) src(%arg18 : memref<80x100xf32, #tpu.memory_space<vmem>>) dst(%dma_wait3A_153 : memref<80x100xf32, #tpu.memory_space<hbm>>)
    }
    %scan3A_20 = arith.constant 4 : i32
    return
  }
}

#map = affine_map<(d0, d1) -> (0, 0)>
module attributes {stable_mosaic.version = 14 : i64} {
  func.func @k(%arg0: i32, %arg1: i32, %arg2: memref<4x102400xi32, #tpu.memory_space<hbm>>, %arg3: memref<100000x128xf32, #tpu.memory_space<hbm>>, %arg4: memref<100000x128xf32, #tpu.memory_space<hbm>>, %arg5: memref<100000x128xf32, #tpu.memory_space<hbm>>, %arg6: memref<100000x128xf32, #tpu.memory_space<hbm>>, %arg7: memref<20480x100xf32, #tpu.memory_space<hbm>>, %arg8: memref<2560xi32, #tpu.memory_space<vmem>>, %arg9: memref<80x128xf32, #tpu.memory_space<vmem>>, %arg10: memref<80x128xf32, #tpu.memory_space<vmem>>, %arg11: memref<80x128xf32, #tpu.memory_space<vmem>>, %arg12: memref<80x128xf32, #tpu.memory_space<vmem>>, %arg13: memref<80x128xf32, #tpu.memory_space<vmem>>, %arg14: memref<80x128xf32, #tpu.memory_space<vmem>>, %arg15: memref<80x128xf32, #tpu.memory_space<vmem>>, %arg16: memref<80x128xf32, #tpu.memory_space<vmem>>, %arg17: memref<80x100xf32, #tpu.memory_space<vmem>>, %arg18: memref<80x100xf32, #tpu.memory_space<vmem>>, %arg19: memref<!tpu.dma_semaphore, #tpu.memory_space<semaphore_mem>>, %arg20: memref<!tpu.dma_semaphore, #tpu.memory_space<semaphore_mem>>, %arg21: memref<!tpu.dma_semaphore, #tpu.memory_space<semaphore_mem>>, %arg22: memref<!tpu.dma_semaphore, #tpu.memory_space<semaphore_mem>>) attributes {dimension_semantics = [#tpu.dimension_semantics<core_parallel>, #tpu.dimension_semantics<subcore_parallel>], iteration_bounds = array<i64: 2, 16>, scalar_prefetch = 0 : i64, scratch_operands = 15 : i64, tpu.core_type = #tpu.core_type<sc_vector_subcore>, window_params = [{transform_indices = #map}, {transform_indices = #map}, {transform_indices = #map}, {transform_indices = #map}, {transform_indices = #map}, {transform_indices = #map}]} {
    %mul3A = arith.constant 16 : i32
    %mul3A_0 = arith.muli %arg0, %mul3A : i32
    %add3A = arith.addi %mul3A_0, %arg1 : i32
    %mul3A_1 = arith.constant 80 : i32
    %mul3A_2 = arith.muli %mul3A_1, %add3A : i32
    %mul3A_3 = arith.constant 8 : i32
    %mul3A_4 = arith.muli %mul3A_2, %mul3A_3 : i32
    %add3A_5 = arith.constant 61440 : i32
    %add3A_6 = arith.addi %add3A_5, %mul3A_4 : i32
    %run_scoped3A = arith.constant 0 : i32
    "tpu.region"() ({
      %run_scoped3A_21 = tpu.sem_alloc : memref<!tpu.dma_semaphore, #tpu.memory_space<semaphore_mem>>
      %dma_start3A = arith.constant 0 : i32
      %dma_start3A_22 = tpu.memref_slice %arg8[%dma_start3A] : memref<2560xi32, #tpu.memory_space<vmem>> -> memref<640xi32, #tpu.memory_space<vmem>>
      %dma_start3A_23 = tpu.memref_slice %arg2[%run_scoped3A, %add3A_6] : memref<4x102400xi32, #tpu.memory_space<hbm>> -> memref<1x640xi32, #tpu.memory_space<hbm>>
      %dma_start3A_24 = tpu.memref_squeeze %dma_start3A_23 : memref<1x640xi32, #tpu.memory_space<hbm>> -> memref<640xi32, #tpu.memory_space<hbm>>
      %dma_start3A_25 = arith.constant 0 : i32
      %dma_start3A_26 = tpu.memref_slice %arg8[%dma_start3A_25] : memref<2560xi32, #tpu.memory_space<vmem>> -> memref<640xi32, #tpu.memory_space<vmem>>
      %dma_start3A_27 = tpu.memref_slice %arg2[%run_scoped3A, %add3A_6] : memref<4x102400xi32, #tpu.memory_space<hbm>> -> memref<1x640xi32, #tpu.memory_space<hbm>>
      %dma_start3A_28 = tpu.memref_squeeze %dma_start3A_27 : memref<1x640xi32, #tpu.memory_space<hbm>> -> memref<640xi32, #tpu.memory_space<hbm>>
      tpu.enqueue_dma source(%dma_start3A_28 : memref<640xi32, #tpu.memory_space<hbm>>) target(%dma_start3A_26 : memref<640xi32, #tpu.memory_space<vmem>>) target_semaphore(%run_scoped3A_21 : memref<!tpu.dma_semaphore, #tpu.memory_space<semaphore_mem>>)
      %dma_wait3A = arith.constant 0 : i32
      %dma_wait3A_29 = tpu.memref_slice %arg8[%dma_wait3A] : memref<2560xi32, #tpu.memory_space<vmem>> -> memref<640xi32, #tpu.memory_space<vmem>>
      %dma_wait3A_30 = tpu.memref_slice %arg2[%run_scoped3A, %add3A_6] : memref<4x102400xi32, #tpu.memory_space<hbm>> -> memref<1x640xi32, #tpu.memory_space<hbm>>
      %dma_wait3A_31 = tpu.memref_squeeze %dma_wait3A_30 : memref<1x640xi32, #tpu.memory_space<hbm>> -> memref<640xi32, #tpu.memory_space<hbm>>
      %dma_wait3A_32 = arith.constant 0 : i32
      %dma_wait3A_33 = tpu.memref_slice %arg8[%dma_wait3A_32] : memref<2560xi32, #tpu.memory_space<vmem>> -> memref<640xi32, #tpu.memory_space<vmem>>
      %dma_wait3A_34 = tpu.memref_slice %arg2[%run_scoped3A, %add3A_6] : memref<4x102400xi32, #tpu.memory_space<hbm>> -> memref<1x640xi32, #tpu.memory_space<hbm>>
      %dma_wait3A_35 = tpu.memref_squeeze %dma_wait3A_34 : memref<1x640xi32, #tpu.memory_space<hbm>> -> memref<640xi32, #tpu.memory_space<hbm>>
      tpu.wait_dma2 semaphore(%run_scoped3A_21 : memref<!tpu.dma_semaphore, #tpu.memory_space<semaphore_mem>>) src(%dma_wait3A_35 : memref<640xi32, #tpu.memory_space<hbm>>) dst(%dma_wait3A_33 : memref<640xi32, #tpu.memory_space<vmem>>)
      tpu.yield
    }) : () -> ()
    %add3A_7 = arith.constant 61440 : i32
    %add3A_8 = arith.addi %add3A_7, %mul3A_4 : i32
    %run_scoped3A_9 = arith.constant 1 : i32
    "tpu.region"() ({
      %run_scoped3A_21 = tpu.sem_alloc : memref<!tpu.dma_semaphore, #tpu.memory_space<semaphore_mem>>
      %dma_start3A = arith.constant 640 : i32
      %dma_start3A_22 = tpu.memref_slice %arg8[%dma_start3A] : memref<2560xi32, #tpu.memory_space<vmem>> -> memref<640xi32, #tpu.memory_space<vmem>>
      %dma_start3A_23 = tpu.memref_slice %arg2[%run_scoped3A_9, %add3A_8] : memref<4x102400xi32, #tpu.memory_space<hbm>> -> memref<1x640xi32, #tpu.memory_space<hbm>>
      %dma_start3A_24 = tpu.memref_squeeze %dma_start3A_23 : memref<1x640xi32, #tpu.memory_space<hbm>> -> memref<640xi32, #tpu.memory_space<hbm>>
      %dma_start3A_25 = arith.constant 640 : i32
      %dma_start3A_26 = tpu.memref_slice %arg8[%dma_start3A_25] : memref<2560xi32, #tpu.memory_space<vmem>> -> memref<640xi32, #tpu.memory_space<vmem>>
      %dma_start3A_27 = tpu.memref_slice %arg2[%run_scoped3A_9, %add3A_8] : memref<4x102400xi32, #tpu.memory_space<hbm>> -> memref<1x640xi32, #tpu.memory_space<hbm>>
      %dma_start3A_28 = tpu.memref_squeeze %dma_start3A_27 : memref<1x640xi32, #tpu.memory_space<hbm>> -> memref<640xi32, #tpu.memory_space<hbm>>
      tpu.enqueue_dma source(%dma_start3A_28 : memref<640xi32, #tpu.memory_space<hbm>>) target(%dma_start3A_26 : memref<640xi32, #tpu.memory_space<vmem>>) target_semaphore(%run_scoped3A_21 : memref<!tpu.dma_semaphore, #tpu.memory_space<semaphore_mem>>)
      %dma_wait3A = arith.constant 640 : i32
      %dma_wait3A_29 = tpu.memref_slice %arg8[%dma_wait3A] : memref<2560xi32, #tpu.memory_space<vmem>> -> memref<640xi32, #tpu.memory_space<vmem>>
      %dma_wait3A_30 = tpu.memref_slice %arg2[%run_scoped3A_9, %add3A_8] : memref<4x102400xi32, #tpu.memory_space<hbm>> -> memref<1x640xi32, #tpu.memory_space<hbm>>
      %dma_wait3A_31 = tpu.memref_squeeze %dma_wait3A_30 : memref<1x640xi32, #tpu.memory_space<hbm>> -> memref<640xi32, #tpu.memory_space<hbm>>
      %dma_wait3A_32 = arith.constant 640 : i32
      %dma_wait3A_33 = tpu.memref_slice %arg8[%dma_wait3A_32] : memref<2560xi32, #tpu.memory_space<vmem>> -> memref<640xi32, #tpu.memory_space<vmem>>
      %dma_wait3A_34 = tpu.memref_slice %arg2[%run_scoped3A_9, %add3A_8] : memref<4x102400xi32, #tpu.memory_space<hbm>> -> memref<1x640xi32, #tpu.memory_space<hbm>>
      %dma_wait3A_35 = tpu.memref_squeeze %dma_wait3A_34 : memref<1x640xi32, #tpu.memory_space<hbm>> -> memref<640xi32, #tpu.memory_space<hbm>>
      tpu.wait_dma2 semaphore(%run_scoped3A_21 : memref<!tpu.dma_semaphore, #tpu.memory_space<semaphore_mem>>) src(%dma_wait3A_35 : memref<640xi32, #tpu.memory_space<hbm>>) dst(%dma_wait3A_33 : memref<640xi32, #tpu.memory_space<vmem>>)
      tpu.yield
    }) : () -> ()
    %add3A_10 = arith.constant 61440 : i32
    %add3A_11 = arith.addi %add3A_10, %mul3A_4 : i32
    %run_scoped3A_12 = arith.constant 2 : i32
    "tpu.region"() ({
      %run_scoped3A_21 = tpu.sem_alloc : memref<!tpu.dma_semaphore, #tpu.memory_space<semaphore_mem>>
      %dma_start3A = arith.constant 1280 : i32
      %dma_start3A_22 = tpu.memref_slice %arg8[%dma_start3A] : memref<2560xi32, #tpu.memory_space<vmem>> -> memref<640xi32, #tpu.memory_space<vmem>>
      %dma_start3A_23 = tpu.memref_slice %arg2[%run_scoped3A_12, %add3A_11] : memref<4x102400xi32, #tpu.memory_space<hbm>> -> memref<1x640xi32, #tpu.memory_space<hbm>>
      %dma_start3A_24 = tpu.memref_squeeze %dma_start3A_23 : memref<1x640xi32, #tpu.memory_space<hbm>> -> memref<640xi32, #tpu.memory_space<hbm>>
      %dma_start3A_25 = arith.constant 1280 : i32
      %dma_start3A_26 = tpu.memref_slice %arg8[%dma_start3A_25] : memref<2560xi32, #tpu.memory_space<vmem>> -> memref<640xi32, #tpu.memory_space<vmem>>
      %dma_start3A_27 = tpu.memref_slice %arg2[%run_scoped3A_12, %add3A_11] : memref<4x102400xi32, #tpu.memory_space<hbm>> -> memref<1x640xi32, #tpu.memory_space<hbm>>
      %dma_start3A_28 = tpu.memref_squeeze %dma_start3A_27 : memref<1x640xi32, #tpu.memory_space<hbm>> -> memref<640xi32, #tpu.memory_space<hbm>>
      tpu.enqueue_dma source(%dma_start3A_28 : memref<640xi32, #tpu.memory_space<hbm>>) target(%dma_start3A_26 : memref<640xi32, #tpu.memory_space<vmem>>) target_semaphore(%run_scoped3A_21 : memref<!tpu.dma_semaphore, #tpu.memory_space<semaphore_mem>>)
      %dma_wait3A = arith.constant 1280 : i32
      %dma_wait3A_29 = tpu.memref_slice %arg8[%dma_wait3A] : memref<2560xi32, #tpu.memory_space<vmem>> -> memref<640xi32, #tpu.memory_space<vmem>>
      %dma_wait3A_30 = tpu.memref_slice %arg2[%run_scoped3A_12, %add3A_11] : memref<4x102400xi32, #tpu.memory_space<hbm>> -> memref<1x640xi32, #tpu.memory_space<hbm>>
      %dma_wait3A_31 = tpu.memref_squeeze %dma_wait3A_30 : memref<1x640xi32, #tpu.memory_space<hbm>> -> memref<640xi32, #tpu.memory_space<hbm>>
      %dma_wait3A_32 = arith.constant 1280 : i32
      %dma_wait3A_33 = tpu.memref_slice %arg8[%dma_wait3A_32] : memref<2560xi32, #tpu.memory_space<vmem>> -> memref<640xi32, #tpu.memory_space<vmem>>
      %dma_wait3A_34 = tpu.memref_slice %arg2[%run_scoped3A_12, %add3A_11] : memref<4x102400xi32, #tpu.memory_space<hbm>> -> memref<1x640xi32, #tpu.memory_space<hbm>>
      %dma_wait3A_35 = tpu.memref_squeeze %dma_wait3A_34 : memref<1x640xi32, #tpu.memory_space<hbm>> -> memref<640xi32, #tpu.memory_space<hbm>>
      tpu.wait_dma2 semaphore(%run_scoped3A_21 : memref<!tpu.dma_semaphore, #tpu.memory_space<semaphore_mem>>) src(%dma_wait3A_35 : memref<640xi32, #tpu.memory_space<hbm>>) dst(%dma_wait3A_33 : memref<640xi32, #tpu.memory_space<vmem>>)
      tpu.yield
    }) : () -> ()
    %add3A_13 = arith.constant 61440 : i32
    %add3A_14 = arith.addi %add3A_13, %mul3A_4 : i32
    %run_scoped3A_15 = arith.constant 3 : i32
    "tpu.region"() ({
      %run_scoped3A_21 = tpu.sem_alloc : memref<!tpu.dma_semaphore, #tpu.memory_space<semaphore_mem>>
      %dma_start3A = arith.constant 1920 : i32
      %dma_start3A_22 = tpu.memref_slice %arg8[%dma_start3A] : memref<2560xi32, #tpu.memory_space<vmem>> -> memref<640xi32, #tpu.memory_space<vmem>>
      %dma_start3A_23 = tpu.memref_slice %arg2[%run_scoped3A_15, %add3A_14] : memref<4x102400xi32, #tpu.memory_space<hbm>> -> memref<1x640xi32, #tpu.memory_space<hbm>>
      %dma_start3A_24 = tpu.memref_squeeze %dma_start3A_23 : memref<1x640xi32, #tpu.memory_space<hbm>> -> memref<640xi32, #tpu.memory_space<hbm>>
      %dma_start3A_25 = arith.constant 1920 : i32
      %dma_start3A_26 = tpu.memref_slice %arg8[%dma_start3A_25] : memref<2560xi32, #tpu.memory_space<vmem>> -> memref<640xi32, #tpu.memory_space<vmem>>
      %dma_start3A_27 = tpu.memref_slice %arg2[%run_scoped3A_15, %add3A_14] : memref<4x102400xi32, #tpu.memory_space<hbm>> -> memref<1x640xi32, #tpu.memory_space<hbm>>
      %dma_start3A_28 = tpu.memref_squeeze %dma_start3A_27 : memref<1x640xi32, #tpu.memory_space<hbm>> -> memref<640xi32, #tpu.memory_space<hbm>>
      tpu.enqueue_dma source(%dma_start3A_28 : memref<640xi32, #tpu.memory_space<hbm>>) target(%dma_start3A_26 : memref<640xi32, #tpu.memory_space<vmem>>) target_semaphore(%run_scoped3A_21 : memref<!tpu.dma_semaphore, #tpu.memory_space<semaphore_mem>>)
      %dma_wait3A = arith.constant 1920 : i32
      %dma_wait3A_29 = tpu.memref_slice %arg8[%dma_wait3A] : memref<2560xi32, #tpu.memory_space<vmem>> -> memref<640xi32, #tpu.memory_space<vmem>>
      %dma_wait3A_30 = tpu.memref_slice %arg2[%run_scoped3A_15, %add3A_14] : memref<4x102400xi32, #tpu.memory_space<hbm>> -> memref<1x640xi32, #tpu.memory_space<hbm>>
      %dma_wait3A_31 = tpu.memref_squeeze %dma_wait3A_30 : memref<1x640xi32, #tpu.memory_space<hbm>> -> memref<640xi32, #tpu.memory_space<hbm>>
      %dma_wait3A_32 = arith.constant 1920 : i32
      %dma_wait3A_33 = tpu.memref_slice %arg8[%dma_wait3A_32] : memref<2560xi32, #tpu.memory_space<vmem>> -> memref<640xi32, #tpu.memory_space<vmem>>
      %dma_wait3A_34 = tpu.memref_slice %arg2[%run_scoped3A_15, %add3A_14] : memref<4x102400xi32, #tpu.memory_space<hbm>> -> memref<1x640xi32, #tpu.memory_space<hbm>>
      %dma_wait3A_35 = tpu.memref_squeeze %dma_wait3A_34 : memref<1x640xi32, #tpu.memory_space<hbm>> -> memref<640xi32, #tpu.memory_space<hbm>>
      tpu.wait_dma2 semaphore(%run_scoped3A_21 : memref<!tpu.dma_semaphore, #tpu.memory_space<semaphore_mem>>) src(%dma_wait3A_35 : memref<640xi32, #tpu.memory_space<hbm>>) dst(%dma_wait3A_33 : memref<640xi32, #tpu.memory_space<vmem>>)
      tpu.yield
    }) : () -> ()
    %scan3A = arith.constant 0 : i32
    %scan3A_16 = arith.constant 0 : i32
    %scan3A_17 = arith.constant 4 : i32
    %scan3A_18 = arith.addi %scan3A_16, %scan3A_17 : i32
    %scan3A_19 = arith.constant 1 : i32
    scf.for %scan3A_21 = %scan3A_16 to %scan3A_18 step %scan3A_19  : i32 {
      %mul3A_22 = arith.constant 2 : i32
      %mul3A_23 = arith.muli %mul3A_22, %scan3A_21 : i32
      %add3A_24 = arith.constant 1 : i32
      %add3A_25 = arith.addi %mul3A_23, %add3A_24 : i32
      %mul3A_26 = arith.constant 80 : i32
      %mul3A_27 = arith.muli %mul3A_23, %mul3A_26 : i32
      %add3A_28 = arith.constant 0 : i32
      %add3A_29 = arith.addi %add3A_28, %mul3A_27 : i32
      %dma_start3A = tpu.memref_slice %arg8[%add3A_29] : memref<2560xi32, #tpu.memory_space<vmem>> -> memref<80xi32, #tpu.memory_space<vmem>>
      %dma_start3A_30 = arith.constant 0 : i32
      %dma_start3A_31 = arith.constant 0 : i32
      %dma_start3A_32 = tpu.memref_slice %arg3[%dma_start3A_30, %dma_start3A_31] : memref<100000x128xf32, #tpu.memory_space<hbm>> -> memref<100000x128xf32, #tpu.memory_space<hbm>>
      tpu.enqueue_indirect_dma source(%dma_start3A_32 : memref<100000x128xf32, #tpu.memory_space<hbm>>) target(%arg9 : memref<80x128xf32, #tpu.memory_space<vmem>>) offsets(%dma_start3A : memref<80xi32, #tpu.memory_space<vmem>>) semaphore(%arg19 : memref<!tpu.dma_semaphore, #tpu.memory_space<semaphore_mem>>)
      %mul3A_33 = arith.constant 80 : i32
      %mul3A_34 = arith.muli %mul3A_23, %mul3A_33 : i32
      %add3A_35 = arith.constant 640 : i32
      %add3A_36 = arith.addi %add3A_35, %mul3A_34 : i32
      %dma_start3A_37 = tpu.memref_slice %arg8[%add3A_36] : memref<2560xi32, #tpu.memory_space<vmem>> -> memref<80xi32, #tpu.memory_space<vmem>>
      %dma_start3A_38 = arith.constant 0 : i32
      %dma_start3A_39 = arith.constant 0 : i32
      %dma_start3A_40 = tpu.memref_slice %arg4[%dma_start3A_38, %dma_start3A_39] : memref<100000x128xf32, #tpu.memory_space<hbm>> -> memref<100000x128xf32, #tpu.memory_space<hbm>>
      tpu.enqueue_indirect_dma source(%dma_start3A_40 : memref<100000x128xf32, #tpu.memory_space<hbm>>) target(%arg10 : memref<80x128xf32, #tpu.memory_space<vmem>>) offsets(%dma_start3A_37 : memref<80xi32, #tpu.memory_space<vmem>>) semaphore(%arg19 : memref<!tpu.dma_semaphore, #tpu.memory_space<semaphore_mem>>)
      %mul3A_41 = arith.constant 80 : i32
      %mul3A_42 = arith.muli %mul3A_23, %mul3A_41 : i32
      %add3A_43 = arith.constant 1280 : i32
      %add3A_44 = arith.addi %add3A_43, %mul3A_42 : i32
      %dma_start3A_45 = tpu.memref_slice %arg8[%add3A_44] : memref<2560xi32, #tpu.memory_space<vmem>> -> memref<80xi32, #tpu.memory_space<vmem>>
      %dma_start3A_46 = arith.constant 0 : i32
      %dma_start3A_47 = arith.constant 0 : i32
      %dma_start3A_48 = tpu.memref_slice %arg5[%dma_start3A_46, %dma_start3A_47] : memref<100000x128xf32, #tpu.memory_space<hbm>> -> memref<100000x128xf32, #tpu.memory_space<hbm>>
      tpu.enqueue_indirect_dma source(%dma_start3A_48 : memref<100000x128xf32, #tpu.memory_space<hbm>>) target(%arg11 : memref<80x128xf32, #tpu.memory_space<vmem>>) offsets(%dma_start3A_45 : memref<80xi32, #tpu.memory_space<vmem>>) semaphore(%arg19 : memref<!tpu.dma_semaphore, #tpu.memory_space<semaphore_mem>>)
      %mul3A_49 = arith.constant 80 : i32
      %mul3A_50 = arith.muli %mul3A_23, %mul3A_49 : i32
      %add3A_51 = arith.constant 1920 : i32
      %add3A_52 = arith.addi %add3A_51, %mul3A_50 : i32
      %dma_start3A_53 = tpu.memref_slice %arg8[%add3A_52] : memref<2560xi32, #tpu.memory_space<vmem>> -> memref<80xi32, #tpu.memory_space<vmem>>
      %dma_start3A_54 = arith.constant 0 : i32
      %dma_start3A_55 = arith.constant 0 : i32
      %dma_start3A_56 = tpu.memref_slice %arg6[%dma_start3A_54, %dma_start3A_55] : memref<100000x128xf32, #tpu.memory_space<hbm>> -> memref<100000x128xf32, #tpu.memory_space<hbm>>
      tpu.enqueue_indirect_dma source(%dma_start3A_56 : memref<100000x128xf32, #tpu.memory_space<hbm>>) target(%arg12 : memref<80x128xf32, #tpu.memory_space<vmem>>) offsets(%dma_start3A_53 : memref<80xi32, #tpu.memory_space<vmem>>) semaphore(%arg19 : memref<!tpu.dma_semaphore, #tpu.memory_space<semaphore_mem>>)
      %mul3A_57 = arith.constant 80 : i32
      %mul3A_58 = arith.muli %add3A_25, %mul3A_57 : i32
      %add3A_59 = arith.constant 0 : i32
      %add3A_60 = arith.addi %add3A_59, %mul3A_58 : i32
      %dma_start3A_61 = tpu.memref_slice %arg8[%add3A_60] : memref<2560xi32, #tpu.memory_space<vmem>> -> memref<80xi32, #tpu.memory_space<vmem>>
      %dma_start3A_62 = arith.constant 0 : i32
      %dma_start3A_63 = arith.constant 0 : i32
      %dma_start3A_64 = tpu.memref_slice %arg3[%dma_start3A_62, %dma_start3A_63] : memref<100000x128xf32, #tpu.memory_space<hbm>> -> memref<100000x128xf32, #tpu.memory_space<hbm>>
      tpu.enqueue_indirect_dma source(%dma_start3A_64 : memref<100000x128xf32, #tpu.memory_space<hbm>>) target(%arg13 : memref<80x128xf32, #tpu.memory_space<vmem>>) offsets(%dma_start3A_61 : memref<80xi32, #tpu.memory_space<vmem>>) semaphore(%arg20 : memref<!tpu.dma_semaphore, #tpu.memory_space<semaphore_mem>>)
      %mul3A_65 = arith.constant 80 : i32
      %mul3A_66 = arith.muli %add3A_25, %mul3A_65 : i32
      %add3A_67 = arith.constant 640 : i32
      %add3A_68 = arith.addi %add3A_67, %mul3A_66 : i32
      %dma_start3A_69 = tpu.memref_slice %arg8[%add3A_68] : memref<2560xi32, #tpu.memory_space<vmem>> -> memref<80xi32, #tpu.memory_space<vmem>>
      %dma_start3A_70 = arith.constant 0 : i32
      %dma_start3A_71 = arith.constant 0 : i32
      %dma_start3A_72 = tpu.memref_slice %arg4[%dma_start3A_70, %dma_start3A_71] : memref<100000x128xf32, #tpu.memory_space<hbm>> -> memref<100000x128xf32, #tpu.memory_space<hbm>>
      tpu.enqueue_indirect_dma source(%dma_start3A_72 : memref<100000x128xf32, #tpu.memory_space<hbm>>) target(%arg14 : memref<80x128xf32, #tpu.memory_space<vmem>>) offsets(%dma_start3A_69 : memref<80xi32, #tpu.memory_space<vmem>>) semaphore(%arg20 : memref<!tpu.dma_semaphore, #tpu.memory_space<semaphore_mem>>)
      %mul3A_73 = arith.constant 80 : i32
      %mul3A_74 = arith.muli %add3A_25, %mul3A_73 : i32
      %add3A_75 = arith.constant 1280 : i32
      %add3A_76 = arith.addi %add3A_75, %mul3A_74 : i32
      %dma_start3A_77 = tpu.memref_slice %arg8[%add3A_76] : memref<2560xi32, #tpu.memory_space<vmem>> -> memref<80xi32, #tpu.memory_space<vmem>>
      %dma_start3A_78 = arith.constant 0 : i32
      %dma_start3A_79 = arith.constant 0 : i32
      %dma_start3A_80 = tpu.memref_slice %arg5[%dma_start3A_78, %dma_start3A_79] : memref<100000x128xf32, #tpu.memory_space<hbm>> -> memref<100000x128xf32, #tpu.memory_space<hbm>>
      tpu.enqueue_indirect_dma source(%dma_start3A_80 : memref<100000x128xf32, #tpu.memory_space<hbm>>) target(%arg15 : memref<80x128xf32, #tpu.memory_space<vmem>>) offsets(%dma_start3A_77 : memref<80xi32, #tpu.memory_space<vmem>>) semaphore(%arg20 : memref<!tpu.dma_semaphore, #tpu.memory_space<semaphore_mem>>)
      %mul3A_81 = arith.constant 80 : i32
      %mul3A_82 = arith.muli %add3A_25, %mul3A_81 : i32
      %add3A_83 = arith.constant 1920 : i32
      %add3A_84 = arith.addi %add3A_83, %mul3A_82 : i32
      %dma_start3A_85 = tpu.memref_slice %arg8[%add3A_84] : memref<2560xi32, #tpu.memory_space<vmem>> -> memref<80xi32, #tpu.memory_space<vmem>>
      %dma_start3A_86 = arith.constant 0 : i32
      %dma_start3A_87 = arith.constant 0 : i32
      %dma_start3A_88 = tpu.memref_slice %arg6[%dma_start3A_86, %dma_start3A_87] : memref<100000x128xf32, #tpu.memory_space<hbm>> -> memref<100000x128xf32, #tpu.memory_space<hbm>>
      tpu.enqueue_indirect_dma source(%dma_start3A_88 : memref<100000x128xf32, #tpu.memory_space<hbm>>) target(%arg16 : memref<80x128xf32, #tpu.memory_space<vmem>>) offsets(%dma_start3A_85 : memref<80xi32, #tpu.memory_space<vmem>>) semaphore(%arg20 : memref<!tpu.dma_semaphore, #tpu.memory_space<semaphore_mem>>)
      %dma_wait3A = tpu.memref_slice %arg8[%add3A_29] : memref<2560xi32, #tpu.memory_space<vmem>> -> memref<80xi32, #tpu.memory_space<vmem>>
      %dma_wait3A_89 = arith.constant 0 : i32
      %dma_wait3A_90 = arith.constant 0 : i32
      %dma_wait3A_91 = tpu.memref_slice %arg3[%dma_wait3A_89, %dma_wait3A_90] : memref<100000x128xf32, #tpu.memory_space<hbm>> -> memref<100000x128xf32, #tpu.memory_space<hbm>>
      tpu.wait_indirect_dma semaphore(%arg19 : memref<!tpu.dma_semaphore, #tpu.memory_space<semaphore_mem>>) src(%dma_wait3A_91 : memref<100000x128xf32, #tpu.memory_space<hbm>>) dst(%arg9 : memref<80x128xf32, #tpu.memory_space<vmem>>)
      %dma_wait3A_92 = tpu.memref_slice %arg8[%add3A_36] : memref<2560xi32, #tpu.memory_space<vmem>> -> memref<80xi32, #tpu.memory_space<vmem>>
      %dma_wait3A_93 = arith.constant 0 : i32
      %dma_wait3A_94 = arith.constant 0 : i32
      %dma_wait3A_95 = tpu.memref_slice %arg4[%dma_wait3A_93, %dma_wait3A_94] : memref<100000x128xf32, #tpu.memory_space<hbm>> -> memref<100000x128xf32, #tpu.memory_space<hbm>>
      tpu.wait_indirect_dma semaphore(%arg19 : memref<!tpu.dma_semaphore, #tpu.memory_space<semaphore_mem>>) src(%dma_wait3A_95 : memref<100000x128xf32, #tpu.memory_space<hbm>>) dst(%arg10 : memref<80x128xf32, #tpu.memory_space<vmem>>)
      %dma_wait3A_96 = tpu.memref_slice %arg8[%add3A_44] : memref<2560xi32, #tpu.memory_space<vmem>> -> memref<80xi32, #tpu.memory_space<vmem>>
      %dma_wait3A_97 = arith.constant 0 : i32
      %dma_wait3A_98 = arith.constant 0 : i32
      %dma_wait3A_99 = tpu.memref_slice %arg5[%dma_wait3A_97, %dma_wait3A_98] : memref<100000x128xf32, #tpu.memory_space<hbm>> -> memref<100000x128xf32, #tpu.memory_space<hbm>>
      tpu.wait_indirect_dma semaphore(%arg19 : memref<!tpu.dma_semaphore, #tpu.memory_space<semaphore_mem>>) src(%dma_wait3A_99 : memref<100000x128xf32, #tpu.memory_space<hbm>>) dst(%arg11 : memref<80x128xf32, #tpu.memory_space<vmem>>)
      %dma_wait3A_100 = tpu.memref_slice %arg8[%add3A_52] : memref<2560xi32, #tpu.memory_space<vmem>> -> memref<80xi32, #tpu.memory_space<vmem>>
      %dma_wait3A_101 = arith.constant 0 : i32
      %dma_wait3A_102 = arith.constant 0 : i32
      %dma_wait3A_103 = tpu.memref_slice %arg6[%dma_wait3A_101, %dma_wait3A_102] : memref<100000x128xf32, #tpu.memory_space<hbm>> -> memref<100000x128xf32, #tpu.memory_space<hbm>>
      tpu.wait_indirect_dma semaphore(%arg19 : memref<!tpu.dma_semaphore, #tpu.memory_space<semaphore_mem>>) src(%dma_wait3A_103 : memref<100000x128xf32, #tpu.memory_space<hbm>>) dst(%arg12 : memref<80x128xf32, #tpu.memory_space<vmem>>)
      %scan3A_104 = arith.constant 0 : i32
      %scan3A_105 = arith.constant 0 : i32
      %scan3A_106 = arith.constant 80 : i32
      %scan3A_107 = arith.addi %scan3A_105, %scan3A_106 : i32
      %scan3A_108 = arith.constant 1 : i32
      scf.for %scan3A_154 = %scan3A_105 to %scan3A_107 step %scan3A_108  : i32 {
        %get3A = arith.index_cast %scan3A_154 : i32 to index
        %get3A_155 = arith.constant 0 : index
        %get3A_156 = tpu.vector_load %arg9[%get3A, %get3A_155] {strides = array<i32>} : memref<80x128xf32, #tpu.memory_space<vmem>>, vector<1x16xf32>,
        %get3A_157 = vector.shape_cast %get3A_156 : vector<1x16xf32> to vector<16xf32>
        %get3A_158 = arith.index_cast %scan3A_154 : i32 to index
        %get3A_159 = arith.constant 0 : index
        %get3A_160 = tpu.vector_load %arg10[%get3A_158, %get3A_159] {strides = array<i32>} : memref<80x128xf32, #tpu.memory_space<vmem>>, vector<1x16xf32>,
        %get3A_161 = vector.shape_cast %get3A_160 : vector<1x16xf32> to vector<16xf32>
        %add3A_162 = arith.addf %get3A_157, %get3A_161 : vector<16xf32>
        %get3A_163 = arith.index_cast %scan3A_154 : i32 to index
        %get3A_164 = arith.constant 0 : index
        %get3A_165 = tpu.vector_load %arg11[%get3A_163, %get3A_164] {strides = array<i32>} : memref<80x128xf32, #tpu.memory_space<vmem>>, vector<1x16xf32>,
        %get3A_166 = vector.shape_cast %get3A_165 : vector<1x16xf32> to vector<16xf32>
        %get3A_167 = arith.index_cast %scan3A_154 : i32 to index
        %get3A_168 = arith.constant 0 : index
        %get3A_169 = tpu.vector_load %arg12[%get3A_167, %get3A_168] {strides = array<i32>} : memref<80x128xf32, #tpu.memory_space<vmem>>, vector<1x16xf32>,
        %get3A_170 = vector.shape_cast %get3A_169 : vector<1x16xf32> to vector<16xf32>
        %add3A_171 = arith.addf %get3A_166, %get3A_170 : vector<16xf32>
        %add3A_172 = arith.addf %add3A_162, %add3A_171 : vector<16xf32>
        %swap3A = arith.index_cast %scan3A_154 : i32 to index
        %swap3A_173 = arith.constant 0 : index
        %swap3A_174 = tpu.vector_load %arg17[%swap3A, %swap3A_173] {strides = array<i32>} : memref<80x100xf32, #tpu.memory_space<vmem>>, vector<1x16xf32>,
        %swap3A_175 = vector.shape_cast %swap3A_174 : vector<1x16xf32> to vector<16xf32>
        %swap3A_176 = vector.shape_cast %add3A_172 : vector<16xf32> to vector<1x16xf32>
        tpu.vector_store %arg17[%swap3A, %swap3A_173], %swap3A_176 {strides = array<i32>} : memref<80x100xf32, #tpu.memory_space<vmem>>, vector<1x16xf32>,
        %get3A_177 = arith.index_cast %scan3A_154 : i32 to index
        %get3A_178 = arith.constant 16 : index
        %get3A_179 = tpu.vector_load %arg9[%get3A_177, %get3A_178] {strides = array<i32>} : memref<80x128xf32, #tpu.memory_space<vmem>>, vector<1x16xf32>,
        %get3A_180 = vector.shape_cast %get3A_179 : vector<1x16xf32> to vector<16xf32>
        %get3A_181 = arith.index_cast %scan3A_154 : i32 to index
        %get3A_182 = arith.constant 16 : index
        %get3A_183 = tpu.vector_load %arg10[%get3A_181, %get3A_182] {strides = array<i32>} : memref<80x128xf32, #tpu.memory_space<vmem>>, vector<1x16xf32>,
        %get3A_184 = vector.shape_cast %get3A_183 : vector<1x16xf32> to vector<16xf32>
        %add3A_185 = arith.addf %get3A_180, %get3A_184 : vector<16xf32>
        %get3A_186 = arith.index_cast %scan3A_154 : i32 to index
        %get3A_187 = arith.constant 16 : index
        %get3A_188 = tpu.vector_load %arg11[%get3A_186, %get3A_187] {strides = array<i32>} : memref<80x128xf32, #tpu.memory_space<vmem>>, vector<1x16xf32>,
        %get3A_189 = vector.shape_cast %get3A_188 : vector<1x16xf32> to vector<16xf32>
        %get3A_190 = arith.index_cast %scan3A_154 : i32 to index
        %get3A_191 = arith.constant 16 : index
        %get3A_192 = tpu.vector_load %arg12[%get3A_190, %get3A_191] {strides = array<i32>} : memref<80x128xf32, #tpu.memory_space<vmem>>, vector<1x16xf32>,
        %get3A_193 = vector.shape_cast %get3A_192 : vector<1x16xf32> to vector<16xf32>
        %add3A_194 = arith.addf %get3A_189, %get3A_193 : vector<16xf32>
        %add3A_195 = arith.addf %add3A_185, %add3A_194 : vector<16xf32>
        %swap3A_196 = arith.index_cast %scan3A_154 : i32 to index
        %swap3A_197 = arith.constant 16 : index
        %swap3A_198 = tpu.vector_load %arg17[%swap3A_196, %swap3A_197] {strides = array<i32>} : memref<80x100xf32, #tpu.memory_space<vmem>>, vector<1x16xf32>,
        %swap3A_199 = vector.shape_cast %swap3A_198 : vector<1x16xf32> to vector<16xf32>
        %swap3A_200 = vector.shape_cast %add3A_195 : vector<16xf32> to vector<1x16xf32>
        tpu.vector_store %arg17[%swap3A_196, %swap3A_197], %swap3A_200 {strides = array<i32>} : memref<80x100xf32, #tpu.memory_space<vmem>>, vector<1x16xf32>,
        %get3A_201 = arith.index_cast %scan3A_154 : i32 to index
        %get3A_202 = arith.constant 32 : index
        %get3A_203 = tpu.vector_load %arg9[%get3A_201, %get3A_202] {strides = array<i32>} : memref<80x128xf32, #tpu.memory_space<vmem>>, vector<1x16xf32>,
        %get3A_204 = vector.shape_cast %get3A_203 : vector<1x16xf32> to vector<16xf32>
        %get3A_205 = arith.index_cast %scan3A_154 : i32 to index
        %get3A_206 = arith.constant 32 : index
        %get3A_207 = tpu.vector_load %arg10[%get3A_205, %get3A_206] {strides = array<i32>} : memref<80x128xf32, #tpu.memory_space<vmem>>, vector<1x16xf32>,
        %get3A_208 = vector.shape_cast %get3A_207 : vector<1x16xf32> to vector<16xf32>
        %add3A_209 = arith.addf %get3A_204, %get3A_208 : vector<16xf32>
        %get3A_210 = arith.index_cast %scan3A_154 : i32 to index
        %get3A_211 = arith.constant 32 : index
        %get3A_212 = tpu.vector_load %arg11[%get3A_210, %get3A_211] {strides = array<i32>} : memref<80x128xf32, #tpu.memory_space<vmem>>, vector<1x16xf32>,
        %get3A_213 = vector.shape_cast %get3A_212 : vector<1x16xf32> to vector<16xf32>
        %get3A_214 = arith.index_cast %scan3A_154 : i32 to index
        %get3A_215 = arith.constant 32 : index
        %get3A_216 = tpu.vector_load %arg12[%get3A_214, %get3A_215] {strides = array<i32>} : memref<80x128xf32, #tpu.memory_space<vmem>>, vector<1x16xf32>,
        %get3A_217 = vector.shape_cast %get3A_216 : vector<1x16xf32> to vector<16xf32>
        %add3A_218 = arith.addf %get3A_213, %get3A_217 : vector<16xf32>
        %add3A_219 = arith.addf %add3A_209, %add3A_218 : vector<16xf32>
        %swap3A_220 = arith.index_cast %scan3A_154 : i32 to index
        %swap3A_221 = arith.constant 32 : index
        %swap3A_222 = tpu.vector_load %arg17[%swap3A_220, %swap3A_221] {strides = array<i32>} : memref<80x100xf32, #tpu.memory_space<vmem>>, vector<1x16xf32>,
        %swap3A_223 = vector.shape_cast %swap3A_222 : vector<1x16xf32> to vector<16xf32>
        %swap3A_224 = vector.shape_cast %add3A_219 : vector<16xf32> to vector<1x16xf32>
        tpu.vector_store %arg17[%swap3A_220, %swap3A_221], %swap3A_224 {strides = array<i32>} : memref<80x100xf32, #tpu.memory_space<vmem>>, vector<1x16xf32>,
        %get3A_225 = arith.index_cast %scan3A_154 : i32 to index
        %get3A_226 = arith.constant 48 : index
        %get3A_227 = tpu.vector_load %arg9[%get3A_225, %get3A_226] {strides = array<i32>} : memref<80x128xf32, #tpu.memory_space<vmem>>, vector<1x16xf32>,
        %get3A_228 = vector.shape_cast %get3A_227 : vector<1x16xf32> to vector<16xf32>
        %get3A_229 = arith.index_cast %scan3A_154 : i32 to index
        %get3A_230 = arith.constant 48 : index
        %get3A_231 = tpu.vector_load %arg10[%get3A_229, %get3A_230] {strides = array<i32>} : memref<80x128xf32, #tpu.memory_space<vmem>>, vector<1x16xf32>,
        %get3A_232 = vector.shape_cast %get3A_231 : vector<1x16xf32> to vector<16xf32>
        %add3A_233 = arith.addf %get3A_228, %get3A_232 : vector<16xf32>
        %get3A_234 = arith.index_cast %scan3A_154 : i32 to index
        %get3A_235 = arith.constant 48 : index
        %get3A_236 = tpu.vector_load %arg11[%get3A_234, %get3A_235] {strides = array<i32>} : memref<80x128xf32, #tpu.memory_space<vmem>>, vector<1x16xf32>,
        %get3A_237 = vector.shape_cast %get3A_236 : vector<1x16xf32> to vector<16xf32>
        %get3A_238 = arith.index_cast %scan3A_154 : i32 to index
        %get3A_239 = arith.constant 48 : index
        %get3A_240 = tpu.vector_load %arg12[%get3A_238, %get3A_239] {strides = array<i32>} : memref<80x128xf32, #tpu.memory_space<vmem>>, vector<1x16xf32>,
        %get3A_241 = vector.shape_cast %get3A_240 : vector<1x16xf32> to vector<16xf32>
        %add3A_242 = arith.addf %get3A_237, %get3A_241 : vector<16xf32>
        %add3A_243 = arith.addf %add3A_233, %add3A_242 : vector<16xf32>
        %swap3A_244 = arith.index_cast %scan3A_154 : i32 to index
        %swap3A_245 = arith.constant 48 : index
        %swap3A_246 = tpu.vector_load %arg17[%swap3A_244, %swap3A_245] {strides = array<i32>} : memref<80x100xf32, #tpu.memory_space<vmem>>, vector<1x16xf32>,
        %swap3A_247 = vector.shape_cast %swap3A_246 : vector<1x16xf32> to vector<16xf32>
        %swap3A_248 = vector.shape_cast %add3A_243 : vector<16xf32> to vector<1x16xf32>
        tpu.vector_store %arg17[%swap3A_244, %swap3A_245], %swap3A_248 {strides = array<i32>} : memref<80x100xf32, #tpu.memory_space<vmem>>, vector<1x16xf32>,
        %get3A_249 = arith.index_cast %scan3A_154 : i32 to index
        %get3A_250 = arith.constant 64 : index
        %get3A_251 = tpu.vector_load %arg9[%get3A_249, %get3A_250] {strides = array<i32>} : memref<80x128xf32, #tpu.memory_space<vmem>>, vector<1x16xf32>,
        %get3A_252 = vector.shape_cast %get3A_251 : vector<1x16xf32> to vector<16xf32>
        %get3A_253 = arith.index_cast %scan3A_154 : i32 to index
        %get3A_254 = arith.constant 64 : index
        %get3A_255 = tpu.vector_load %arg10[%get3A_253, %get3A_254] {strides = array<i32>} : memref<80x128xf32, #tpu.memory_space<vmem>>, vector<1x16xf32>,
        %get3A_256 = vector.shape_cast %get3A_255 : vector<1x16xf32> to vector<16xf32>
        %add3A_257 = arith.addf %get3A_252, %get3A_256 : vector<16xf32>
        %get3A_258 = arith.index_cast %scan3A_154 : i32 to index
        %get3A_259 = arith.constant 64 : index
        %get3A_260 = tpu.vector_load %arg11[%get3A_258, %get3A_259] {strides = array<i32>} : memref<80x128xf32, #tpu.memory_space<vmem>>, vector<1x16xf32>,
        %get3A_261 = vector.shape_cast %get3A_260 : vector<1x16xf32> to vector<16xf32>
        %get3A_262 = arith.index_cast %scan3A_154 : i32 to index
        %get3A_263 = arith.constant 64 : index
        %get3A_264 = tpu.vector_load %arg12[%get3A_262, %get3A_263] {strides = array<i32>} : memref<80x128xf32, #tpu.memory_space<vmem>>, vector<1x16xf32>,
        %get3A_265 = vector.shape_cast %get3A_264 : vector<1x16xf32> to vector<16xf32>
        %add3A_266 = arith.addf %get3A_261, %get3A_265 : vector<16xf32>
        %add3A_267 = arith.addf %add3A_257, %add3A_266 : vector<16xf32>
        %swap3A_268 = arith.index_cast %scan3A_154 : i32 to index
        %swap3A_269 = arith.constant 64 : index
        %swap3A_270 = tpu.vector_load %arg17[%swap3A_268, %swap3A_269] {strides = array<i32>} : memref<80x100xf32, #tpu.memory_space<vmem>>, vector<1x16xf32>,
        %swap3A_271 = vector.shape_cast %swap3A_270 : vector<1x16xf32> to vector<16xf32>
        %swap3A_272 = vector.shape_cast %add3A_267 : vector<16xf32> to vector<1x16xf32>
        tpu.vector_store %arg17[%swap3A_268, %swap3A_269], %swap3A_272 {strides = array<i32>} : memref<80x100xf32, #tpu.memory_space<vmem>>, vector<1x16xf32>,
        %get3A_273 = arith.index_cast %scan3A_154 : i32 to index
        %get3A_274 = arith.constant 80 : index
        %get3A_275 = tpu.vector_load %arg9[%get3A_273, %get3A_274] {strides = array<i32>} : memref<80x128xf32, #tpu.memory_space<vmem>>, vector<1x16xf32>,
        %get3A_276 = vector.shape_cast %get3A_275 : vector<1x16xf32> to vector<16xf32>
        %get3A_277 = arith.index_cast %scan3A_154 : i32 to index
        %get3A_278 = arith.constant 80 : index
        %get3A_279 = tpu.vector_load %arg10[%get3A_277, %get3A_278] {strides = array<i32>} : memref<80x128xf32, #tpu.memory_space<vmem>>, vector<1x16xf32>,
        %get3A_280 = vector.shape_cast %get3A_279 : vector<1x16xf32> to vector<16xf32>
        %add3A_281 = arith.addf %get3A_276, %get3A_280 : vector<16xf32>
        %get3A_282 = arith.index_cast %scan3A_154 : i32 to index
        %get3A_283 = arith.constant 80 : index
        %get3A_284 = tpu.vector_load %arg11[%get3A_282, %get3A_283] {strides = array<i32>} : memref<80x128xf32, #tpu.memory_space<vmem>>, vector<1x16xf32>,
        %get3A_285 = vector.shape_cast %get3A_284 : vector<1x16xf32> to vector<16xf32>
        %get3A_286 = arith.index_cast %scan3A_154 : i32 to index
        %get3A_287 = arith.constant 80 : index
        %get3A_288 = tpu.vector_load %arg12[%get3A_286, %get3A_287] {strides = array<i32>} : memref<80x128xf32, #tpu.memory_space<vmem>>, vector<1x16xf32>,
        %get3A_289 = vector.shape_cast %get3A_288 : vector<1x16xf32> to vector<16xf32>
        %add3A_290 = arith.addf %get3A_285, %get3A_289 : vector<16xf32>
        %add3A_291 = arith.addf %add3A_281, %add3A_290 : vector<16xf32>
        %swap3A_292 = arith.index_cast %scan3A_154 : i32 to index
        %swap3A_293 = arith.constant 80 : index
        %swap3A_294 = tpu.vector_load %arg17[%swap3A_292, %swap3A_293] {strides = array<i32>} : memref<80x100xf32, #tpu.memory_space<vmem>>, vector<1x16xf32>,
        %swap3A_295 = vector.shape_cast %swap3A_294 : vector<1x16xf32> to vector<16xf32>
        %swap3A_296 = vector.shape_cast %add3A_291 : vector<16xf32> to vector<1x16xf32>
        tpu.vector_store %arg17[%swap3A_292, %swap3A_293], %swap3A_296 {strides = array<i32>} : memref<80x100xf32, #tpu.memory_space<vmem>>, vector<1x16xf32>,
        %get3A_297 = arith.index_cast %scan3A_154 : i32 to index
        %get3A_298 = arith.constant 84 : index
        %get3A_299 = tpu.vector_load %arg9[%get3A_297, %get3A_298] {strides = array<i32>} : memref<80x128xf32, #tpu.memory_space<vmem>>, vector<1x16xf32>,
        %get3A_300 = vector.shape_cast %get3A_299 : vector<1x16xf32> to vector<16xf32>
        %get3A_301 = arith.index_cast %scan3A_154 : i32 to index
        %get3A_302 = arith.constant 84 : index
        %get3A_303 = tpu.vector_load %arg10[%get3A_301, %get3A_302] {strides = array<i32>} : memref<80x128xf32, #tpu.memory_space<vmem>>, vector<1x16xf32>,
        %get3A_304 = vector.shape_cast %get3A_303 : vector<1x16xf32> to vector<16xf32>
        %add3A_305 = arith.addf %get3A_300, %get3A_304 : vector<16xf32>
        %get3A_306 = arith.index_cast %scan3A_154 : i32 to index
        %get3A_307 = arith.constant 84 : index
        %get3A_308 = tpu.vector_load %arg11[%get3A_306, %get3A_307] {strides = array<i32>} : memref<80x128xf32, #tpu.memory_space<vmem>>, vector<1x16xf32>,
        %get3A_309 = vector.shape_cast %get3A_308 : vector<1x16xf32> to vector<16xf32>
        %get3A_310 = arith.index_cast %scan3A_154 : i32 to index
        %get3A_311 = arith.constant 84 : index
        %get3A_312 = tpu.vector_load %arg12[%get3A_310, %get3A_311] {strides = array<i32>} : memref<80x128xf32, #tpu.memory_space<vmem>>, vector<1x16xf32>,
        %get3A_313 = vector.shape_cast %get3A_312 : vector<1x16xf32> to vector<16xf32>
        %add3A_314 = arith.addf %get3A_309, %get3A_313 : vector<16xf32>
        %add3A_315 = arith.addf %add3A_305, %add3A_314 : vector<16xf32>
        %swap3A_316 = arith.index_cast %scan3A_154 : i32 to index
        %swap3A_317 = arith.constant 84 : index
        %swap3A_318 = tpu.vector_load %arg17[%swap3A_316, %swap3A_317] {strides = array<i32>} : memref<80x100xf32, #tpu.memory_space<vmem>>, vector<1x16xf32>,
        %swap3A_319 = vector.shape_cast %swap3A_318 : vector<1x16xf32> to vector<16xf32>
        %swap3A_320 = vector.shape_cast %add3A_315 : vector<16xf32> to vector<1x16xf32>
        tpu.vector_store %arg17[%swap3A_316, %swap3A_317], %swap3A_320 {strides = array<i32>} : memref<80x100xf32, #tpu.memory_space<vmem>>, vector<1x16xf32>,
      }
      %scan3A_109 = arith.constant 80 : i32
      %mul3A_110 = arith.constant 80 : i32
      %mul3A_111 = arith.muli %mul3A_23, %mul3A_110 : i32
      %add3A_112 = arith.addi %mul3A_4, %mul3A_111 : i32
      %dma_start3A_113 = arith.constant 0 : i32
      %dma_start3A_114 = tpu.memref_slice %arg7[%add3A_112, %dma_start3A_113] : memref<20480x100xf32, #tpu.memory_space<hbm>> -> memref<80x100xf32, #tpu.memory_space<hbm>>
      %dma_start3A_115 = arith.constant 0 : i32
      %dma_start3A_116 = tpu.memref_slice %arg7[%add3A_112, %dma_start3A_115] : memref<20480x100xf32, #tpu.memory_space<hbm>> -> memref<80x100xf32, #tpu.memory_space<hbm>>
      tpu.enqueue_dma source(%arg17 : memref<80x100xf32, #tpu.memory_space<vmem>>) target(%dma_start3A_116 : memref<80x100xf32, #tpu.memory_space<hbm>>) target_semaphore(%arg21 : memref<!tpu.dma_semaphore, #tpu.memory_space<semaphore_mem>>)
      %dma_wait3A_117 = tpu.memref_slice %arg8[%add3A_60] : memref<2560xi32, #tpu.memory_space<vmem>> -> memref<80xi32, #tpu.memory_space<vmem>>
      %dma_wait3A_118 = arith.constant 0 : i32
      %dma_wait3A_119 = arith.constant 0 : i32
      %dma_wait3A_120 = tpu.memref_slice %arg3[%dma_wait3A_118, %dma_wait3A_119] : memref<100000x128xf32, #tpu.memory_space<hbm>> -> memref<100000x128xf32, #tpu.memory_space<hbm>>
      tpu.wait_indirect_dma semaphore(%arg20 : memref<!tpu.dma_semaphore, #tpu.memory_space<semaphore_mem>>) src(%dma_wait3A_120 : memref<100000x128xf32, #tpu.memory_space<hbm>>) dst(%arg13 : memref<80x128xf32, #tpu.memory_space<vmem>>)
      %dma_wait3A_121 = tpu.memref_slice %arg8[%add3A_68] : memref<2560xi32, #tpu.memory_space<vmem>> -> memref<80xi32, #tpu.memory_space<vmem>>
      %dma_wait3A_122 = arith.constant 0 : i32
      %dma_wait3A_123 = arith.constant 0 : i32
      %dma_wait3A_124 = tpu.memref_slice %arg4[%dma_wait3A_122, %dma_wait3A_123] : memref<100000x128xf32, #tpu.memory_space<hbm>> -> memref<100000x128xf32, #tpu.memory_space<hbm>>
      tpu.wait_indirect_dma semaphore(%arg20 : memref<!tpu.dma_semaphore, #tpu.memory_space<semaphore_mem>>) src(%dma_wait3A_124 : memref<100000x128xf32, #tpu.memory_space<hbm>>) dst(%arg14 : memref<80x128xf32, #tpu.memory_space<vmem>>)
      %dma_wait3A_125 = tpu.memref_slice %arg8[%add3A_76] : memref<2560xi32, #tpu.memory_space<vmem>> -> memref<80xi32, #tpu.memory_space<vmem>>
      %dma_wait3A_126 = arith.constant 0 : i32
      %dma_wait3A_127 = arith.constant 0 : i32
      %dma_wait3A_128 = tpu.memref_slice %arg5[%dma_wait3A_126, %dma_wait3A_127] : memref<100000x128xf32, #tpu.memory_space<hbm>> -> memref<100000x128xf32, #tpu.memory_space<hbm>>
      tpu.wait_indirect_dma semaphore(%arg20 : memref<!tpu.dma_semaphore, #tpu.memory_space<semaphore_mem>>) src(%dma_wait3A_128 : memref<100000x128xf32, #tpu.memory_space<hbm>>) dst(%arg15 : memref<80x128xf32, #tpu.memory_space<vmem>>)
      %dma_wait3A_129 = tpu.memref_slice %arg8[%add3A_84] : memref<2560xi32, #tpu.memory_space<vmem>> -> memref<80xi32, #tpu.memory_space<vmem>>
      %dma_wait3A_130 = arith.constant 0 : i32
      %dma_wait3A_131 = arith.constant 0 : i32
      %dma_wait3A_132 = tpu.memref_slice %arg6[%dma_wait3A_130, %dma_wait3A_131] : memref<100000x128xf32, #tpu.memory_space<hbm>> -> memref<100000x128xf32, #tpu.memory_space<hbm>>
      tpu.wait_indirect_dma semaphore(%arg20 : memref<!tpu.dma_semaphore, #tpu.memory_space<semaphore_mem>>) src(%dma_wait3A_132 : memref<100000x128xf32, #tpu.memory_space<hbm>>) dst(%arg16 : memref<80x128xf32, #tpu.memory_space<vmem>>)
      %scan3A_133 = arith.constant 0 : i32
      %scan3A_134 = arith.constant 0 : i32
      %scan3A_135 = arith.constant 80 : i32
      %scan3A_136 = arith.addi %scan3A_134, %scan3A_135 : i32
      %scan3A_137 = arith.constant 1 : i32
      scf.for %scan3A_154 = %scan3A_134 to %scan3A_136 step %scan3A_137  : i32 {
        %get3A = arith.index_cast %scan3A_154 : i32 to index
        %get3A_155 = arith.constant 0 : index
        %get3A_156 = tpu.vector_load %arg13[%get3A, %get3A_155] {strides = array<i32>} : memref<80x128xf32, #tpu.memory_space<vmem>>, vector<1x16xf32>,
        %get3A_157 = vector.shape_cast %get3A_156 : vector<1x16xf32> to vector<16xf32>
        %get3A_158 = arith.index_cast %scan3A_154 : i32 to index
        %get3A_159 = arith.constant 0 : index
        %get3A_160 = tpu.vector_load %arg14[%get3A_158, %get3A_159] {strides = array<i32>} : memref<80x128xf32, #tpu.memory_space<vmem>>, vector<1x16xf32>,
        %get3A_161 = vector.shape_cast %get3A_160 : vector<1x16xf32> to vector<16xf32>
        %add3A_162 = arith.addf %get3A_157, %get3A_161 : vector<16xf32>
        %get3A_163 = arith.index_cast %scan3A_154 : i32 to index
        %get3A_164 = arith.constant 0 : index
        %get3A_165 = tpu.vector_load %arg15[%get3A_163, %get3A_164] {strides = array<i32>} : memref<80x128xf32, #tpu.memory_space<vmem>>, vector<1x16xf32>,
        %get3A_166 = vector.shape_cast %get3A_165 : vector<1x16xf32> to vector<16xf32>
        %get3A_167 = arith.index_cast %scan3A_154 : i32 to index
        %get3A_168 = arith.constant 0 : index
        %get3A_169 = tpu.vector_load %arg16[%get3A_167, %get3A_168] {strides = array<i32>} : memref<80x128xf32, #tpu.memory_space<vmem>>, vector<1x16xf32>,
        %get3A_170 = vector.shape_cast %get3A_169 : vector<1x16xf32> to vector<16xf32>
        %add3A_171 = arith.addf %get3A_166, %get3A_170 : vector<16xf32>
        %add3A_172 = arith.addf %add3A_162, %add3A_171 : vector<16xf32>
        %swap3A = arith.index_cast %scan3A_154 : i32 to index
        %swap3A_173 = arith.constant 0 : index
        %swap3A_174 = tpu.vector_load %arg18[%swap3A, %swap3A_173] {strides = array<i32>} : memref<80x100xf32, #tpu.memory_space<vmem>>, vector<1x16xf32>,
        %swap3A_175 = vector.shape_cast %swap3A_174 : vector<1x16xf32> to vector<16xf32>
        %swap3A_176 = vector.shape_cast %add3A_172 : vector<16xf32> to vector<1x16xf32>
        tpu.vector_store %arg18[%swap3A, %swap3A_173], %swap3A_176 {strides = array<i32>} : memref<80x100xf32, #tpu.memory_space<vmem>>, vector<1x16xf32>,
        %get3A_177 = arith.index_cast %scan3A_154 : i32 to index
        %get3A_178 = arith.constant 16 : index
        %get3A_179 = tpu.vector_load %arg13[%get3A_177, %get3A_178] {strides = array<i32>} : memref<80x128xf32, #tpu.memory_space<vmem>>, vector<1x16xf32>,
        %get3A_180 = vector.shape_cast %get3A_179 : vector<1x16xf32> to vector<16xf32>
        %get3A_181 = arith.index_cast %scan3A_154 : i32 to index
        %get3A_182 = arith.constant 16 : index
        %get3A_183 = tpu.vector_load %arg14[%get3A_181, %get3A_182] {strides = array<i32>} : memref<80x128xf32, #tpu.memory_space<vmem>>, vector<1x16xf32>,
        %get3A_184 = vector.shape_cast %get3A_183 : vector<1x16xf32> to vector<16xf32>
        %add3A_185 = arith.addf %get3A_180, %get3A_184 : vector<16xf32>
        %get3A_186 = arith.index_cast %scan3A_154 : i32 to index
        %get3A_187 = arith.constant 16 : index
        %get3A_188 = tpu.vector_load %arg15[%get3A_186, %get3A_187] {strides = array<i32>} : memref<80x128xf32, #tpu.memory_space<vmem>>, vector<1x16xf32>,
        %get3A_189 = vector.shape_cast %get3A_188 : vector<1x16xf32> to vector<16xf32>
        %get3A_190 = arith.index_cast %scan3A_154 : i32 to index
        %get3A_191 = arith.constant 16 : index
        %get3A_192 = tpu.vector_load %arg16[%get3A_190, %get3A_191] {strides = array<i32>} : memref<80x128xf32, #tpu.memory_space<vmem>>, vector<1x16xf32>,
        %get3A_193 = vector.shape_cast %get3A_192 : vector<1x16xf32> to vector<16xf32>
        %add3A_194 = arith.addf %get3A_189, %get3A_193 : vector<16xf32>
        %add3A_195 = arith.addf %add3A_185, %add3A_194 : vector<16xf32>
        %swap3A_196 = arith.index_cast %scan3A_154 : i32 to index
        %swap3A_197 = arith.constant 16 : index
        %swap3A_198 = tpu.vector_load %arg18[%swap3A_196, %swap3A_197] {strides = array<i32>} : memref<80x100xf32, #tpu.memory_space<vmem>>, vector<1x16xf32>,
        %swap3A_199 = vector.shape_cast %swap3A_198 : vector<1x16xf32> to vector<16xf32>
        %swap3A_200 = vector.shape_cast %add3A_195 : vector<16xf32> to vector<1x16xf32>
        tpu.vector_store %arg18[%swap3A_196, %swap3A_197], %swap3A_200 {strides = array<i32>} : memref<80x100xf32, #tpu.memory_space<vmem>>, vector<1x16xf32>,
        %get3A_201 = arith.index_cast %scan3A_154 : i32 to index
        %get3A_202 = arith.constant 32 : index
        %get3A_203 = tpu.vector_load %arg13[%get3A_201, %get3A_202] {strides = array<i32>} : memref<80x128xf32, #tpu.memory_space<vmem>>, vector<1x16xf32>,
        %get3A_204 = vector.shape_cast %get3A_203 : vector<1x16xf32> to vector<16xf32>
        %get3A_205 = arith.index_cast %scan3A_154 : i32 to index
        %get3A_206 = arith.constant 32 : index
        %get3A_207 = tpu.vector_load %arg14[%get3A_205, %get3A_206] {strides = array<i32>} : memref<80x128xf32, #tpu.memory_space<vmem>>, vector<1x16xf32>,
        %get3A_208 = vector.shape_cast %get3A_207 : vector<1x16xf32> to vector<16xf32>
        %add3A_209 = arith.addf %get3A_204, %get3A_208 : vector<16xf32>
        %get3A_210 = arith.index_cast %scan3A_154 : i32 to index
        %get3A_211 = arith.constant 32 : index
        %get3A_212 = tpu.vector_load %arg15[%get3A_210, %get3A_211] {strides = array<i32>} : memref<80x128xf32, #tpu.memory_space<vmem>>, vector<1x16xf32>,
        %get3A_213 = vector.shape_cast %get3A_212 : vector<1x16xf32> to vector<16xf32>
        %get3A_214 = arith.index_cast %scan3A_154 : i32 to index
        %get3A_215 = arith.constant 32 : index
        %get3A_216 = tpu.vector_load %arg16[%get3A_214, %get3A_215] {strides = array<i32>} : memref<80x128xf32, #tpu.memory_space<vmem>>, vector<1x16xf32>,
        %get3A_217 = vector.shape_cast %get3A_216 : vector<1x16xf32> to vector<16xf32>
        %add3A_218 = arith.addf %get3A_213, %get3A_217 : vector<16xf32>
        %add3A_219 = arith.addf %add3A_209, %add3A_218 : vector<16xf32>
        %swap3A_220 = arith.index_cast %scan3A_154 : i32 to index
        %swap3A_221 = arith.constant 32 : index
        %swap3A_222 = tpu.vector_load %arg18[%swap3A_220, %swap3A_221] {strides = array<i32>} : memref<80x100xf32, #tpu.memory_space<vmem>>, vector<1x16xf32>,
        %swap3A_223 = vector.shape_cast %swap3A_222 : vector<1x16xf32> to vector<16xf32>
        %swap3A_224 = vector.shape_cast %add3A_219 : vector<16xf32> to vector<1x16xf32>
        tpu.vector_store %arg18[%swap3A_220, %swap3A_221], %swap3A_224 {strides = array<i32>} : memref<80x100xf32, #tpu.memory_space<vmem>>, vector<1x16xf32>,
        %get3A_225 = arith.index_cast %scan3A_154 : i32 to index
        %get3A_226 = arith.constant 48 : index
        %get3A_227 = tpu.vector_load %arg13[%get3A_225, %get3A_226] {strides = array<i32>} : memref<80x128xf32, #tpu.memory_space<vmem>>, vector<1x16xf32>,
        %get3A_228 = vector.shape_cast %get3A_227 : vector<1x16xf32> to vector<16xf32>
        %get3A_229 = arith.index_cast %scan3A_154 : i32 to index
        %get3A_230 = arith.constant 48 : index
        %get3A_231 = tpu.vector_load %arg14[%get3A_229, %get3A_230] {strides = array<i32>} : memref<80x128xf32, #tpu.memory_space<vmem>>, vector<1x16xf32>,
        %get3A_232 = vector.shape_cast %get3A_231 : vector<1x16xf32> to vector<16xf32>
        %add3A_233 = arith.addf %get3A_228, %get3A_232 : vector<16xf32>
        %get3A_234 = arith.index_cast %scan3A_154 : i32 to index
        %get3A_235 = arith.constant 48 : index
        %get3A_236 = tpu.vector_load %arg15[%get3A_234, %get3A_235] {strides = array<i32>} : memref<80x128xf32, #tpu.memory_space<vmem>>, vector<1x16xf32>,
        %get3A_237 = vector.shape_cast %get3A_236 : vector<1x16xf32> to vector<16xf32>
        %get3A_238 = arith.index_cast %scan3A_154 : i32 to index
        %get3A_239 = arith.constant 48 : index
        %get3A_240 = tpu.vector_load %arg16[%get3A_238, %get3A_239] {strides = array<i32>} : memref<80x128xf32, #tpu.memory_space<vmem>>, vector<1x16xf32>,
        %get3A_241 = vector.shape_cast %get3A_240 : vector<1x16xf32> to vector<16xf32>
        %add3A_242 = arith.addf %get3A_237, %get3A_241 : vector<16xf32>
        %add3A_243 = arith.addf %add3A_233, %add3A_242 : vector<16xf32>
        %swap3A_244 = arith.index_cast %scan3A_154 : i32 to index
        %swap3A_245 = arith.constant 48 : index
        %swap3A_246 = tpu.vector_load %arg18[%swap3A_244, %swap3A_245] {strides = array<i32>} : memref<80x100xf32, #tpu.memory_space<vmem>>, vector<1x16xf32>,
        %swap3A_247 = vector.shape_cast %swap3A_246 : vector<1x16xf32> to vector<16xf32>
        %swap3A_248 = vector.shape_cast %add3A_243 : vector<16xf32> to vector<1x16xf32>
        tpu.vector_store %arg18[%swap3A_244, %swap3A_245], %swap3A_248 {strides = array<i32>} : memref<80x100xf32, #tpu.memory_space<vmem>>, vector<1x16xf32>,
        %get3A_249 = arith.index_cast %scan3A_154 : i32 to index
        %get3A_250 = arith.constant 64 : index
        %get3A_251 = tpu.vector_load %arg13[%get3A_249, %get3A_250] {strides = array<i32>} : memref<80x128xf32, #tpu.memory_space<vmem>>, vector<1x16xf32>,
        %get3A_252 = vector.shape_cast %get3A_251 : vector<1x16xf32> to vector<16xf32>
        %get3A_253 = arith.index_cast %scan3A_154 : i32 to index
        %get3A_254 = arith.constant 64 : index
        %get3A_255 = tpu.vector_load %arg14[%get3A_253, %get3A_254] {strides = array<i32>} : memref<80x128xf32, #tpu.memory_space<vmem>>, vector<1x16xf32>,
        %get3A_256 = vector.shape_cast %get3A_255 : vector<1x16xf32> to vector<16xf32>
        %add3A_257 = arith.addf %get3A_252, %get3A_256 : vector<16xf32>
        %get3A_258 = arith.index_cast %scan3A_154 : i32 to index
        %get3A_259 = arith.constant 64 : index
        %get3A_260 = tpu.vector_load %arg15[%get3A_258, %get3A_259] {strides = array<i32>} : memref<80x128xf32, #tpu.memory_space<vmem>>, vector<1x16xf32>,
        %get3A_261 = vector.shape_cast %get3A_260 : vector<1x16xf32> to vector<16xf32>
        %get3A_262 = arith.index_cast %scan3A_154 : i32 to index
        %get3A_263 = arith.constant 64 : index
        %get3A_264 = tpu.vector_load %arg16[%get3A_262, %get3A_263] {strides = array<i32>} : memref<80x128xf32, #tpu.memory_space<vmem>>, vector<1x16xf32>,
        %get3A_265 = vector.shape_cast %get3A_264 : vector<1x16xf32> to vector<16xf32>
        %add3A_266 = arith.addf %get3A_261, %get3A_265 : vector<16xf32>
        %add3A_267 = arith.addf %add3A_257, %add3A_266 : vector<16xf32>
        %swap3A_268 = arith.index_cast %scan3A_154 : i32 to index
        %swap3A_269 = arith.constant 64 : index
        %swap3A_270 = tpu.vector_load %arg18[%swap3A_268, %swap3A_269] {strides = array<i32>} : memref<80x100xf32, #tpu.memory_space<vmem>>, vector<1x16xf32>,
        %swap3A_271 = vector.shape_cast %swap3A_270 : vector<1x16xf32> to vector<16xf32>
        %swap3A_272 = vector.shape_cast %add3A_267 : vector<16xf32> to vector<1x16xf32>
        tpu.vector_store %arg18[%swap3A_268, %swap3A_269], %swap3A_272 {strides = array<i32>} : memref<80x100xf32, #tpu.memory_space<vmem>>, vector<1x16xf32>,
        %get3A_273 = arith.index_cast %scan3A_154 : i32 to index
        %get3A_274 = arith.constant 80 : index
        %get3A_275 = tpu.vector_load %arg13[%get3A_273, %get3A_274] {strides = array<i32>} : memref<80x128xf32, #tpu.memory_space<vmem>>, vector<1x16xf32>,
        %get3A_276 = vector.shape_cast %get3A_275 : vector<1x16xf32> to vector<16xf32>
        %get3A_277 = arith.index_cast %scan3A_154 : i32 to index
        %get3A_278 = arith.constant 80 : index
        %get3A_279 = tpu.vector_load %arg14[%get3A_277, %get3A_278] {strides = array<i32>} : memref<80x128xf32, #tpu.memory_space<vmem>>, vector<1x16xf32>,
        %get3A_280 = vector.shape_cast %get3A_279 : vector<1x16xf32> to vector<16xf32>
        %add3A_281 = arith.addf %get3A_276, %get3A_280 : vector<16xf32>
        %get3A_282 = arith.index_cast %scan3A_154 : i32 to index
        %get3A_283 = arith.constant 80 : index
        %get3A_284 = tpu.vector_load %arg15[%get3A_282, %get3A_283] {strides = array<i32>} : memref<80x128xf32, #tpu.memory_space<vmem>>, vector<1x16xf32>,
        %get3A_285 = vector.shape_cast %get3A_284 : vector<1x16xf32> to vector<16xf32>
        %get3A_286 = arith.index_cast %scan3A_154 : i32 to index
        %get3A_287 = arith.constant 80 : index
        %get3A_288 = tpu.vector_load %arg16[%get3A_286, %get3A_287] {strides = array<i32>} : memref<80x128xf32, #tpu.memory_space<vmem>>, vector<1x16xf32>,
        %get3A_289 = vector.shape_cast %get3A_288 : vector<1x16xf32> to vector<16xf32>
        %add3A_290 = arith.addf %get3A_285, %get3A_289 : vector<16xf32>
        %add3A_291 = arith.addf %add3A_281, %add3A_290 : vector<16xf32>
        %swap3A_292 = arith.index_cast %scan3A_154 : i32 to index
        %swap3A_293 = arith.constant 80 : index
        %swap3A_294 = tpu.vector_load %arg18[%swap3A_292, %swap3A_293] {strides = array<i32>} : memref<80x100xf32, #tpu.memory_space<vmem>>, vector<1x16xf32>,
        %swap3A_295 = vector.shape_cast %swap3A_294 : vector<1x16xf32> to vector<16xf32>
        %swap3A_296 = vector.shape_cast %add3A_291 : vector<16xf32> to vector<1x16xf32>
        tpu.vector_store %arg18[%swap3A_292, %swap3A_293], %swap3A_296 {strides = array<i32>} : memref<80x100xf32, #tpu.memory_space<vmem>>, vector<1x16xf32>,
        %get3A_297 = arith.index_cast %scan3A_154 : i32 to index
        %get3A_298 = arith.constant 84 : index
        %get3A_299 = tpu.vector_load %arg13[%get3A_297, %get3A_298] {strides = array<i32>} : memref<80x128xf32, #tpu.memory_space<vmem>>, vector<1x16xf32>,
        %get3A_300 = vector.shape_cast %get3A_299 : vector<1x16xf32> to vector<16xf32>
        %get3A_301 = arith.index_cast %scan3A_154 : i32 to index
        %get3A_302 = arith.constant 84 : index
        %get3A_303 = tpu.vector_load %arg14[%get3A_301, %get3A_302] {strides = array<i32>} : memref<80x128xf32, #tpu.memory_space<vmem>>, vector<1x16xf32>,
        %get3A_304 = vector.shape_cast %get3A_303 : vector<1x16xf32> to vector<16xf32>
        %add3A_305 = arith.addf %get3A_300, %get3A_304 : vector<16xf32>
        %get3A_306 = arith.index_cast %scan3A_154 : i32 to index
        %get3A_307 = arith.constant 84 : index
        %get3A_308 = tpu.vector_load %arg15[%get3A_306, %get3A_307] {strides = array<i32>} : memref<80x128xf32, #tpu.memory_space<vmem>>, vector<1x16xf32>,
        %get3A_309 = vector.shape_cast %get3A_308 : vector<1x16xf32> to vector<16xf32>
        %get3A_310 = arith.index_cast %scan3A_154 : i32 to index
        %get3A_311 = arith.constant 84 : index
        %get3A_312 = tpu.vector_load %arg16[%get3A_310, %get3A_311] {strides = array<i32>} : memref<80x128xf32, #tpu.memory_space<vmem>>, vector<1x16xf32>,
        %get3A_313 = vector.shape_cast %get3A_312 : vector<1x16xf32> to vector<16xf32>
        %add3A_314 = arith.addf %get3A_309, %get3A_313 : vector<16xf32>
        %add3A_315 = arith.addf %add3A_305, %add3A_314 : vector<16xf32>
        %swap3A_316 = arith.index_cast %scan3A_154 : i32 to index
        %swap3A_317 = arith.constant 84 : index
        %swap3A_318 = tpu.vector_load %arg18[%swap3A_316, %swap3A_317] {strides = array<i32>} : memref<80x100xf32, #tpu.memory_space<vmem>>, vector<1x16xf32>,
        %swap3A_319 = vector.shape_cast %swap3A_318 : vector<1x16xf32> to vector<16xf32>
        %swap3A_320 = vector.shape_cast %add3A_315 : vector<16xf32> to vector<1x16xf32>
        tpu.vector_store %arg18[%swap3A_316, %swap3A_317], %swap3A_320 {strides = array<i32>} : memref<80x100xf32, #tpu.memory_space<vmem>>, vector<1x16xf32>,
      }
      %scan3A_138 = arith.constant 80 : i32
      %mul3A_139 = arith.constant 80 : i32
      %mul3A_140 = arith.muli %add3A_25, %mul3A_139 : i32
      %add3A_141 = arith.addi %mul3A_4, %mul3A_140 : i32
      %dma_start3A_142 = arith.constant 0 : i32
      %dma_start3A_143 = tpu.memref_slice %arg7[%add3A_141, %dma_start3A_142] : memref<20480x100xf32, #tpu.memory_space<hbm>> -> memref<80x100xf32, #tpu.memory_space<hbm>>
      %dma_start3A_144 = arith.constant 0 : i32
      %dma_start3A_145 = tpu.memref_slice %arg7[%add3A_141, %dma_start3A_144] : memref<20480x100xf32, #tpu.memory_space<hbm>> -> memref<80x100xf32, #tpu.memory_space<hbm>>
      tpu.enqueue_dma source(%arg18 : memref<80x100xf32, #tpu.memory_space<vmem>>) target(%dma_start3A_145 : memref<80x100xf32, #tpu.memory_space<hbm>>) target_semaphore(%arg22 : memref<!tpu.dma_semaphore, #tpu.memory_space<semaphore_mem>>)
      %dma_wait3A_146 = arith.constant 0 : i32
      %dma_wait3A_147 = tpu.memref_slice %arg7[%add3A_112, %dma_wait3A_146] : memref<20480x100xf32, #tpu.memory_space<hbm>> -> memref<80x100xf32, #tpu.memory_space<hbm>>
      %dma_wait3A_148 = arith.constant 0 : i32
      %dma_wait3A_149 = tpu.memref_slice %arg7[%add3A_112, %dma_wait3A_148] : memref<20480x100xf32, #tpu.memory_space<hbm>> -> memref<80x100xf32, #tpu.memory_space<hbm>>
      tpu.wait_dma2 semaphore(%arg21 : memref<!tpu.dma_semaphore, #tpu.memory_space<semaphore_mem>>) src(%arg17 : memref<80x100xf32, #tpu.memory_space<vmem>>) dst(%dma_wait3A_149 : memref<80x100xf32, #tpu.memory_space<hbm>>)
      %dma_wait3A_150 = arith.constant 0 : i32
      %dma_wait3A_151 = tpu.memref_slice %arg7[%add3A_141, %dma_wait3A_150] : memref<20480x100xf32, #tpu.memory_space<hbm>> -> memref<80x100xf32, #tpu.memory_space<hbm>>
      %dma_wait3A_152 = arith.constant 0 : i32
      %dma_wait3A_153 = tpu.memref_slice %arg7[%add3A_141, %dma_wait3A_152] : memref<20480x100xf32, #tpu.memory_space<hbm>> -> memref<80x100xf32, #tpu.memory_space<hbm>>
      tpu.wait_dma2 semaphore(%arg22 : memref<!tpu.dma_semaphore, #tpu.memory_space<semaphore_mem>>) src(%arg18 : memref<80x100xf32, #tpu.memory_space<vmem>>) dst(%dma_wait3A_153 : memref<80x100xf32, #tpu.memory_space<hbm>>)
    }
    %scan3A_20 = arith.constant 4 : i32
    return
  }
}

#map = affine_map<(d0, d1) -> (0, 0)>
module attributes {stable_mosaic.version = 14 : i64} {
  func.func @k(%arg0: i32, %arg1: i32, %arg2: memref<4x102400xi32, #tpu.memory_space<hbm>>, %arg3: memref<100000x128xf32, #tpu.memory_space<hbm>>, %arg4: memref<100000x128xf32, #tpu.memory_space<hbm>>, %arg5: memref<100000x128xf32, #tpu.memory_space<hbm>>, %arg6: memref<100000x128xf32, #tpu.memory_space<hbm>>, %arg7: memref<20480x100xf32, #tpu.memory_space<hbm>>, %arg8: memref<2560xi32, #tpu.memory_space<vmem>>, %arg9: memref<80x128xf32, #tpu.memory_space<vmem>>, %arg10: memref<80x128xf32, #tpu.memory_space<vmem>>, %arg11: memref<80x128xf32, #tpu.memory_space<vmem>>, %arg12: memref<80x128xf32, #tpu.memory_space<vmem>>, %arg13: memref<80x128xf32, #tpu.memory_space<vmem>>, %arg14: memref<80x128xf32, #tpu.memory_space<vmem>>, %arg15: memref<80x128xf32, #tpu.memory_space<vmem>>, %arg16: memref<80x128xf32, #tpu.memory_space<vmem>>, %arg17: memref<80x100xf32, #tpu.memory_space<vmem>>, %arg18: memref<80x100xf32, #tpu.memory_space<vmem>>, %arg19: memref<!tpu.dma_semaphore, #tpu.memory_space<semaphore_mem>>, %arg20: memref<!tpu.dma_semaphore, #tpu.memory_space<semaphore_mem>>, %arg21: memref<!tpu.dma_semaphore, #tpu.memory_space<semaphore_mem>>, %arg22: memref<!tpu.dma_semaphore, #tpu.memory_space<semaphore_mem>>) attributes {dimension_semantics = [#tpu.dimension_semantics<core_parallel>, #tpu.dimension_semantics<subcore_parallel>], iteration_bounds = array<i64: 2, 16>, scalar_prefetch = 0 : i64, scratch_operands = 15 : i64, tpu.core_type = #tpu.core_type<sc_vector_subcore>, window_params = [{transform_indices = #map}, {transform_indices = #map}, {transform_indices = #map}, {transform_indices = #map}, {transform_indices = #map}, {transform_indices = #map}]} {
    %mul3A = arith.constant 16 : i32
    %mul3A_0 = arith.muli %arg0, %mul3A : i32
    %add3A = arith.addi %mul3A_0, %arg1 : i32
    %mul3A_1 = arith.constant 80 : i32
    %mul3A_2 = arith.muli %mul3A_1, %add3A : i32
    %mul3A_3 = arith.constant 8 : i32
    %mul3A_4 = arith.muli %mul3A_2, %mul3A_3 : i32
    %add3A_5 = arith.constant 0 : i32
    %add3A_6 = arith.addi %add3A_5, %mul3A_4 : i32
    %run_scoped3A = arith.constant 0 : i32
    "tpu.region"() ({
      %run_scoped3A_21 = tpu.sem_alloc : memref<!tpu.dma_semaphore, #tpu.memory_space<semaphore_mem>>
      %dma_start3A = arith.constant 0 : i32
      %dma_start3A_22 = tpu.memref_slice %arg8[%dma_start3A] : memref<2560xi32, #tpu.memory_space<vmem>> -> memref<640xi32, #tpu.memory_space<vmem>>
      %dma_start3A_23 = tpu.memref_slice %arg2[%run_scoped3A, %add3A_6] : memref<4x102400xi32, #tpu.memory_space<hbm>> -> memref<1x640xi32, #tpu.memory_space<hbm>>
      %dma_start3A_24 = tpu.memref_squeeze %dma_start3A_23 : memref<1x640xi32, #tpu.memory_space<hbm>> -> memref<640xi32, #tpu.memory_space<hbm>>
      %dma_start3A_25 = arith.constant 0 : i32
      %dma_start3A_26 = tpu.memref_slice %arg8[%dma_start3A_25] : memref<2560xi32, #tpu.memory_space<vmem>> -> memref<640xi32, #tpu.memory_space<vmem>>
      %dma_start3A_27 = tpu.memref_slice %arg2[%run_scoped3A, %add3A_6] : memref<4x102400xi32, #tpu.memory_space<hbm>> -> memref<1x640xi32, #tpu.memory_space<hbm>>
      %dma_start3A_28 = tpu.memref_squeeze %dma_start3A_27 : memref<1x640xi32, #tpu.memory_space<hbm>> -> memref<640xi32, #tpu.memory_space<hbm>>
      tpu.enqueue_dma source(%dma_start3A_28 : memref<640xi32, #tpu.memory_space<hbm>>) target(%dma_start3A_26 : memref<640xi32, #tpu.memory_space<vmem>>) target_semaphore(%run_scoped3A_21 : memref<!tpu.dma_semaphore, #tpu.memory_space<semaphore_mem>>)
      %dma_wait3A = arith.constant 0 : i32
      %dma_wait3A_29 = tpu.memref_slice %arg8[%dma_wait3A] : memref<2560xi32, #tpu.memory_space<vmem>> -> memref<640xi32, #tpu.memory_space<vmem>>
      %dma_wait3A_30 = tpu.memref_slice %arg2[%run_scoped3A, %add3A_6] : memref<4x102400xi32, #tpu.memory_space<hbm>> -> memref<1x640xi32, #tpu.memory_space<hbm>>
      %dma_wait3A_31 = tpu.memref_squeeze %dma_wait3A_30 : memref<1x640xi32, #tpu.memory_space<hbm>> -> memref<640xi32, #tpu.memory_space<hbm>>
      %dma_wait3A_32 = arith.constant 0 : i32
      %dma_wait3A_33 = tpu.memref_slice %arg8[%dma_wait3A_32] : memref<2560xi32, #tpu.memory_space<vmem>> -> memref<640xi32, #tpu.memory_space<vmem>>
      %dma_wait3A_34 = tpu.memref_slice %arg2[%run_scoped3A, %add3A_6] : memref<4x102400xi32, #tpu.memory_space<hbm>> -> memref<1x640xi32, #tpu.memory_space<hbm>>
      %dma_wait3A_35 = tpu.memref_squeeze %dma_wait3A_34 : memref<1x640xi32, #tpu.memory_space<hbm>> -> memref<640xi32, #tpu.memory_space<hbm>>
      tpu.wait_dma2 semaphore(%run_scoped3A_21 : memref<!tpu.dma_semaphore, #tpu.memory_space<semaphore_mem>>) src(%dma_wait3A_35 : memref<640xi32, #tpu.memory_space<hbm>>) dst(%dma_wait3A_33 : memref<640xi32, #tpu.memory_space<vmem>>)
      tpu.yield
    }) : () -> ()
    %add3A_7 = arith.constant 0 : i32
    %add3A_8 = arith.addi %add3A_7, %mul3A_4 : i32
    %run_scoped3A_9 = arith.constant 1 : i32
    "tpu.region"() ({
      %run_scoped3A_21 = tpu.sem_alloc : memref<!tpu.dma_semaphore, #tpu.memory_space<semaphore_mem>>
      %dma_start3A = arith.constant 640 : i32
      %dma_start3A_22 = tpu.memref_slice %arg8[%dma_start3A] : memref<2560xi32, #tpu.memory_space<vmem>> -> memref<640xi32, #tpu.memory_space<vmem>>
      %dma_start3A_23 = tpu.memref_slice %arg2[%run_scoped3A_9, %add3A_8] : memref<4x102400xi32, #tpu.memory_space<hbm>> -> memref<1x640xi32, #tpu.memory_space<hbm>>
      %dma_start3A_24 = tpu.memref_squeeze %dma_start3A_23 : memref<1x640xi32, #tpu.memory_space<hbm>> -> memref<640xi32, #tpu.memory_space<hbm>>
      %dma_start3A_25 = arith.constant 640 : i32
      %dma_start3A_26 = tpu.memref_slice %arg8[%dma_start3A_25] : memref<2560xi32, #tpu.memory_space<vmem>> -> memref<640xi32, #tpu.memory_space<vmem>>
      %dma_start3A_27 = tpu.memref_slice %arg2[%run_scoped3A_9, %add3A_8] : memref<4x102400xi32, #tpu.memory_space<hbm>> -> memref<1x640xi32, #tpu.memory_space<hbm>>
      %dma_start3A_28 = tpu.memref_squeeze %dma_start3A_27 : memref<1x640xi32, #tpu.memory_space<hbm>> -> memref<640xi32, #tpu.memory_space<hbm>>
      tpu.enqueue_dma source(%dma_start3A_28 : memref<640xi32, #tpu.memory_space<hbm>>) target(%dma_start3A_26 : memref<640xi32, #tpu.memory_space<vmem>>) target_semaphore(%run_scoped3A_21 : memref<!tpu.dma_semaphore, #tpu.memory_space<semaphore_mem>>)
      %dma_wait3A = arith.constant 640 : i32
      %dma_wait3A_29 = tpu.memref_slice %arg8[%dma_wait3A] : memref<2560xi32, #tpu.memory_space<vmem>> -> memref<640xi32, #tpu.memory_space<vmem>>
      %dma_wait3A_30 = tpu.memref_slice %arg2[%run_scoped3A_9, %add3A_8] : memref<4x102400xi32, #tpu.memory_space<hbm>> -> memref<1x640xi32, #tpu.memory_space<hbm>>
      %dma_wait3A_31 = tpu.memref_squeeze %dma_wait3A_30 : memref<1x640xi32, #tpu.memory_space<hbm>> -> memref<640xi32, #tpu.memory_space<hbm>>
      %dma_wait3A_32 = arith.constant 640 : i32
      %dma_wait3A_33 = tpu.memref_slice %arg8[%dma_wait3A_32] : memref<2560xi32, #tpu.memory_space<vmem>> -> memref<640xi32, #tpu.memory_space<vmem>>
      %dma_wait3A_34 = tpu.memref_slice %arg2[%run_scoped3A_9, %add3A_8] : memref<4x102400xi32, #tpu.memory_space<hbm>> -> memref<1x640xi32, #tpu.memory_space<hbm>>
      %dma_wait3A_35 = tpu.memref_squeeze %dma_wait3A_34 : memref<1x640xi32, #tpu.memory_space<hbm>> -> memref<640xi32, #tpu.memory_space<hbm>>
      tpu.wait_dma2 semaphore(%run_scoped3A_21 : memref<!tpu.dma_semaphore, #tpu.memory_space<semaphore_mem>>) src(%dma_wait3A_35 : memref<640xi32, #tpu.memory_space<hbm>>) dst(%dma_wait3A_33 : memref<640xi32, #tpu.memory_space<vmem>>)
      tpu.yield
    }) : () -> ()
    %add3A_10 = arith.constant 0 : i32
    %add3A_11 = arith.addi %add3A_10, %mul3A_4 : i32
    %run_scoped3A_12 = arith.constant 2 : i32
    "tpu.region"() ({
      %run_scoped3A_21 = tpu.sem_alloc : memref<!tpu.dma_semaphore, #tpu.memory_space<semaphore_mem>>
      %dma_start3A = arith.constant 1280 : i32
      %dma_start3A_22 = tpu.memref_slice %arg8[%dma_start3A] : memref<2560xi32, #tpu.memory_space<vmem>> -> memref<640xi32, #tpu.memory_space<vmem>>
      %dma_start3A_23 = tpu.memref_slice %arg2[%run_scoped3A_12, %add3A_11] : memref<4x102400xi32, #tpu.memory_space<hbm>> -> memref<1x640xi32, #tpu.memory_space<hbm>>
      %dma_start3A_24 = tpu.memref_squeeze %dma_start3A_23 : memref<1x640xi32, #tpu.memory_space<hbm>> -> memref<640xi32, #tpu.memory_space<hbm>>
      %dma_start3A_25 = arith.constant 1280 : i32
      %dma_start3A_26 = tpu.memref_slice %arg8[%dma_start3A_25] : memref<2560xi32, #tpu.memory_space<vmem>> -> memref<640xi32, #tpu.memory_space<vmem>>
      %dma_start3A_27 = tpu.memref_slice %arg2[%run_scoped3A_12, %add3A_11] : memref<4x102400xi32, #tpu.memory_space<hbm>> -> memref<1x640xi32, #tpu.memory_space<hbm>>
      %dma_start3A_28 = tpu.memref_squeeze %dma_start3A_27 : memref<1x640xi32, #tpu.memory_space<hbm>> -> memref<640xi32, #tpu.memory_space<hbm>>
      tpu.enqueue_dma source(%dma_start3A_28 : memref<640xi32, #tpu.memory_space<hbm>>) target(%dma_start3A_26 : memref<640xi32, #tpu.memory_space<vmem>>) target_semaphore(%run_scoped3A_21 : memref<!tpu.dma_semaphore, #tpu.memory_space<semaphore_mem>>)
      %dma_wait3A = arith.constant 1280 : i32
      %dma_wait3A_29 = tpu.memref_slice %arg8[%dma_wait3A] : memref<2560xi32, #tpu.memory_space<vmem>> -> memref<640xi32, #tpu.memory_space<vmem>>
      %dma_wait3A_30 = tpu.memref_slice %arg2[%run_scoped3A_12, %add3A_11] : memref<4x102400xi32, #tpu.memory_space<hbm>> -> memref<1x640xi32, #tpu.memory_space<hbm>>
      %dma_wait3A_31 = tpu.memref_squeeze %dma_wait3A_30 : memref<1x640xi32, #tpu.memory_space<hbm>> -> memref<640xi32, #tpu.memory_space<hbm>>
      %dma_wait3A_32 = arith.constant 1280 : i32
      %dma_wait3A_33 = tpu.memref_slice %arg8[%dma_wait3A_32] : memref<2560xi32, #tpu.memory_space<vmem>> -> memref<640xi32, #tpu.memory_space<vmem>>
      %dma_wait3A_34 = tpu.memref_slice %arg2[%run_scoped3A_12, %add3A_11] : memref<4x102400xi32, #tpu.memory_space<hbm>> -> memref<1x640xi32, #tpu.memory_space<hbm>>
      %dma_wait3A_35 = tpu.memref_squeeze %dma_wait3A_34 : memref<1x640xi32, #tpu.memory_space<hbm>> -> memref<640xi32, #tpu.memory_space<hbm>>
      tpu.wait_dma2 semaphore(%run_scoped3A_21 : memref<!tpu.dma_semaphore, #tpu.memory_space<semaphore_mem>>) src(%dma_wait3A_35 : memref<640xi32, #tpu.memory_space<hbm>>) dst(%dma_wait3A_33 : memref<640xi32, #tpu.memory_space<vmem>>)
      tpu.yield
    }) : () -> ()
    %add3A_13 = arith.constant 0 : i32
    %add3A_14 = arith.addi %add3A_13, %mul3A_4 : i32
    %run_scoped3A_15 = arith.constant 3 : i32
    "tpu.region"() ({
      %run_scoped3A_21 = tpu.sem_alloc : memref<!tpu.dma_semaphore, #tpu.memory_space<semaphore_mem>>
      %dma_start3A = arith.constant 1920 : i32
      %dma_start3A_22 = tpu.memref_slice %arg8[%dma_start3A] : memref<2560xi32, #tpu.memory_space<vmem>> -> memref<640xi32, #tpu.memory_space<vmem>>
      %dma_start3A_23 = tpu.memref_slice %arg2[%run_scoped3A_15, %add3A_14] : memref<4x102400xi32, #tpu.memory_space<hbm>> -> memref<1x640xi32, #tpu.memory_space<hbm>>
      %dma_start3A_24 = tpu.memref_squeeze %dma_start3A_23 : memref<1x640xi32, #tpu.memory_space<hbm>> -> memref<640xi32, #tpu.memory_space<hbm>>
      %dma_start3A_25 = arith.constant 1920 : i32
      %dma_start3A_26 = tpu.memref_slice %arg8[%dma_start3A_25] : memref<2560xi32, #tpu.memory_space<vmem>> -> memref<640xi32, #tpu.memory_space<vmem>>
      %dma_start3A_27 = tpu.memref_slice %arg2[%run_scoped3A_15, %add3A_14] : memref<4x102400xi32, #tpu.memory_space<hbm>> -> memref<1x640xi32, #tpu.memory_space<hbm>>
      %dma_start3A_28 = tpu.memref_squeeze %dma_start3A_27 : memref<1x640xi32, #tpu.memory_space<hbm>> -> memref<640xi32, #tpu.memory_space<hbm>>
      tpu.enqueue_dma source(%dma_start3A_28 : memref<640xi32, #tpu.memory_space<hbm>>) target(%dma_start3A_26 : memref<640xi32, #tpu.memory_space<vmem>>) target_semaphore(%run_scoped3A_21 : memref<!tpu.dma_semaphore, #tpu.memory_space<semaphore_mem>>)
      %dma_wait3A = arith.constant 1920 : i32
      %dma_wait3A_29 = tpu.memref_slice %arg8[%dma_wait3A] : memref<2560xi32, #tpu.memory_space<vmem>> -> memref<640xi32, #tpu.memory_space<vmem>>
      %dma_wait3A_30 = tpu.memref_slice %arg2[%run_scoped3A_15, %add3A_14] : memref<4x102400xi32, #tpu.memory_space<hbm>> -> memref<1x640xi32, #tpu.memory_space<hbm>>
      %dma_wait3A_31 = tpu.memref_squeeze %dma_wait3A_30 : memref<1x640xi32, #tpu.memory_space<hbm>> -> memref<640xi32, #tpu.memory_space<hbm>>
      %dma_wait3A_32 = arith.constant 1920 : i32
      %dma_wait3A_33 = tpu.memref_slice %arg8[%dma_wait3A_32] : memref<2560xi32, #tpu.memory_space<vmem>> -> memref<640xi32, #tpu.memory_space<vmem>>
      %dma_wait3A_34 = tpu.memref_slice %arg2[%run_scoped3A_15, %add3A_14] : memref<4x102400xi32, #tpu.memory_space<hbm>> -> memref<1x640xi32, #tpu.memory_space<hbm>>
      %dma_wait3A_35 = tpu.memref_squeeze %dma_wait3A_34 : memref<1x640xi32, #tpu.memory_space<hbm>> -> memref<640xi32, #tpu.memory_space<hbm>>
      tpu.wait_dma2 semaphore(%run_scoped3A_21 : memref<!tpu.dma_semaphore, #tpu.memory_space<semaphore_mem>>) src(%dma_wait3A_35 : memref<640xi32, #tpu.memory_space<hbm>>) dst(%dma_wait3A_33 : memref<640xi32, #tpu.memory_space<vmem>>)
      tpu.yield
    }) : () -> ()
    %scan3A = arith.constant 0 : i32
    %scan3A_16 = arith.constant 0 : i32
    %scan3A_17 = arith.constant 4 : i32
    %scan3A_18 = arith.addi %scan3A_16, %scan3A_17 : i32
    %scan3A_19 = arith.constant 1 : i32
    scf.for %scan3A_21 = %scan3A_16 to %scan3A_18 step %scan3A_19  : i32 {
      %mul3A_22 = arith.constant 2 : i32
      %mul3A_23 = arith.muli %mul3A_22, %scan3A_21 : i32
      %add3A_24 = arith.constant 1 : i32
      %add3A_25 = arith.addi %mul3A_23, %add3A_24 : i32
      %mul3A_26 = arith.constant 80 : i32
      %mul3A_27 = arith.muli %mul3A_23, %mul3A_26 : i32
      %add3A_28 = arith.constant 0 : i32
      %add3A_29 = arith.addi %add3A_28, %mul3A_27 : i32
      %dma_start3A = tpu.memref_slice %arg8[%add3A_29] : memref<2560xi32, #tpu.memory_space<vmem>> -> memref<80xi32, #tpu.memory_space<vmem>>
      %dma_start3A_30 = arith.constant 0 : i32
      %dma_start3A_31 = arith.constant 0 : i32
      %dma_start3A_32 = tpu.memref_slice %arg3[%dma_start3A_30, %dma_start3A_31] : memref<100000x128xf32, #tpu.memory_space<hbm>> -> memref<100000x128xf32, #tpu.memory_space<hbm>>
      tpu.enqueue_indirect_dma source(%dma_start3A_32 : memref<100000x128xf32, #tpu.memory_space<hbm>>) target(%arg9 : memref<80x128xf32, #tpu.memory_space<vmem>>) offsets(%dma_start3A : memref<80xi32, #tpu.memory_space<vmem>>) semaphore(%arg19 : memref<!tpu.dma_semaphore, #tpu.memory_space<semaphore_mem>>)
      %mul3A_33 = arith.constant 80 : i32
      %mul3A_34 = arith.muli %mul3A_23, %mul3A_33 : i32
      %add3A_35 = arith.constant 640 : i32
      %add3A_36 = arith.addi %add3A_35, %mul3A_34 : i32
      %dma_start3A_37 = tpu.memref_slice %arg8[%add3A_36] : memref<2560xi32, #tpu.memory_space<vmem>> -> memref<80xi32, #tpu.memory_space<vmem>>
      %dma_start3A_38 = arith.constant 0 : i32
      %dma_start3A_39 = arith.constant 0 : i32
      %dma_start3A_40 = tpu.memref_slice %arg4[%dma_start3A_38, %dma_start3A_39] : memref<100000x128xf32, #tpu.memory_space<hbm>> -> memref<100000x128xf32, #tpu.memory_space<hbm>>
      tpu.enqueue_indirect_dma source(%dma_start3A_40 : memref<100000x128xf32, #tpu.memory_space<hbm>>) target(%arg10 : memref<80x128xf32, #tpu.memory_space<vmem>>) offsets(%dma_start3A_37 : memref<80xi32, #tpu.memory_space<vmem>>) semaphore(%arg19 : memref<!tpu.dma_semaphore, #tpu.memory_space<semaphore_mem>>)
      %mul3A_41 = arith.constant 80 : i32
      %mul3A_42 = arith.muli %mul3A_23, %mul3A_41 : i32
      %add3A_43 = arith.constant 1280 : i32
      %add3A_44 = arith.addi %add3A_43, %mul3A_42 : i32
      %dma_start3A_45 = tpu.memref_slice %arg8[%add3A_44] : memref<2560xi32, #tpu.memory_space<vmem>> -> memref<80xi32, #tpu.memory_space<vmem>>
      %dma_start3A_46 = arith.constant 0 : i32
      %dma_start3A_47 = arith.constant 0 : i32
      %dma_start3A_48 = tpu.memref_slice %arg5[%dma_start3A_46, %dma_start3A_47] : memref<100000x128xf32, #tpu.memory_space<hbm>> -> memref<100000x128xf32, #tpu.memory_space<hbm>>
      tpu.enqueue_indirect_dma source(%dma_start3A_48 : memref<100000x128xf32, #tpu.memory_space<hbm>>) target(%arg11 : memref<80x128xf32, #tpu.memory_space<vmem>>) offsets(%dma_start3A_45 : memref<80xi32, #tpu.memory_space<vmem>>) semaphore(%arg19 : memref<!tpu.dma_semaphore, #tpu.memory_space<semaphore_mem>>)
      %mul3A_49 = arith.constant 80 : i32
      %mul3A_50 = arith.muli %mul3A_23, %mul3A_49 : i32
      %add3A_51 = arith.constant 1920 : i32
      %add3A_52 = arith.addi %add3A_51, %mul3A_50 : i32
      %dma_start3A_53 = tpu.memref_slice %arg8[%add3A_52] : memref<2560xi32, #tpu.memory_space<vmem>> -> memref<80xi32, #tpu.memory_space<vmem>>
      %dma_start3A_54 = arith.constant 0 : i32
      %dma_start3A_55 = arith.constant 0 : i32
      %dma_start3A_56 = tpu.memref_slice %arg6[%dma_start3A_54, %dma_start3A_55] : memref<100000x128xf32, #tpu.memory_space<hbm>> -> memref<100000x128xf32, #tpu.memory_space<hbm>>
      tpu.enqueue_indirect_dma source(%dma_start3A_56 : memref<100000x128xf32, #tpu.memory_space<hbm>>) target(%arg12 : memref<80x128xf32, #tpu.memory_space<vmem>>) offsets(%dma_start3A_53 : memref<80xi32, #tpu.memory_space<vmem>>) semaphore(%arg19 : memref<!tpu.dma_semaphore, #tpu.memory_space<semaphore_mem>>)
      %mul3A_57 = arith.constant 80 : i32
      %mul3A_58 = arith.muli %add3A_25, %mul3A_57 : i32
      %add3A_59 = arith.constant 0 : i32
      %add3A_60 = arith.addi %add3A_59, %mul3A_58 : i32
      %dma_start3A_61 = tpu.memref_slice %arg8[%add3A_60] : memref<2560xi32, #tpu.memory_space<vmem>> -> memref<80xi32, #tpu.memory_space<vmem>>
      %dma_start3A_62 = arith.constant 0 : i32
      %dma_start3A_63 = arith.constant 0 : i32
      %dma_start3A_64 = tpu.memref_slice %arg3[%dma_start3A_62, %dma_start3A_63] : memref<100000x128xf32, #tpu.memory_space<hbm>> -> memref<100000x128xf32, #tpu.memory_space<hbm>>
      tpu.enqueue_indirect_dma source(%dma_start3A_64 : memref<100000x128xf32, #tpu.memory_space<hbm>>) target(%arg13 : memref<80x128xf32, #tpu.memory_space<vmem>>) offsets(%dma_start3A_61 : memref<80xi32, #tpu.memory_space<vmem>>) semaphore(%arg20 : memref<!tpu.dma_semaphore, #tpu.memory_space<semaphore_mem>>)
      %mul3A_65 = arith.constant 80 : i32
      %mul3A_66 = arith.muli %add3A_25, %mul3A_65 : i32
      %add3A_67 = arith.constant 640 : i32
      %add3A_68 = arith.addi %add3A_67, %mul3A_66 : i32
      %dma_start3A_69 = tpu.memref_slice %arg8[%add3A_68] : memref<2560xi32, #tpu.memory_space<vmem>> -> memref<80xi32, #tpu.memory_space<vmem>>
      %dma_start3A_70 = arith.constant 0 : i32
      %dma_start3A_71 = arith.constant 0 : i32
      %dma_start3A_72 = tpu.memref_slice %arg4[%dma_start3A_70, %dma_start3A_71] : memref<100000x128xf32, #tpu.memory_space<hbm>> -> memref<100000x128xf32, #tpu.memory_space<hbm>>
      tpu.enqueue_indirect_dma source(%dma_start3A_72 : memref<100000x128xf32, #tpu.memory_space<hbm>>) target(%arg14 : memref<80x128xf32, #tpu.memory_space<vmem>>) offsets(%dma_start3A_69 : memref<80xi32, #tpu.memory_space<vmem>>) semaphore(%arg20 : memref<!tpu.dma_semaphore, #tpu.memory_space<semaphore_mem>>)
      %mul3A_73 = arith.constant 80 : i32
      %mul3A_74 = arith.muli %add3A_25, %mul3A_73 : i32
      %add3A_75 = arith.constant 1280 : i32
      %add3A_76 = arith.addi %add3A_75, %mul3A_74 : i32
      %dma_start3A_77 = tpu.memref_slice %arg8[%add3A_76] : memref<2560xi32, #tpu.memory_space<vmem>> -> memref<80xi32, #tpu.memory_space<vmem>>
      %dma_start3A_78 = arith.constant 0 : i32
      %dma_start3A_79 = arith.constant 0 : i32
      %dma_start3A_80 = tpu.memref_slice %arg5[%dma_start3A_78, %dma_start3A_79] : memref<100000x128xf32, #tpu.memory_space<hbm>> -> memref<100000x128xf32, #tpu.memory_space<hbm>>
      tpu.enqueue_indirect_dma source(%dma_start3A_80 : memref<100000x128xf32, #tpu.memory_space<hbm>>) target(%arg15 : memref<80x128xf32, #tpu.memory_space<vmem>>) offsets(%dma_start3A_77 : memref<80xi32, #tpu.memory_space<vmem>>) semaphore(%arg20 : memref<!tpu.dma_semaphore, #tpu.memory_space<semaphore_mem>>)
      %mul3A_81 = arith.constant 80 : i32
      %mul3A_82 = arith.muli %add3A_25, %mul3A_81 : i32
      %add3A_83 = arith.constant 1920 : i32
      %add3A_84 = arith.addi %add3A_83, %mul3A_82 : i32
      %dma_start3A_85 = tpu.memref_slice %arg8[%add3A_84] : memref<2560xi32, #tpu.memory_space<vmem>> -> memref<80xi32, #tpu.memory_space<vmem>>
      %dma_start3A_86 = arith.constant 0 : i32
      %dma_start3A_87 = arith.constant 0 : i32
      %dma_start3A_88 = tpu.memref_slice %arg6[%dma_start3A_86, %dma_start3A_87] : memref<100000x128xf32, #tpu.memory_space<hbm>> -> memref<100000x128xf32, #tpu.memory_space<hbm>>
      tpu.enqueue_indirect_dma source(%dma_start3A_88 : memref<100000x128xf32, #tpu.memory_space<hbm>>) target(%arg16 : memref<80x128xf32, #tpu.memory_space<vmem>>) offsets(%dma_start3A_85 : memref<80xi32, #tpu.memory_space<vmem>>) semaphore(%arg20 : memref<!tpu.dma_semaphore, #tpu.memory_space<semaphore_mem>>)
      %dma_wait3A = tpu.memref_slice %arg8[%add3A_29] : memref<2560xi32, #tpu.memory_space<vmem>> -> memref<80xi32, #tpu.memory_space<vmem>>
      %dma_wait3A_89 = arith.constant 0 : i32
      %dma_wait3A_90 = arith.constant 0 : i32
      %dma_wait3A_91 = tpu.memref_slice %arg3[%dma_wait3A_89, %dma_wait3A_90] : memref<100000x128xf32, #tpu.memory_space<hbm>> -> memref<100000x128xf32, #tpu.memory_space<hbm>>
      tpu.wait_indirect_dma semaphore(%arg19 : memref<!tpu.dma_semaphore, #tpu.memory_space<semaphore_mem>>) src(%dma_wait3A_91 : memref<100000x128xf32, #tpu.memory_space<hbm>>) dst(%arg9 : memref<80x128xf32, #tpu.memory_space<vmem>>)
      %dma_wait3A_92 = tpu.memref_slice %arg8[%add3A_36] : memref<2560xi32, #tpu.memory_space<vmem>> -> memref<80xi32, #tpu.memory_space<vmem>>
      %dma_wait3A_93 = arith.constant 0 : i32
      %dma_wait3A_94 = arith.constant 0 : i32
      %dma_wait3A_95 = tpu.memref_slice %arg4[%dma_wait3A_93, %dma_wait3A_94] : memref<100000x128xf32, #tpu.memory_space<hbm>> -> memref<100000x128xf32, #tpu.memory_space<hbm>>
      tpu.wait_indirect_dma semaphore(%arg19 : memref<!tpu.dma_semaphore, #tpu.memory_space<semaphore_mem>>) src(%dma_wait3A_95 : memref<100000x128xf32, #tpu.memory_space<hbm>>) dst(%arg10 : memref<80x128xf32, #tpu.memory_space<vmem>>)
      %dma_wait3A_96 = tpu.memref_slice %arg8[%add3A_44] : memref<2560xi32, #tpu.memory_space<vmem>> -> memref<80xi32, #tpu.memory_space<vmem>>
      %dma_wait3A_97 = arith.constant 0 : i32
      %dma_wait3A_98 = arith.constant 0 : i32
      %dma_wait3A_99 = tpu.memref_slice %arg5[%dma_wait3A_97, %dma_wait3A_98] : memref<100000x128xf32, #tpu.memory_space<hbm>> -> memref<100000x128xf32, #tpu.memory_space<hbm>>
      tpu.wait_indirect_dma semaphore(%arg19 : memref<!tpu.dma_semaphore, #tpu.memory_space<semaphore_mem>>) src(%dma_wait3A_99 : memref<100000x128xf32, #tpu.memory_space<hbm>>) dst(%arg11 : memref<80x128xf32, #tpu.memory_space<vmem>>)
      %dma_wait3A_100 = tpu.memref_slice %arg8[%add3A_52] : memref<2560xi32, #tpu.memory_space<vmem>> -> memref<80xi32, #tpu.memory_space<vmem>>
      %dma_wait3A_101 = arith.constant 0 : i32
      %dma_wait3A_102 = arith.constant 0 : i32
      %dma_wait3A_103 = tpu.memref_slice %arg6[%dma_wait3A_101, %dma_wait3A_102] : memref<100000x128xf32, #tpu.memory_space<hbm>> -> memref<100000x128xf32, #tpu.memory_space<hbm>>
      tpu.wait_indirect_dma semaphore(%arg19 : memref<!tpu.dma_semaphore, #tpu.memory_space<semaphore_mem>>) src(%dma_wait3A_103 : memref<100000x128xf32, #tpu.memory_space<hbm>>) dst(%arg12 : memref<80x128xf32, #tpu.memory_space<vmem>>)
      %scan3A_104 = arith.constant 0 : i32
      %scan3A_105 = arith.constant 0 : i32
      %scan3A_106 = arith.constant 80 : i32
      %scan3A_107 = arith.addi %scan3A_105, %scan3A_106 : i32
      %scan3A_108 = arith.constant 1 : i32
      scf.for %scan3A_154 = %scan3A_105 to %scan3A_107 step %scan3A_108  : i32 {
        %get3A = arith.index_cast %scan3A_154 : i32 to index
        %get3A_155 = arith.constant 0 : index
        %get3A_156 = tpu.vector_load %arg9[%get3A, %get3A_155] {strides = array<i32>} : memref<80x128xf32, #tpu.memory_space<vmem>>, vector<1x16xf32>,
        %get3A_157 = vector.shape_cast %get3A_156 : vector<1x16xf32> to vector<16xf32>
        %get3A_158 = arith.index_cast %scan3A_154 : i32 to index
        %get3A_159 = arith.constant 0 : index
        %get3A_160 = tpu.vector_load %arg10[%get3A_158, %get3A_159] {strides = array<i32>} : memref<80x128xf32, #tpu.memory_space<vmem>>, vector<1x16xf32>,
        %get3A_161 = vector.shape_cast %get3A_160 : vector<1x16xf32> to vector<16xf32>
        %add3A_162 = arith.addf %get3A_157, %get3A_161 : vector<16xf32>
        %get3A_163 = arith.index_cast %scan3A_154 : i32 to index
        %get3A_164 = arith.constant 0 : index
        %get3A_165 = tpu.vector_load %arg11[%get3A_163, %get3A_164] {strides = array<i32>} : memref<80x128xf32, #tpu.memory_space<vmem>>, vector<1x16xf32>,
        %get3A_166 = vector.shape_cast %get3A_165 : vector<1x16xf32> to vector<16xf32>
        %get3A_167 = arith.index_cast %scan3A_154 : i32 to index
        %get3A_168 = arith.constant 0 : index
        %get3A_169 = tpu.vector_load %arg12[%get3A_167, %get3A_168] {strides = array<i32>} : memref<80x128xf32, #tpu.memory_space<vmem>>, vector<1x16xf32>,
        %get3A_170 = vector.shape_cast %get3A_169 : vector<1x16xf32> to vector<16xf32>
        %add3A_171 = arith.addf %get3A_166, %get3A_170 : vector<16xf32>
        %add3A_172 = arith.addf %add3A_162, %add3A_171 : vector<16xf32>
        %swap3A = arith.index_cast %scan3A_154 : i32 to index
        %swap3A_173 = arith.constant 0 : index
        %swap3A_174 = tpu.vector_load %arg17[%swap3A, %swap3A_173] {strides = array<i32>} : memref<80x100xf32, #tpu.memory_space<vmem>>, vector<1x16xf32>,
        %swap3A_175 = vector.shape_cast %swap3A_174 : vector<1x16xf32> to vector<16xf32>
        %swap3A_176 = vector.shape_cast %add3A_172 : vector<16xf32> to vector<1x16xf32>
        tpu.vector_store %arg17[%swap3A, %swap3A_173], %swap3A_176 {strides = array<i32>} : memref<80x100xf32, #tpu.memory_space<vmem>>, vector<1x16xf32>,
        %get3A_177 = arith.index_cast %scan3A_154 : i32 to index
        %get3A_178 = arith.constant 16 : index
        %get3A_179 = tpu.vector_load %arg9[%get3A_177, %get3A_178] {strides = array<i32>} : memref<80x128xf32, #tpu.memory_space<vmem>>, vector<1x16xf32>,
        %get3A_180 = vector.shape_cast %get3A_179 : vector<1x16xf32> to vector<16xf32>
        %get3A_181 = arith.index_cast %scan3A_154 : i32 to index
        %get3A_182 = arith.constant 16 : index
        %get3A_183 = tpu.vector_load %arg10[%get3A_181, %get3A_182] {strides = array<i32>} : memref<80x128xf32, #tpu.memory_space<vmem>>, vector<1x16xf32>,
        %get3A_184 = vector.shape_cast %get3A_183 : vector<1x16xf32> to vector<16xf32>
        %add3A_185 = arith.addf %get3A_180, %get3A_184 : vector<16xf32>
        %get3A_186 = arith.index_cast %scan3A_154 : i32 to index
        %get3A_187 = arith.constant 16 : index
        %get3A_188 = tpu.vector_load %arg11[%get3A_186, %get3A_187] {strides = array<i32>} : memref<80x128xf32, #tpu.memory_space<vmem>>, vector<1x16xf32>,
        %get3A_189 = vector.shape_cast %get3A_188 : vector<1x16xf32> to vector<16xf32>
        %get3A_190 = arith.index_cast %scan3A_154 : i32 to index
        %get3A_191 = arith.constant 16 : index
        %get3A_192 = tpu.vector_load %arg12[%get3A_190, %get3A_191] {strides = array<i32>} : memref<80x128xf32, #tpu.memory_space<vmem>>, vector<1x16xf32>,
        %get3A_193 = vector.shape_cast %get3A_192 : vector<1x16xf32> to vector<16xf32>
        %add3A_194 = arith.addf %get3A_189, %get3A_193 : vector<16xf32>
        %add3A_195 = arith.addf %add3A_185, %add3A_194 : vector<16xf32>
        %swap3A_196 = arith.index_cast %scan3A_154 : i32 to index
        %swap3A_197 = arith.constant 16 : index
        %swap3A_198 = tpu.vector_load %arg17[%swap3A_196, %swap3A_197] {strides = array<i32>} : memref<80x100xf32, #tpu.memory_space<vmem>>, vector<1x16xf32>,
        %swap3A_199 = vector.shape_cast %swap3A_198 : vector<1x16xf32> to vector<16xf32>
        %swap3A_200 = vector.shape_cast %add3A_195 : vector<16xf32> to vector<1x16xf32>
        tpu.vector_store %arg17[%swap3A_196, %swap3A_197], %swap3A_200 {strides = array<i32>} : memref<80x100xf32, #tpu.memory_space<vmem>>, vector<1x16xf32>,
        %get3A_201 = arith.index_cast %scan3A_154 : i32 to index
        %get3A_202 = arith.constant 32 : index
        %get3A_203 = tpu.vector_load %arg9[%get3A_201, %get3A_202] {strides = array<i32>} : memref<80x128xf32, #tpu.memory_space<vmem>>, vector<1x16xf32>,
        %get3A_204 = vector.shape_cast %get3A_203 : vector<1x16xf32> to vector<16xf32>
        %get3A_205 = arith.index_cast %scan3A_154 : i32 to index
        %get3A_206 = arith.constant 32 : index
        %get3A_207 = tpu.vector_load %arg10[%get3A_205, %get3A_206] {strides = array<i32>} : memref<80x128xf32, #tpu.memory_space<vmem>>, vector<1x16xf32>,
        %get3A_208 = vector.shape_cast %get3A_207 : vector<1x16xf32> to vector<16xf32>
        %add3A_209 = arith.addf %get3A_204, %get3A_208 : vector<16xf32>
        %get3A_210 = arith.index_cast %scan3A_154 : i32 to index
        %get3A_211 = arith.constant 32 : index
        %get3A_212 = tpu.vector_load %arg11[%get3A_210, %get3A_211] {strides = array<i32>} : memref<80x128xf32, #tpu.memory_space<vmem>>, vector<1x16xf32>,
        %get3A_213 = vector.shape_cast %get3A_212 : vector<1x16xf32> to vector<16xf32>
        %get3A_214 = arith.index_cast %scan3A_154 : i32 to index
        %get3A_215 = arith.constant 32 : index
        %get3A_216 = tpu.vector_load %arg12[%get3A_214, %get3A_215] {strides = array<i32>} : memref<80x128xf32, #tpu.memory_space<vmem>>, vector<1x16xf32>,
        %get3A_217 = vector.shape_cast %get3A_216 : vector<1x16xf32> to vector<16xf32>
        %add3A_218 = arith.addf %get3A_213, %get3A_217 : vector<16xf32>
        %add3A_219 = arith.addf %add3A_209, %add3A_218 : vector<16xf32>
        %swap3A_220 = arith.index_cast %scan3A_154 : i32 to index
        %swap3A_221 = arith.constant 32 : index
        %swap3A_222 = tpu.vector_load %arg17[%swap3A_220, %swap3A_221] {strides = array<i32>} : memref<80x100xf32, #tpu.memory_space<vmem>>, vector<1x16xf32>,
        %swap3A_223 = vector.shape_cast %swap3A_222 : vector<1x16xf32> to vector<16xf32>
        %swap3A_224 = vector.shape_cast %add3A_219 : vector<16xf32> to vector<1x16xf32>
        tpu.vector_store %arg17[%swap3A_220, %swap3A_221], %swap3A_224 {strides = array<i32>} : memref<80x100xf32, #tpu.memory_space<vmem>>, vector<1x16xf32>,
        %get3A_225 = arith.index_cast %scan3A_154 : i32 to index
        %get3A_226 = arith.constant 48 : index
        %get3A_227 = tpu.vector_load %arg9[%get3A_225, %get3A_226] {strides = array<i32>} : memref<80x128xf32, #tpu.memory_space<vmem>>, vector<1x16xf32>,
        %get3A_228 = vector.shape_cast %get3A_227 : vector<1x16xf32> to vector<16xf32>
        %get3A_229 = arith.index_cast %scan3A_154 : i32 to index
        %get3A_230 = arith.constant 48 : index
        %get3A_231 = tpu.vector_load %arg10[%get3A_229, %get3A_230] {strides = array<i32>} : memref<80x128xf32, #tpu.memory_space<vmem>>, vector<1x16xf32>,
        %get3A_232 = vector.shape_cast %get3A_231 : vector<1x16xf32> to vector<16xf32>
        %add3A_233 = arith.addf %get3A_228, %get3A_232 : vector<16xf32>
        %get3A_234 = arith.index_cast %scan3A_154 : i32 to index
        %get3A_235 = arith.constant 48 : index
        %get3A_236 = tpu.vector_load %arg11[%get3A_234, %get3A_235] {strides = array<i32>} : memref<80x128xf32, #tpu.memory_space<vmem>>, vector<1x16xf32>,
        %get3A_237 = vector.shape_cast %get3A_236 : vector<1x16xf32> to vector<16xf32>
        %get3A_238 = arith.index_cast %scan3A_154 : i32 to index
        %get3A_239 = arith.constant 48 : index
        %get3A_240 = tpu.vector_load %arg12[%get3A_238, %get3A_239] {strides = array<i32>} : memref<80x128xf32, #tpu.memory_space<vmem>>, vector<1x16xf32>,
        %get3A_241 = vector.shape_cast %get3A_240 : vector<1x16xf32> to vector<16xf32>
        %add3A_242 = arith.addf %get3A_237, %get3A_241 : vector<16xf32>
        %add3A_243 = arith.addf %add3A_233, %add3A_242 : vector<16xf32>
        %swap3A_244 = arith.index_cast %scan3A_154 : i32 to index
        %swap3A_245 = arith.constant 48 : index
        %swap3A_246 = tpu.vector_load %arg17[%swap3A_244, %swap3A_245] {strides = array<i32>} : memref<80x100xf32, #tpu.memory_space<vmem>>, vector<1x16xf32>,
        %swap3A_247 = vector.shape_cast %swap3A_246 : vector<1x16xf32> to vector<16xf32>
        %swap3A_248 = vector.shape_cast %add3A_243 : vector<16xf32> to vector<1x16xf32>
        tpu.vector_store %arg17[%swap3A_244, %swap3A_245], %swap3A_248 {strides = array<i32>} : memref<80x100xf32, #tpu.memory_space<vmem>>, vector<1x16xf32>,
        %get3A_249 = arith.index_cast %scan3A_154 : i32 to index
        %get3A_250 = arith.constant 64 : index
        %get3A_251 = tpu.vector_load %arg9[%get3A_249, %get3A_250] {strides = array<i32>} : memref<80x128xf32, #tpu.memory_space<vmem>>, vector<1x16xf32>,
        %get3A_252 = vector.shape_cast %get3A_251 : vector<1x16xf32> to vector<16xf32>
        %get3A_253 = arith.index_cast %scan3A_154 : i32 to index
        %get3A_254 = arith.constant 64 : index
        %get3A_255 = tpu.vector_load %arg10[%get3A_253, %get3A_254] {strides = array<i32>} : memref<80x128xf32, #tpu.memory_space<vmem>>, vector<1x16xf32>,
        %get3A_256 = vector.shape_cast %get3A_255 : vector<1x16xf32> to vector<16xf32>
        %add3A_257 = arith.addf %get3A_252, %get3A_256 : vector<16xf32>
        %get3A_258 = arith.index_cast %scan3A_154 : i32 to index
        %get3A_259 = arith.constant 64 : index
        %get3A_260 = tpu.vector_load %arg11[%get3A_258, %get3A_259] {strides = array<i32>} : memref<80x128xf32, #tpu.memory_space<vmem>>, vector<1x16xf32>,
        %get3A_261 = vector.shape_cast %get3A_260 : vector<1x16xf32> to vector<16xf32>
        %get3A_262 = arith.index_cast %scan3A_154 : i32 to index
        %get3A_263 = arith.constant 64 : index
        %get3A_264 = tpu.vector_load %arg12[%get3A_262, %get3A_263] {strides = array<i32>} : memref<80x128xf32, #tpu.memory_space<vmem>>, vector<1x16xf32>,
        %get3A_265 = vector.shape_cast %get3A_264 : vector<1x16xf32> to vector<16xf32>
        %add3A_266 = arith.addf %get3A_261, %get3A_265 : vector<16xf32>
        %add3A_267 = arith.addf %add3A_257, %add3A_266 : vector<16xf32>
        %swap3A_268 = arith.index_cast %scan3A_154 : i32 to index
        %swap3A_269 = arith.constant 64 : index
        %swap3A_270 = tpu.vector_load %arg17[%swap3A_268, %swap3A_269] {strides = array<i32>} : memref<80x100xf32, #tpu.memory_space<vmem>>, vector<1x16xf32>,
        %swap3A_271 = vector.shape_cast %swap3A_270 : vector<1x16xf32> to vector<16xf32>
        %swap3A_272 = vector.shape_cast %add3A_267 : vector<16xf32> to vector<1x16xf32>
        tpu.vector_store %arg17[%swap3A_268, %swap3A_269], %swap3A_272 {strides = array<i32>} : memref<80x100xf32, #tpu.memory_space<vmem>>, vector<1x16xf32>,
        %get3A_273 = arith.index_cast %scan3A_154 : i32 to index
        %get3A_274 = arith.constant 80 : index
        %get3A_275 = tpu.vector_load %arg9[%get3A_273, %get3A_274] {strides = array<i32>} : memref<80x128xf32, #tpu.memory_space<vmem>>, vector<1x16xf32>,
        %get3A_276 = vector.shape_cast %get3A_275 : vector<1x16xf32> to vector<16xf32>
        %get3A_277 = arith.index_cast %scan3A_154 : i32 to index
        %get3A_278 = arith.constant 80 : index
        %get3A_279 = tpu.vector_load %arg10[%get3A_277, %get3A_278] {strides = array<i32>} : memref<80x128xf32, #tpu.memory_space<vmem>>, vector<1x16xf32>,
        %get3A_280 = vector.shape_cast %get3A_279 : vector<1x16xf32> to vector<16xf32>
        %add3A_281 = arith.addf %get3A_276, %get3A_280 : vector<16xf32>
        %get3A_282 = arith.index_cast %scan3A_154 : i32 to index
        %get3A_283 = arith.constant 80 : index
        %get3A_284 = tpu.vector_load %arg11[%get3A_282, %get3A_283] {strides = array<i32>} : memref<80x128xf32, #tpu.memory_space<vmem>>, vector<1x16xf32>,
        %get3A_285 = vector.shape_cast %get3A_284 : vector<1x16xf32> to vector<16xf32>
        %get3A_286 = arith.index_cast %scan3A_154 : i32 to index
        %get3A_287 = arith.constant 80 : index
        %get3A_288 = tpu.vector_load %arg12[%get3A_286, %get3A_287] {strides = array<i32>} : memref<80x128xf32, #tpu.memory_space<vmem>>, vector<1x16xf32>,
        %get3A_289 = vector.shape_cast %get3A_288 : vector<1x16xf32> to vector<16xf32>
        %add3A_290 = arith.addf %get3A_285, %get3A_289 : vector<16xf32>
        %add3A_291 = arith.addf %add3A_281, %add3A_290 : vector<16xf32>
        %swap3A_292 = arith.index_cast %scan3A_154 : i32 to index
        %swap3A_293 = arith.constant 80 : index
        %swap3A_294 = tpu.vector_load %arg17[%swap3A_292, %swap3A_293] {strides = array<i32>} : memref<80x100xf32, #tpu.memory_space<vmem>>, vector<1x16xf32>,
        %swap3A_295 = vector.shape_cast %swap3A_294 : vector<1x16xf32> to vector<16xf32>
        %swap3A_296 = vector.shape_cast %add3A_291 : vector<16xf32> to vector<1x16xf32>
        tpu.vector_store %arg17[%swap3A_292, %swap3A_293], %swap3A_296 {strides = array<i32>} : memref<80x100xf32, #tpu.memory_space<vmem>>, vector<1x16xf32>,
        %get3A_297 = arith.index_cast %scan3A_154 : i32 to index
        %get3A_298 = arith.constant 84 : index
        %get3A_299 = tpu.vector_load %arg9[%get3A_297, %get3A_298] {strides = array<i32>} : memref<80x128xf32, #tpu.memory_space<vmem>>, vector<1x16xf32>,
        %get3A_300 = vector.shape_cast %get3A_299 : vector<1x16xf32> to vector<16xf32>
        %get3A_301 = arith.index_cast %scan3A_154 : i32 to index
        %get3A_302 = arith.constant 84 : index
        %get3A_303 = tpu.vector_load %arg10[%get3A_301, %get3A_302] {strides = array<i32>} : memref<80x128xf32, #tpu.memory_space<vmem>>, vector<1x16xf32>,
        %get3A_304 = vector.shape_cast %get3A_303 : vector<1x16xf32> to vector<16xf32>
        %add3A_305 = arith.addf %get3A_300, %get3A_304 : vector<16xf32>
        %get3A_306 = arith.index_cast %scan3A_154 : i32 to index
        %get3A_307 = arith.constant 84 : index
        %get3A_308 = tpu.vector_load %arg11[%get3A_306, %get3A_307] {strides = array<i32>} : memref<80x128xf32, #tpu.memory_space<vmem>>, vector<1x16xf32>,
        %get3A_309 = vector.shape_cast %get3A_308 : vector<1x16xf32> to vector<16xf32>
        %get3A_310 = arith.index_cast %scan3A_154 : i32 to index
        %get3A_311 = arith.constant 84 : index
        %get3A_312 = tpu.vector_load %arg12[%get3A_310, %get3A_311] {strides = array<i32>} : memref<80x128xf32, #tpu.memory_space<vmem>>, vector<1x16xf32>,
        %get3A_313 = vector.shape_cast %get3A_312 : vector<1x16xf32> to vector<16xf32>
        %add3A_314 = arith.addf %get3A_309, %get3A_313 : vector<16xf32>
        %add3A_315 = arith.addf %add3A_305, %add3A_314 : vector<16xf32>
        %swap3A_316 = arith.index_cast %scan3A_154 : i32 to index
        %swap3A_317 = arith.constant 84 : index
        %swap3A_318 = tpu.vector_load %arg17[%swap3A_316, %swap3A_317] {strides = array<i32>} : memref<80x100xf32, #tpu.memory_space<vmem>>, vector<1x16xf32>,
        %swap3A_319 = vector.shape_cast %swap3A_318 : vector<1x16xf32> to vector<16xf32>
        %swap3A_320 = vector.shape_cast %add3A_315 : vector<16xf32> to vector<1x16xf32>
        tpu.vector_store %arg17[%swap3A_316, %swap3A_317], %swap3A_320 {strides = array<i32>} : memref<80x100xf32, #tpu.memory_space<vmem>>, vector<1x16xf32>,
      }
      %scan3A_109 = arith.constant 80 : i32
      %mul3A_110 = arith.constant 80 : i32
      %mul3A_111 = arith.muli %mul3A_23, %mul3A_110 : i32
      %add3A_112 = arith.addi %mul3A_4, %mul3A_111 : i32
      %dma_start3A_113 = arith.constant 0 : i32
      %dma_start3A_114 = tpu.memref_slice %arg7[%add3A_112, %dma_start3A_113] : memref<20480x100xf32, #tpu.memory_space<hbm>> -> memref<80x100xf32, #tpu.memory_space<hbm>>
      %dma_start3A_115 = arith.constant 0 : i32
      %dma_start3A_116 = tpu.memref_slice %arg7[%add3A_112, %dma_start3A_115] : memref<20480x100xf32, #tpu.memory_space<hbm>> -> memref<80x100xf32, #tpu.memory_space<hbm>>
      tpu.enqueue_dma source(%arg17 : memref<80x100xf32, #tpu.memory_space<vmem>>) target(%dma_start3A_116 : memref<80x100xf32, #tpu.memory_space<hbm>>) target_semaphore(%arg21 : memref<!tpu.dma_semaphore, #tpu.memory_space<semaphore_mem>>)
      %dma_wait3A_117 = tpu.memref_slice %arg8[%add3A_60] : memref<2560xi32, #tpu.memory_space<vmem>> -> memref<80xi32, #tpu.memory_space<vmem>>
      %dma_wait3A_118 = arith.constant 0 : i32
      %dma_wait3A_119 = arith.constant 0 : i32
      %dma_wait3A_120 = tpu.memref_slice %arg3[%dma_wait3A_118, %dma_wait3A_119] : memref<100000x128xf32, #tpu.memory_space<hbm>> -> memref<100000x128xf32, #tpu.memory_space<hbm>>
      tpu.wait_indirect_dma semaphore(%arg20 : memref<!tpu.dma_semaphore, #tpu.memory_space<semaphore_mem>>) src(%dma_wait3A_120 : memref<100000x128xf32, #tpu.memory_space<hbm>>) dst(%arg13 : memref<80x128xf32, #tpu.memory_space<vmem>>)
      %dma_wait3A_121 = tpu.memref_slice %arg8[%add3A_68] : memref<2560xi32, #tpu.memory_space<vmem>> -> memref<80xi32, #tpu.memory_space<vmem>>
      %dma_wait3A_122 = arith.constant 0 : i32
      %dma_wait3A_123 = arith.constant 0 : i32
      %dma_wait3A_124 = tpu.memref_slice %arg4[%dma_wait3A_122, %dma_wait3A_123] : memref<100000x128xf32, #tpu.memory_space<hbm>> -> memref<100000x128xf32, #tpu.memory_space<hbm>>
      tpu.wait_indirect_dma semaphore(%arg20 : memref<!tpu.dma_semaphore, #tpu.memory_space<semaphore_mem>>) src(%dma_wait3A_124 : memref<100000x128xf32, #tpu.memory_space<hbm>>) dst(%arg14 : memref<80x128xf32, #tpu.memory_space<vmem>>)
      %dma_wait3A_125 = tpu.memref_slice %arg8[%add3A_76] : memref<2560xi32, #tpu.memory_space<vmem>> -> memref<80xi32, #tpu.memory_space<vmem>>
      %dma_wait3A_126 = arith.constant 0 : i32
      %dma_wait3A_127 = arith.constant 0 : i32
      %dma_wait3A_128 = tpu.memref_slice %arg5[%dma_wait3A_126, %dma_wait3A_127] : memref<100000x128xf32, #tpu.memory_space<hbm>> -> memref<100000x128xf32, #tpu.memory_space<hbm>>
      tpu.wait_indirect_dma semaphore(%arg20 : memref<!tpu.dma_semaphore, #tpu.memory_space<semaphore_mem>>) src(%dma_wait3A_128 : memref<100000x128xf32, #tpu.memory_space<hbm>>) dst(%arg15 : memref<80x128xf32, #tpu.memory_space<vmem>>)
      %dma_wait3A_129 = tpu.memref_slice %arg8[%add3A_84] : memref<2560xi32, #tpu.memory_space<vmem>> -> memref<80xi32, #tpu.memory_space<vmem>>
      %dma_wait3A_130 = arith.constant 0 : i32
      %dma_wait3A_131 = arith.constant 0 : i32
      %dma_wait3A_132 = tpu.memref_slice %arg6[%dma_wait3A_130, %dma_wait3A_131] : memref<100000x128xf32, #tpu.memory_space<hbm>> -> memref<100000x128xf32, #tpu.memory_space<hbm>>
      tpu.wait_indirect_dma semaphore(%arg20 : memref<!tpu.dma_semaphore, #tpu.memory_space<semaphore_mem>>) src(%dma_wait3A_132 : memref<100000x128xf32, #tpu.memory_space<hbm>>) dst(%arg16 : memref<80x128xf32, #tpu.memory_space<vmem>>)
      %scan3A_133 = arith.constant 0 : i32
      %scan3A_134 = arith.constant 0 : i32
      %scan3A_135 = arith.constant 80 : i32
      %scan3A_136 = arith.addi %scan3A_134, %scan3A_135 : i32
      %scan3A_137 = arith.constant 1 : i32
      scf.for %scan3A_154 = %scan3A_134 to %scan3A_136 step %scan3A_137  : i32 {
        %get3A = arith.index_cast %scan3A_154 : i32 to index
        %get3A_155 = arith.constant 0 : index
        %get3A_156 = tpu.vector_load %arg13[%get3A, %get3A_155] {strides = array<i32>} : memref<80x128xf32, #tpu.memory_space<vmem>>, vector<1x16xf32>,
        %get3A_157 = vector.shape_cast %get3A_156 : vector<1x16xf32> to vector<16xf32>
        %get3A_158 = arith.index_cast %scan3A_154 : i32 to index
        %get3A_159 = arith.constant 0 : index
        %get3A_160 = tpu.vector_load %arg14[%get3A_158, %get3A_159] {strides = array<i32>} : memref<80x128xf32, #tpu.memory_space<vmem>>, vector<1x16xf32>,
        %get3A_161 = vector.shape_cast %get3A_160 : vector<1x16xf32> to vector<16xf32>
        %add3A_162 = arith.addf %get3A_157, %get3A_161 : vector<16xf32>
        %get3A_163 = arith.index_cast %scan3A_154 : i32 to index
        %get3A_164 = arith.constant 0 : index
        %get3A_165 = tpu.vector_load %arg15[%get3A_163, %get3A_164] {strides = array<i32>} : memref<80x128xf32, #tpu.memory_space<vmem>>, vector<1x16xf32>,
        %get3A_166 = vector.shape_cast %get3A_165 : vector<1x16xf32> to vector<16xf32>
        %get3A_167 = arith.index_cast %scan3A_154 : i32 to index
        %get3A_168 = arith.constant 0 : index
        %get3A_169 = tpu.vector_load %arg16[%get3A_167, %get3A_168] {strides = array<i32>} : memref<80x128xf32, #tpu.memory_space<vmem>>, vector<1x16xf32>,
        %get3A_170 = vector.shape_cast %get3A_169 : vector<1x16xf32> to vector<16xf32>
        %add3A_171 = arith.addf %get3A_166, %get3A_170 : vector<16xf32>
        %add3A_172 = arith.addf %add3A_162, %add3A_171 : vector<16xf32>
        %swap3A = arith.index_cast %scan3A_154 : i32 to index
        %swap3A_173 = arith.constant 0 : index
        %swap3A_174 = tpu.vector_load %arg18[%swap3A, %swap3A_173] {strides = array<i32>} : memref<80x100xf32, #tpu.memory_space<vmem>>, vector<1x16xf32>,
        %swap3A_175 = vector.shape_cast %swap3A_174 : vector<1x16xf32> to vector<16xf32>
        %swap3A_176 = vector.shape_cast %add3A_172 : vector<16xf32> to vector<1x16xf32>
        tpu.vector_store %arg18[%swap3A, %swap3A_173], %swap3A_176 {strides = array<i32>} : memref<80x100xf32, #tpu.memory_space<vmem>>, vector<1x16xf32>,
        %get3A_177 = arith.index_cast %scan3A_154 : i32 to index
        %get3A_178 = arith.constant 16 : index
        %get3A_179 = tpu.vector_load %arg13[%get3A_177, %get3A_178] {strides = array<i32>} : memref<80x128xf32, #tpu.memory_space<vmem>>, vector<1x16xf32>,
        %get3A_180 = vector.shape_cast %get3A_179 : vector<1x16xf32> to vector<16xf32>
        %get3A_181 = arith.index_cast %scan3A_154 : i32 to index
        %get3A_182 = arith.constant 16 : index
        %get3A_183 = tpu.vector_load %arg14[%get3A_181, %get3A_182] {strides = array<i32>} : memref<80x128xf32, #tpu.memory_space<vmem>>, vector<1x16xf32>,
        %get3A_184 = vector.shape_cast %get3A_183 : vector<1x16xf32> to vector<16xf32>
        %add3A_185 = arith.addf %get3A_180, %get3A_184 : vector<16xf32>
        %get3A_186 = arith.index_cast %scan3A_154 : i32 to index
        %get3A_187 = arith.constant 16 : index
        %get3A_188 = tpu.vector_load %arg15[%get3A_186, %get3A_187] {strides = array<i32>} : memref<80x128xf32, #tpu.memory_space<vmem>>, vector<1x16xf32>,
        %get3A_189 = vector.shape_cast %get3A_188 : vector<1x16xf32> to vector<16xf32>
        %get3A_190 = arith.index_cast %scan3A_154 : i32 to index
        %get3A_191 = arith.constant 16 : index
        %get3A_192 = tpu.vector_load %arg16[%get3A_190, %get3A_191] {strides = array<i32>} : memref<80x128xf32, #tpu.memory_space<vmem>>, vector<1x16xf32>,
        %get3A_193 = vector.shape_cast %get3A_192 : vector<1x16xf32> to vector<16xf32>
        %add3A_194 = arith.addf %get3A_189, %get3A_193 : vector<16xf32>
        %add3A_195 = arith.addf %add3A_185, %add3A_194 : vector<16xf32>
        %swap3A_196 = arith.index_cast %scan3A_154 : i32 to index
        %swap3A_197 = arith.constant 16 : index
        %swap3A_198 = tpu.vector_load %arg18[%swap3A_196, %swap3A_197] {strides = array<i32>} : memref<80x100xf32, #tpu.memory_space<vmem>>, vector<1x16xf32>,
        %swap3A_199 = vector.shape_cast %swap3A_198 : vector<1x16xf32> to vector<16xf32>
        %swap3A_200 = vector.shape_cast %add3A_195 : vector<16xf32> to vector<1x16xf32>
        tpu.vector_store %arg18[%swap3A_196, %swap3A_197], %swap3A_200 {strides = array<i32>} : memref<80x100xf32, #tpu.memory_space<vmem>>, vector<1x16xf32>,
        %get3A_201 = arith.index_cast %scan3A_154 : i32 to index
        %get3A_202 = arith.constant 32 : index
        %get3A_203 = tpu.vector_load %arg13[%get3A_201, %get3A_202] {strides = array<i32>} : memref<80x128xf32, #tpu.memory_space<vmem>>, vector<1x16xf32>,
        %get3A_204 = vector.shape_cast %get3A_203 : vector<1x16xf32> to vector<16xf32>
        %get3A_205 = arith.index_cast %scan3A_154 : i32 to index
        %get3A_206 = arith.constant 32 : index
        %get3A_207 = tpu.vector_load %arg14[%get3A_205, %get3A_206] {strides = array<i32>} : memref<80x128xf32, #tpu.memory_space<vmem>>, vector<1x16xf32>,
        %get3A_208 = vector.shape_cast %get3A_207 : vector<1x16xf32> to vector<16xf32>
        %add3A_209 = arith.addf %get3A_204, %get3A_208 : vector<16xf32>
        %get3A_210 = arith.index_cast %scan3A_154 : i32 to index
        %get3A_211 = arith.constant 32 : index
        %get3A_212 = tpu.vector_load %arg15[%get3A_210, %get3A_211] {strides = array<i32>} : memref<80x128xf32, #tpu.memory_space<vmem>>, vector<1x16xf32>,
        %get3A_213 = vector.shape_cast %get3A_212 : vector<1x16xf32> to vector<16xf32>
        %get3A_214 = arith.index_cast %scan3A_154 : i32 to index
        %get3A_215 = arith.constant 32 : index
        %get3A_216 = tpu.vector_load %arg16[%get3A_214, %get3A_215] {strides = array<i32>} : memref<80x128xf32, #tpu.memory_space<vmem>>, vector<1x16xf32>,
        %get3A_217 = vector.shape_cast %get3A_216 : vector<1x16xf32> to vector<16xf32>
        %add3A_218 = arith.addf %get3A_213, %get3A_217 : vector<16xf32>
        %add3A_219 = arith.addf %add3A_209, %add3A_218 : vector<16xf32>
        %swap3A_220 = arith.index_cast %scan3A_154 : i32 to index
        %swap3A_221 = arith.constant 32 : index
        %swap3A_222 = tpu.vector_load %arg18[%swap3A_220, %swap3A_221] {strides = array<i32>} : memref<80x100xf32, #tpu.memory_space<vmem>>, vector<1x16xf32>,
        %swap3A_223 = vector.shape_cast %swap3A_222 : vector<1x16xf32> to vector<16xf32>
        %swap3A_224 = vector.shape_cast %add3A_219 : vector<16xf32> to vector<1x16xf32>
        tpu.vector_store %arg18[%swap3A_220, %swap3A_221], %swap3A_224 {strides = array<i32>} : memref<80x100xf32, #tpu.memory_space<vmem>>, vector<1x16xf32>,
        %get3A_225 = arith.index_cast %scan3A_154 : i32 to index
        %get3A_226 = arith.constant 48 : index
        %get3A_227 = tpu.vector_load %arg13[%get3A_225, %get3A_226] {strides = array<i32>} : memref<80x128xf32, #tpu.memory_space<vmem>>, vector<1x16xf32>,
        %get3A_228 = vector.shape_cast %get3A_227 : vector<1x16xf32> to vector<16xf32>
        %get3A_229 = arith.index_cast %scan3A_154 : i32 to index
        %get3A_230 = arith.constant 48 : index
        %get3A_231 = tpu.vector_load %arg14[%get3A_229, %get3A_230] {strides = array<i32>} : memref<80x128xf32, #tpu.memory_space<vmem>>, vector<1x16xf32>,
        %get3A_232 = vector.shape_cast %get3A_231 : vector<1x16xf32> to vector<16xf32>
        %add3A_233 = arith.addf %get3A_228, %get3A_232 : vector<16xf32>
        %get3A_234 = arith.index_cast %scan3A_154 : i32 to index
        %get3A_235 = arith.constant 48 : index
        %get3A_236 = tpu.vector_load %arg15[%get3A_234, %get3A_235] {strides = array<i32>} : memref<80x128xf32, #tpu.memory_space<vmem>>, vector<1x16xf32>,
        %get3A_237 = vector.shape_cast %get3A_236 : vector<1x16xf32> to vector<16xf32>
        %get3A_238 = arith.index_cast %scan3A_154 : i32 to index
        %get3A_239 = arith.constant 48 : index
        %get3A_240 = tpu.vector_load %arg16[%get3A_238, %get3A_239] {strides = array<i32>} : memref<80x128xf32, #tpu.memory_space<vmem>>, vector<1x16xf32>,
        %get3A_241 = vector.shape_cast %get3A_240 : vector<1x16xf32> to vector<16xf32>
        %add3A_242 = arith.addf %get3A_237, %get3A_241 : vector<16xf32>
        %add3A_243 = arith.addf %add3A_233, %add3A_242 : vector<16xf32>
        %swap3A_244 = arith.index_cast %scan3A_154 : i32 to index
        %swap3A_245 = arith.constant 48 : index
        %swap3A_246 = tpu.vector_load %arg18[%swap3A_244, %swap3A_245] {strides = array<i32>} : memref<80x100xf32, #tpu.memory_space<vmem>>, vector<1x16xf32>,
        %swap3A_247 = vector.shape_cast %swap3A_246 : vector<1x16xf32> to vector<16xf32>
        %swap3A_248 = vector.shape_cast %add3A_243 : vector<16xf32> to vector<1x16xf32>
        tpu.vector_store %arg18[%swap3A_244, %swap3A_245], %swap3A_248 {strides = array<i32>} : memref<80x100xf32, #tpu.memory_space<vmem>>, vector<1x16xf32>,
        %get3A_249 = arith.index_cast %scan3A_154 : i32 to index
        %get3A_250 = arith.constant 64 : index
        %get3A_251 = tpu.vector_load %arg13[%get3A_249, %get3A_250] {strides = array<i32>} : memref<80x128xf32, #tpu.memory_space<vmem>>, vector<1x16xf32>,
        %get3A_252 = vector.shape_cast %get3A_251 : vector<1x16xf32> to vector<16xf32>
        %get3A_253 = arith.index_cast %scan3A_154 : i32 to index
        %get3A_254 = arith.constant 64 : index
        %get3A_255 = tpu.vector_load %arg14[%get3A_253, %get3A_254] {strides = array<i32>} : memref<80x128xf32, #tpu.memory_space<vmem>>, vector<1x16xf32>,
        %get3A_256 = vector.shape_cast %get3A_255 : vector<1x16xf32> to vector<16xf32>
        %add3A_257 = arith.addf %get3A_252, %get3A_256 : vector<16xf32>
        %get3A_258 = arith.index_cast %scan3A_154 : i32 to index
        %get3A_259 = arith.constant 64 : index
        %get3A_260 = tpu.vector_load %arg15[%get3A_258, %get3A_259] {strides = array<i32>} : memref<80x128xf32, #tpu.memory_space<vmem>>, vector<1x16xf32>,
        %get3A_261 = vector.shape_cast %get3A_260 : vector<1x16xf32> to vector<16xf32>
        %get3A_262 = arith.index_cast %scan3A_154 : i32 to index
        %get3A_263 = arith.constant 64 : index
        %get3A_264 = tpu.vector_load %arg16[%get3A_262, %get3A_263] {strides = array<i32>} : memref<80x128xf32, #tpu.memory_space<vmem>>, vector<1x16xf32>,
        %get3A_265 = vector.shape_cast %get3A_264 : vector<1x16xf32> to vector<16xf32>
        %add3A_266 = arith.addf %get3A_261, %get3A_265 : vector<16xf32>
        %add3A_267 = arith.addf %add3A_257, %add3A_266 : vector<16xf32>
        %swap3A_268 = arith.index_cast %scan3A_154 : i32 to index
        %swap3A_269 = arith.constant 64 : index
        %swap3A_270 = tpu.vector_load %arg18[%swap3A_268, %swap3A_269] {strides = array<i32>} : memref<80x100xf32, #tpu.memory_space<vmem>>, vector<1x16xf32>,
        %swap3A_271 = vector.shape_cast %swap3A_270 : vector<1x16xf32> to vector<16xf32>
        %swap3A_272 = vector.shape_cast %add3A_267 : vector<16xf32> to vector<1x16xf32>
        tpu.vector_store %arg18[%swap3A_268, %swap3A_269], %swap3A_272 {strides = array<i32>} : memref<80x100xf32, #tpu.memory_space<vmem>>, vector<1x16xf32>,
        %get3A_273 = arith.index_cast %scan3A_154 : i32 to index
        %get3A_274 = arith.constant 80 : index
        %get3A_275 = tpu.vector_load %arg13[%get3A_273, %get3A_274] {strides = array<i32>} : memref<80x128xf32, #tpu.memory_space<vmem>>, vector<1x16xf32>,
        %get3A_276 = vector.shape_cast %get3A_275 : vector<1x16xf32> to vector<16xf32>
        %get3A_277 = arith.index_cast %scan3A_154 : i32 to index
        %get3A_278 = arith.constant 80 : index
        %get3A_279 = tpu.vector_load %arg14[%get3A_277, %get3A_278] {strides = array<i32>} : memref<80x128xf32, #tpu.memory_space<vmem>>, vector<1x16xf32>,
        %get3A_280 = vector.shape_cast %get3A_279 : vector<1x16xf32> to vector<16xf32>
        %add3A_281 = arith.addf %get3A_276, %get3A_280 : vector<16xf32>
        %get3A_282 = arith.index_cast %scan3A_154 : i32 to index
        %get3A_283 = arith.constant 80 : index
        %get3A_284 = tpu.vector_load %arg15[%get3A_282, %get3A_283] {strides = array<i32>} : memref<80x128xf32, #tpu.memory_space<vmem>>, vector<1x16xf32>,
        %get3A_285 = vector.shape_cast %get3A_284 : vector<1x16xf32> to vector<16xf32>
        %get3A_286 = arith.index_cast %scan3A_154 : i32 to index
        %get3A_287 = arith.constant 80 : index
        %get3A_288 = tpu.vector_load %arg16[%get3A_286, %get3A_287] {strides = array<i32>} : memref<80x128xf32, #tpu.memory_space<vmem>>, vector<1x16xf32>,
        %get3A_289 = vector.shape_cast %get3A_288 : vector<1x16xf32> to vector<16xf32>
        %add3A_290 = arith.addf %get3A_285, %get3A_289 : vector<16xf32>
        %add3A_291 = arith.addf %add3A_281, %add3A_290 : vector<16xf32>
        %swap3A_292 = arith.index_cast %scan3A_154 : i32 to index
        %swap3A_293 = arith.constant 80 : index
        %swap3A_294 = tpu.vector_load %arg18[%swap3A_292, %swap3A_293] {strides = array<i32>} : memref<80x100xf32, #tpu.memory_space<vmem>>, vector<1x16xf32>,
        %swap3A_295 = vector.shape_cast %swap3A_294 : vector<1x16xf32> to vector<16xf32>
        %swap3A_296 = vector.shape_cast %add3A_291 : vector<16xf32> to vector<1x16xf32>
        tpu.vector_store %arg18[%swap3A_292, %swap3A_293], %swap3A_296 {strides = array<i32>} : memref<80x100xf32, #tpu.memory_space<vmem>>, vector<1x16xf32>,
        %get3A_297 = arith.index_cast %scan3A_154 : i32 to index
        %get3A_298 = arith.constant 84 : index
        %get3A_299 = tpu.vector_load %arg13[%get3A_297, %get3A_298] {strides = array<i32>} : memref<80x128xf32, #tpu.memory_space<vmem>>, vector<1x16xf32>,
        %get3A_300 = vector.shape_cast %get3A_299 : vector<1x16xf32> to vector<16xf32>
        %get3A_301 = arith.index_cast %scan3A_154 : i32 to index
        %get3A_302 = arith.constant 84 : index
        %get3A_303 = tpu.vector_load %arg14[%get3A_301, %get3A_302] {strides = array<i32>} : memref<80x128xf32, #tpu.memory_space<vmem>>, vector<1x16xf32>,
        %get3A_304 = vector.shape_cast %get3A_303 : vector<1x16xf32> to vector<16xf32>
        %add3A_305 = arith.addf %get3A_300, %get3A_304 : vector<16xf32>
        %get3A_306 = arith.index_cast %scan3A_154 : i32 to index
        %get3A_307 = arith.constant 84 : index
        %get3A_308 = tpu.vector_load %arg15[%get3A_306, %get3A_307] {strides = array<i32>} : memref<80x128xf32, #tpu.memory_space<vmem>>, vector<1x16xf32>,
        %get3A_309 = vector.shape_cast %get3A_308 : vector<1x16xf32> to vector<16xf32>
        %get3A_310 = arith.index_cast %scan3A_154 : i32 to index
        %get3A_311 = arith.constant 84 : index
        %get3A_312 = tpu.vector_load %arg16[%get3A_310, %get3A_311] {strides = array<i32>} : memref<80x128xf32, #tpu.memory_space<vmem>>, vector<1x16xf32>,
        %get3A_313 = vector.shape_cast %get3A_312 : vector<1x16xf32> to vector<16xf32>
        %add3A_314 = arith.addf %get3A_309, %get3A_313 : vector<16xf32>
        %add3A_315 = arith.addf %add3A_305, %add3A_314 : vector<16xf32>
        %swap3A_316 = arith.index_cast %scan3A_154 : i32 to index
        %swap3A_317 = arith.constant 84 : index
        %swap3A_318 = tpu.vector_load %arg18[%swap3A_316, %swap3A_317] {strides = array<i32>} : memref<80x100xf32, #tpu.memory_space<vmem>>, vector<1x16xf32>,
        %swap3A_319 = vector.shape_cast %swap3A_318 : vector<1x16xf32> to vector<16xf32>
        %swap3A_320 = vector.shape_cast %add3A_315 : vector<16xf32> to vector<1x16xf32>
        tpu.vector_store %arg18[%swap3A_316, %swap3A_317], %swap3A_320 {strides = array<i32>} : memref<80x100xf32, #tpu.memory_space<vmem>>, vector<1x16xf32>,
      }
      %scan3A_138 = arith.constant 80 : i32
      %mul3A_139 = arith.constant 80 : i32
      %mul3A_140 = arith.muli %add3A_25, %mul3A_139 : i32
      %add3A_141 = arith.addi %mul3A_4, %mul3A_140 : i32
      %dma_start3A_142 = arith.constant 0 : i32
      %dma_start3A_143 = tpu.memref_slice %arg7[%add3A_141, %dma_start3A_142] : memref<20480x100xf32, #tpu.memory_space<hbm>> -> memref<80x100xf32, #tpu.memory_space<hbm>>
      %dma_start3A_144 = arith.constant 0 : i32
      %dma_start3A_145 = tpu.memref_slice %arg7[%add3A_141, %dma_start3A_144] : memref<20480x100xf32, #tpu.memory_space<hbm>> -> memref<80x100xf32, #tpu.memory_space<hbm>>
      tpu.enqueue_dma source(%arg18 : memref<80x100xf32, #tpu.memory_space<vmem>>) target(%dma_start3A_145 : memref<80x100xf32, #tpu.memory_space<hbm>>) target_semaphore(%arg22 : memref<!tpu.dma_semaphore, #tpu.memory_space<semaphore_mem>>)
      %dma_wait3A_146 = arith.constant 0 : i32
      %dma_wait3A_147 = tpu.memref_slice %arg7[%add3A_112, %dma_wait3A_146] : memref<20480x100xf32, #tpu.memory_space<hbm>> -> memref<80x100xf32, #tpu.memory_space<hbm>>
      %dma_wait3A_148 = arith.constant 0 : i32
      %dma_wait3A_149 = tpu.memref_slice %arg7[%add3A_112, %dma_wait3A_148] : memref<20480x100xf32, #tpu.memory_space<hbm>> -> memref<80x100xf32, #tpu.memory_space<hbm>>
      tpu.wait_dma2 semaphore(%arg21 : memref<!tpu.dma_semaphore, #tpu.memory_space<semaphore_mem>>) src(%arg17 : memref<80x100xf32, #tpu.memory_space<vmem>>) dst(%dma_wait3A_149 : memref<80x100xf32, #tpu.memory_space<hbm>>)
      %dma_wait3A_150 = arith.constant 0 : i32
      %dma_wait3A_151 = tpu.memref_slice %arg7[%add3A_141, %dma_wait3A_150] : memref<20480x100xf32, #tpu.memory_space<hbm>> -> memref<80x100xf32, #tpu.memory_space<hbm>>
      %dma_wait3A_152 = arith.constant 0 : i32
      %dma_wait3A_153 = tpu.memref_slice %arg7[%add3A_141, %dma_wait3A_152] : memref<20480x100xf32, #tpu.memory_space<hbm>> -> memref<80x100xf32, #tpu.memory_space<hbm>>
      tpu.wait_dma2 semaphore(%arg22 : memref<!tpu.dma_semaphore, #tpu.memory_space<semaphore_mem>>) src(%arg18 : memref<80x100xf32, #tpu.memory_space<vmem>>) dst(%dma_wait3A_153 : memref<80x100xf32, #tpu.memory_space<hbm>>)
    }
    %scan3A_20 = arith.constant 4 : i32
    return
  }
}

#map = affine_map<(d0, d1) -> (0, 0)>
module attributes {stable_mosaic.version = 14 : i64} {
  func.func @k(%arg0: i32, %arg1: i32, %arg2: memref<4x102400xi32, #tpu.memory_space<hbm>>, %arg3: memref<100000x128xf32, #tpu.memory_space<hbm>>, %arg4: memref<100000x128xf32, #tpu.memory_space<hbm>>, %arg5: memref<100000x128xf32, #tpu.memory_space<hbm>>, %arg6: memref<100000x128xf32, #tpu.memory_space<hbm>>, %arg7: memref<20480x100xf32, #tpu.memory_space<hbm>>, %arg8: memref<2560xi32, #tpu.memory_space<vmem>>, %arg9: memref<80x128xf32, #tpu.memory_space<vmem>>, %arg10: memref<80x128xf32, #tpu.memory_space<vmem>>, %arg11: memref<80x128xf32, #tpu.memory_space<vmem>>, %arg12: memref<80x128xf32, #tpu.memory_space<vmem>>, %arg13: memref<80x128xf32, #tpu.memory_space<vmem>>, %arg14: memref<80x128xf32, #tpu.memory_space<vmem>>, %arg15: memref<80x128xf32, #tpu.memory_space<vmem>>, %arg16: memref<80x128xf32, #tpu.memory_space<vmem>>, %arg17: memref<80x100xf32, #tpu.memory_space<vmem>>, %arg18: memref<80x100xf32, #tpu.memory_space<vmem>>, %arg19: memref<!tpu.dma_semaphore, #tpu.memory_space<semaphore_mem>>, %arg20: memref<!tpu.dma_semaphore, #tpu.memory_space<semaphore_mem>>, %arg21: memref<!tpu.dma_semaphore, #tpu.memory_space<semaphore_mem>>, %arg22: memref<!tpu.dma_semaphore, #tpu.memory_space<semaphore_mem>>) attributes {dimension_semantics = [#tpu.dimension_semantics<core_parallel>, #tpu.dimension_semantics<subcore_parallel>], iteration_bounds = array<i64: 2, 16>, scalar_prefetch = 0 : i64, scratch_operands = 15 : i64, tpu.core_type = #tpu.core_type<sc_vector_subcore>, window_params = [{transform_indices = #map}, {transform_indices = #map}, {transform_indices = #map}, {transform_indices = #map}, {transform_indices = #map}, {transform_indices = #map}]} {
    %mul3A = arith.constant 16 : i32
    %mul3A_0 = arith.muli %arg0, %mul3A : i32
    %add3A = arith.addi %mul3A_0, %arg1 : i32
    %mul3A_1 = arith.constant 80 : i32
    %mul3A_2 = arith.muli %mul3A_1, %add3A : i32
    %mul3A_3 = arith.constant 8 : i32
    %mul3A_4 = arith.muli %mul3A_2, %mul3A_3 : i32
    %add3A_5 = arith.constant 81920 : i32
    %add3A_6 = arith.addi %add3A_5, %mul3A_4 : i32
    %run_scoped3A = arith.constant 0 : i32
    "tpu.region"() ({
      %run_scoped3A_21 = tpu.sem_alloc : memref<!tpu.dma_semaphore, #tpu.memory_space<semaphore_mem>>
      %dma_start3A = arith.constant 0 : i32
      %dma_start3A_22 = tpu.memref_slice %arg8[%dma_start3A] : memref<2560xi32, #tpu.memory_space<vmem>> -> memref<640xi32, #tpu.memory_space<vmem>>
      %dma_start3A_23 = tpu.memref_slice %arg2[%run_scoped3A, %add3A_6] : memref<4x102400xi32, #tpu.memory_space<hbm>> -> memref<1x640xi32, #tpu.memory_space<hbm>>
      %dma_start3A_24 = tpu.memref_squeeze %dma_start3A_23 : memref<1x640xi32, #tpu.memory_space<hbm>> -> memref<640xi32, #tpu.memory_space<hbm>>
      %dma_start3A_25 = arith.constant 0 : i32
      %dma_start3A_26 = tpu.memref_slice %arg8[%dma_start3A_25] : memref<2560xi32, #tpu.memory_space<vmem>> -> memref<640xi32, #tpu.memory_space<vmem>>
      %dma_start3A_27 = tpu.memref_slice %arg2[%run_scoped3A, %add3A_6] : memref<4x102400xi32, #tpu.memory_space<hbm>> -> memref<1x640xi32, #tpu.memory_space<hbm>>
      %dma_start3A_28 = tpu.memref_squeeze %dma_start3A_27 : memref<1x640xi32, #tpu.memory_space<hbm>> -> memref<640xi32, #tpu.memory_space<hbm>>
      tpu.enqueue_dma source(%dma_start3A_28 : memref<640xi32, #tpu.memory_space<hbm>>) target(%dma_start3A_26 : memref<640xi32, #tpu.memory_space<vmem>>) target_semaphore(%run_scoped3A_21 : memref<!tpu.dma_semaphore, #tpu.memory_space<semaphore_mem>>)
      %dma_wait3A = arith.constant 0 : i32
      %dma_wait3A_29 = tpu.memref_slice %arg8[%dma_wait3A] : memref<2560xi32, #tpu.memory_space<vmem>> -> memref<640xi32, #tpu.memory_space<vmem>>
      %dma_wait3A_30 = tpu.memref_slice %arg2[%run_scoped3A, %add3A_6] : memref<4x102400xi32, #tpu.memory_space<hbm>> -> memref<1x640xi32, #tpu.memory_space<hbm>>
      %dma_wait3A_31 = tpu.memref_squeeze %dma_wait3A_30 : memref<1x640xi32, #tpu.memory_space<hbm>> -> memref<640xi32, #tpu.memory_space<hbm>>
      %dma_wait3A_32 = arith.constant 0 : i32
      %dma_wait3A_33 = tpu.memref_slice %arg8[%dma_wait3A_32] : memref<2560xi32, #tpu.memory_space<vmem>> -> memref<640xi32, #tpu.memory_space<vmem>>
      %dma_wait3A_34 = tpu.memref_slice %arg2[%run_scoped3A, %add3A_6] : memref<4x102400xi32, #tpu.memory_space<hbm>> -> memref<1x640xi32, #tpu.memory_space<hbm>>
      %dma_wait3A_35 = tpu.memref_squeeze %dma_wait3A_34 : memref<1x640xi32, #tpu.memory_space<hbm>> -> memref<640xi32, #tpu.memory_space<hbm>>
      tpu.wait_dma2 semaphore(%run_scoped3A_21 : memref<!tpu.dma_semaphore, #tpu.memory_space<semaphore_mem>>) src(%dma_wait3A_35 : memref<640xi32, #tpu.memory_space<hbm>>) dst(%dma_wait3A_33 : memref<640xi32, #tpu.memory_space<vmem>>)
      tpu.yield
    }) : () -> ()
    %add3A_7 = arith.constant 81920 : i32
    %add3A_8 = arith.addi %add3A_7, %mul3A_4 : i32
    %run_scoped3A_9 = arith.constant 1 : i32
    "tpu.region"() ({
      %run_scoped3A_21 = tpu.sem_alloc : memref<!tpu.dma_semaphore, #tpu.memory_space<semaphore_mem>>
      %dma_start3A = arith.constant 640 : i32
      %dma_start3A_22 = tpu.memref_slice %arg8[%dma_start3A] : memref<2560xi32, #tpu.memory_space<vmem>> -> memref<640xi32, #tpu.memory_space<vmem>>
      %dma_start3A_23 = tpu.memref_slice %arg2[%run_scoped3A_9, %add3A_8] : memref<4x102400xi32, #tpu.memory_space<hbm>> -> memref<1x640xi32, #tpu.memory_space<hbm>>
      %dma_start3A_24 = tpu.memref_squeeze %dma_start3A_23 : memref<1x640xi32, #tpu.memory_space<hbm>> -> memref<640xi32, #tpu.memory_space<hbm>>
      %dma_start3A_25 = arith.constant 640 : i32
      %dma_start3A_26 = tpu.memref_slice %arg8[%dma_start3A_25] : memref<2560xi32, #tpu.memory_space<vmem>> -> memref<640xi32, #tpu.memory_space<vmem>>
      %dma_start3A_27 = tpu.memref_slice %arg2[%run_scoped3A_9, %add3A_8] : memref<4x102400xi32, #tpu.memory_space<hbm>> -> memref<1x640xi32, #tpu.memory_space<hbm>>
      %dma_start3A_28 = tpu.memref_squeeze %dma_start3A_27 : memref<1x640xi32, #tpu.memory_space<hbm>> -> memref<640xi32, #tpu.memory_space<hbm>>
      tpu.enqueue_dma source(%dma_start3A_28 : memref<640xi32, #tpu.memory_space<hbm>>) target(%dma_start3A_26 : memref<640xi32, #tpu.memory_space<vmem>>) target_semaphore(%run_scoped3A_21 : memref<!tpu.dma_semaphore, #tpu.memory_space<semaphore_mem>>)
      %dma_wait3A = arith.constant 640 : i32
      %dma_wait3A_29 = tpu.memref_slice %arg8[%dma_wait3A] : memref<2560xi32, #tpu.memory_space<vmem>> -> memref<640xi32, #tpu.memory_space<vmem>>
      %dma_wait3A_30 = tpu.memref_slice %arg2[%run_scoped3A_9, %add3A_8] : memref<4x102400xi32, #tpu.memory_space<hbm>> -> memref<1x640xi32, #tpu.memory_space<hbm>>
      %dma_wait3A_31 = tpu.memref_squeeze %dma_wait3A_30 : memref<1x640xi32, #tpu.memory_space<hbm>> -> memref<640xi32, #tpu.memory_space<hbm>>
      %dma_wait3A_32 = arith.constant 640 : i32
      %dma_wait3A_33 = tpu.memref_slice %arg8[%dma_wait3A_32] : memref<2560xi32, #tpu.memory_space<vmem>> -> memref<640xi32, #tpu.memory_space<vmem>>
      %dma_wait3A_34 = tpu.memref_slice %arg2[%run_scoped3A_9, %add3A_8] : memref<4x102400xi32, #tpu.memory_space<hbm>> -> memref<1x640xi32, #tpu.memory_space<hbm>>
      %dma_wait3A_35 = tpu.memref_squeeze %dma_wait3A_34 : memref<1x640xi32, #tpu.memory_space<hbm>> -> memref<640xi32, #tpu.memory_space<hbm>>
      tpu.wait_dma2 semaphore(%run_scoped3A_21 : memref<!tpu.dma_semaphore, #tpu.memory_space<semaphore_mem>>) src(%dma_wait3A_35 : memref<640xi32, #tpu.memory_space<hbm>>) dst(%dma_wait3A_33 : memref<640xi32, #tpu.memory_space<vmem>>)
      tpu.yield
    }) : () -> ()
    %add3A_10 = arith.constant 81920 : i32
    %add3A_11 = arith.addi %add3A_10, %mul3A_4 : i32
    %run_scoped3A_12 = arith.constant 2 : i32
    "tpu.region"() ({
      %run_scoped3A_21 = tpu.sem_alloc : memref<!tpu.dma_semaphore, #tpu.memory_space<semaphore_mem>>
      %dma_start3A = arith.constant 1280 : i32
      %dma_start3A_22 = tpu.memref_slice %arg8[%dma_start3A] : memref<2560xi32, #tpu.memory_space<vmem>> -> memref<640xi32, #tpu.memory_space<vmem>>
      %dma_start3A_23 = tpu.memref_slice %arg2[%run_scoped3A_12, %add3A_11] : memref<4x102400xi32, #tpu.memory_space<hbm>> -> memref<1x640xi32, #tpu.memory_space<hbm>>
      %dma_start3A_24 = tpu.memref_squeeze %dma_start3A_23 : memref<1x640xi32, #tpu.memory_space<hbm>> -> memref<640xi32, #tpu.memory_space<hbm>>
      %dma_start3A_25 = arith.constant 1280 : i32
      %dma_start3A_26 = tpu.memref_slice %arg8[%dma_start3A_25] : memref<2560xi32, #tpu.memory_space<vmem>> -> memref<640xi32, #tpu.memory_space<vmem>>
      %dma_start3A_27 = tpu.memref_slice %arg2[%run_scoped3A_12, %add3A_11] : memref<4x102400xi32, #tpu.memory_space<hbm>> -> memref<1x640xi32, #tpu.memory_space<hbm>>
      %dma_start3A_28 = tpu.memref_squeeze %dma_start3A_27 : memref<1x640xi32, #tpu.memory_space<hbm>> -> memref<640xi32, #tpu.memory_space<hbm>>
      tpu.enqueue_dma source(%dma_start3A_28 : memref<640xi32, #tpu.memory_space<hbm>>) target(%dma_start3A_26 : memref<640xi32, #tpu.memory_space<vmem>>) target_semaphore(%run_scoped3A_21 : memref<!tpu.dma_semaphore, #tpu.memory_space<semaphore_mem>>)
      %dma_wait3A = arith.constant 1280 : i32
      %dma_wait3A_29 = tpu.memref_slice %arg8[%dma_wait3A] : memref<2560xi32, #tpu.memory_space<vmem>> -> memref<640xi32, #tpu.memory_space<vmem>>
      %dma_wait3A_30 = tpu.memref_slice %arg2[%run_scoped3A_12, %add3A_11] : memref<4x102400xi32, #tpu.memory_space<hbm>> -> memref<1x640xi32, #tpu.memory_space<hbm>>
      %dma_wait3A_31 = tpu.memref_squeeze %dma_wait3A_30 : memref<1x640xi32, #tpu.memory_space<hbm>> -> memref<640xi32, #tpu.memory_space<hbm>>
      %dma_wait3A_32 = arith.constant 1280 : i32
      %dma_wait3A_33 = tpu.memref_slice %arg8[%dma_wait3A_32] : memref<2560xi32, #tpu.memory_space<vmem>> -> memref<640xi32, #tpu.memory_space<vmem>>
      %dma_wait3A_34 = tpu.memref_slice %arg2[%run_scoped3A_12, %add3A_11] : memref<4x102400xi32, #tpu.memory_space<hbm>> -> memref<1x640xi32, #tpu.memory_space<hbm>>
      %dma_wait3A_35 = tpu.memref_squeeze %dma_wait3A_34 : memref<1x640xi32, #tpu.memory_space<hbm>> -> memref<640xi32, #tpu.memory_space<hbm>>
      tpu.wait_dma2 semaphore(%run_scoped3A_21 : memref<!tpu.dma_semaphore, #tpu.memory_space<semaphore_mem>>) src(%dma_wait3A_35 : memref<640xi32, #tpu.memory_space<hbm>>) dst(%dma_wait3A_33 : memref<640xi32, #tpu.memory_space<vmem>>)
      tpu.yield
    }) : () -> ()
    %add3A_13 = arith.constant 81920 : i32
    %add3A_14 = arith.addi %add3A_13, %mul3A_4 : i32
    %run_scoped3A_15 = arith.constant 3 : i32
    "tpu.region"() ({
      %run_scoped3A_21 = tpu.sem_alloc : memref<!tpu.dma_semaphore, #tpu.memory_space<semaphore_mem>>
      %dma_start3A = arith.constant 1920 : i32
      %dma_start3A_22 = tpu.memref_slice %arg8[%dma_start3A] : memref<2560xi32, #tpu.memory_space<vmem>> -> memref<640xi32, #tpu.memory_space<vmem>>
      %dma_start3A_23 = tpu.memref_slice %arg2[%run_scoped3A_15, %add3A_14] : memref<4x102400xi32, #tpu.memory_space<hbm>> -> memref<1x640xi32, #tpu.memory_space<hbm>>
      %dma_start3A_24 = tpu.memref_squeeze %dma_start3A_23 : memref<1x640xi32, #tpu.memory_space<hbm>> -> memref<640xi32, #tpu.memory_space<hbm>>
      %dma_start3A_25 = arith.constant 1920 : i32
      %dma_start3A_26 = tpu.memref_slice %arg8[%dma_start3A_25] : memref<2560xi32, #tpu.memory_space<vmem>> -> memref<640xi32, #tpu.memory_space<vmem>>
      %dma_start3A_27 = tpu.memref_slice %arg2[%run_scoped3A_15, %add3A_14] : memref<4x102400xi32, #tpu.memory_space<hbm>> -> memref<1x640xi32, #tpu.memory_space<hbm>>
      %dma_start3A_28 = tpu.memref_squeeze %dma_start3A_27 : memref<1x640xi32, #tpu.memory_space<hbm>> -> memref<640xi32, #tpu.memory_space<hbm>>
      tpu.enqueue_dma source(%dma_start3A_28 : memref<640xi32, #tpu.memory_space<hbm>>) target(%dma_start3A_26 : memref<640xi32, #tpu.memory_space<vmem>>) target_semaphore(%run_scoped3A_21 : memref<!tpu.dma_semaphore, #tpu.memory_space<semaphore_mem>>)
      %dma_wait3A = arith.constant 1920 : i32
      %dma_wait3A_29 = tpu.memref_slice %arg8[%dma_wait3A] : memref<2560xi32, #tpu.memory_space<vmem>> -> memref<640xi32, #tpu.memory_space<vmem>>
      %dma_wait3A_30 = tpu.memref_slice %arg2[%run_scoped3A_15, %add3A_14] : memref<4x102400xi32, #tpu.memory_space<hbm>> -> memref<1x640xi32, #tpu.memory_space<hbm>>
      %dma_wait3A_31 = tpu.memref_squeeze %dma_wait3A_30 : memref<1x640xi32, #tpu.memory_space<hbm>> -> memref<640xi32, #tpu.memory_space<hbm>>
      %dma_wait3A_32 = arith.constant 1920 : i32
      %dma_wait3A_33 = tpu.memref_slice %arg8[%dma_wait3A_32] : memref<2560xi32, #tpu.memory_space<vmem>> -> memref<640xi32, #tpu.memory_space<vmem>>
      %dma_wait3A_34 = tpu.memref_slice %arg2[%run_scoped3A_15, %add3A_14] : memref<4x102400xi32, #tpu.memory_space<hbm>> -> memref<1x640xi32, #tpu.memory_space<hbm>>
      %dma_wait3A_35 = tpu.memref_squeeze %dma_wait3A_34 : memref<1x640xi32, #tpu.memory_space<hbm>> -> memref<640xi32, #tpu.memory_space<hbm>>
      tpu.wait_dma2 semaphore(%run_scoped3A_21 : memref<!tpu.dma_semaphore, #tpu.memory_space<semaphore_mem>>) src(%dma_wait3A_35 : memref<640xi32, #tpu.memory_space<hbm>>) dst(%dma_wait3A_33 : memref<640xi32, #tpu.memory_space<vmem>>)
      tpu.yield
    }) : () -> ()
    %scan3A = arith.constant 0 : i32
    %scan3A_16 = arith.constant 0 : i32
    %scan3A_17 = arith.constant 4 : i32
    %scan3A_18 = arith.addi %scan3A_16, %scan3A_17 : i32
    %scan3A_19 = arith.constant 1 : i32
    scf.for %scan3A_21 = %scan3A_16 to %scan3A_18 step %scan3A_19  : i32 {
      %mul3A_22 = arith.constant 2 : i32
      %mul3A_23 = arith.muli %mul3A_22, %scan3A_21 : i32
      %add3A_24 = arith.constant 1 : i32
      %add3A_25 = arith.addi %mul3A_23, %add3A_24 : i32
      %mul3A_26 = arith.constant 80 : i32
      %mul3A_27 = arith.muli %mul3A_23, %mul3A_26 : i32
      %add3A_28 = arith.constant 0 : i32
      %add3A_29 = arith.addi %add3A_28, %mul3A_27 : i32
      %dma_start3A = tpu.memref_slice %arg8[%add3A_29] : memref<2560xi32, #tpu.memory_space<vmem>> -> memref<80xi32, #tpu.memory_space<vmem>>
      %dma_start3A_30 = arith.constant 0 : i32
      %dma_start3A_31 = arith.constant 0 : i32
      %dma_start3A_32 = tpu.memref_slice %arg3[%dma_start3A_30, %dma_start3A_31] : memref<100000x128xf32, #tpu.memory_space<hbm>> -> memref<100000x128xf32, #tpu.memory_space<hbm>>
      tpu.enqueue_indirect_dma source(%dma_start3A_32 : memref<100000x128xf32, #tpu.memory_space<hbm>>) target(%arg9 : memref<80x128xf32, #tpu.memory_space<vmem>>) offsets(%dma_start3A : memref<80xi32, #tpu.memory_space<vmem>>) semaphore(%arg19 : memref<!tpu.dma_semaphore, #tpu.memory_space<semaphore_mem>>)
      %mul3A_33 = arith.constant 80 : i32
      %mul3A_34 = arith.muli %mul3A_23, %mul3A_33 : i32
      %add3A_35 = arith.constant 640 : i32
      %add3A_36 = arith.addi %add3A_35, %mul3A_34 : i32
      %dma_start3A_37 = tpu.memref_slice %arg8[%add3A_36] : memref<2560xi32, #tpu.memory_space<vmem>> -> memref<80xi32, #tpu.memory_space<vmem>>
      %dma_start3A_38 = arith.constant 0 : i32
      %dma_start3A_39 = arith.constant 0 : i32
      %dma_start3A_40 = tpu.memref_slice %arg4[%dma_start3A_38, %dma_start3A_39] : memref<100000x128xf32, #tpu.memory_space<hbm>> -> memref<100000x128xf32, #tpu.memory_space<hbm>>
      tpu.enqueue_indirect_dma source(%dma_start3A_40 : memref<100000x128xf32, #tpu.memory_space<hbm>>) target(%arg10 : memref<80x128xf32, #tpu.memory_space<vmem>>) offsets(%dma_start3A_37 : memref<80xi32, #tpu.memory_space<vmem>>) semaphore(%arg19 : memref<!tpu.dma_semaphore, #tpu.memory_space<semaphore_mem>>)
      %mul3A_41 = arith.constant 80 : i32
      %mul3A_42 = arith.muli %mul3A_23, %mul3A_41 : i32
      %add3A_43 = arith.constant 1280 : i32
      %add3A_44 = arith.addi %add3A_43, %mul3A_42 : i32
      %dma_start3A_45 = tpu.memref_slice %arg8[%add3A_44] : memref<2560xi32, #tpu.memory_space<vmem>> -> memref<80xi32, #tpu.memory_space<vmem>>
      %dma_start3A_46 = arith.constant 0 : i32
      %dma_start3A_47 = arith.constant 0 : i32
      %dma_start3A_48 = tpu.memref_slice %arg5[%dma_start3A_46, %dma_start3A_47] : memref<100000x128xf32, #tpu.memory_space<hbm>> -> memref<100000x128xf32, #tpu.memory_space<hbm>>
      tpu.enqueue_indirect_dma source(%dma_start3A_48 : memref<100000x128xf32, #tpu.memory_space<hbm>>) target(%arg11 : memref<80x128xf32, #tpu.memory_space<vmem>>) offsets(%dma_start3A_45 : memref<80xi32, #tpu.memory_space<vmem>>) semaphore(%arg19 : memref<!tpu.dma_semaphore, #tpu.memory_space<semaphore_mem>>)
      %mul3A_49 = arith.constant 80 : i32
      %mul3A_50 = arith.muli %mul3A_23, %mul3A_49 : i32
      %add3A_51 = arith.constant 1920 : i32
      %add3A_52 = arith.addi %add3A_51, %mul3A_50 : i32
      %dma_start3A_53 = tpu.memref_slice %arg8[%add3A_52] : memref<2560xi32, #tpu.memory_space<vmem>> -> memref<80xi32, #tpu.memory_space<vmem>>
      %dma_start3A_54 = arith.constant 0 : i32
      %dma_start3A_55 = arith.constant 0 : i32
      %dma_start3A_56 = tpu.memref_slice %arg6[%dma_start3A_54, %dma_start3A_55] : memref<100000x128xf32, #tpu.memory_space<hbm>> -> memref<100000x128xf32, #tpu.memory_space<hbm>>
      tpu.enqueue_indirect_dma source(%dma_start3A_56 : memref<100000x128xf32, #tpu.memory_space<hbm>>) target(%arg12 : memref<80x128xf32, #tpu.memory_space<vmem>>) offsets(%dma_start3A_53 : memref<80xi32, #tpu.memory_space<vmem>>) semaphore(%arg19 : memref<!tpu.dma_semaphore, #tpu.memory_space<semaphore_mem>>)
      %mul3A_57 = arith.constant 80 : i32
      %mul3A_58 = arith.muli %add3A_25, %mul3A_57 : i32
      %add3A_59 = arith.constant 0 : i32
      %add3A_60 = arith.addi %add3A_59, %mul3A_58 : i32
      %dma_start3A_61 = tpu.memref_slice %arg8[%add3A_60] : memref<2560xi32, #tpu.memory_space<vmem>> -> memref<80xi32, #tpu.memory_space<vmem>>
      %dma_start3A_62 = arith.constant 0 : i32
      %dma_start3A_63 = arith.constant 0 : i32
      %dma_start3A_64 = tpu.memref_slice %arg3[%dma_start3A_62, %dma_start3A_63] : memref<100000x128xf32, #tpu.memory_space<hbm>> -> memref<100000x128xf32, #tpu.memory_space<hbm>>
      tpu.enqueue_indirect_dma source(%dma_start3A_64 : memref<100000x128xf32, #tpu.memory_space<hbm>>) target(%arg13 : memref<80x128xf32, #tpu.memory_space<vmem>>) offsets(%dma_start3A_61 : memref<80xi32, #tpu.memory_space<vmem>>) semaphore(%arg20 : memref<!tpu.dma_semaphore, #tpu.memory_space<semaphore_mem>>)
      %mul3A_65 = arith.constant 80 : i32
      %mul3A_66 = arith.muli %add3A_25, %mul3A_65 : i32
      %add3A_67 = arith.constant 640 : i32
      %add3A_68 = arith.addi %add3A_67, %mul3A_66 : i32
      %dma_start3A_69 = tpu.memref_slice %arg8[%add3A_68] : memref<2560xi32, #tpu.memory_space<vmem>> -> memref<80xi32, #tpu.memory_space<vmem>>
      %dma_start3A_70 = arith.constant 0 : i32
      %dma_start3A_71 = arith.constant 0 : i32
      %dma_start3A_72 = tpu.memref_slice %arg4[%dma_start3A_70, %dma_start3A_71] : memref<100000x128xf32, #tpu.memory_space<hbm>> -> memref<100000x128xf32, #tpu.memory_space<hbm>>
      tpu.enqueue_indirect_dma source(%dma_start3A_72 : memref<100000x128xf32, #tpu.memory_space<hbm>>) target(%arg14 : memref<80x128xf32, #tpu.memory_space<vmem>>) offsets(%dma_start3A_69 : memref<80xi32, #tpu.memory_space<vmem>>) semaphore(%arg20 : memref<!tpu.dma_semaphore, #tpu.memory_space<semaphore_mem>>)
      %mul3A_73 = arith.constant 80 : i32
      %mul3A_74 = arith.muli %add3A_25, %mul3A_73 : i32
      %add3A_75 = arith.constant 1280 : i32
      %add3A_76 = arith.addi %add3A_75, %mul3A_74 : i32
      %dma_start3A_77 = tpu.memref_slice %arg8[%add3A_76] : memref<2560xi32, #tpu.memory_space<vmem>> -> memref<80xi32, #tpu.memory_space<vmem>>
      %dma_start3A_78 = arith.constant 0 : i32
      %dma_start3A_79 = arith.constant 0 : i32
      %dma_start3A_80 = tpu.memref_slice %arg5[%dma_start3A_78, %dma_start3A_79] : memref<100000x128xf32, #tpu.memory_space<hbm>> -> memref<100000x128xf32, #tpu.memory_space<hbm>>
      tpu.enqueue_indirect_dma source(%dma_start3A_80 : memref<100000x128xf32, #tpu.memory_space<hbm>>) target(%arg15 : memref<80x128xf32, #tpu.memory_space<vmem>>) offsets(%dma_start3A_77 : memref<80xi32, #tpu.memory_space<vmem>>) semaphore(%arg20 : memref<!tpu.dma_semaphore, #tpu.memory_space<semaphore_mem>>)
      %mul3A_81 = arith.constant 80 : i32
      %mul3A_82 = arith.muli %add3A_25, %mul3A_81 : i32
      %add3A_83 = arith.constant 1920 : i32
      %add3A_84 = arith.addi %add3A_83, %mul3A_82 : i32
      %dma_start3A_85 = tpu.memref_slice %arg8[%add3A_84] : memref<2560xi32, #tpu.memory_space<vmem>> -> memref<80xi32, #tpu.memory_space<vmem>>
      %dma_start3A_86 = arith.constant 0 : i32
      %dma_start3A_87 = arith.constant 0 : i32
      %dma_start3A_88 = tpu.memref_slice %arg6[%dma_start3A_86, %dma_start3A_87] : memref<100000x128xf32, #tpu.memory_space<hbm>> -> memref<100000x128xf32, #tpu.memory_space<hbm>>
      tpu.enqueue_indirect_dma source(%dma_start3A_88 : memref<100000x128xf32, #tpu.memory_space<hbm>>) target(%arg16 : memref<80x128xf32, #tpu.memory_space<vmem>>) offsets(%dma_start3A_85 : memref<80xi32, #tpu.memory_space<vmem>>) semaphore(%arg20 : memref<!tpu.dma_semaphore, #tpu.memory_space<semaphore_mem>>)
      %dma_wait3A = tpu.memref_slice %arg8[%add3A_29] : memref<2560xi32, #tpu.memory_space<vmem>> -> memref<80xi32, #tpu.memory_space<vmem>>
      %dma_wait3A_89 = arith.constant 0 : i32
      %dma_wait3A_90 = arith.constant 0 : i32
      %dma_wait3A_91 = tpu.memref_slice %arg3[%dma_wait3A_89, %dma_wait3A_90] : memref<100000x128xf32, #tpu.memory_space<hbm>> -> memref<100000x128xf32, #tpu.memory_space<hbm>>
      tpu.wait_indirect_dma semaphore(%arg19 : memref<!tpu.dma_semaphore, #tpu.memory_space<semaphore_mem>>) src(%dma_wait3A_91 : memref<100000x128xf32, #tpu.memory_space<hbm>>) dst(%arg9 : memref<80x128xf32, #tpu.memory_space<vmem>>)
      %dma_wait3A_92 = tpu.memref_slice %arg8[%add3A_36] : memref<2560xi32, #tpu.memory_space<vmem>> -> memref<80xi32, #tpu.memory_space<vmem>>
      %dma_wait3A_93 = arith.constant 0 : i32
      %dma_wait3A_94 = arith.constant 0 : i32
      %dma_wait3A_95 = tpu.memref_slice %arg4[%dma_wait3A_93, %dma_wait3A_94] : memref<100000x128xf32, #tpu.memory_space<hbm>> -> memref<100000x128xf32, #tpu.memory_space<hbm>>
      tpu.wait_indirect_dma semaphore(%arg19 : memref<!tpu.dma_semaphore, #tpu.memory_space<semaphore_mem>>) src(%dma_wait3A_95 : memref<100000x128xf32, #tpu.memory_space<hbm>>) dst(%arg10 : memref<80x128xf32, #tpu.memory_space<vmem>>)
      %dma_wait3A_96 = tpu.memref_slice %arg8[%add3A_44] : memref<2560xi32, #tpu.memory_space<vmem>> -> memref<80xi32, #tpu.memory_space<vmem>>
      %dma_wait3A_97 = arith.constant 0 : i32
      %dma_wait3A_98 = arith.constant 0 : i32
      %dma_wait3A_99 = tpu.memref_slice %arg5[%dma_wait3A_97, %dma_wait3A_98] : memref<100000x128xf32, #tpu.memory_space<hbm>> -> memref<100000x128xf32, #tpu.memory_space<hbm>>
      tpu.wait_indirect_dma semaphore(%arg19 : memref<!tpu.dma_semaphore, #tpu.memory_space<semaphore_mem>>) src(%dma_wait3A_99 : memref<100000x128xf32, #tpu.memory_space<hbm>>) dst(%arg11 : memref<80x128xf32, #tpu.memory_space<vmem>>)
      %dma_wait3A_100 = tpu.memref_slice %arg8[%add3A_52] : memref<2560xi32, #tpu.memory_space<vmem>> -> memref<80xi32, #tpu.memory_space<vmem>>
      %dma_wait3A_101 = arith.constant 0 : i32
      %dma_wait3A_102 = arith.constant 0 : i32
      %dma_wait3A_103 = tpu.memref_slice %arg6[%dma_wait3A_101, %dma_wait3A_102] : memref<100000x128xf32, #tpu.memory_space<hbm>> -> memref<100000x128xf32, #tpu.memory_space<hbm>>
      tpu.wait_indirect_dma semaphore(%arg19 : memref<!tpu.dma_semaphore, #tpu.memory_space<semaphore_mem>>) src(%dma_wait3A_103 : memref<100000x128xf32, #tpu.memory_space<hbm>>) dst(%arg12 : memref<80x128xf32, #tpu.memory_space<vmem>>)
      %scan3A_104 = arith.constant 0 : i32
      %scan3A_105 = arith.constant 0 : i32
      %scan3A_106 = arith.constant 80 : i32
      %scan3A_107 = arith.addi %scan3A_105, %scan3A_106 : i32
      %scan3A_108 = arith.constant 1 : i32
      scf.for %scan3A_154 = %scan3A_105 to %scan3A_107 step %scan3A_108  : i32 {
        %get3A = arith.index_cast %scan3A_154 : i32 to index
        %get3A_155 = arith.constant 0 : index
        %get3A_156 = tpu.vector_load %arg9[%get3A, %get3A_155] {strides = array<i32>} : memref<80x128xf32, #tpu.memory_space<vmem>>, vector<1x16xf32>,
        %get3A_157 = vector.shape_cast %get3A_156 : vector<1x16xf32> to vector<16xf32>
        %get3A_158 = arith.index_cast %scan3A_154 : i32 to index
        %get3A_159 = arith.constant 0 : index
        %get3A_160 = tpu.vector_load %arg10[%get3A_158, %get3A_159] {strides = array<i32>} : memref<80x128xf32, #tpu.memory_space<vmem>>, vector<1x16xf32>,
        %get3A_161 = vector.shape_cast %get3A_160 : vector<1x16xf32> to vector<16xf32>
        %add3A_162 = arith.addf %get3A_157, %get3A_161 : vector<16xf32>
        %get3A_163 = arith.index_cast %scan3A_154 : i32 to index
        %get3A_164 = arith.constant 0 : index
        %get3A_165 = tpu.vector_load %arg11[%get3A_163, %get3A_164] {strides = array<i32>} : memref<80x128xf32, #tpu.memory_space<vmem>>, vector<1x16xf32>,
        %get3A_166 = vector.shape_cast %get3A_165 : vector<1x16xf32> to vector<16xf32>
        %get3A_167 = arith.index_cast %scan3A_154 : i32 to index
        %get3A_168 = arith.constant 0 : index
        %get3A_169 = tpu.vector_load %arg12[%get3A_167, %get3A_168] {strides = array<i32>} : memref<80x128xf32, #tpu.memory_space<vmem>>, vector<1x16xf32>,
        %get3A_170 = vector.shape_cast %get3A_169 : vector<1x16xf32> to vector<16xf32>
        %add3A_171 = arith.addf %get3A_166, %get3A_170 : vector<16xf32>
        %add3A_172 = arith.addf %add3A_162, %add3A_171 : vector<16xf32>
        %swap3A = arith.index_cast %scan3A_154 : i32 to index
        %swap3A_173 = arith.constant 0 : index
        %swap3A_174 = tpu.vector_load %arg17[%swap3A, %swap3A_173] {strides = array<i32>} : memref<80x100xf32, #tpu.memory_space<vmem>>, vector<1x16xf32>,
        %swap3A_175 = vector.shape_cast %swap3A_174 : vector<1x16xf32> to vector<16xf32>
        %swap3A_176 = vector.shape_cast %add3A_172 : vector<16xf32> to vector<1x16xf32>
        tpu.vector_store %arg17[%swap3A, %swap3A_173], %swap3A_176 {strides = array<i32>} : memref<80x100xf32, #tpu.memory_space<vmem>>, vector<1x16xf32>,
        %get3A_177 = arith.index_cast %scan3A_154 : i32 to index
        %get3A_178 = arith.constant 16 : index
        %get3A_179 = tpu.vector_load %arg9[%get3A_177, %get3A_178] {strides = array<i32>} : memref<80x128xf32, #tpu.memory_space<vmem>>, vector<1x16xf32>,
        %get3A_180 = vector.shape_cast %get3A_179 : vector<1x16xf32> to vector<16xf32>
        %get3A_181 = arith.index_cast %scan3A_154 : i32 to index
        %get3A_182 = arith.constant 16 : index
        %get3A_183 = tpu.vector_load %arg10[%get3A_181, %get3A_182] {strides = array<i32>} : memref<80x128xf32, #tpu.memory_space<vmem>>, vector<1x16xf32>,
        %get3A_184 = vector.shape_cast %get3A_183 : vector<1x16xf32> to vector<16xf32>
        %add3A_185 = arith.addf %get3A_180, %get3A_184 : vector<16xf32>
        %get3A_186 = arith.index_cast %scan3A_154 : i32 to index
        %get3A_187 = arith.constant 16 : index
        %get3A_188 = tpu.vector_load %arg11[%get3A_186, %get3A_187] {strides = array<i32>} : memref<80x128xf32, #tpu.memory_space<vmem>>, vector<1x16xf32>,
        %get3A_189 = vector.shape_cast %get3A_188 : vector<1x16xf32> to vector<16xf32>
        %get3A_190 = arith.index_cast %scan3A_154 : i32 to index
        %get3A_191 = arith.constant 16 : index
        %get3A_192 = tpu.vector_load %arg12[%get3A_190, %get3A_191] {strides = array<i32>} : memref<80x128xf32, #tpu.memory_space<vmem>>, vector<1x16xf32>,
        %get3A_193 = vector.shape_cast %get3A_192 : vector<1x16xf32> to vector<16xf32>
        %add3A_194 = arith.addf %get3A_189, %get3A_193 : vector<16xf32>
        %add3A_195 = arith.addf %add3A_185, %add3A_194 : vector<16xf32>
        %swap3A_196 = arith.index_cast %scan3A_154 : i32 to index
        %swap3A_197 = arith.constant 16 : index
        %swap3A_198 = tpu.vector_load %arg17[%swap3A_196, %swap3A_197] {strides = array<i32>} : memref<80x100xf32, #tpu.memory_space<vmem>>, vector<1x16xf32>,
        %swap3A_199 = vector.shape_cast %swap3A_198 : vector<1x16xf32> to vector<16xf32>
        %swap3A_200 = vector.shape_cast %add3A_195 : vector<16xf32> to vector<1x16xf32>
        tpu.vector_store %arg17[%swap3A_196, %swap3A_197], %swap3A_200 {strides = array<i32>} : memref<80x100xf32, #tpu.memory_space<vmem>>, vector<1x16xf32>,
        %get3A_201 = arith.index_cast %scan3A_154 : i32 to index
        %get3A_202 = arith.constant 32 : index
        %get3A_203 = tpu.vector_load %arg9[%get3A_201, %get3A_202] {strides = array<i32>} : memref<80x128xf32, #tpu.memory_space<vmem>>, vector<1x16xf32>,
        %get3A_204 = vector.shape_cast %get3A_203 : vector<1x16xf32> to vector<16xf32>
        %get3A_205 = arith.index_cast %scan3A_154 : i32 to index
        %get3A_206 = arith.constant 32 : index
        %get3A_207 = tpu.vector_load %arg10[%get3A_205, %get3A_206] {strides = array<i32>} : memref<80x128xf32, #tpu.memory_space<vmem>>, vector<1x16xf32>,
        %get3A_208 = vector.shape_cast %get3A_207 : vector<1x16xf32> to vector<16xf32>
        %add3A_209 = arith.addf %get3A_204, %get3A_208 : vector<16xf32>
        %get3A_210 = arith.index_cast %scan3A_154 : i32 to index
        %get3A_211 = arith.constant 32 : index
        %get3A_212 = tpu.vector_load %arg11[%get3A_210, %get3A_211] {strides = array<i32>} : memref<80x128xf32, #tpu.memory_space<vmem>>, vector<1x16xf32>,
        %get3A_213 = vector.shape_cast %get3A_212 : vector<1x16xf32> to vector<16xf32>
        %get3A_214 = arith.index_cast %scan3A_154 : i32 to index
        %get3A_215 = arith.constant 32 : index
        %get3A_216 = tpu.vector_load %arg12[%get3A_214, %get3A_215] {strides = array<i32>} : memref<80x128xf32, #tpu.memory_space<vmem>>, vector<1x16xf32>,
        %get3A_217 = vector.shape_cast %get3A_216 : vector<1x16xf32> to vector<16xf32>
        %add3A_218 = arith.addf %get3A_213, %get3A_217 : vector<16xf32>
        %add3A_219 = arith.addf %add3A_209, %add3A_218 : vector<16xf32>
        %swap3A_220 = arith.index_cast %scan3A_154 : i32 to index
        %swap3A_221 = arith.constant 32 : index
        %swap3A_222 = tpu.vector_load %arg17[%swap3A_220, %swap3A_221] {strides = array<i32>} : memref<80x100xf32, #tpu.memory_space<vmem>>, vector<1x16xf32>,
        %swap3A_223 = vector.shape_cast %swap3A_222 : vector<1x16xf32> to vector<16xf32>
        %swap3A_224 = vector.shape_cast %add3A_219 : vector<16xf32> to vector<1x16xf32>
        tpu.vector_store %arg17[%swap3A_220, %swap3A_221], %swap3A_224 {strides = array<i32>} : memref<80x100xf32, #tpu.memory_space<vmem>>, vector<1x16xf32>,
        %get3A_225 = arith.index_cast %scan3A_154 : i32 to index
        %get3A_226 = arith.constant 48 : index
        %get3A_227 = tpu.vector_load %arg9[%get3A_225, %get3A_226] {strides = array<i32>} : memref<80x128xf32, #tpu.memory_space<vmem>>, vector<1x16xf32>,
        %get3A_228 = vector.shape_cast %get3A_227 : vector<1x16xf32> to vector<16xf32>
        %get3A_229 = arith.index_cast %scan3A_154 : i32 to index
        %get3A_230 = arith.constant 48 : index
        %get3A_231 = tpu.vector_load %arg10[%get3A_229, %get3A_230] {strides = array<i32>} : memref<80x128xf32, #tpu.memory_space<vmem>>, vector<1x16xf32>,
        %get3A_232 = vector.shape_cast %get3A_231 : vector<1x16xf32> to vector<16xf32>
        %add3A_233 = arith.addf %get3A_228, %get3A_232 : vector<16xf32>
        %get3A_234 = arith.index_cast %scan3A_154 : i32 to index
        %get3A_235 = arith.constant 48 : index
        %get3A_236 = tpu.vector_load %arg11[%get3A_234, %get3A_235] {strides = array<i32>} : memref<80x128xf32, #tpu.memory_space<vmem>>, vector<1x16xf32>,
        %get3A_237 = vector.shape_cast %get3A_236 : vector<1x16xf32> to vector<16xf32>
        %get3A_238 = arith.index_cast %scan3A_154 : i32 to index
        %get3A_239 = arith.constant 48 : index
        %get3A_240 = tpu.vector_load %arg12[%get3A_238, %get3A_239] {strides = array<i32>} : memref<80x128xf32, #tpu.memory_space<vmem>>, vector<1x16xf32>,
        %get3A_241 = vector.shape_cast %get3A_240 : vector<1x16xf32> to vector<16xf32>
        %add3A_242 = arith.addf %get3A_237, %get3A_241 : vector<16xf32>
        %add3A_243 = arith.addf %add3A_233, %add3A_242 : vector<16xf32>
        %swap3A_244 = arith.index_cast %scan3A_154 : i32 to index
        %swap3A_245 = arith.constant 48 : index
        %swap3A_246 = tpu.vector_load %arg17[%swap3A_244, %swap3A_245] {strides = array<i32>} : memref<80x100xf32, #tpu.memory_space<vmem>>, vector<1x16xf32>,
        %swap3A_247 = vector.shape_cast %swap3A_246 : vector<1x16xf32> to vector<16xf32>
        %swap3A_248 = vector.shape_cast %add3A_243 : vector<16xf32> to vector<1x16xf32>
        tpu.vector_store %arg17[%swap3A_244, %swap3A_245], %swap3A_248 {strides = array<i32>} : memref<80x100xf32, #tpu.memory_space<vmem>>, vector<1x16xf32>,
        %get3A_249 = arith.index_cast %scan3A_154 : i32 to index
        %get3A_250 = arith.constant 64 : index
        %get3A_251 = tpu.vector_load %arg9[%get3A_249, %get3A_250] {strides = array<i32>} : memref<80x128xf32, #tpu.memory_space<vmem>>, vector<1x16xf32>,
        %get3A_252 = vector.shape_cast %get3A_251 : vector<1x16xf32> to vector<16xf32>
        %get3A_253 = arith.index_cast %scan3A_154 : i32 to index
        %get3A_254 = arith.constant 64 : index
        %get3A_255 = tpu.vector_load %arg10[%get3A_253, %get3A_254] {strides = array<i32>} : memref<80x128xf32, #tpu.memory_space<vmem>>, vector<1x16xf32>,
        %get3A_256 = vector.shape_cast %get3A_255 : vector<1x16xf32> to vector<16xf32>
        %add3A_257 = arith.addf %get3A_252, %get3A_256 : vector<16xf32>
        %get3A_258 = arith.index_cast %scan3A_154 : i32 to index
        %get3A_259 = arith.constant 64 : index
        %get3A_260 = tpu.vector_load %arg11[%get3A_258, %get3A_259] {strides = array<i32>} : memref<80x128xf32, #tpu.memory_space<vmem>>, vector<1x16xf32>,
        %get3A_261 = vector.shape_cast %get3A_260 : vector<1x16xf32> to vector<16xf32>
        %get3A_262 = arith.index_cast %scan3A_154 : i32 to index
        %get3A_263 = arith.constant 64 : index
        %get3A_264 = tpu.vector_load %arg12[%get3A_262, %get3A_263] {strides = array<i32>} : memref<80x128xf32, #tpu.memory_space<vmem>>, vector<1x16xf32>,
        %get3A_265 = vector.shape_cast %get3A_264 : vector<1x16xf32> to vector<16xf32>
        %add3A_266 = arith.addf %get3A_261, %get3A_265 : vector<16xf32>
        %add3A_267 = arith.addf %add3A_257, %add3A_266 : vector<16xf32>
        %swap3A_268 = arith.index_cast %scan3A_154 : i32 to index
        %swap3A_269 = arith.constant 64 : index
        %swap3A_270 = tpu.vector_load %arg17[%swap3A_268, %swap3A_269] {strides = array<i32>} : memref<80x100xf32, #tpu.memory_space<vmem>>, vector<1x16xf32>,
        %swap3A_271 = vector.shape_cast %swap3A_270 : vector<1x16xf32> to vector<16xf32>
        %swap3A_272 = vector.shape_cast %add3A_267 : vector<16xf32> to vector<1x16xf32>
        tpu.vector_store %arg17[%swap3A_268, %swap3A_269], %swap3A_272 {strides = array<i32>} : memref<80x100xf32, #tpu.memory_space<vmem>>, vector<1x16xf32>,
        %get3A_273 = arith.index_cast %scan3A_154 : i32 to index
        %get3A_274 = arith.constant 80 : index
        %get3A_275 = tpu.vector_load %arg9[%get3A_273, %get3A_274] {strides = array<i32>} : memref<80x128xf32, #tpu.memory_space<vmem>>, vector<1x16xf32>,
        %get3A_276 = vector.shape_cast %get3A_275 : vector<1x16xf32> to vector<16xf32>
        %get3A_277 = arith.index_cast %scan3A_154 : i32 to index
        %get3A_278 = arith.constant 80 : index
        %get3A_279 = tpu.vector_load %arg10[%get3A_277, %get3A_278] {strides = array<i32>} : memref<80x128xf32, #tpu.memory_space<vmem>>, vector<1x16xf32>,
        %get3A_280 = vector.shape_cast %get3A_279 : vector<1x16xf32> to vector<16xf32>
        %add3A_281 = arith.addf %get3A_276, %get3A_280 : vector<16xf32>
        %get3A_282 = arith.index_cast %scan3A_154 : i32 to index
        %get3A_283 = arith.constant 80 : index
        %get3A_284 = tpu.vector_load %arg11[%get3A_282, %get3A_283] {strides = array<i32>} : memref<80x128xf32, #tpu.memory_space<vmem>>, vector<1x16xf32>,
        %get3A_285 = vector.shape_cast %get3A_284 : vector<1x16xf32> to vector<16xf32>
        %get3A_286 = arith.index_cast %scan3A_154 : i32 to index
        %get3A_287 = arith.constant 80 : index
        %get3A_288 = tpu.vector_load %arg12[%get3A_286, %get3A_287] {strides = array<i32>} : memref<80x128xf32, #tpu.memory_space<vmem>>, vector<1x16xf32>,
        %get3A_289 = vector.shape_cast %get3A_288 : vector<1x16xf32> to vector<16xf32>
        %add3A_290 = arith.addf %get3A_285, %get3A_289 : vector<16xf32>
        %add3A_291 = arith.addf %add3A_281, %add3A_290 : vector<16xf32>
        %swap3A_292 = arith.index_cast %scan3A_154 : i32 to index
        %swap3A_293 = arith.constant 80 : index
        %swap3A_294 = tpu.vector_load %arg17[%swap3A_292, %swap3A_293] {strides = array<i32>} : memref<80x100xf32, #tpu.memory_space<vmem>>, vector<1x16xf32>,
        %swap3A_295 = vector.shape_cast %swap3A_294 : vector<1x16xf32> to vector<16xf32>
        %swap3A_296 = vector.shape_cast %add3A_291 : vector<16xf32> to vector<1x16xf32>
        tpu.vector_store %arg17[%swap3A_292, %swap3A_293], %swap3A_296 {strides = array<i32>} : memref<80x100xf32, #tpu.memory_space<vmem>>, vector<1x16xf32>,
        %get3A_297 = arith.index_cast %scan3A_154 : i32 to index
        %get3A_298 = arith.constant 84 : index
        %get3A_299 = tpu.vector_load %arg9[%get3A_297, %get3A_298] {strides = array<i32>} : memref<80x128xf32, #tpu.memory_space<vmem>>, vector<1x16xf32>,
        %get3A_300 = vector.shape_cast %get3A_299 : vector<1x16xf32> to vector<16xf32>
        %get3A_301 = arith.index_cast %scan3A_154 : i32 to index
        %get3A_302 = arith.constant 84 : index
        %get3A_303 = tpu.vector_load %arg10[%get3A_301, %get3A_302] {strides = array<i32>} : memref<80x128xf32, #tpu.memory_space<vmem>>, vector<1x16xf32>,
        %get3A_304 = vector.shape_cast %get3A_303 : vector<1x16xf32> to vector<16xf32>
        %add3A_305 = arith.addf %get3A_300, %get3A_304 : vector<16xf32>
        %get3A_306 = arith.index_cast %scan3A_154 : i32 to index
        %get3A_307 = arith.constant 84 : index
        %get3A_308 = tpu.vector_load %arg11[%get3A_306, %get3A_307] {strides = array<i32>} : memref<80x128xf32, #tpu.memory_space<vmem>>, vector<1x16xf32>,
        %get3A_309 = vector.shape_cast %get3A_308 : vector<1x16xf32> to vector<16xf32>
        %get3A_310 = arith.index_cast %scan3A_154 : i32 to index
        %get3A_311 = arith.constant 84 : index
        %get3A_312 = tpu.vector_load %arg12[%get3A_310, %get3A_311] {strides = array<i32>} : memref<80x128xf32, #tpu.memory_space<vmem>>, vector<1x16xf32>,
        %get3A_313 = vector.shape_cast %get3A_312 : vector<1x16xf32> to vector<16xf32>
        %add3A_314 = arith.addf %get3A_309, %get3A_313 : vector<16xf32>
        %add3A_315 = arith.addf %add3A_305, %add3A_314 : vector<16xf32>
        %swap3A_316 = arith.index_cast %scan3A_154 : i32 to index
        %swap3A_317 = arith.constant 84 : index
        %swap3A_318 = tpu.vector_load %arg17[%swap3A_316, %swap3A_317] {strides = array<i32>} : memref<80x100xf32, #tpu.memory_space<vmem>>, vector<1x16xf32>,
        %swap3A_319 = vector.shape_cast %swap3A_318 : vector<1x16xf32> to vector<16xf32>
        %swap3A_320 = vector.shape_cast %add3A_315 : vector<16xf32> to vector<1x16xf32>
        tpu.vector_store %arg17[%swap3A_316, %swap3A_317], %swap3A_320 {strides = array<i32>} : memref<80x100xf32, #tpu.memory_space<vmem>>, vector<1x16xf32>,
      }
      %scan3A_109 = arith.constant 80 : i32
      %mul3A_110 = arith.constant 80 : i32
      %mul3A_111 = arith.muli %mul3A_23, %mul3A_110 : i32
      %add3A_112 = arith.addi %mul3A_4, %mul3A_111 : i32
      %dma_start3A_113 = arith.constant 0 : i32
      %dma_start3A_114 = tpu.memref_slice %arg7[%add3A_112, %dma_start3A_113] : memref<20480x100xf32, #tpu.memory_space<hbm>> -> memref<80x100xf32, #tpu.memory_space<hbm>>
      %dma_start3A_115 = arith.constant 0 : i32
      %dma_start3A_116 = tpu.memref_slice %arg7[%add3A_112, %dma_start3A_115] : memref<20480x100xf32, #tpu.memory_space<hbm>> -> memref<80x100xf32, #tpu.memory_space<hbm>>
      tpu.enqueue_dma source(%arg17 : memref<80x100xf32, #tpu.memory_space<vmem>>) target(%dma_start3A_116 : memref<80x100xf32, #tpu.memory_space<hbm>>) target_semaphore(%arg21 : memref<!tpu.dma_semaphore, #tpu.memory_space<semaphore_mem>>)
      %dma_wait3A_117 = tpu.memref_slice %arg8[%add3A_60] : memref<2560xi32, #tpu.memory_space<vmem>> -> memref<80xi32, #tpu.memory_space<vmem>>
      %dma_wait3A_118 = arith.constant 0 : i32
      %dma_wait3A_119 = arith.constant 0 : i32
      %dma_wait3A_120 = tpu.memref_slice %arg3[%dma_wait3A_118, %dma_wait3A_119] : memref<100000x128xf32, #tpu.memory_space<hbm>> -> memref<100000x128xf32, #tpu.memory_space<hbm>>
      tpu.wait_indirect_dma semaphore(%arg20 : memref<!tpu.dma_semaphore, #tpu.memory_space<semaphore_mem>>) src(%dma_wait3A_120 : memref<100000x128xf32, #tpu.memory_space<hbm>>) dst(%arg13 : memref<80x128xf32, #tpu.memory_space<vmem>>)
      %dma_wait3A_121 = tpu.memref_slice %arg8[%add3A_68] : memref<2560xi32, #tpu.memory_space<vmem>> -> memref<80xi32, #tpu.memory_space<vmem>>
      %dma_wait3A_122 = arith.constant 0 : i32
      %dma_wait3A_123 = arith.constant 0 : i32
      %dma_wait3A_124 = tpu.memref_slice %arg4[%dma_wait3A_122, %dma_wait3A_123] : memref<100000x128xf32, #tpu.memory_space<hbm>> -> memref<100000x128xf32, #tpu.memory_space<hbm>>
      tpu.wait_indirect_dma semaphore(%arg20 : memref<!tpu.dma_semaphore, #tpu.memory_space<semaphore_mem>>) src(%dma_wait3A_124 : memref<100000x128xf32, #tpu.memory_space<hbm>>) dst(%arg14 : memref<80x128xf32, #tpu.memory_space<vmem>>)
      %dma_wait3A_125 = tpu.memref_slice %arg8[%add3A_76] : memref<2560xi32, #tpu.memory_space<vmem>> -> memref<80xi32, #tpu.memory_space<vmem>>
      %dma_wait3A_126 = arith.constant 0 : i32
      %dma_wait3A_127 = arith.constant 0 : i32
      %dma_wait3A_128 = tpu.memref_slice %arg5[%dma_wait3A_126, %dma_wait3A_127] : memref<100000x128xf32, #tpu.memory_space<hbm>> -> memref<100000x128xf32, #tpu.memory_space<hbm>>
      tpu.wait_indirect_dma semaphore(%arg20 : memref<!tpu.dma_semaphore, #tpu.memory_space<semaphore_mem>>) src(%dma_wait3A_128 : memref<100000x128xf32, #tpu.memory_space<hbm>>) dst(%arg15 : memref<80x128xf32, #tpu.memory_space<vmem>>)
      %dma_wait3A_129 = tpu.memref_slice %arg8[%add3A_84] : memref<2560xi32, #tpu.memory_space<vmem>> -> memref<80xi32, #tpu.memory_space<vmem>>
      %dma_wait3A_130 = arith.constant 0 : i32
      %dma_wait3A_131 = arith.constant 0 : i32
      %dma_wait3A_132 = tpu.memref_slice %arg6[%dma_wait3A_130, %dma_wait3A_131] : memref<100000x128xf32, #tpu.memory_space<hbm>> -> memref<100000x128xf32, #tpu.memory_space<hbm>>
      tpu.wait_indirect_dma semaphore(%arg20 : memref<!tpu.dma_semaphore, #tpu.memory_space<semaphore_mem>>) src(%dma_wait3A_132 : memref<100000x128xf32, #tpu.memory_space<hbm>>) dst(%arg16 : memref<80x128xf32, #tpu.memory_space<vmem>>)
      %scan3A_133 = arith.constant 0 : i32
      %scan3A_134 = arith.constant 0 : i32
      %scan3A_135 = arith.constant 80 : i32
      %scan3A_136 = arith.addi %scan3A_134, %scan3A_135 : i32
      %scan3A_137 = arith.constant 1 : i32
      scf.for %scan3A_154 = %scan3A_134 to %scan3A_136 step %scan3A_137  : i32 {
        %get3A = arith.index_cast %scan3A_154 : i32 to index
        %get3A_155 = arith.constant 0 : index
        %get3A_156 = tpu.vector_load %arg13[%get3A, %get3A_155] {strides = array<i32>} : memref<80x128xf32, #tpu.memory_space<vmem>>, vector<1x16xf32>,
        %get3A_157 = vector.shape_cast %get3A_156 : vector<1x16xf32> to vector<16xf32>
        %get3A_158 = arith.index_cast %scan3A_154 : i32 to index
        %get3A_159 = arith.constant 0 : index
        %get3A_160 = tpu.vector_load %arg14[%get3A_158, %get3A_159] {strides = array<i32>} : memref<80x128xf32, #tpu.memory_space<vmem>>, vector<1x16xf32>,
        %get3A_161 = vector.shape_cast %get3A_160 : vector<1x16xf32> to vector<16xf32>
        %add3A_162 = arith.addf %get3A_157, %get3A_161 : vector<16xf32>
        %get3A_163 = arith.index_cast %scan3A_154 : i32 to index
        %get3A_164 = arith.constant 0 : index
        %get3A_165 = tpu.vector_load %arg15[%get3A_163, %get3A_164] {strides = array<i32>} : memref<80x128xf32, #tpu.memory_space<vmem>>, vector<1x16xf32>,
        %get3A_166 = vector.shape_cast %get3A_165 : vector<1x16xf32> to vector<16xf32>
        %get3A_167 = arith.index_cast %scan3A_154 : i32 to index
        %get3A_168 = arith.constant 0 : index
        %get3A_169 = tpu.vector_load %arg16[%get3A_167, %get3A_168] {strides = array<i32>} : memref<80x128xf32, #tpu.memory_space<vmem>>, vector<1x16xf32>,
        %get3A_170 = vector.shape_cast %get3A_169 : vector<1x16xf32> to vector<16xf32>
        %add3A_171 = arith.addf %get3A_166, %get3A_170 : vector<16xf32>
        %add3A_172 = arith.addf %add3A_162, %add3A_171 : vector<16xf32>
        %swap3A = arith.index_cast %scan3A_154 : i32 to index
        %swap3A_173 = arith.constant 0 : index
        %swap3A_174 = tpu.vector_load %arg18[%swap3A, %swap3A_173] {strides = array<i32>} : memref<80x100xf32, #tpu.memory_space<vmem>>, vector<1x16xf32>,
        %swap3A_175 = vector.shape_cast %swap3A_174 : vector<1x16xf32> to vector<16xf32>
        %swap3A_176 = vector.shape_cast %add3A_172 : vector<16xf32> to vector<1x16xf32>
        tpu.vector_store %arg18[%swap3A, %swap3A_173], %swap3A_176 {strides = array<i32>} : memref<80x100xf32, #tpu.memory_space<vmem>>, vector<1x16xf32>,
        %get3A_177 = arith.index_cast %scan3A_154 : i32 to index
        %get3A_178 = arith.constant 16 : index
        %get3A_179 = tpu.vector_load %arg13[%get3A_177, %get3A_178] {strides = array<i32>} : memref<80x128xf32, #tpu.memory_space<vmem>>, vector<1x16xf32>,
        %get3A_180 = vector.shape_cast %get3A_179 : vector<1x16xf32> to vector<16xf32>
        %get3A_181 = arith.index_cast %scan3A_154 : i32 to index
        %get3A_182 = arith.constant 16 : index
        %get3A_183 = tpu.vector_load %arg14[%get3A_181, %get3A_182] {strides = array<i32>} : memref<80x128xf32, #tpu.memory_space<vmem>>, vector<1x16xf32>,
        %get3A_184 = vector.shape_cast %get3A_183 : vector<1x16xf32> to vector<16xf32>
        %add3A_185 = arith.addf %get3A_180, %get3A_184 : vector<16xf32>
        %get3A_186 = arith.index_cast %scan3A_154 : i32 to index
        %get3A_187 = arith.constant 16 : index
        %get3A_188 = tpu.vector_load %arg15[%get3A_186, %get3A_187] {strides = array<i32>} : memref<80x128xf32, #tpu.memory_space<vmem>>, vector<1x16xf32>,
        %get3A_189 = vector.shape_cast %get3A_188 : vector<1x16xf32> to vector<16xf32>
        %get3A_190 = arith.index_cast %scan3A_154 : i32 to index
        %get3A_191 = arith.constant 16 : index
        %get3A_192 = tpu.vector_load %arg16[%get3A_190, %get3A_191] {strides = array<i32>} : memref<80x128xf32, #tpu.memory_space<vmem>>, vector<1x16xf32>,
        %get3A_193 = vector.shape_cast %get3A_192 : vector<1x16xf32> to vector<16xf32>
        %add3A_194 = arith.addf %get3A_189, %get3A_193 : vector<16xf32>
        %add3A_195 = arith.addf %add3A_185, %add3A_194 : vector<16xf32>
        %swap3A_196 = arith.index_cast %scan3A_154 : i32 to index
        %swap3A_197 = arith.constant 16 : index
        %swap3A_198 = tpu.vector_load %arg18[%swap3A_196, %swap3A_197] {strides = array<i32>} : memref<80x100xf32, #tpu.memory_space<vmem>>, vector<1x16xf32>,
        %swap3A_199 = vector.shape_cast %swap3A_198 : vector<1x16xf32> to vector<16xf32>
        %swap3A_200 = vector.shape_cast %add3A_195 : vector<16xf32> to vector<1x16xf32>
        tpu.vector_store %arg18[%swap3A_196, %swap3A_197], %swap3A_200 {strides = array<i32>} : memref<80x100xf32, #tpu.memory_space<vmem>>, vector<1x16xf32>,
        %get3A_201 = arith.index_cast %scan3A_154 : i32 to index
        %get3A_202 = arith.constant 32 : index
        %get3A_203 = tpu.vector_load %arg13[%get3A_201, %get3A_202] {strides = array<i32>} : memref<80x128xf32, #tpu.memory_space<vmem>>, vector<1x16xf32>,
        %get3A_204 = vector.shape_cast %get3A_203 : vector<1x16xf32> to vector<16xf32>
        %get3A_205 = arith.index_cast %scan3A_154 : i32 to index
        %get3A_206 = arith.constant 32 : index
        %get3A_207 = tpu.vector_load %arg14[%get3A_205, %get3A_206] {strides = array<i32>} : memref<80x128xf32, #tpu.memory_space<vmem>>, vector<1x16xf32>,
        %get3A_208 = vector.shape_cast %get3A_207 : vector<1x16xf32> to vector<16xf32>
        %add3A_209 = arith.addf %get3A_204, %get3A_208 : vector<16xf32>
        %get3A_210 = arith.index_cast %scan3A_154 : i32 to index
        %get3A_211 = arith.constant 32 : index
        %get3A_212 = tpu.vector_load %arg15[%get3A_210, %get3A_211] {strides = array<i32>} : memref<80x128xf32, #tpu.memory_space<vmem>>, vector<1x16xf32>,
        %get3A_213 = vector.shape_cast %get3A_212 : vector<1x16xf32> to vector<16xf32>
        %get3A_214 = arith.index_cast %scan3A_154 : i32 to index
        %get3A_215 = arith.constant 32 : index
        %get3A_216 = tpu.vector_load %arg16[%get3A_214, %get3A_215] {strides = array<i32>} : memref<80x128xf32, #tpu.memory_space<vmem>>, vector<1x16xf32>,
        %get3A_217 = vector.shape_cast %get3A_216 : vector<1x16xf32> to vector<16xf32>
        %add3A_218 = arith.addf %get3A_213, %get3A_217 : vector<16xf32>
        %add3A_219 = arith.addf %add3A_209, %add3A_218 : vector<16xf32>
        %swap3A_220 = arith.index_cast %scan3A_154 : i32 to index
        %swap3A_221 = arith.constant 32 : index
        %swap3A_222 = tpu.vector_load %arg18[%swap3A_220, %swap3A_221] {strides = array<i32>} : memref<80x100xf32, #tpu.memory_space<vmem>>, vector<1x16xf32>,
        %swap3A_223 = vector.shape_cast %swap3A_222 : vector<1x16xf32> to vector<16xf32>
        %swap3A_224 = vector.shape_cast %add3A_219 : vector<16xf32> to vector<1x16xf32>
        tpu.vector_store %arg18[%swap3A_220, %swap3A_221], %swap3A_224 {strides = array<i32>} : memref<80x100xf32, #tpu.memory_space<vmem>>, vector<1x16xf32>,
        %get3A_225 = arith.index_cast %scan3A_154 : i32 to index
        %get3A_226 = arith.constant 48 : index
        %get3A_227 = tpu.vector_load %arg13[%get3A_225, %get3A_226] {strides = array<i32>} : memref<80x128xf32, #tpu.memory_space<vmem>>, vector<1x16xf32>,
        %get3A_228 = vector.shape_cast %get3A_227 : vector<1x16xf32> to vector<16xf32>
        %get3A_229 = arith.index_cast %scan3A_154 : i32 to index
        %get3A_230 = arith.constant 48 : index
        %get3A_231 = tpu.vector_load %arg14[%get3A_229, %get3A_230] {strides = array<i32>} : memref<80x128xf32, #tpu.memory_space<vmem>>, vector<1x16xf32>,
        %get3A_232 = vector.shape_cast %get3A_231 : vector<1x16xf32> to vector<16xf32>
        %add3A_233 = arith.addf %get3A_228, %get3A_232 : vector<16xf32>
        %get3A_234 = arith.index_cast %scan3A_154 : i32 to index
        %get3A_235 = arith.constant 48 : index
        %get3A_236 = tpu.vector_load %arg15[%get3A_234, %get3A_235] {strides = array<i32>} : memref<80x128xf32, #tpu.memory_space<vmem>>, vector<1x16xf32>,
        %get3A_237 = vector.shape_cast %get3A_236 : vector<1x16xf32> to vector<16xf32>
        %get3A_238 = arith.index_cast %scan3A_154 : i32 to index
        %get3A_239 = arith.constant 48 : index
        %get3A_240 = tpu.vector_load %arg16[%get3A_238, %get3A_239] {strides = array<i32>} : memref<80x128xf32, #tpu.memory_space<vmem>>, vector<1x16xf32>,
        %get3A_241 = vector.shape_cast %get3A_240 : vector<1x16xf32> to vector<16xf32>
        %add3A_242 = arith.addf %get3A_237, %get3A_241 : vector<16xf32>
        %add3A_243 = arith.addf %add3A_233, %add3A_242 : vector<16xf32>
        %swap3A_244 = arith.index_cast %scan3A_154 : i32 to index
        %swap3A_245 = arith.constant 48 : index
        %swap3A_246 = tpu.vector_load %arg18[%swap3A_244, %swap3A_245] {strides = array<i32>} : memref<80x100xf32, #tpu.memory_space<vmem>>, vector<1x16xf32>,
        %swap3A_247 = vector.shape_cast %swap3A_246 : vector<1x16xf32> to vector<16xf32>
        %swap3A_248 = vector.shape_cast %add3A_243 : vector<16xf32> to vector<1x16xf32>
        tpu.vector_store %arg18[%swap3A_244, %swap3A_245], %swap3A_248 {strides = array<i32>} : memref<80x100xf32, #tpu.memory_space<vmem>>, vector<1x16xf32>,
        %get3A_249 = arith.index_cast %scan3A_154 : i32 to index
        %get3A_250 = arith.constant 64 : index
        %get3A_251 = tpu.vector_load %arg13[%get3A_249, %get3A_250] {strides = array<i32>} : memref<80x128xf32, #tpu.memory_space<vmem>>, vector<1x16xf32>,
        %get3A_252 = vector.shape_cast %get3A_251 : vector<1x16xf32> to vector<16xf32>
        %get3A_253 = arith.index_cast %scan3A_154 : i32 to index
        %get3A_254 = arith.constant 64 : index
        %get3A_255 = tpu.vector_load %arg14[%get3A_253, %get3A_254] {strides = array<i32>} : memref<80x128xf32, #tpu.memory_space<vmem>>, vector<1x16xf32>,
        %get3A_256 = vector.shape_cast %get3A_255 : vector<1x16xf32> to vector<16xf32>
        %add3A_257 = arith.addf %get3A_252, %get3A_256 : vector<16xf32>
        %get3A_258 = arith.index_cast %scan3A_154 : i32 to index
        %get3A_259 = arith.constant 64 : index
        %get3A_260 = tpu.vector_load %arg15[%get3A_258, %get3A_259] {strides = array<i32>} : memref<80x128xf32, #tpu.memory_space<vmem>>, vector<1x16xf32>,
        %get3A_261 = vector.shape_cast %get3A_260 : vector<1x16xf32> to vector<16xf32>
        %get3A_262 = arith.index_cast %scan3A_154 : i32 to index
        %get3A_263 = arith.constant 64 : index
        %get3A_264 = tpu.vector_load %arg16[%get3A_262, %get3A_263] {strides = array<i32>} : memref<80x128xf32, #tpu.memory_space<vmem>>, vector<1x16xf32>,
        %get3A_265 = vector.shape_cast %get3A_264 : vector<1x16xf32> to vector<16xf32>
        %add3A_266 = arith.addf %get3A_261, %get3A_265 : vector<16xf32>
        %add3A_267 = arith.addf %add3A_257, %add3A_266 : vector<16xf32>
        %swap3A_268 = arith.index_cast %scan3A_154 : i32 to index
        %swap3A_269 = arith.constant 64 : index
        %swap3A_270 = tpu.vector_load %arg18[%swap3A_268, %swap3A_269] {strides = array<i32>} : memref<80x100xf32, #tpu.memory_space<vmem>>, vector<1x16xf32>,
        %swap3A_271 = vector.shape_cast %swap3A_270 : vector<1x16xf32> to vector<16xf32>
        %swap3A_272 = vector.shape_cast %add3A_267 : vector<16xf32> to vector<1x16xf32>
        tpu.vector_store %arg18[%swap3A_268, %swap3A_269], %swap3A_272 {strides = array<i32>} : memref<80x100xf32, #tpu.memory_space<vmem>>, vector<1x16xf32>,
        %get3A_273 = arith.index_cast %scan3A_154 : i32 to index
        %get3A_274 = arith.constant 80 : index
        %get3A_275 = tpu.vector_load %arg13[%get3A_273, %get3A_274] {strides = array<i32>} : memref<80x128xf32, #tpu.memory_space<vmem>>, vector<1x16xf32>,
        %get3A_276 = vector.shape_cast %get3A_275 : vector<1x16xf32> to vector<16xf32>
        %get3A_277 = arith.index_cast %scan3A_154 : i32 to index
        %get3A_278 = arith.constant 80 : index
        %get3A_279 = tpu.vector_load %arg14[%get3A_277, %get3A_278] {strides = array<i32>} : memref<80x128xf32, #tpu.memory_space<vmem>>, vector<1x16xf32>,
        %get3A_280 = vector.shape_cast %get3A_279 : vector<1x16xf32> to vector<16xf32>
        %add3A_281 = arith.addf %get3A_276, %get3A_280 : vector<16xf32>
        %get3A_282 = arith.index_cast %scan3A_154 : i32 to index
        %get3A_283 = arith.constant 80 : index
        %get3A_284 = tpu.vector_load %arg15[%get3A_282, %get3A_283] {strides = array<i32>} : memref<80x128xf32, #tpu.memory_space<vmem>>, vector<1x16xf32>,
        %get3A_285 = vector.shape_cast %get3A_284 : vector<1x16xf32> to vector<16xf32>
        %get3A_286 = arith.index_cast %scan3A_154 : i32 to index
        %get3A_287 = arith.constant 80 : index
        %get3A_288 = tpu.vector_load %arg16[%get3A_286, %get3A_287] {strides = array<i32>} : memref<80x128xf32, #tpu.memory_space<vmem>>, vector<1x16xf32>,
        %get3A_289 = vector.shape_cast %get3A_288 : vector<1x16xf32> to vector<16xf32>
        %add3A_290 = arith.addf %get3A_285, %get3A_289 : vector<16xf32>
        %add3A_291 = arith.addf %add3A_281, %add3A_290 : vector<16xf32>
        %swap3A_292 = arith.index_cast %scan3A_154 : i32 to index
        %swap3A_293 = arith.constant 80 : index
        %swap3A_294 = tpu.vector_load %arg18[%swap3A_292, %swap3A_293] {strides = array<i32>} : memref<80x100xf32, #tpu.memory_space<vmem>>, vector<1x16xf32>,
        %swap3A_295 = vector.shape_cast %swap3A_294 : vector<1x16xf32> to vector<16xf32>
        %swap3A_296 = vector.shape_cast %add3A_291 : vector<16xf32> to vector<1x16xf32>
        tpu.vector_store %arg18[%swap3A_292, %swap3A_293], %swap3A_296 {strides = array<i32>} : memref<80x100xf32, #tpu.memory_space<vmem>>, vector<1x16xf32>,
        %get3A_297 = arith.index_cast %scan3A_154 : i32 to index
        %get3A_298 = arith.constant 84 : index
        %get3A_299 = tpu.vector_load %arg13[%get3A_297, %get3A_298] {strides = array<i32>} : memref<80x128xf32, #tpu.memory_space<vmem>>, vector<1x16xf32>,
        %get3A_300 = vector.shape_cast %get3A_299 : vector<1x16xf32> to vector<16xf32>
        %get3A_301 = arith.index_cast %scan3A_154 : i32 to index
        %get3A_302 = arith.constant 84 : index
        %get3A_303 = tpu.vector_load %arg14[%get3A_301, %get3A_302] {strides = array<i32>} : memref<80x128xf32, #tpu.memory_space<vmem>>, vector<1x16xf32>,
        %get3A_304 = vector.shape_cast %get3A_303 : vector<1x16xf32> to vector<16xf32>
        %add3A_305 = arith.addf %get3A_300, %get3A_304 : vector<16xf32>
        %get3A_306 = arith.index_cast %scan3A_154 : i32 to index
        %get3A_307 = arith.constant 84 : index
        %get3A_308 = tpu.vector_load %arg15[%get3A_306, %get3A_307] {strides = array<i32>} : memref<80x128xf32, #tpu.memory_space<vmem>>, vector<1x16xf32>,
        %get3A_309 = vector.shape_cast %get3A_308 : vector<1x16xf32> to vector<16xf32>
        %get3A_310 = arith.index_cast %scan3A_154 : i32 to index
        %get3A_311 = arith.constant 84 : index
        %get3A_312 = tpu.vector_load %arg16[%get3A_310, %get3A_311] {strides = array<i32>} : memref<80x128xf32, #tpu.memory_space<vmem>>, vector<1x16xf32>,
        %get3A_313 = vector.shape_cast %get3A_312 : vector<1x16xf32> to vector<16xf32>
        %add3A_314 = arith.addf %get3A_309, %get3A_313 : vector<16xf32>
        %add3A_315 = arith.addf %add3A_305, %add3A_314 : vector<16xf32>
        %swap3A_316 = arith.index_cast %scan3A_154 : i32 to index
        %swap3A_317 = arith.constant 84 : index
        %swap3A_318 = tpu.vector_load %arg18[%swap3A_316, %swap3A_317] {strides = array<i32>} : memref<80x100xf32, #tpu.memory_space<vmem>>, vector<1x16xf32>,
        %swap3A_319 = vector.shape_cast %swap3A_318 : vector<1x16xf32> to vector<16xf32>
        %swap3A_320 = vector.shape_cast %add3A_315 : vector<16xf32> to vector<1x16xf32>
        tpu.vector_store %arg18[%swap3A_316, %swap3A_317], %swap3A_320 {strides = array<i32>} : memref<80x100xf32, #tpu.memory_space<vmem>>, vector<1x16xf32>,
      }
      %scan3A_138 = arith.constant 80 : i32
      %mul3A_139 = arith.constant 80 : i32
      %mul3A_140 = arith.muli %add3A_25, %mul3A_139 : i32
      %add3A_141 = arith.addi %mul3A_4, %mul3A_140 : i32
      %dma_start3A_142 = arith.constant 0 : i32
      %dma_start3A_143 = tpu.memref_slice %arg7[%add3A_141, %dma_start3A_142] : memref<20480x100xf32, #tpu.memory_space<hbm>> -> memref<80x100xf32, #tpu.memory_space<hbm>>
      %dma_start3A_144 = arith.constant 0 : i32
      %dma_start3A_145 = tpu.memref_slice %arg7[%add3A_141, %dma_start3A_144] : memref<20480x100xf32, #tpu.memory_space<hbm>> -> memref<80x100xf32, #tpu.memory_space<hbm>>
      tpu.enqueue_dma source(%arg18 : memref<80x100xf32, #tpu.memory_space<vmem>>) target(%dma_start3A_145 : memref<80x100xf32, #tpu.memory_space<hbm>>) target_semaphore(%arg22 : memref<!tpu.dma_semaphore, #tpu.memory_space<semaphore_mem>>)
      %dma_wait3A_146 = arith.constant 0 : i32
      %dma_wait3A_147 = tpu.memref_slice %arg7[%add3A_112, %dma_wait3A_146] : memref<20480x100xf32, #tpu.memory_space<hbm>> -> memref<80x100xf32, #tpu.memory_space<hbm>>
      %dma_wait3A_148 = arith.constant 0 : i32
      %dma_wait3A_149 = tpu.memref_slice %arg7[%add3A_112, %dma_wait3A_148] : memref<20480x100xf32, #tpu.memory_space<hbm>> -> memref<80x100xf32, #tpu.memory_space<hbm>>
      tpu.wait_dma2 semaphore(%arg21 : memref<!tpu.dma_semaphore, #tpu.memory_space<semaphore_mem>>) src(%arg17 : memref<80x100xf32, #tpu.memory_space<vmem>>) dst(%dma_wait3A_149 : memref<80x100xf32, #tpu.memory_space<hbm>>)
      %dma_wait3A_150 = arith.constant 0 : i32
      %dma_wait3A_151 = tpu.memref_slice %arg7[%add3A_141, %dma_wait3A_150] : memref<20480x100xf32, #tpu.memory_space<hbm>> -> memref<80x100xf32, #tpu.memory_space<hbm>>
      %dma_wait3A_152 = arith.constant 0 : i32
      %dma_wait3A_153 = tpu.memref_slice %arg7[%add3A_141, %dma_wait3A_152] : memref<20480x100xf32, #tpu.memory_space<hbm>> -> memref<80x100xf32, #tpu.memory_space<hbm>>
      tpu.wait_dma2 semaphore(%arg22 : memref<!tpu.dma_semaphore, #tpu.memory_space<semaphore_mem>>) src(%arg18 : memref<80x100xf32, #tpu.memory_space<vmem>>) dst(%dma_wait3A_153 : memref<80x100xf32, #tpu.memory_space<hbm>>)
    }
    %scan3A_20 = arith.constant 4 : i32
    return
  }
}

module attributes {stable_mosaic.version = 14 : i64} {
  func.func @_stage1_body(%arg0: i32, %arg1: memref<310x4096xf32, #tpu.memory_space<vmem>>, %arg2: memref<310x100xf32, #tpu.memory_space<vmem>>, %arg3: memref<1x100xf32, #tpu.memory_space<vmem>>, %arg4: memref<100x100xf32, #tpu.memory_space<vmem>>, %arg5: memref<100x512xf32, #tpu.memory_space<vmem>>, %arg6: memref<4096x100xbf16, #tpu.memory_space<vmem>>, %arg7: memref<4096x128xf32, #tpu.memory_space<vmem>>, %arg8: memref<4096x128xf32, #tpu.memory_space<vmem>>, %arg9: memref<4096x128xf32, #tpu.memory_space<vmem>>, %arg10: memref<4096x128xf32, #tpu.memory_space<vmem>>) attributes {dimension_semantics = [#tpu.dimension_semantics<arbitrary>], iteration_bounds = array<i64: 25>, scalar_prefetch = 0 : i64, scratch_operands = 0 : i64, tpu.core_type = #tpu.core_type<tc>, window_params = [{transform_indices = @transform_0, window_bounds = array<i64: 310, 4096>}, {pipeline_mode = #tpu.pipeline_mode<synchronous>, transform_indices = @transform_1, window_bounds = array<i64: 310, 100>}, {pipeline_mode = #tpu.pipeline_mode<synchronous>, transform_indices = @transform_2, window_bounds = array<i64: 1, 100>}, {pipeline_mode = #tpu.pipeline_mode<synchronous>, transform_indices = @transform_3, window_bounds = array<i64: 100, 100>}, {pipeline_mode = #tpu.pipeline_mode<synchronous>, transform_indices = @transform_4, window_bounds = array<i64: 100, 512>}, {transform_indices = @transform_5, window_bounds = array<i64: 4096, 100>}, {transform_indices = @transform_6, window_bounds = array<i64: 4096, 128>}, {transform_indices = @transform_7, window_bounds = array<i64: 4096, 128>}, {transform_indices = @transform_8, window_bounds = array<i64: 4096, 128>}, {transform_indices = @transform_9, window_bounds = array<i64: 4096, 128>}]} {
    %get3A = arith.constant 0 : index
    %get3A_0 = arith.constant 0 : index
    %get3A_1 = vector.load %arg1[%get3A, %get3A_0] : memref<310x4096xf32, #tpu.memory_space<vmem>>, vector<310x4096xf32>
    %get3A_2 = arith.constant 0 : index
    %get3A_3 = arith.constant 0 : index
    %get3A_4 = vector.load %arg2[%get3A_2, %get3A_3] : memref<310x100xf32, #tpu.memory_space<vmem>>, vector<310x100xf32>
    %dot_general3A = arith.constant dense<0.000000e+00> : vector<4096x100xf32>
    %dot_general3A_5 = tpu.matmul %get3A_1, %get3A_4, %dot_general3A {dimension_numbers = #tpu.dot_dimension_numbers<[0], [0], [1], [1], [0, 1, 1, 1], [], []>, transpose_lhs_hint = false} : vector<310x4096xf32>, vector<310x100xf32>, vector<4096x100xf32> -> vector<4096x100xf32>
    %get3A_6 = arith.constant 0 : index
    %get3A_7 = arith.constant 0 : index
    %get3A_8 = vector.load %arg3[%get3A_6, %get3A_7] : memref<1x100xf32, #tpu.memory_space<vmem>>, vector<1x100xf32>
    %add3A = vector.broadcast %get3A_8 : vector<1x100xf32> to vector<4096x100xf32>
    %add3A_9 = arith.addf %dot_general3A_5, %add3A : vector<4096x100xf32>
    %max3A = arith.constant 0.000000e+00 : f32
    %max3A_10 = vector.broadcast %max3A : f32 to vector<4096x100xf32>
    %max3A_11 = arith.maximumf %add3A_9, %max3A_10 : vector<4096x100xf32>
    %get3A_12 = arith.constant 0 : index
    %get3A_13 = arith.constant 0 : index
    %get3A_14 = vector.load %arg4[%get3A_12, %get3A_13] : memref<100x100xf32, #tpu.memory_space<vmem>>, vector<100x100xf32>
    %dot_general3A_15 = arith.constant dense<0.000000e+00> : vector<4096x100xf32>
    %dot_general3A_16 = tpu.matmul %max3A_11, %get3A_14, %dot_general3A_15 {dimension_numbers = #tpu.dot_dimension_numbers<[1], [0], [0], [1], [0, 0, 1, 1], [], []>, transpose_lhs_hint = false} : vector<4096x100xf32>, vector<100x100xf32>, vector<4096x100xf32> -> vector<4096x100xf32>
    %convert_element_type3A = arith.truncf %dot_general3A_16 : vector<4096x100xf32> to vector<4096x100xbf16>
    %swap3A = arith.constant 0 : index
    %swap3A_17 = arith.constant 0 : index
    %swap3A_18 = vector.load %arg6[%swap3A, %swap3A_17] : memref<4096x100xbf16, #tpu.memory_space<vmem>>, vector<4096x100xbf16>
    tpu.vector_store %arg6[%swap3A, %swap3A_17], %convert_element_type3A {strides = array<i32>} : memref<4096x100xbf16, #tpu.memory_space<vmem>>, vector<4096x100xbf16>,
    %get3A_19 = arith.constant 0 : index
    %get3A_20 = arith.constant 0 : index
    %get3A_21 = vector.load %arg5[%get3A_19, %get3A_20] : memref<100x512xf32, #tpu.memory_space<vmem>>, vector<100x512xf32>
    %dot_general3A_22 = arith.constant dense<0.000000e+00> : vector<4096x512xf32>
    %dot_general3A_23 = tpu.matmul %max3A_11, %get3A_21, %dot_general3A_22 {dimension_numbers = #tpu.dot_dimension_numbers<[1], [0], [0], [1], [0, 0, 1, 1], [], []>, transpose_lhs_hint = false} : vector<4096x100xf32>, vector<100x512xf32>, vector<4096x512xf32> -> vector<4096x512xf32>
    %slice3A = vector.extract_strided_slice %dot_general3A_23 {offsets = [0, 0], sizes = [4096, 128], strides = [1, 1]} : vector<4096x512xf32> to vector<4096x128xf32>
    %swap3A_24 = arith.constant 0 : index
    %swap3A_25 = arith.constant 0 : index
    %swap3A_26 = vector.load %arg7[%swap3A_24, %swap3A_25] : memref<4096x128xf32, #tpu.memory_space<vmem>>, vector<4096x128xf32>
    tpu.vector_store %arg7[%swap3A_24, %swap3A_25], %slice3A {strides = array<i32>} : memref<4096x128xf32, #tpu.memory_space<vmem>>, vector<4096x128xf32>,
    %slice3A_27 = vector.extract_strided_slice %dot_general3A_23 {offsets = [0, 128], sizes = [4096, 128], strides = [1, 1]} : vector<4096x512xf32> to vector<4096x128xf32>
    %swap3A_28 = arith.constant 0 : index
    %swap3A_29 = arith.constant 0 : index
    %swap3A_30 = vector.load %arg8[%swap3A_28, %swap3A_29] : memref<4096x128xf32, #tpu.memory_space<vmem>>, vector<4096x128xf32>
    tpu.vector_store %arg8[%swap3A_28, %swap3A_29], %slice3A_27 {strides = array<i32>} : memref<4096x128xf32, #tpu.memory_space<vmem>>, vector<4096x128xf32>,
    %slice3A_31 = vector.extract_strided_slice %dot_general3A_23 {offsets = [0, 256], sizes = [4096, 128], strides = [1, 1]} : vector<4096x512xf32> to vector<4096x128xf32>
    %swap3A_32 = arith.constant 0 : index
    %swap3A_33 = arith.constant 0 : index
    %swap3A_34 = vector.load %arg9[%swap3A_32, %swap3A_33] : memref<4096x128xf32, #tpu.memory_space<vmem>>, vector<4096x128xf32>
    tpu.vector_store %arg9[%swap3A_32, %swap3A_33], %slice3A_31 {strides = array<i32>} : memref<4096x128xf32, #tpu.memory_space<vmem>>, vector<4096x128xf32>,
    %slice3A_35 = vector.extract_strided_slice %dot_general3A_23 {offsets = [0, 384], sizes = [4096, 128], strides = [1, 1]} : vector<4096x512xf32> to vector<4096x128xf32>
    %swap3A_36 = arith.constant 0 : index
    %swap3A_37 = arith.constant 0 : index
    %swap3A_38 = vector.load %arg10[%swap3A_36, %swap3A_37] : memref<4096x128xf32, #tpu.memory_space<vmem>>, vector<4096x128xf32>
    tpu.vector_store %arg10[%swap3A_36, %swap3A_37], %slice3A_35 {strides = array<i32>} : memref<4096x128xf32, #tpu.memory_space<vmem>>, vector<4096x128xf32>,
    return
  }
  func.func @transform_0(%arg0: i32) -> (i32, i32) {
    %c0_i32 = arith.constant 0 : i32
    %c0_i32_0 = arith.constant 0 : i32
    return %c0_i32, %arg0 : i32, i32
  }
  func.func @transform_1(%arg0: i32) -> (i32, i32) {
    %c0_i32 = arith.constant 0 : i32
    %c0_i32_0 = arith.constant 0 : i32
    %c0_i32_1 = arith.constant 0 : i32
    return %c0_i32, %c0_i32_0 : i32, i32
  }
  func.func @transform_2(%arg0: i32) -> (i32, i32) {
    %c0_i32 = arith.constant 0 : i32
    %c0_i32_0 = arith.constant 0 : i32
    %c0_i32_1 = arith.constant 0 : i32
    return %c0_i32, %c0_i32_0 : i32, i32
  }
  func.func @transform_3(%arg0: i32) -> (i32, i32) {
    %c0_i32 = arith.constant 0 : i32
    %c0_i32_0 = arith.constant 0 : i32
    %c0_i32_1 = arith.constant 0 : i32
    return %c0_i32, %c0_i32_0 : i32, i32
  }
  func.func @transform_4(%arg0: i32) -> (i32, i32) {
    %c0_i32 = arith.constant 0 : i32
    %c0_i32_0 = arith.constant 0 : i32
    %c0_i32_1 = arith.constant 0 : i32
    return %c0_i32, %c0_i32_0 : i32, i32
  }
  func.func @transform_5(%arg0: i32) -> (i32, i32) {
    %c0_i32 = arith.constant 0 : i32
    %c0_i32_0 = arith.constant 0 : i32
    return %arg0, %c0_i32 : i32, i32
  }
  func.func @transform_6(%arg0: i32) -> (i32, i32) {
    %c0_i32 = arith.constant 0 : i32
    %c0_i32_0 = arith.constant 0 : i32
    return %arg0, %c0_i32 : i32, i32
  }
  func.func @transform_7(%arg0: i32) -> (i32, i32) {
    %c0_i32 = arith.constant 0 : i32
    %c0_i32_0 = arith.constant 0 : i32
    return %arg0, %c0_i32 : i32, i32
  }
  func.func @transform_8(%arg0: i32) -> (i32, i32) {
    %c0_i32 = arith.constant 0 : i32
    %c0_i32_0 = arith.constant 0 : i32
    return %arg0, %c0_i32 : i32, i32
  }
  func.func @transform_9(%arg0: i32) -> (i32, i32) {
    %c0_i32 = arith.constant 0 : i32
    %c0_i32_0 = arith.constant 0 : i32
    return %arg0, %c0_i32 : i32, i32
  }
}

module attributes {stable_mosaic.version = 14 : i64} {
  func.func @_stage3_body(%arg0: i32, %arg1: memref<2048x100xf32, #tpu.memory_space<vmem>>, %arg2: memref<2048x100xbf16, #tpu.memory_space<vmem>>, %arg3: memref<1x100xf32, #tpu.memory_space<vmem>>, %arg4: memref<100x100xf32, #tpu.memory_space<vmem>>, %arg5: memref<1x100xf32, #tpu.memory_space<vmem>>, %arg6: memref<2x100xf32, #tpu.memory_space<vmem>>, %arg7: memref<2x1xf32, #tpu.memory_space<vmem>>, %arg8: memref<2x2048xf32, #tpu.memory_space<vmem>>) attributes {dimension_semantics = [#tpu.dimension_semantics<arbitrary>], iteration_bounds = array<i64: 10>, scalar_prefetch = 0 : i64, scratch_operands = 0 : i64, tpu.core_type = #tpu.core_type<tc>, window_params = [{transform_indices = @transform_0, window_bounds = array<i64: 2048, 100>}, {transform_indices = @transform_1, window_bounds = array<i64: 2048, 100>}, {pipeline_mode = #tpu.pipeline_mode<synchronous>, transform_indices = @transform_2, window_bounds = array<i64: 1, 100>}, {pipeline_mode = #tpu.pipeline_mode<synchronous>, transform_indices = @transform_3, window_bounds = array<i64: 100, 100>}, {pipeline_mode = #tpu.pipeline_mode<synchronous>, transform_indices = @transform_4, window_bounds = array<i64: 1, 100>}, {pipeline_mode = #tpu.pipeline_mode<synchronous>, transform_indices = @transform_5, window_bounds = array<i64: 2, 100>}, {pipeline_mode = #tpu.pipeline_mode<synchronous>, transform_indices = @transform_6, window_bounds = array<i64: 2, 1>}, {transform_indices = @transform_7, window_bounds = array<i64: 2, 2048>}]} {
    %get3A = arith.constant 0 : index
    %get3A_0 = arith.constant 0 : index
    %get3A_1 = vector.load %arg1[%get3A, %get3A_0] : memref<2048x100xf32, #tpu.memory_space<vmem>>, vector<2048x100xf32>
    %get3A_2 = arith.constant 0 : index
    %get3A_3 = arith.constant 0 : index
    %get3A_4 = vector.load %arg2[%get3A_2, %get3A_3] : memref<2048x100xbf16, #tpu.memory_space<vmem>>, vector<2048x100xbf16>
    %convert_element_type3A = arith.extf %get3A_4 : vector<2048x100xbf16> to vector<2048x100xf32>
    %add3A = arith.addf %get3A_1, %convert_element_type3A : vector<2048x100xf32>
    %get3A_5 = arith.constant 0 : index
    %get3A_6 = arith.constant 0 : index
    %get3A_7 = vector.load %arg3[%get3A_5, %get3A_6] : memref<1x100xf32, #tpu.memory_space<vmem>>, vector<1x100xf32>
    %add3A_8 = vector.broadcast %get3A_7 : vector<1x100xf32> to vector<2048x100xf32>
    %add3A_9 = arith.addf %add3A, %add3A_8 : vector<2048x100xf32>
    %max3A = arith.constant 0.000000e+00 : f32
    %max3A_10 = vector.broadcast %max3A : f32 to vector<2048x100xf32>
    %max3A_11 = arith.maximumf %add3A_9, %max3A_10 : vector<2048x100xf32>
    %get3A_12 = arith.constant 0 : index
    %get3A_13 = arith.constant 0 : index
    %get3A_14 = vector.load %arg4[%get3A_12, %get3A_13] : memref<100x100xf32, #tpu.memory_space<vmem>>, vector<100x100xf32>
    %dot_general3A = arith.constant dense<0.000000e+00> : vector<2048x100xf32>
    %dot_general3A_15 = tpu.matmul %max3A_11, %get3A_14, %dot_general3A {dimension_numbers = #tpu.dot_dimension_numbers<[1], [0], [0], [1], [0, 0, 1, 1], [], []>, transpose_lhs_hint = false} : vector<2048x100xf32>, vector<100x100xf32>, vector<2048x100xf32> -> vector<2048x100xf32>
    %get3A_16 = arith.constant 0 : index
    %get3A_17 = arith.constant 0 : index
    %get3A_18 = vector.load %arg5[%get3A_16, %get3A_17] : memref<1x100xf32, #tpu.memory_space<vmem>>, vector<1x100xf32>
    %add3A_19 = vector.broadcast %get3A_18 : vector<1x100xf32> to vector<2048x100xf32>
    %add3A_20 = arith.addf %dot_general3A_15, %add3A_19 : vector<2048x100xf32>
    %tanh3A = math.tanh %add3A_20 : vector<2048x100xf32>
    %get3A_21 = arith.constant 0 : index
    %get3A_22 = arith.constant 0 : index
    %get3A_23 = vector.load %arg6[%get3A_21, %get3A_22] : memref<2x100xf32, #tpu.memory_space<vmem>>, vector<2x100xf32>
    %dot_general3A_24 = arith.constant dense<0.000000e+00> : vector<2x2048xf32>
    %dot_general3A_25 = tpu.matmul %get3A_23, %tanh3A, %dot_general3A_24 {dimension_numbers = #tpu.dot_dimension_numbers<[1], [1], [0], [0], [0, 0, 1, 0], [], []>, transpose_lhs_hint = false} : vector<2x100xf32>, vector<2048x100xf32>, vector<2x2048xf32> -> vector<2x2048xf32>
    %get3A_26 = arith.constant 0 : index
    %get3A_27 = arith.constant 0 : index
    %get3A_28 = vector.load %arg7[%get3A_26, %get3A_27] : memref<2x1xf32, #tpu.memory_space<vmem>>, vector<2x1xf32>
    %add3A_29 = vector.broadcast %get3A_28 : vector<2x1xf32> to vector<2x2048xf32>
    %add3A_30 = arith.addf %dot_general3A_25, %add3A_29 : vector<2x2048xf32>
    %swap3A = arith.constant 0 : index
    %swap3A_31 = arith.constant 0 : index
    %swap3A_32 = vector.load %arg8[%swap3A, %swap3A_31] : memref<2x2048xf32, #tpu.memory_space<vmem>>, vector<2x2048xf32>
    tpu.vector_store %arg8[%swap3A, %swap3A_31], %add3A_30 {strides = array<i32>} : memref<2x2048xf32, #tpu.memory_space<vmem>>, vector<2x2048xf32>,
    return
  }
  func.func @transform_0(%arg0: i32) -> (i32, i32) {
    %c0_i32 = arith.constant 0 : i32
    %c0_i32_0 = arith.constant 0 : i32
    return %arg0, %c0_i32 : i32, i32
  }
  func.func @transform_1(%arg0: i32) -> (i32, i32) {
    %add3A = arith.constant 30 : i32
    %add3A_0 = arith.addi %arg0, %add3A : i32
    %c0_i32 = arith.constant 0 : i32
    %c0_i32_1 = arith.constant 0 : i32
    return %add3A_0, %c0_i32 : i32, i32
  }
  func.func @transform_2(%arg0: i32) -> (i32, i32) {
    %c0_i32 = arith.constant 0 : i32
    %c0_i32_0 = arith.constant 0 : i32
    %c0_i32_1 = arith.constant 0 : i32
    return %c0_i32, %c0_i32_0 : i32, i32
  }
  func.func @transform_3(%arg0: i32) -> (i32, i32) {
    %c0_i32 = arith.constant 0 : i32
    %c0_i32_0 = arith.constant 0 : i32
    %c0_i32_1 = arith.constant 0 : i32
    return %c0_i32, %c0_i32_0 : i32, i32
  }
  func.func @transform_4(%arg0: i32) -> (i32, i32) {
    %c0_i32 = arith.constant 0 : i32
    %c0_i32_0 = arith.constant 0 : i32
    %c0_i32_1 = arith.constant 0 : i32
    return %c0_i32, %c0_i32_0 : i32, i32
  }
  func.func @transform_5(%arg0: i32) -> (i32, i32) {
    %c0_i32 = arith.constant 0 : i32
    %c0_i32_0 = arith.constant 0 : i32
    %c0_i32_1 = arith.constant 0 : i32
    return %c0_i32, %c0_i32_0 : i32, i32
  }
  func.func @transform_6(%arg0: i32) -> (i32, i32) {
    %c0_i32 = arith.constant 0 : i32
    %c0_i32_0 = arith.constant 0 : i32
    %c0_i32_1 = arith.constant 0 : i32
    return %c0_i32, %c0_i32_0 : i32, i32
  }
  func.func @transform_7(%arg0: i32) -> (i32, i32) {
    %c0_i32 = arith.constant 0 : i32
    %c0_i32_0 = arith.constant 0 : i32
    return %c0_i32, %arg0 : i32, i32
  }
}

module attributes {stable_mosaic.version = 14 : i64} {
  func.func @_stage3_body(%arg0: i32, %arg1: memref<2048x100xf32, #tpu.memory_space<vmem>>, %arg2: memref<2048x100xbf16, #tpu.memory_space<vmem>>, %arg3: memref<1x100xf32, #tpu.memory_space<vmem>>, %arg4: memref<100x100xf32, #tpu.memory_space<vmem>>, %arg5: memref<1x100xf32, #tpu.memory_space<vmem>>, %arg6: memref<2x100xf32, #tpu.memory_space<vmem>>, %arg7: memref<2x1xf32, #tpu.memory_space<vmem>>, %arg8: memref<2x2048xf32, #tpu.memory_space<vmem>>) attributes {dimension_semantics = [#tpu.dimension_semantics<arbitrary>], iteration_bounds = array<i64: 10>, scalar_prefetch = 0 : i64, scratch_operands = 0 : i64, tpu.core_type = #tpu.core_type<tc>, window_params = [{transform_indices = @transform_0, window_bounds = array<i64: 2048, 100>}, {transform_indices = @transform_1, window_bounds = array<i64: 2048, 100>}, {pipeline_mode = #tpu.pipeline_mode<synchronous>, transform_indices = @transform_2, window_bounds = array<i64: 1, 100>}, {pipeline_mode = #tpu.pipeline_mode<synchronous>, transform_indices = @transform_3, window_bounds = array<i64: 100, 100>}, {pipeline_mode = #tpu.pipeline_mode<synchronous>, transform_indices = @transform_4, window_bounds = array<i64: 1, 100>}, {pipeline_mode = #tpu.pipeline_mode<synchronous>, transform_indices = @transform_5, window_bounds = array<i64: 2, 100>}, {pipeline_mode = #tpu.pipeline_mode<synchronous>, transform_indices = @transform_6, window_bounds = array<i64: 2, 1>}, {transform_indices = @transform_7, window_bounds = array<i64: 2, 2048>}]} {
    %get3A = arith.constant 0 : index
    %get3A_0 = arith.constant 0 : index
    %get3A_1 = vector.load %arg1[%get3A, %get3A_0] : memref<2048x100xf32, #tpu.memory_space<vmem>>, vector<2048x100xf32>
    %get3A_2 = arith.constant 0 : index
    %get3A_3 = arith.constant 0 : index
    %get3A_4 = vector.load %arg2[%get3A_2, %get3A_3] : memref<2048x100xbf16, #tpu.memory_space<vmem>>, vector<2048x100xbf16>
    %convert_element_type3A = arith.extf %get3A_4 : vector<2048x100xbf16> to vector<2048x100xf32>
    %add3A = arith.addf %get3A_1, %convert_element_type3A : vector<2048x100xf32>
    %get3A_5 = arith.constant 0 : index
    %get3A_6 = arith.constant 0 : index
    %get3A_7 = vector.load %arg3[%get3A_5, %get3A_6] : memref<1x100xf32, #tpu.memory_space<vmem>>, vector<1x100xf32>
    %add3A_8 = vector.broadcast %get3A_7 : vector<1x100xf32> to vector<2048x100xf32>
    %add3A_9 = arith.addf %add3A, %add3A_8 : vector<2048x100xf32>
    %max3A = arith.constant 0.000000e+00 : f32
    %max3A_10 = vector.broadcast %max3A : f32 to vector<2048x100xf32>
    %max3A_11 = arith.maximumf %add3A_9, %max3A_10 : vector<2048x100xf32>
    %get3A_12 = arith.constant 0 : index
    %get3A_13 = arith.constant 0 : index
    %get3A_14 = vector.load %arg4[%get3A_12, %get3A_13] : memref<100x100xf32, #tpu.memory_space<vmem>>, vector<100x100xf32>
    %dot_general3A = arith.constant dense<0.000000e+00> : vector<2048x100xf32>
    %dot_general3A_15 = tpu.matmul %max3A_11, %get3A_14, %dot_general3A {dimension_numbers = #tpu.dot_dimension_numbers<[1], [0], [0], [1], [0, 0, 1, 1], [], []>, transpose_lhs_hint = false} : vector<2048x100xf32>, vector<100x100xf32>, vector<2048x100xf32> -> vector<2048x100xf32>
    %get3A_16 = arith.constant 0 : index
    %get3A_17 = arith.constant 0 : index
    %get3A_18 = vector.load %arg5[%get3A_16, %get3A_17] : memref<1x100xf32, #tpu.memory_space<vmem>>, vector<1x100xf32>
    %add3A_19 = vector.broadcast %get3A_18 : vector<1x100xf32> to vector<2048x100xf32>
    %add3A_20 = arith.addf %dot_general3A_15, %add3A_19 : vector<2048x100xf32>
    %tanh3A = math.tanh %add3A_20 : vector<2048x100xf32>
    %get3A_21 = arith.constant 0 : index
    %get3A_22 = arith.constant 0 : index
    %get3A_23 = vector.load %arg6[%get3A_21, %get3A_22] : memref<2x100xf32, #tpu.memory_space<vmem>>, vector<2x100xf32>
    %dot_general3A_24 = arith.constant dense<0.000000e+00> : vector<2x2048xf32>
    %dot_general3A_25 = tpu.matmul %get3A_23, %tanh3A, %dot_general3A_24 {dimension_numbers = #tpu.dot_dimension_numbers<[1], [1], [0], [0], [0, 0, 1, 0], [], []>, transpose_lhs_hint = false} : vector<2x100xf32>, vector<2048x100xf32>, vector<2x2048xf32> -> vector<2x2048xf32>
    %get3A_26 = arith.constant 0 : index
    %get3A_27 = arith.constant 0 : index
    %get3A_28 = vector.load %arg7[%get3A_26, %get3A_27] : memref<2x1xf32, #tpu.memory_space<vmem>>, vector<2x1xf32>
    %add3A_29 = vector.broadcast %get3A_28 : vector<2x1xf32> to vector<2x2048xf32>
    %add3A_30 = arith.addf %dot_general3A_25, %add3A_29 : vector<2x2048xf32>
    %swap3A = arith.constant 0 : index
    %swap3A_31 = arith.constant 0 : index
    %swap3A_32 = vector.load %arg8[%swap3A, %swap3A_31] : memref<2x2048xf32, #tpu.memory_space<vmem>>, vector<2x2048xf32>
    tpu.vector_store %arg8[%swap3A, %swap3A_31], %add3A_30 {strides = array<i32>} : memref<2x2048xf32, #tpu.memory_space<vmem>>, vector<2x2048xf32>,
    return
  }
  func.func @transform_0(%arg0: i32) -> (i32, i32) {
    %c0_i32 = arith.constant 0 : i32
    %c0_i32_0 = arith.constant 0 : i32
    return %arg0, %c0_i32 : i32, i32
  }
  func.func @transform_1(%arg0: i32) -> (i32, i32) {
    %add3A = arith.constant 20 : i32
    %add3A_0 = arith.addi %arg0, %add3A : i32
    %c0_i32 = arith.constant 0 : i32
    %c0_i32_1 = arith.constant 0 : i32
    return %add3A_0, %c0_i32 : i32, i32
  }
  func.func @transform_2(%arg0: i32) -> (i32, i32) {
    %c0_i32 = arith.constant 0 : i32
    %c0_i32_0 = arith.constant 0 : i32
    %c0_i32_1 = arith.constant 0 : i32
    return %c0_i32, %c0_i32_0 : i32, i32
  }
  func.func @transform_3(%arg0: i32) -> (i32, i32) {
    %c0_i32 = arith.constant 0 : i32
    %c0_i32_0 = arith.constant 0 : i32
    %c0_i32_1 = arith.constant 0 : i32
    return %c0_i32, %c0_i32_0 : i32, i32
  }
  func.func @transform_4(%arg0: i32) -> (i32, i32) {
    %c0_i32 = arith.constant 0 : i32
    %c0_i32_0 = arith.constant 0 : i32
    %c0_i32_1 = arith.constant 0 : i32
    return %c0_i32, %c0_i32_0 : i32, i32
  }
  func.func @transform_5(%arg0: i32) -> (i32, i32) {
    %c0_i32 = arith.constant 0 : i32
    %c0_i32_0 = arith.constant 0 : i32
    %c0_i32_1 = arith.constant 0 : i32
    return %c0_i32, %c0_i32_0 : i32, i32
  }
  func.func @transform_6(%arg0: i32) -> (i32, i32) {
    %c0_i32 = arith.constant 0 : i32
    %c0_i32_0 = arith.constant 0 : i32
    %c0_i32_1 = arith.constant 0 : i32
    return %c0_i32, %c0_i32_0 : i32, i32
  }
  func.func @transform_7(%arg0: i32) -> (i32, i32) {
    %c0_i32 = arith.constant 0 : i32
    %c0_i32_0 = arith.constant 0 : i32
    return %c0_i32, %arg0 : i32, i32
  }
}

module attributes {stable_mosaic.version = 14 : i64} {
  func.func @_stage3_body(%arg0: i32, %arg1: memref<2048x100xf32, #tpu.memory_space<vmem>>, %arg2: memref<2048x100xbf16, #tpu.memory_space<vmem>>, %arg3: memref<1x100xf32, #tpu.memory_space<vmem>>, %arg4: memref<100x100xf32, #tpu.memory_space<vmem>>, %arg5: memref<1x100xf32, #tpu.memory_space<vmem>>, %arg6: memref<2x100xf32, #tpu.memory_space<vmem>>, %arg7: memref<2x1xf32, #tpu.memory_space<vmem>>, %arg8: memref<2x2048xf32, #tpu.memory_space<vmem>>) attributes {dimension_semantics = [#tpu.dimension_semantics<arbitrary>], iteration_bounds = array<i64: 10>, scalar_prefetch = 0 : i64, scratch_operands = 0 : i64, tpu.core_type = #tpu.core_type<tc>, window_params = [{transform_indices = @transform_0, window_bounds = array<i64: 2048, 100>}, {transform_indices = @transform_1, window_bounds = array<i64: 2048, 100>}, {pipeline_mode = #tpu.pipeline_mode<synchronous>, transform_indices = @transform_2, window_bounds = array<i64: 1, 100>}, {pipeline_mode = #tpu.pipeline_mode<synchronous>, transform_indices = @transform_3, window_bounds = array<i64: 100, 100>}, {pipeline_mode = #tpu.pipeline_mode<synchronous>, transform_indices = @transform_4, window_bounds = array<i64: 1, 100>}, {pipeline_mode = #tpu.pipeline_mode<synchronous>, transform_indices = @transform_5, window_bounds = array<i64: 2, 100>}, {pipeline_mode = #tpu.pipeline_mode<synchronous>, transform_indices = @transform_6, window_bounds = array<i64: 2, 1>}, {transform_indices = @transform_7, window_bounds = array<i64: 2, 2048>}]} {
    %get3A = arith.constant 0 : index
    %get3A_0 = arith.constant 0 : index
    %get3A_1 = vector.load %arg1[%get3A, %get3A_0] : memref<2048x100xf32, #tpu.memory_space<vmem>>, vector<2048x100xf32>
    %get3A_2 = arith.constant 0 : index
    %get3A_3 = arith.constant 0 : index
    %get3A_4 = vector.load %arg2[%get3A_2, %get3A_3] : memref<2048x100xbf16, #tpu.memory_space<vmem>>, vector<2048x100xbf16>
    %convert_element_type3A = arith.extf %get3A_4 : vector<2048x100xbf16> to vector<2048x100xf32>
    %add3A = arith.addf %get3A_1, %convert_element_type3A : vector<2048x100xf32>
    %get3A_5 = arith.constant 0 : index
    %get3A_6 = arith.constant 0 : index
    %get3A_7 = vector.load %arg3[%get3A_5, %get3A_6] : memref<1x100xf32, #tpu.memory_space<vmem>>, vector<1x100xf32>
    %add3A_8 = vector.broadcast %get3A_7 : vector<1x100xf32> to vector<2048x100xf32>
    %add3A_9 = arith.addf %add3A, %add3A_8 : vector<2048x100xf32>
    %max3A = arith.constant 0.000000e+00 : f32
    %max3A_10 = vector.broadcast %max3A : f32 to vector<2048x100xf32>
    %max3A_11 = arith.maximumf %add3A_9, %max3A_10 : vector<2048x100xf32>
    %get3A_12 = arith.constant 0 : index
    %get3A_13 = arith.constant 0 : index
    %get3A_14 = vector.load %arg4[%get3A_12, %get3A_13] : memref<100x100xf32, #tpu.memory_space<vmem>>, vector<100x100xf32>
    %dot_general3A = arith.constant dense<0.000000e+00> : vector<2048x100xf32>
    %dot_general3A_15 = tpu.matmul %max3A_11, %get3A_14, %dot_general3A {dimension_numbers = #tpu.dot_dimension_numbers<[1], [0], [0], [1], [0, 0, 1, 1], [], []>, transpose_lhs_hint = false} : vector<2048x100xf32>, vector<100x100xf32>, vector<2048x100xf32> -> vector<2048x100xf32>
    %get3A_16 = arith.constant 0 : index
    %get3A_17 = arith.constant 0 : index
    %get3A_18 = vector.load %arg5[%get3A_16, %get3A_17] : memref<1x100xf32, #tpu.memory_space<vmem>>, vector<1x100xf32>
    %add3A_19 = vector.broadcast %get3A_18 : vector<1x100xf32> to vector<2048x100xf32>
    %add3A_20 = arith.addf %dot_general3A_15, %add3A_19 : vector<2048x100xf32>
    %tanh3A = math.tanh %add3A_20 : vector<2048x100xf32>
    %get3A_21 = arith.constant 0 : index
    %get3A_22 = arith.constant 0 : index
    %get3A_23 = vector.load %arg6[%get3A_21, %get3A_22] : memref<2x100xf32, #tpu.memory_space<vmem>>, vector<2x100xf32>
    %dot_general3A_24 = arith.constant dense<0.000000e+00> : vector<2x2048xf32>
    %dot_general3A_25 = tpu.matmul %get3A_23, %tanh3A, %dot_general3A_24 {dimension_numbers = #tpu.dot_dimension_numbers<[1], [1], [0], [0], [0, 0, 1, 0], [], []>, transpose_lhs_hint = false} : vector<2x100xf32>, vector<2048x100xf32>, vector<2x2048xf32> -> vector<2x2048xf32>
    %get3A_26 = arith.constant 0 : index
    %get3A_27 = arith.constant 0 : index
    %get3A_28 = vector.load %arg7[%get3A_26, %get3A_27] : memref<2x1xf32, #tpu.memory_space<vmem>>, vector<2x1xf32>
    %add3A_29 = vector.broadcast %get3A_28 : vector<2x1xf32> to vector<2x2048xf32>
    %add3A_30 = arith.addf %dot_general3A_25, %add3A_29 : vector<2x2048xf32>
    %swap3A = arith.constant 0 : index
    %swap3A_31 = arith.constant 0 : index
    %swap3A_32 = vector.load %arg8[%swap3A, %swap3A_31] : memref<2x2048xf32, #tpu.memory_space<vmem>>, vector<2x2048xf32>
    tpu.vector_store %arg8[%swap3A, %swap3A_31], %add3A_30 {strides = array<i32>} : memref<2x2048xf32, #tpu.memory_space<vmem>>, vector<2x2048xf32>,
    return
  }
  func.func @transform_0(%arg0: i32) -> (i32, i32) {
    %c0_i32 = arith.constant 0 : i32
    %c0_i32_0 = arith.constant 0 : i32
    return %arg0, %c0_i32 : i32, i32
  }
  func.func @transform_1(%arg0: i32) -> (i32, i32) {
    %add3A = arith.constant 10 : i32
    %add3A_0 = arith.addi %arg0, %add3A : i32
    %c0_i32 = arith.constant 0 : i32
    %c0_i32_1 = arith.constant 0 : i32
    return %add3A_0, %c0_i32 : i32, i32
  }
  func.func @transform_2(%arg0: i32) -> (i32, i32) {
    %c0_i32 = arith.constant 0 : i32
    %c0_i32_0 = arith.constant 0 : i32
    %c0_i32_1 = arith.constant 0 : i32
    return %c0_i32, %c0_i32_0 : i32, i32
  }
  func.func @transform_3(%arg0: i32) -> (i32, i32) {
    %c0_i32 = arith.constant 0 : i32
    %c0_i32_0 = arith.constant 0 : i32
    %c0_i32_1 = arith.constant 0 : i32
    return %c0_i32, %c0_i32_0 : i32, i32
  }
  func.func @transform_4(%arg0: i32) -> (i32, i32) {
    %c0_i32 = arith.constant 0 : i32
    %c0_i32_0 = arith.constant 0 : i32
    %c0_i32_1 = arith.constant 0 : i32
    return %c0_i32, %c0_i32_0 : i32, i32
  }
  func.func @transform_5(%arg0: i32) -> (i32, i32) {
    %c0_i32 = arith.constant 0 : i32
    %c0_i32_0 = arith.constant 0 : i32
    %c0_i32_1 = arith.constant 0 : i32
    return %c0_i32, %c0_i32_0 : i32, i32
  }
  func.func @transform_6(%arg0: i32) -> (i32, i32) {
    %c0_i32 = arith.constant 0 : i32
    %c0_i32_0 = arith.constant 0 : i32
    %c0_i32_1 = arith.constant 0 : i32
    return %c0_i32, %c0_i32_0 : i32, i32
  }
  func.func @transform_7(%arg0: i32) -> (i32, i32) {
    %c0_i32 = arith.constant 0 : i32
    %c0_i32_0 = arith.constant 0 : i32
    return %c0_i32, %arg0 : i32, i32
  }
}

module attributes {stable_mosaic.version = 14 : i64} {
  func.func @_stage3_body(%arg0: i32, %arg1: memref<2048x100xf32, #tpu.memory_space<vmem>>, %arg2: memref<2048x100xbf16, #tpu.memory_space<vmem>>, %arg3: memref<1x100xf32, #tpu.memory_space<vmem>>, %arg4: memref<100x100xf32, #tpu.memory_space<vmem>>, %arg5: memref<1x100xf32, #tpu.memory_space<vmem>>, %arg6: memref<2x100xf32, #tpu.memory_space<vmem>>, %arg7: memref<2x1xf32, #tpu.memory_space<vmem>>, %arg8: memref<2x2048xf32, #tpu.memory_space<vmem>>) attributes {dimension_semantics = [#tpu.dimension_semantics<arbitrary>], iteration_bounds = array<i64: 10>, scalar_prefetch = 0 : i64, scratch_operands = 0 : i64, tpu.core_type = #tpu.core_type<tc>, window_params = [{transform_indices = @transform_0, window_bounds = array<i64: 2048, 100>}, {transform_indices = @transform_1, window_bounds = array<i64: 2048, 100>}, {pipeline_mode = #tpu.pipeline_mode<synchronous>, transform_indices = @transform_2, window_bounds = array<i64: 1, 100>}, {pipeline_mode = #tpu.pipeline_mode<synchronous>, transform_indices = @transform_3, window_bounds = array<i64: 100, 100>}, {pipeline_mode = #tpu.pipeline_mode<synchronous>, transform_indices = @transform_4, window_bounds = array<i64: 1, 100>}, {pipeline_mode = #tpu.pipeline_mode<synchronous>, transform_indices = @transform_5, window_bounds = array<i64: 2, 100>}, {pipeline_mode = #tpu.pipeline_mode<synchronous>, transform_indices = @transform_6, window_bounds = array<i64: 2, 1>}, {transform_indices = @transform_7, window_bounds = array<i64: 2, 2048>}]} {
    %get3A = arith.constant 0 : index
    %get3A_0 = arith.constant 0 : index
    %get3A_1 = vector.load %arg1[%get3A, %get3A_0] : memref<2048x100xf32, #tpu.memory_space<vmem>>, vector<2048x100xf32>
    %get3A_2 = arith.constant 0 : index
    %get3A_3 = arith.constant 0 : index
    %get3A_4 = vector.load %arg2[%get3A_2, %get3A_3] : memref<2048x100xbf16, #tpu.memory_space<vmem>>, vector<2048x100xbf16>
    %convert_element_type3A = arith.extf %get3A_4 : vector<2048x100xbf16> to vector<2048x100xf32>
    %add3A = arith.addf %get3A_1, %convert_element_type3A : vector<2048x100xf32>
    %get3A_5 = arith.constant 0 : index
    %get3A_6 = arith.constant 0 : index
    %get3A_7 = vector.load %arg3[%get3A_5, %get3A_6] : memref<1x100xf32, #tpu.memory_space<vmem>>, vector<1x100xf32>
    %add3A_8 = vector.broadcast %get3A_7 : vector<1x100xf32> to vector<2048x100xf32>
    %add3A_9 = arith.addf %add3A, %add3A_8 : vector<2048x100xf32>
    %max3A = arith.constant 0.000000e+00 : f32
    %max3A_10 = vector.broadcast %max3A : f32 to vector<2048x100xf32>
    %max3A_11 = arith.maximumf %add3A_9, %max3A_10 : vector<2048x100xf32>
    %get3A_12 = arith.constant 0 : index
    %get3A_13 = arith.constant 0 : index
    %get3A_14 = vector.load %arg4[%get3A_12, %get3A_13] : memref<100x100xf32, #tpu.memory_space<vmem>>, vector<100x100xf32>
    %dot_general3A = arith.constant dense<0.000000e+00> : vector<2048x100xf32>
    %dot_general3A_15 = tpu.matmul %max3A_11, %get3A_14, %dot_general3A {dimension_numbers = #tpu.dot_dimension_numbers<[1], [0], [0], [1], [0, 0, 1, 1], [], []>, transpose_lhs_hint = false} : vector<2048x100xf32>, vector<100x100xf32>, vector<2048x100xf32> -> vector<2048x100xf32>
    %get3A_16 = arith.constant 0 : index
    %get3A_17 = arith.constant 0 : index
    %get3A_18 = vector.load %arg5[%get3A_16, %get3A_17] : memref<1x100xf32, #tpu.memory_space<vmem>>, vector<1x100xf32>
    %add3A_19 = vector.broadcast %get3A_18 : vector<1x100xf32> to vector<2048x100xf32>
    %add3A_20 = arith.addf %dot_general3A_15, %add3A_19 : vector<2048x100xf32>
    %tanh3A = math.tanh %add3A_20 : vector<2048x100xf32>
    %get3A_21 = arith.constant 0 : index
    %get3A_22 = arith.constant 0 : index
    %get3A_23 = vector.load %arg6[%get3A_21, %get3A_22] : memref<2x100xf32, #tpu.memory_space<vmem>>, vector<2x100xf32>
    %dot_general3A_24 = arith.constant dense<0.000000e+00> : vector<2x2048xf32>
    %dot_general3A_25 = tpu.matmul %get3A_23, %tanh3A, %dot_general3A_24 {dimension_numbers = #tpu.dot_dimension_numbers<[1], [1], [0], [0], [0, 0, 1, 0], [], []>, transpose_lhs_hint = false} : vector<2x100xf32>, vector<2048x100xf32>, vector<2x2048xf32> -> vector<2x2048xf32>
    %get3A_26 = arith.constant 0 : index
    %get3A_27 = arith.constant 0 : index
    %get3A_28 = vector.load %arg7[%get3A_26, %get3A_27] : memref<2x1xf32, #tpu.memory_space<vmem>>, vector<2x1xf32>
    %add3A_29 = vector.broadcast %get3A_28 : vector<2x1xf32> to vector<2x2048xf32>
    %add3A_30 = arith.addf %dot_general3A_25, %add3A_29 : vector<2x2048xf32>
    %swap3A = arith.constant 0 : index
    %swap3A_31 = arith.constant 0 : index
    %swap3A_32 = vector.load %arg8[%swap3A, %swap3A_31] : memref<2x2048xf32, #tpu.memory_space<vmem>>, vector<2x2048xf32>
    tpu.vector_store %arg8[%swap3A, %swap3A_31], %add3A_30 {strides = array<i32>} : memref<2x2048xf32, #tpu.memory_space<vmem>>, vector<2x2048xf32>,
    return
  }
  func.func @transform_0(%arg0: i32) -> (i32, i32) {
    %c0_i32 = arith.constant 0 : i32
    %c0_i32_0 = arith.constant 0 : i32
    return %arg0, %c0_i32 : i32, i32
  }
  func.func @transform_1(%arg0: i32) -> (i32, i32) {
    %add3A = arith.constant 0 : i32
    %add3A_0 = arith.addi %arg0, %add3A : i32
    %c0_i32 = arith.constant 0 : i32
    %c0_i32_1 = arith.constant 0 : i32
    return %add3A_0, %c0_i32 : i32, i32
  }
  func.func @transform_2(%arg0: i32) -> (i32, i32) {
    %c0_i32 = arith.constant 0 : i32
    %c0_i32_0 = arith.constant 0 : i32
    %c0_i32_1 = arith.constant 0 : i32
    return %c0_i32, %c0_i32_0 : i32, i32
  }
  func.func @transform_3(%arg0: i32) -> (i32, i32) {
    %c0_i32 = arith.constant 0 : i32
    %c0_i32_0 = arith.constant 0 : i32
    %c0_i32_1 = arith.constant 0 : i32
    return %c0_i32, %c0_i32_0 : i32, i32
  }
  func.func @transform_4(%arg0: i32) -> (i32, i32) {
    %c0_i32 = arith.constant 0 : i32
    %c0_i32_0 = arith.constant 0 : i32
    %c0_i32_1 = arith.constant 0 : i32
    return %c0_i32, %c0_i32_0 : i32, i32
  }
  func.func @transform_5(%arg0: i32) -> (i32, i32) {
    %c0_i32 = arith.constant 0 : i32
    %c0_i32_0 = arith.constant 0 : i32
    %c0_i32_1 = arith.constant 0 : i32
    return %c0_i32, %c0_i32_0 : i32, i32
  }
  func.func @transform_6(%arg0: i32) -> (i32, i32) {
    %c0_i32 = arith.constant 0 : i32
    %c0_i32_0 = arith.constant 0 : i32
    %c0_i32_1 = arith.constant 0 : i32
    return %c0_i32, %c0_i32_0 : i32, i32
  }
  func.func @transform_7(%arg0: i32) -> (i32, i32) {
    %c0_i32 = arith.constant 0 : i32
    %c0_i32_0 = arith.constant 0 : i32
    return %c0_i32, %arg0 : i32, i32
  }
}

module attributes {stable_mosaic.version = 14 : i64} {
  func.func @_stage3_body(%arg0: i32, %arg1: memref<2048x100xf32, #tpu.memory_space<vmem>>, %arg2: memref<2048x100xbf16, #tpu.memory_space<vmem>>, %arg3: memref<1x100xf32, #tpu.memory_space<vmem>>, %arg4: memref<100x100xf32, #tpu.memory_space<vmem>>, %arg5: memref<1x100xf32, #tpu.memory_space<vmem>>, %arg6: memref<2x100xf32, #tpu.memory_space<vmem>>, %arg7: memref<2x1xf32, #tpu.memory_space<vmem>>, %arg8: memref<2x2048xf32, #tpu.memory_space<vmem>>) attributes {dimension_semantics = [#tpu.dimension_semantics<arbitrary>], iteration_bounds = array<i64: 9>, scalar_prefetch = 0 : i64, scratch_operands = 0 : i64, tpu.core_type = #tpu.core_type<tc>, window_params = [{transform_indices = @transform_0, window_bounds = array<i64: 2048, 100>}, {transform_indices = @transform_1, window_bounds = array<i64: 2048, 100>}, {pipeline_mode = #tpu.pipeline_mode<synchronous>, transform_indices = @transform_2, window_bounds = array<i64: 1, 100>}, {pipeline_mode = #tpu.pipeline_mode<synchronous>, transform_indices = @transform_3, window_bounds = array<i64: 100, 100>}, {pipeline_mode = #tpu.pipeline_mode<synchronous>, transform_indices = @transform_4, window_bounds = array<i64: 1, 100>}, {pipeline_mode = #tpu.pipeline_mode<synchronous>, transform_indices = @transform_5, window_bounds = array<i64: 2, 100>}, {pipeline_mode = #tpu.pipeline_mode<synchronous>, transform_indices = @transform_6, window_bounds = array<i64: 2, 1>}, {transform_indices = @transform_7, window_bounds = array<i64: 2, 2048>}]} {
    %get3A = arith.constant 0 : index
    %get3A_0 = arith.constant 0 : index
    %get3A_1 = vector.load %arg1[%get3A, %get3A_0] : memref<2048x100xf32, #tpu.memory_space<vmem>>, vector<2048x100xf32>
    %get3A_2 = arith.constant 0 : index
    %get3A_3 = arith.constant 0 : index
    %get3A_4 = vector.load %arg2[%get3A_2, %get3A_3] : memref<2048x100xbf16, #tpu.memory_space<vmem>>, vector<2048x100xbf16>
    %convert_element_type3A = arith.extf %get3A_4 : vector<2048x100xbf16> to vector<2048x100xf32>
    %add3A = arith.addf %get3A_1, %convert_element_type3A : vector<2048x100xf32>
    %get3A_5 = arith.constant 0 : index
    %get3A_6 = arith.constant 0 : index
    %get3A_7 = vector.load %arg3[%get3A_5, %get3A_6] : memref<1x100xf32, #tpu.memory_space<vmem>>, vector<1x100xf32>
    %add3A_8 = vector.broadcast %get3A_7 : vector<1x100xf32> to vector<2048x100xf32>
    %add3A_9 = arith.addf %add3A, %add3A_8 : vector<2048x100xf32>
    %max3A = arith.constant 0.000000e+00 : f32
    %max3A_10 = vector.broadcast %max3A : f32 to vector<2048x100xf32>
    %max3A_11 = arith.maximumf %add3A_9, %max3A_10 : vector<2048x100xf32>
    %get3A_12 = arith.constant 0 : index
    %get3A_13 = arith.constant 0 : index
    %get3A_14 = vector.load %arg4[%get3A_12, %get3A_13] : memref<100x100xf32, #tpu.memory_space<vmem>>, vector<100x100xf32>
    %dot_general3A = arith.constant dense<0.000000e+00> : vector<2048x100xf32>
    %dot_general3A_15 = tpu.matmul %max3A_11, %get3A_14, %dot_general3A {dimension_numbers = #tpu.dot_dimension_numbers<[1], [0], [0], [1], [0, 0, 1, 1], [], []>, transpose_lhs_hint = false} : vector<2048x100xf32>, vector<100x100xf32>, vector<2048x100xf32> -> vector<2048x100xf32>
    %get3A_16 = arith.constant 0 : index
    %get3A_17 = arith.constant 0 : index
    %get3A_18 = vector.load %arg5[%get3A_16, %get3A_17] : memref<1x100xf32, #tpu.memory_space<vmem>>, vector<1x100xf32>
    %add3A_19 = vector.broadcast %get3A_18 : vector<1x100xf32> to vector<2048x100xf32>
    %add3A_20 = arith.addf %dot_general3A_15, %add3A_19 : vector<2048x100xf32>
    %tanh3A = math.tanh %add3A_20 : vector<2048x100xf32>
    %get3A_21 = arith.constant 0 : index
    %get3A_22 = arith.constant 0 : index
    %get3A_23 = vector.load %arg6[%get3A_21, %get3A_22] : memref<2x100xf32, #tpu.memory_space<vmem>>, vector<2x100xf32>
    %dot_general3A_24 = arith.constant dense<0.000000e+00> : vector<2x2048xf32>
    %dot_general3A_25 = tpu.matmul %get3A_23, %tanh3A, %dot_general3A_24 {dimension_numbers = #tpu.dot_dimension_numbers<[1], [1], [0], [0], [0, 0, 1, 0], [], []>, transpose_lhs_hint = false} : vector<2x100xf32>, vector<2048x100xf32>, vector<2x2048xf32> -> vector<2x2048xf32>
    %get3A_26 = arith.constant 0 : index
    %get3A_27 = arith.constant 0 : index
    %get3A_28 = vector.load %arg7[%get3A_26, %get3A_27] : memref<2x1xf32, #tpu.memory_space<vmem>>, vector<2x1xf32>
    %add3A_29 = vector.broadcast %get3A_28 : vector<2x1xf32> to vector<2x2048xf32>
    %add3A_30 = arith.addf %dot_general3A_25, %add3A_29 : vector<2x2048xf32>
    %swap3A = arith.constant 0 : index
    %swap3A_31 = arith.constant 0 : index
    %swap3A_32 = vector.load %arg8[%swap3A, %swap3A_31] : memref<2x2048xf32, #tpu.memory_space<vmem>>, vector<2x2048xf32>
    tpu.vector_store %arg8[%swap3A, %swap3A_31], %add3A_30 {strides = array<i32>} : memref<2x2048xf32, #tpu.memory_space<vmem>>, vector<2x2048xf32>,
    return
  }
  func.func @transform_0(%arg0: i32) -> (i32, i32) {
    %c0_i32 = arith.constant 0 : i32
    %c0_i32_0 = arith.constant 0 : i32
    return %arg0, %c0_i32 : i32, i32
  }
  func.func @transform_1(%arg0: i32) -> (i32, i32) {
    %add3A = arith.constant 40 : i32
    %add3A_0 = arith.addi %arg0, %add3A : i32
    %c0_i32 = arith.constant 0 : i32
    %c0_i32_1 = arith.constant 0 : i32
    return %add3A_0, %c0_i32 : i32, i32
  }
  func.func @transform_2(%arg0: i32) -> (i32, i32) {
    %c0_i32 = arith.constant 0 : i32
    %c0_i32_0 = arith.constant 0 : i32
    %c0_i32_1 = arith.constant 0 : i32
    return %c0_i32, %c0_i32_0 : i32, i32
  }
  func.func @transform_3(%arg0: i32) -> (i32, i32) {
    %c0_i32 = arith.constant 0 : i32
    %c0_i32_0 = arith.constant 0 : i32
    %c0_i32_1 = arith.constant 0 : i32
    return %c0_i32, %c0_i32_0 : i32, i32
  }
  func.func @transform_4(%arg0: i32) -> (i32, i32) {
    %c0_i32 = arith.constant 0 : i32
    %c0_i32_0 = arith.constant 0 : i32
    %c0_i32_1 = arith.constant 0 : i32
    return %c0_i32, %c0_i32_0 : i32, i32
  }
  func.func @transform_5(%arg0: i32) -> (i32, i32) {
    %c0_i32 = arith.constant 0 : i32
    %c0_i32_0 = arith.constant 0 : i32
    %c0_i32_1 = arith.constant 0 : i32
    return %c0_i32, %c0_i32_0 : i32, i32
  }
  func.func @transform_6(%arg0: i32) -> (i32, i32) {
    %c0_i32 = arith.constant 0 : i32
    %c0_i32_0 = arith.constant 0 : i32
    %c0_i32_1 = arith.constant 0 : i32
    return %c0_i32, %c0_i32_0 : i32, i32
  }
  func.func @transform_7(%arg0: i32) -> (i32, i32) {
    %c0_i32 = arith.constant 0 : i32
    %c0_i32_0 = arith.constant 0 : i32
    return %c0_i32, %arg0 : i32, i32
  }
}

</mosaic_0001>

<sc_bundles>
// kernel: kernel.13.cloned.1.call-start
scs
__scs_entry_jumppad:
0x0: {  	(pc) =	sbr.rel $0x88, $3  }
0x1: {  	(tag) =	ssettag $0x0;
	lr =	simm.s32 $0x1  }
0x2: {  	[smem:$0x3F97] =	sst lr;
	_ =	strace $0xD0000000  }
0x3: {  	_ = 	snop  }
0x4: {  	_ = 	snop  }
0x5: {  	_ = 	snop  }
0x6: {  	_ = 	snop  }
0x7: {  	_ = 	snop  }
__scs_overlays_trampoline_lowered:
0x8: {  	[smem:$0x3FA6] =	sst s0  }
0x9: {  	[smem:$0x3FA7] =	sst s1  }
0xa: {  	[smem:$0x3FA8] =	sst s2  }
0xb: {  	[smem:$0x3FA9] =	sst s3  }
0xc: {  	[smem:$0x3FAA] =	sst s4  }
0xd: {  	[smem:$0x3FAB] =	sst s5  }
0xe: {  	[smem:$0x3FAC] =	sst s6  }
0xf: {  	[smem:$0x3FAD] =	sst s7  }
0x10: {  	[smem:$0x3FAE] =	sst s8  }
0x11: {  	[smem:$0x3FAF] =	sst s9;
	s0 =	simm.s32 @!p0 $0x0  }
0x12: {  	s1 =	sld [smem:$0x3F95];
	s0 =	simm.s32 @p0 $0x1  }
0x13: {  	[smem:$0x3FB0] =	sst s0;
	s0 =	simm.s32 @!p1 $0x0  }
0x14: {  	s2 =	sld [smem:$0x3F94];
	s0 =	simm.s32 @p1 $0x1  }
0x15: {  	[smem:$0x3FB1] =	sst s0;
	s0 =	simm.s32 @!p2 $0x0  }
0x16: {  	s3 =	sld [smem:$0x3FDB];
	s0 =	simm.s32 @p2 $0x1  }
0x17: {  	s4 =	simm.s32 $0x1BF5;
	[smem:$0x3FB3] =	sst s0  }
0x18: {  	s0 =	sld [smem:$0x3F96];
	_ =	swait.ge [sflag:s4], $0x0  }
0x19: {  	s7 =	sld [smem:$0x3F97]  }
0x1a: {  	s8 =	sadd.s32 $0xFFFFE003, lr  }
0x1b: {  	s9 =	sadd.s32 $0xFFFFFEF7, lr;
	s5 =	simm.s32 $0xFFFFFFFF;
	p2 =	slt.u32 s8, $0xFFFFF086  }
0x1c: {  	p1 =	slt.u32 s9, $0xF7A;
	s5 =	simm.s32 @!p2 $0x0  }
0x1d: {  	s5 =	simm.s32 @p1 $0x1;
	p0 =	seq.s32 s7, s2  }
0x1e: {  	s7 =	smul.u32 @!p0 $0xF7A, s2;
	p2 =	seq.s32 @!p0 s5, $0x0  }
0x1f: {  	s9 =	smul.u32 $0xF7A, s1;
	s8 =	simm.s32 @!p0 $0x1BF5;
	p2 =	por !p2, p0  }
0x20: {  	[sflag:s8] =	ssyncset.s32 @!p0 $0xFFFFF086;
	s6 =	sadd.s32 @!p0 s3, s7;
	s7 =	simm.s32 @!p0 $0x108  }
0x21: {  	s3 =	sadd.s32 s3, s9;
	s6 =	sadd.s32 @!p0 $0x88, s6;
	s7 =	simm.s32 @p2 $0x1082  }
0x22: {  	[simem:s7], [sflag:s8] =	dma.local @!p0 [hbm:s6], $0xF7A  }
0x23: {  	s9 =	sor.u32 $0xD0000000, s2;
	s6 =	simm.s32 $0x108;
	_ =	swait.ge @!p0 [sflag:s8], $0x0  }
0x24: {  	s3 =	sadd.s32 $0x88, s3;
	s6 =	simm.s32 @!p1 $0x1082;
	[sflag:s4] =	ssyncset.s32 $0xFFFFF086  }
0x25: {  	[simem:s6], [sflag:s4] =	dma.local [hbm:s3], $0xF7A  }
0x26: {  	[smem:$0x3F97] =	sst s1;
	(tag) =	ssettag s2;
	_ =	strace s9  }
0x27: {  	s1 =	sld [smem:$0x3FA7]  }
0x28: {  	s2 =	sld [smem:$0x3FA8]  }
0x29: {  	s4 =	sld [smem:$0x3FAA]  }
0x2a: {  	p0 =	seq.s32 s5, $0x0;
	s5 =	sld [smem:$0x3FAB]  }
0x2b: {  	s6 =	sld [smem:$0x3FAC]  }
0x2c: {  	s7 =	sld [smem:$0x3FAD]  }
0x2d: {  	s3 =	simm.s32 $0x108;
	s8 =	sld [smem:$0x3FAE]  }
0x2e: {  	s3 =	simm.s32 @!p0 $0x1082;
	s9 =	sld [smem:$0x3FAF]  }
0x2f: {  	lr =	sadd.s32 s0, s3;
	s0 =	sld [smem:$0x3FA6]  }
0x30: {  	s3 =	sld [smem:$0x3FA9]  }
0x31: {  	[smem:$0x3FB2] =	sst s10  }
0x32: {  	s10 =	sld [smem:$0x3FB0];
	_ =	sdelay $0x3  }
0x33: {  	p0 =	seq.s32 s10, $0x1;
	s10 =	sld [smem:$0x3FB2];
	_ =	sdelay $0x3  }
0x34: {  	[smem:$0x3FB2] =	sst s10  }
0x35: {  	s10 =	sld [smem:$0x3FB1];
	_ =	sdelay $0x3  }
0x36: {  	p1 =	seq.s32 s10, $0x1;
	s10 =	sld [smem:$0x3FB2];
	_ =	sdelay $0x3  }
0x37: {  	[smem:$0x3FB2] =	sst s10  }
0x38: {  	s10 =	sld [smem:$0x3FB3]  }
0x39: {  	_ = 	snop;
	(pc) =	sbr.ind lr, $3  }
0x3a: {  	_ = 	snop  }
0x3b: {  	_ = 	snop  }
0x3c: {  	p2 =	seq.s32 s10, $0x1;
	s10 =	sld [smem:$0x3FB2]  }
0x3d: {  	_ =	shalt  }
0x3e: {  	_ =	shalt  }
0x3f: {  	_ =	shalt  }
0x40: {  	_ =	shalt  }
0x41: {  	_ =	shalt  }
0x42: {  	_ =	shalt  }
0x43: {  	_ =	shalt  }
0x44: {  	_ =	shalt  }
0x45: {  	_ =	shalt  }
0x46: {  	_ =	shalt  }
0x47: {  	_ =	shalt  }
0x48: {  	_ =	shalt  }
0x49: {  	_ =	shalt  }
0x4a: {  	_ =	shalt  }
0x4b: {  	_ =	shalt  }
0x4c: {  	_ =	shalt  }
0x4d: {  	_ =	shalt  }
0x4e: {  	_ =	shalt  }
0x4f: {  	_ =	shalt  }
0x50: {  	_ =	shalt  }
0x51: {  	_ =	shalt  }
0x52: {  	_ =	shalt  }
0x53: {  	_ =	shalt  }
0x54: {  	_ =	shalt  }
0x55: {  	_ =	shalt  }
0x56: {  	_ =	shalt  }
0x57: {  	_ =	shalt  }
0x58: {  	_ =	shalt  }
0x59: {  	_ =	shalt  }
0x5a: {  	_ =	shalt  }
0x5b: {  	_ =	shalt  }
0x5c: {  	_ =	shalt  }
0x5d: {  	_ =	shalt  }
0x5e: {  	_ =	shalt  }
0x5f: {  	_ =	shalt  }
0x60: {  	_ =	shalt  }
0x61: {  	_ =	shalt  }
0x62: {  	_ =	shalt  }
0x63: {  	_ =	shalt  }
0x64: {  	_ =	shalt  }
0x65: {  	_ =	shalt  }
0x66: {  	_ =	shalt  }
0x67: {  	_ =	shalt  }
0x68: {  	_ =	shalt  }
0x69: {  	_ =	shalt  }
0x6a: {  	_ =	shalt  }
0x6b: {  	_ =	shalt  }
0x6c: {  	_ =	shalt  }
0x6d: {  	_ =	shalt  }
0x6e: {  	_ =	shalt  }
0x6f: {  	_ =	shalt  }
0x70: {  	_ =	shalt  }
0x71: {  	_ =	shalt  }
0x72: {  	_ =	shalt  }
0x73: {  	_ =	shalt  }
0x74: {  	_ =	shalt  }
0x75: {  	_ =	shalt  }
0x76: {  	_ =	shalt  }
0x77: {  	_ =	shalt  }
0x78: {  	_ =	shalt  }
0x79: {  	_ =	shalt  }
0x7a: {  	_ =	shalt  }
0x7b: {  	_ =	shalt  }
0x7c: {  	_ =	shalt  }
0x7d: {  	_ =	shalt  }
0x7e: {  	_ =	shalt  }
0x7f: {  	_ =	shalt  }
0x80: {  	_ =	shalt  }
0x81: {  	_ =	shalt  }
0x82: {  	_ =	shalt  }
0x83: {  	_ =	shalt  }
0x84: {  	_ =	shalt  }
0x85: {  	_ =	shalt  }
0x86: {  	_ =	shalt  }
0x87: {  	_ =	shalt  }
.Lfunc_end0:
.L_simem_size_0:
called_computation_lowered:
.L_overlay_start_0:
0x88: {  	s2 =	sld [smem:$0x3FD9]  }
0x89: {  	s3 =	sld [smem:$0x3FFE];
	_ =	sdelay $0x1  }
0x8a: {  	s1 =	srdreg.scid  }
0x8b: {  	s0 =	sand.u32 $0x1, s1  }
0x8c: {  	s17 =	sshll.u32 s0, $0xA;
	s2 =	sadd.s32 s3, s2  }
0x8d: {  	s2 =	sadd.s32 s2, s17  }
0x8e: {  	[smem:$0x3FBE] =	sst s2  }
0x8f: {  	_ = 	snop  }
0x90: {  	(tm) =	ssettm $0x1  }
0x91: {  	s18 =	sld [smem:$0x3FFB];
	_ =	sdelay $0x3  }
0x92: {  	_ =	strace s18  }
0x93: {  	s2 =	sld [smem:$0x3FFC];
	_ =	sdelay $0x3  }
0x94: {  	_ =	strace s2  }
0x95: {  	s2 =	sld [smem:$0x3FFD];
	_ =	sdelay $0x3  }
0x96: {  	_ =	strace s2  }
0x97: {  	_ =	strace $0x8FFFFFFF  }
0x98: {  	s19 =	sld [smem:$0x3FDB];
	_ =	sdelay $0x1  }
0x99: {  	s20 =	simm.s32 $_scs_section_size  }
0x9a: {  	s4 =	simm.s32 $_size__tile_overlayer_lowered;
	s5 =	simm.s32 $_tile_overlayer_lowered  }
0x9b: {  	s6 =	simm.s32 $0x1BFF;
	s21 =	sshll.u32 s5, $0x1;
	s3 =	sadd.s32 s20, s19  }
0x9c: {  	s22 =	simm.s32 $0x0;
	s4 =	sshll.u32 s4, $0x1;
	s5 =	sadd.s32 s21, s3  }
0x9d: {  	[timem:s22], [sflag:s6] =	dma.local [hbm:s5], s4  }
0x9e: {  	_ =	swait.ge [sflag:s6], s4  }
0x9f: {  	s4 =	ssub.s32 $0x0, s4;
	[sflag:s6] =	ssyncset.done $0x0  }
0xa0: {  	[sflag:s6] =	ssyncadd.s32 s4;
	_ =	sdelay $0x1  }
0xa1: {  	s23 =	simm.s32 $0x1B8B  }
0xa2: {  	_ =	swait.ge [sflag:s23], $0x1  }
0xa3: {  	[sflag:s23] =	ssyncset.done $0x0  }
0xa4: {  	[sflag:s23] =	ssyncadd.s32 $0xFFFFFFFF  }
0xa5: {  	s4 =	sld [smem:$0x0]  }
0xa6: {  	s5 =	sand.u32 $0xFFFFFFFE, s1  }
0xa7: {  	p0 =	sne.s32 s1, s5  }
0xa8: {  	s5 =	sshll.u32 @p0 s5, $0xE  }
0xa9: {  	s5 =	sadd.s32 @p0 $0x11B8D, s5;
	s6 =	sshll.u32 @p0 s4, $0x11  }
0xaa: {  	s5 =	sor.u32 @p0 s6, s5  }
0xab: {  	[sflag:s5] =	ssyncadd.remote.s32 @p0 $0x1;
	_ =	sdelay $0x1  }
0xac: {  	s5 =	simm.s32 @p0 $0x1B8D  }
0xad: {  	_ =	swait.eq @p0 [sflag:s5], $0x1  }
0xae: {  	[sflag:s5] =	ssyncadd.s32 @p0 $0xFFFFFFFF  }
0xaf: {  	s6 =	sshll.u32 @!p0 s1, $0xE  }
0xb0: {  	s6 =	sor.u32 @!p0 $0x4000, s6;
	s5 =	simm.s32 @!p0 $0x1B8D  }
0xb1: {  	s4 =	sshll.u32 @!p0 s4, $0x11;
	s6 =	sadd.s32 @!p0 $0x11B8D, s6;
	_ =	swait.eq @!p0 [sflag:s5], $0x1  }
0xb2: {  	s4 =	sor.u32 @!p0 s4, s6;
	[sflag:s5] =	ssyncadd.s32 @!p0 $0xFFFFFFFF  }
0xb3: {  	s25 =	simm.s32 $0x1B8E;
	s24 =	sld [smem:$0x3FFE];
	[sflag:s4] =	ssyncadd.remote.s32 @!p0 $0x1  }
0xb4: {  	s26 =	simm.s32 $execute0_lowered;
	[smem:$0x3FD2] =	sst s25  }
0xb5: {  	s5 =	sshll.u32 s26, $0x1;
	_ =	strace $0x8000004F;
	[dreg:$0x1] =	wrdreg $0xFFFFFFFF  }
0xb6: {  	s28 =	simm.s32 $_size_execute0_lowered;
	s3 =	sadd.s32 s3, s5;
	[dreg:$0x0] =	wrdreg $0x0  }
0xb7: {  	s5 =	sshll.u32 s28, $0x1;
	[dreg:$0x2] =	wrdreg s3  }
0xb8: {  	[dreg:$0x3] =	wrdreg s5  }
0xb9: {  	[dreg:$0x4] =	wrdreg $0xC0  }
0xba: {  	_ =	task [dreg:s22], $0x5FFFF  }
0xbb: {  	[dreg:$0x1] =	wrdreg $0xFFFFFFFF  }
0xbc: {  	[dreg:$0x0] =	wrdreg $0x60  }
0xbd: {  	[dreg:$0x2] =	wrdreg s24  }
0xbe: {  	[dreg:$0x3] =	wrdreg $0x9  }
0xbf: {  	_ =	task.clear_ibuf [dreg:s22], $0x4FFFF;
	_ =	strace $0x9000004F  }
0xc0: {  	s29 =	simm.s32 $0x9;
	_ =	strace $0x80000051  }
0xc1: {  	_ =	swait.ge [sflag:s29], $0x1  }
0xc2: {  	[sflag:s29] =	ssyncadd.s32 $0xFFFFFFFF  }
0xc3: {  	_ =	strace $0x90000051  }
0xc4: {  	_ =	sfence  }
0xc5: {  	s30 =	sld [smem:$0x0];
	_ =	sdelay $0x2  }
0xc6: {  	s31 =	sshll.u32 s1, $0xD;
	s1 =	sshrl.u32 s1, $0x2  }
0xc7: {  	s4 =	sand.u32 $0x4000, s31;
	s1 =	sadd.s32 s1, s30  }
0xc8: {  	s0 =	sor.u32 s4, s0;
	s1 =	sshll.u32 s1, $0x11  }
0xc9: {  	s0 =	sor.u32 s1, s0  }
0xca: {  	s0 =	sadd.s32 $0x8F2B, s0  }
0xcb: {  	[sflag:s0] =	ssyncadd.remote.s32 $0x1  }
0xcc: {  	_ =	sfence.sel $0xFFFF  }
0xcd: {  	[dreg:$0x0] =	wrdreg $0xFFFFFFFF;
	(pc) =	sbr.abs _section_cstart, $3  }
0xce: {  	[dreg:$0x1] =	wrdreg $0xFFFFFFFF  }
0xcf: {  	_ =	task.clear_ibuf [dreg:s22], $0x2FFFF;
	_ =	strace $0x9FFFFFFF  }
0xd0: {  	(tm) =	ssettm $0x7FFFFFFF  }
0xd1: {  	_ =	shalt  }
tec
execute0_lowered:
.L_overlay_start_1:
0x0: {  	(tag) =	ssettag $0x1  }
0x1: {  	s0 =	srdreg.scid  }
0x2: {  	s2 =	stileid.u32;
	s7 =	rddreg [dreg:$0x0]  }
0x3: {  	s15 =	simm.s32 $0x200;
	s16 =	simm.s32 $0x5;
	s20 =	simm.s32 $0x50  }
0x4: {  	s21 =	simm.s32 $0xA00;
	s22 =	simm.s32 $0x3200;
	s28 =	simm.s32 $0xFA00  }
0x5: {  	s29 =	simm.s32 $0x12200;
	s30 =	simm.s32 $0x1;
	s31 =	simm.s32 $0x14A00  }
0x6: {  	s17 =	simm.s32 $0x3;
	s18 =	simm.s32 $0x4;
	s0 =	sand.u32 $0x1, s0  }
0x7: {  	s19 =	simm.s32 $0x0;
	s4 =	sadd.s32 $0x196400, s7;
	s1 =	sshll.u32 s0, $0x4  }
0x8: {  	s5 =	sadd.s32 $0x31CE00, s7;
	s0 =	ssub.s32 $0x2, s0;
	s1 =	sor.u32 s2, s1  }
0x9: {  	s2 =	simm.s32 $0x0;
	s8 =	sshrl.u32 s0, $0x1;
	s3 =	smul.u32 $0x140, s1  }
0xa: {  	s6 =	sadd.s32 $0x4A3800, s7;
	[smem:$0x7FF] =	sst s2;
	s0 =	ssub.s32 s0, s8  }
0xb: {  	s8 =	smul.u32 $0x280, s1;
	s0 =	smax.u32 s0, $0x1;
	s9 =	sadd.s32 s3, s7  }
0xc: {  	_ =	strace $0x80000050;
	[dreg:$0x6] =	wrdreg s0;
	s23 =	sadd.s32 $0x3200, s9  }
0xd: {  	s1 =	simm.s32 $0x2;
	s24 =	sadd.s32 $0x3210, s9;
	[dreg:$0x2] =	wrdreg s23  }
0xe: {  	s3 =	sadd.s32 $0xFA00, s7;
	s25 =	sadd.s32 $0x3220, s9;
	[dreg:$0x3] =	wrdreg s24  }
0xf: {  	s7 =	sadd.s32 $0x7DD800, s7;
	s26 =	sadd.s32 $0x3230, s9;
	[dreg:$0x4] =	wrdreg s25  }
0x10: {  	s0 =	simm.s32 $0x17200;
	[dreg:$0x5] =	wrdreg s26;
	s23 =	simm.s32 $0x5A00  }
0x11: {  	s24 =	simm.s32 $0x8200;
	s25 =	simm.s32 $0xAA00;
	s26 =	simm.s32 $0xD200  }
.LBB2_1:
0x12: {  	s9 =	rddreg [dreg:$0x2];
	s10 =	simm.s32 $0x80  }
0x13: {  	[tilespmem:s2], [sflag:$0x5] =	stream.strided.gather [hbm4b:s9+s10], $0x280, s15, s10, $0x38;
	[tilespmem:$0x19A00] =	vst v63  }
0x14: {  	_ =	swait.ge [sflag:s16], $0x280  }
0x15: {  	[sflag:s16] =	ssyncset.done $0x0  }
0x16: {  	s11 =	simm.s32 $0x280;
	s14 =	rddreg [dreg:$0x3];
	[sflag:s16] =	ssyncadd.s32 $0xFFFFFD80  }
0x17: {  	[tilespmem:s11], [sflag:$0x5] =	stream.strided.gather [hbm4b:s14+s10], $0x280, s15, s10, $0x38;
	[tilespmem:$0x19A00] =	vst v63  }
0x18: {  	_ =	swait.ge [sflag:s16], $0x280  }
0x19: {  	[sflag:s16] =	ssyncset.done $0x0  }
0x1a: {  	s12 =	simm.s32 $0x500;
	s11 =	rddreg [dreg:$0x4];
	[sflag:s16] =	ssyncadd.s32 $0xFFFFFD80  }
0x1b: {  	[tilespmem:s12], [sflag:$0x5] =	stream.strided.gather [hbm4b:s11+s10], $0x280, s15, s10, $0x38;
	[tilespmem:$0x19A00] =	vst v63  }
0x1c: {  	_ =	swait.ge [sflag:s16], $0x280  }
0x1d: {  	[sflag:s16] =	ssyncset.done $0x0  }
0x1e: {  	s14 =	simm.s32 $0x780;
	s13 =	rddreg [dreg:$0x5];
	[sflag:s16] =	ssyncadd.s32 $0xFFFFFD80  }
0x1f: {  	[tilespmem:s14], [sflag:$0x5] =	stream.strided.gather [hbm4b:s13+s10], $0x280, s15, s10, $0x38;
	[tilespmem:$0x19A00] =	vst v63  }
0x20: {  	_ =	swait.ge [sflag:s16], $0x280  }
0x21: {  	[sflag:s16] =	ssyncset.done $0x0  }
0x22: {  	s9 =	simm.s32 $0x0;
	[sflag:s16] =	ssyncadd.s32 $0xFFFFFD80  }
.LBB2_2:
0x23: {  	s11 =	smul.u32 $0xA0, s9;
	_ =	sdelay $0x1  }
0x24: {  	[tilespmem:s21], [sflag:$0x1] =	stream.indirect.gather [hbm4b:s3+s20], $0x80, s11, s20, $0xb8;
	[tilespmem:$0x19A00] =	vst v63  }
0x25: {  	s10 =	sadd.s32 $0x280, s11  }
0x26: {  	[tilespmem:s22], [sflag:$0x1] =	stream.indirect.gather [hbm4b:s4+s20], $0x80, s10, s20, $0xb8;
	[tilespmem:$0x19A00] =	vst v63  }
0x27: {  	s14 =	sadd.s32 $0x500, s11  }
0x28: {  	[tilespmem:s23], [sflag:$0x1] =	stream.indirect.gather [hbm4b:s5+s20], $0x80, s14, s20, $0xb8;
	[tilespmem:$0x19A00] =	vst v63  }
0x29: {  	s12 =	sadd.s32 $0x780, s11  }
0x2a: {  	[tilespmem:s24], [sflag:$0x1] =	stream.indirect.gather [hbm4b:s6+s20], $0x80, s12, s20, $0xb8;
	[tilespmem:$0x19A00] =	vst v63  }
0x2b: {  	s10 =	sadd.s32 $0x50, s11  }
0x2c: {  	[tilespmem:s25], [sflag:$0x2] =	stream.indirect.gather [hbm4b:s3+s20], $0x80, s10, s20, $0xb8;
	[tilespmem:$0x19A00] =	vst v63  }
0x2d: {  	s12 =	sadd.s32 $0x2D0, s11  }
0x2e: {  	[tilespmem:s26], [sflag:$0x2] =	stream.indirect.gather [hbm4b:s4+s20], $0x80, s12, s20, $0xb8;
	[tilespmem:$0x19A00] =	vst v63  }
0x2f: {  	s13 =	sadd.s32 $0x550, s11  }
0x30: {  	[tilespmem:s28], [sflag:$0x2] =	stream.indirect.gather [hbm4b:s5+s20], $0x80, s13, s20, $0xb8;
	[tilespmem:$0x19A00] =	vst v63  }
0x31: {  	s14 =	sadd.s32 $0x7D0, s11  }
0x32: {  	[tilespmem:s29], [sflag:$0x2] =	stream.indirect.gather [hbm4b:s6+s20], $0x80, s14, s20, $0xb8;
	[tilespmem:$0x19A00] =	vst v63  }
0x33: {  	_ =	swait.ge [sflag:s30], $0x2800  }
0x34: {  	[sflag:s30] =	ssyncset.done $0x0  }
0x35: {  	[sflag:s30] =	ssyncadd.s32 $0xFFFFD800  }
0x36: {  	_ =	swait.ge [sflag:s30], $0x2800  }
0x37: {  	[sflag:s30] =	ssyncset.done $0x0  }
0x38: {  	[sflag:s30] =	ssyncadd.s32 $0xFFFFD800  }
0x39: {  	_ =	swait.ge [sflag:s30], $0x2800  }
0x3a: {  	[sflag:s30] =	ssyncset.done $0x0  }
0x3b: {  	[sflag:s30] =	ssyncadd.s32 $0xFFFFD800  }
0x3c: {  	_ =	swait.ge [sflag:s30], $0x2800  }
0x3d: {  	[sflag:s30] =	ssyncset.done $0x0  }
0x3e: {  	s12 =	simm.s32 $0x0;
	[sflag:s30] =	ssyncadd.s32 $0xFFFFD800  }
0x3f: {  	v0 =	vld [tilespmem:s12+$0xA50]  }
0x40: {  	v1 =	vld [tilespmem:s12+$0x3250]  }
0x41: {  	v2 =	vld [tilespmem:s12+$0x5A50]  }
0x42: {  	v3 =	vld [tilespmem:s12+$0x8250]  }
0x43: {  	v4 =	vld [tilespmem:s12+$0xA54]  }
0x44: {  	v5 =	vld [tilespmem:s12+$0x3254]  }
0x45: {  	v6 =	vld [tilespmem:s12+$0x5A54]  }
0x46: {  	v7 =	vld [tilespmem:s12+$0x8254]  }
0x47: {  	v8 =	vld [tilespmem:s12+$0xA00]  }
0x48: {  	v10 =	vld [tilespmem:s12+$0x5A00]  }
0x49: {  	v11 =	vld [tilespmem:s12+$0x8200]  }
0x4a: {  	v9 =	vld [tilespmem:s12+$0x3200]  }
0x4b: {  	v0 =	vadd.f32 v1, v0;
	v1 =	vadd.f32 v3, v2;
	v2 =	vld [tilespmem:s12+$0xA10]  }
0x4c: {  	v3 =	vadd.f32 v5, v4;
	v4 =	vld [tilespmem:s12+$0x3210]  }
0x4d: {  	v5 =	vadd.f32 v7, v6;
	v6 =	vld [tilespmem:s12+$0x8210]  }
0x4e: {  	v7 =	vadd.f32 v11, v10;
	v0 =	vadd.f32 v1, v0;
	v1 =	vld [tilespmem:s12+$0x5A10]  }
0x4f: {  	v3 =	vadd.f32 v5, v3;
	v5 =	vadd.f32 v9, v8;
	v8 =	vld [tilespmem:s12+$0x8220]  }
0x50: {  	[tilespmem:s12+$0x14A50] =	vst v0;
	v0 =	vld [tilespmem:s12+$0xA20]  }
0x51: {  	v5 =	vadd.f32 v7, v5;
	v7 =	vld [tilespmem:s12+$0x5A20]  }
0x52: {  	[tilespmem:s12+$0x14A54] =	vst v3;
	v3 =	vld [tilespmem:s12+$0x3220]  }
0x53: {  	v2 =	vadd.f32 v4, v2;
	v4 =	vld [tilespmem:s12+$0xA30];
	v1 =	vadd.f32 v6, v1  }
0x54: {  	[tilespmem:s12+$0x14A00] =	vst v5;
	v5 =	vld [tilespmem:s12+$0x3230]  }
0x55: {  	v6 =	vld [tilespmem:s12+$0x8230];
	v1 =	vadd.f32 v1, v2  }
0x56: {  	v2 =	vld [tilespmem:s12+$0x5A30]  }
0x57: {  	v62 =	vld [tilespmem:s12+$0xA40];
	v0 =	vadd.f32 v3, v0;
	[tilespmem:s12+$0x14A10] =	vst v1;
	v1 =	vadd.f32 v8, v7  }
0x58: {  	v63 =	vld [tilespmem:s12+$0x8240]  }
0x59: {  	v7 =	vld [tilespmem:s12+$0x3240];
	v1 =	vadd.f32 v1, v0  }
0x5a: {  	s13 =	simm.s32 $0x80;
	v8 =	vld [tilespmem:s12+$0x5A40]  }
0x5b: {  	v3 =	vadd.f32 v5, v4;
	v0 =	vld [tilespmem:s13+$0xA50];
	v4 =	vadd.f32 v6, v2;
	[tilespmem:s12+$0x14A20] =	vst v1  }
0x5c: {  	v1 =	vld [tilespmem:s13+$0x3250]  }
0x5d: {  	v2 =	vld [tilespmem:s13+$0x5A50];
	v5 =	vadd.f32 v4, v3  }
0x5e: {  	v4 =	vld [tilespmem:s13+$0x8250]  }
0x5f: {  	v3 =	vld [tilespmem:s13+$0xA54];
	v7 =	vadd.f32 v7, v62;
	v8 =	vadd.f32 v63, v8;
	[tilespmem:s12+$0x14A30] =	vst v5  }
0x60: {  	v5 =	vld [tilespmem:s13+$0x3254]  }
0x61: {  	s14 =	simm.s32 $0x400;
	v7 =	vadd.f32 v8, v7;
	v6 =	vld [tilespmem:s13+$0x5A54]  }
.LBB2_3:
0x62: {  	p0 =	sne.s32 s14, $0x9E00;
	v8 =	vld [tilespmem:s13+$0x8254]  }
0x63: {  	v9 =	vld [tilespmem:s13+$0xA00];
	[tilespmem:s12+$0x14A40] =	vst v7;
	s12 =	smov.u32 s13  }
0x64: {  	v7 =	vld [tilespmem:s12+$0x3200]  }
0x65: {  	v10 =	vld [tilespmem:s12+$0x5A00]  }
0x66: {  	v0 =	vadd.f32 v1, v0;
	v1 =	vadd.f32 v4, v2;
	v11 =	vld [tilespmem:s12+$0x8200]  }
0x67: {  	v3 =	vadd.f32 v5, v3;
	v2 =	vld [tilespmem:s12+$0xA10];
	v4 =	vadd.f32 v8, v6  }
0x68: {  	v0 =	vadd.f32 v1, v0;
	v5 =	vld [tilespmem:s12+$0x3210]  }
0x69: {  	v1 =	vadd.f32 v7, v9;
	v6 =	vld [tilespmem:s12+$0x5A10];
	v3 =	vadd.f32 v4, v3  }
0x6a: {  	v4 =	vld [tilespmem:s12+$0x8210];
	[tilespmem:s12+$0x14A50] =	vst v0  }
0x6b: {  	v0 =	vadd.f32 v11, v10;
	v7 =	vld [tilespmem:s12+$0xA20];
	[tilespmem:s12+$0x14A54] =	vst v3  }
0x6c: {  	v3 =	vld [tilespmem:s12+$0x3220]  }
0x6d: {  	v0 =	vadd.f32 v0, v1;
	v1 =	vadd.f32 v5, v2;
	v2 =	vld [tilespmem:s12+$0x5A20]  }
0x6e: {  	v5 =	vld [tilespmem:s12+$0x8220]  }
0x6f: {  	[tilespmem:s12+$0x14A00] =	vst v0;
	v0 =	vadd.f32 v4, v6;
	v4 =	vld [tilespmem:s12+$0xA30]  }
0x70: {  	v6 =	vld [tilespmem:s12+$0x3230]  }
0x71: {  	v0 =	vadd.f32 v0, v1;
	v1 =	vadd.f32 v3, v7;
	v3 =	vld [tilespmem:s12+$0x5A30]  }
0x72: {  	v7 =	vld [tilespmem:s12+$0x8230]  }
0x73: {  	[tilespmem:s12+$0x14A10] =	vst v0;
	v0 =	vadd.f32 v5, v2;
	v5 =	vld [tilespmem:s12+$0xA40]  }
0x74: {  	v8 =	vld [tilespmem:s12+$0x3240]  }
0x75: {  	v1 =	vadd.f32 v0, v1;
	v4 =	vadd.f32 v6, v4;
	v6 =	vld [tilespmem:s12+$0x5A40]  }
0x76: {  	s13 =	sshra.s32 s14, $0x2;
	v9 =	vld [tilespmem:s12+$0x8240]  }
0x77: {  	v0 =	vld [tilespmem:s13+$0xA50];
	[tilespmem:s12+$0x14A20] =	vst v1;
	v3 =	vadd.f32 v7, v3  }
0x78: {  	v1 =	vld [tilespmem:s13+$0x3250]  }
.Ltmp0:
0x79: {  	v2 =	vld [tilespmem:s13+$0x5A50];
	v7 =	vadd.f32 v3, v4;
	v8 =	vadd.f32 v8, v5;
	(pc) =	sbr.rel @p0 .LBB2_3-.Ltmp0, $4  }
0x7a: {  	v4 =	vld [tilespmem:s13+$0x8250]  }
0x7b: {  	v3 =	vld [tilespmem:s13+$0xA54];
	[tilespmem:s12+$0x14A30] =	vst v7;
	v7 =	vadd.f32 v9, v6  }
0x7c: {  	v5 =	vld [tilespmem:s13+$0x3254]  }
0x7d: {  	s14 =	sadd.s32 $0x200, s14;
	v6 =	vld [tilespmem:s13+$0x5A54];
	v7 =	vadd.f32 v7, v8  }
0x7e: {  	v8 =	vld [tilespmem:s13+$0x8254]  }
0x7f: {  	v9 =	vld [tilespmem:s13+$0xA00];
	[tilespmem:s12+$0x14A40] =	vst v7  }
0x80: {  	v7 =	vld [tilespmem:s13+$0x3200]  }
0x81: {  	v10 =	vld [tilespmem:s13+$0x5A00]  }
0x82: {  	v11 =	vld [tilespmem:s13+$0x8200]  }
0x83: {  	v0 =	vadd.f32 v1, v0;
	v1 =	vadd.f32 v4, v2;
	v2 =	vld [tilespmem:s13+$0xA10]  }
0x84: {  	v4 =	vld [tilespmem:s13+$0x3210]  }
0x85: {  	v56 =	vld [tilespmem:s13+$0x3240]  }
0x86: {  	v57 =	vld [tilespmem:s13+$0x5A40]  }
0x87: {  	v58 =	vld [tilespmem:s13+$0x8240]  }
0x88: {  	v0 =	vadd.f32 v1, v0;
	v1 =	vld [tilespmem:s13+$0x5A10]  }
0x89: {  	v3 =	vadd.f32 v5, v3;
	v5 =	vadd.f32 v8, v6;
	v6 =	vld [tilespmem:s13+$0x8210]  }
0x8a: {  	[tilespmem:s13+$0x14A50] =	vst v0;
	v0 =	vld [tilespmem:s13+$0xA20]  }
0x8b: {  	v8 =	vld [tilespmem:s13+$0x8220];
	v3 =	vadd.f32 v5, v3;
	v5 =	vadd.f32 v7, v9  }
0x8c: {  	v7 =	vadd.f32 v11, v10;
	v2 =	vadd.f32 v4, v2;
	v4 =	vld [tilespmem:s13+$0xA30]  }
0x8d: {  	[tilespmem:s13+$0x14A54] =	vst v3;
	v3 =	vld [tilespmem:s13+$0x3220]  }
0x8e: {  	v5 =	vadd.f32 v7, v5;
	v7 =	vld [tilespmem:s13+$0x5A20];
	v1 =	vadd.f32 v6, v1  }
0x8f: {  	v6 =	vld [tilespmem:s13+$0x8230]  }
0x90: {  	[tilespmem:s13+$0x14A00] =	vst v5;
	v5 =	vld [tilespmem:s13+$0x3230];
	v1 =	vadd.f32 v1, v2  }
0x91: {  	v2 =	vld [tilespmem:s13+$0x5A30]  }
0x92: {  	[tilespmem:s13+$0x14A10] =	vst v1;
	v1 =	vld [tilespmem:s13+$0xA40]  }
0x93: {  	v0 =	vadd.f32 v3, v0;
	v3 =	vadd.f32 v8, v7;
	_ =	sdelay $0x1  }
0x94: {  	v0 =	vadd.f32 v3, v0  }
0x95: {  	v3 =	vadd.f32 v5, v4;
	v2 =	vadd.f32 v6, v2  }
0x96: {  	v4 =	vadd.f32 v58, v57;
	v1 =	vadd.f32 v56, v1  }
0x97: {  	v2 =	vadd.f32 v2, v3  }
0x98: {  	s11 =	sadd.s32 s8, s11;
	[tilespmem:s13+$0x14A20] =	vst v0;
	v0 =	vadd.f32 v4, v1  }
0x99: {  	s11 =	sshll.u32 s11, $0x4;
	[tilespmem:s13+$0x14A30] =	vst v2  }
0x9a: {  	s14 =	simm.s32 $0x0;
	s11 =	sadd.s32 s7, s11;
	[tilespmem:s13+$0x14A40] =	vst v0  }
0x9b: {  	[hbm4b:s11+s14] =	stream.linear.scatter [tilespmem:s31], [sflag:$0x3], $0x2800, $0x38;
	[tilespmem:$0x19A00] =	vst v63  }
0x9c: {  	_ =	swait.ge [sflag:s1], $0x2800  }
0x9d: {  	[sflag:s1] =	ssyncset.done $0x0  }
0x9e: {  	[sflag:s1] =	ssyncadd.s32 $0xFFFFD800  }
0x9f: {  	_ =	swait.ge [sflag:s1], $0x2800  }
0xa0: {  	[sflag:s1] =	ssyncset.done $0x0  }
0xa1: {  	[sflag:s1] =	ssyncadd.s32 $0xFFFFD800  }
0xa2: {  	_ =	swait.ge [sflag:s1], $0x2800  }
0xa3: {  	[sflag:s1] =	ssyncset.done $0x0  }
0xa4: {  	[sflag:s1] =	ssyncadd.s32 $0xFFFFD800  }
0xa5: {  	_ =	swait.ge [sflag:s1], $0x2800  }
0xa6: {  	[sflag:s1] =	ssyncset.done $0x0  }
0xa7: {  	s11 =	simm.s32 $0x0;
	[sflag:s1] =	ssyncadd.s32 $0xFFFFD800  }
0xa8: {  	v0 =	vld [tilespmem:s11+$0xAA50]  }
0xa9: {  	v1 =	vld [tilespmem:s11+$0xD250]  }
0xaa: {  	v2 =	vld [tilespmem:s11+$0xFA50]  }
0xab: {  	v3 =	vld [tilespmem:s11+$0x12250]  }
0xac: {  	v4 =	vld [tilespmem:s11+$0xAA54]  }
0xad: {  	v5 =	vld [tilespmem:s11+$0xD254]  }
0xae: {  	v6 =	vld [tilespmem:s11+$0xFA54]  }
0xaf: {  	v7 =	vld [tilespmem:s11+$0x12254]  }
0xb0: {  	v8 =	vld [tilespmem:s11+$0xAA00]  }
0xb1: {  	v60 =	vld [tilespmem:s11+$0xFA00]  }
0xb2: {  	v61 =	vld [tilespmem:s11+$0x12200]  }
0xb3: {  	v59 =	vld [tilespmem:s11+$0xD200]  }
0xb4: {  	v0 =	vadd.f32 v1, v0;
	v1 =	vadd.f32 v3, v2;
	v2 =	vld [tilespmem:s11+$0xAA10]  }
0xb5: {  	v3 =	vadd.f32 v5, v4;
	v4 =	vld [tilespmem:s11+$0xD210]  }
0xb6: {  	v5 =	vadd.f32 v7, v6;
	v6 =	vld [tilespmem:s11+$0x12210]  }
0xb7: {  	v7 =	vadd.f32 v61, v60;
	v0 =	vadd.f32 v1, v0;
	v1 =	vld [tilespmem:s11+$0xFA10]  }
0xb8: {  	v3 =	vadd.f32 v5, v3;
	v5 =	vadd.f32 v59, v8;
	v8 =	vld [tilespmem:s11+$0x12220]  }
0xb9: {  	[tilespmem:s11+$0x17250] =	vst v0;
	v0 =	vld [tilespmem:s11+$0xAA20]  }
0xba: {  	v5 =	vadd.f32 v7, v5;
	v7 =	vld [tilespmem:s11+$0xFA20]  }
0xbb: {  	[tilespmem:s11+$0x17254] =	vst v3;
	v3 =	vld [tilespmem:s11+$0xD220]  }
0xbc: {  	v2 =	vadd.f32 v4, v2;
	v4 =	vld [tilespmem:s11+$0xAA30];
	v1 =	vadd.f32 v6, v1  }
0xbd: {  	[tilespmem:s11+$0x17200] =	vst v5;
	v5 =	vld [tilespmem:s11+$0xD230]  }
0xbe: {  	v6 =	vld [tilespmem:s11+$0x12230];
	v1 =	vadd.f32 v1, v2  }
0xbf: {  	v2 =	vld [tilespmem:s11+$0xFA30]  }
0xc0: {  	v62 =	vld [tilespmem:s11+$0xAA40];
	v0 =	vadd.f32 v3, v0;
	[tilespmem:s11+$0x17210] =	vst v1;
	v1 =	vadd.f32 v8, v7  }
0xc1: {  	v63 =	vld [tilespmem:s11+$0x12240]  }
0xc2: {  	v7 =	vld [tilespmem:s11+$0xD240];
	v1 =	vadd.f32 v1, v0  }
0xc3: {  	s12 =	simm.s32 $0x80;
	v8 =	vld [tilespmem:s11+$0xFA40]  }
0xc4: {  	v3 =	vadd.f32 v5, v4;
	v0 =	vld [tilespmem:s12+$0xAA50];
	v4 =	vadd.f32 v6, v2;
	[tilespmem:s11+$0x17220] =	vst v1  }
0xc5: {  	v1 =	vld [tilespmem:s12+$0xD250]  }
0xc6: {  	v2 =	vld [tilespmem:s12+$0xFA50];
	v5 =	vadd.f32 v4, v3  }
0xc7: {  	v4 =	vld [tilespmem:s12+$0x12250]  }
0xc8: {  	v3 =	vld [tilespmem:s12+$0xAA54];
	v7 =	vadd.f32 v7, v62;
	v8 =	vadd.f32 v63, v8;
	[tilespmem:s11+$0x17230] =	vst v5  }
0xc9: {  	v5 =	vld [tilespmem:s12+$0xD254]  }
0xca: {  	s13 =	simm.s32 $0x400;
	v7 =	vadd.f32 v8, v7;
	v6 =	vld [tilespmem:s12+$0xFA54]  }
.LBB2_5:
0xcb: {  	p0 =	sne.s32 s13, $0x9E00;
	v8 =	vld [tilespmem:s12+$0x12254]  }
0xcc: {  	v9 =	vld [tilespmem:s12+$0xAA00];
	[tilespmem:s11+$0x17240] =	vst v7;
	s11 =	smov.u32 s12  }
0xcd: {  	v7 =	vld [tilespmem:s11+$0xD200]  }
0xce: {  	v10 =	vld [tilespmem:s11+$0xFA00]  }
0xcf: {  	v0 =	vadd.f32 v1, v0;
	v1 =	vadd.f32 v4, v2;
	v11 =	vld [tilespmem:s11+$0x12200]  }
0xd0: {  	v3 =	vadd.f32 v5, v3;
	v2 =	vld [tilespmem:s11+$0xAA10];
	v4 =	vadd.f32 v8, v6  }
0xd1: {  	v0 =	vadd.f32 v1, v0;
	v5 =	vld [tilespmem:s11+$0xD210]  }
0xd2: {  	v1 =	vadd.f32 v7, v9;
	v6 =	vld [tilespmem:s11+$0xFA10];
	v3 =	vadd.f32 v4, v3  }
0xd3: {  	v4 =	vld [tilespmem:s11+$0x12210];
	[tilespmem:s11+$0x17250] =	vst v0  }
0xd4: {  	v0 =	vadd.f32 v11, v10;
	v7 =	vld [tilespmem:s11+$0xAA20];
	[tilespmem:s11+$0x17254] =	vst v3  }
0xd5: {  	v3 =	vld [tilespmem:s11+$0xD220]  }
0xd6: {  	v0 =	vadd.f32 v0, v1;
	v1 =	vadd.f32 v5, v2;
	v2 =	vld [tilespmem:s11+$0xFA20]  }
0xd7: {  	v5 =	vld [tilespmem:s11+$0x12220]  }
0xd8: {  	[tilespmem:s11+$0x17200] =	vst v0;
	v0 =	vadd.f32 v4, v6;
	v4 =	vld [tilespmem:s11+$0xAA30]  }
0xd9: {  	v6 =	vld [tilespmem:s11+$0xD230]  }
0xda: {  	v0 =	vadd.f32 v0, v1;
	v1 =	vadd.f32 v3, v7;
	v3 =	vld [tilespmem:s11+$0xFA30]  }
0xdb: {  	v7 =	vld [tilespmem:s11+$0x12230]  }
0xdc: {  	[tilespmem:s11+$0x17210] =	vst v0;
	v0 =	vadd.f32 v5, v2;
	v5 =	vld [tilespmem:s11+$0xAA40]  }
0xdd: {  	v8 =	vld [tilespmem:s11+$0xD240]  }
0xde: {  	v1 =	vadd.f32 v0, v1;
	v4 =	vadd.f32 v6, v4;
	v6 =	vld [tilespmem:s11+$0xFA40]  }
0xdf: {  	s12 =	sshra.s32 s13, $0x2;
	v9 =	vld [tilespmem:s11+$0x12240]  }
0xe0: {  	v0 =	vld [tilespmem:s12+$0xAA50];
	[tilespmem:s11+$0x17220] =	vst v1;
	v3 =	vadd.f32 v7, v3  }
0xe1: {  	v1 =	vld [tilespmem:s12+$0xD250]  }
.Ltmp1:
0xe2: {  	v2 =	vld [tilespmem:s12+$0xFA50];
	v7 =	vadd.f32 v3, v4;
	v8 =	vadd.f32 v8, v5;
	(pc) =	sbr.rel @p0 .LBB2_5-.Ltmp1, $4  }
0xe3: {  	v4 =	vld [tilespmem:s12+$0x12250]  }
0xe4: {  	v3 =	vld [tilespmem:s12+$0xAA54];
	[tilespmem:s11+$0x17230] =	vst v7;
	v7 =	vadd.f32 v9, v6  }
0xe5: {  	v5 =	vld [tilespmem:s12+$0xD254]  }
0xe6: {  	s13 =	sadd.s32 $0x200, s13;
	v6 =	vld [tilespmem:s12+$0xFA54];
	v7 =	vadd.f32 v7, v8  }
0xe7: {  	v8 =	vld [tilespmem:s12+$0x12254]  }
0xe8: {  	v9 =	vld [tilespmem:s12+$0xAA00];
	[tilespmem:s11+$0x17240] =	vst v7  }
0xe9: {  	v7 =	vld [tilespmem:s12+$0xD200]  }
0xea: {  	v10 =	vld [tilespmem:s12+$0xFA00]  }
0xeb: {  	v11 =	vld [tilespmem:s12+$0x12200]  }
0xec: {  	v41 =	vld [tilespmem:s12+$0xAA10]  }
0xed: {  	v42 =	vld [tilespmem:s12+$0xD210]  }
0xee: {  	v44 =	vld [tilespmem:s12+$0xFA10]  }
0xef: {  	v45 =	vld [tilespmem:s12+$0x12210]  }
0xf0: {  	v46 =	vld [tilespmem:s12+$0xAA20]  }
0xf1: {  	v49 =	vld [tilespmem:s12+$0xD220]  }
0xf2: {  	v50 =	vld [tilespmem:s12+$0xFA20]  }
0xf3: {  	v51 =	vld [tilespmem:s12+$0x12220]  }
0xf4: {  	v52 =	vld [tilespmem:s12+$0xAA30]  }
0xf5: {  	v53 =	vld [tilespmem:s12+$0xD230]  }
0xf6: {  	v54 =	vld [tilespmem:s12+$0xFA30]  }
0xf7: {  	v0 =	vadd.f32 v1, v0;
	v40 =	vadd.f32 v4, v2;
	v55 =	vld [tilespmem:s12+$0x12230]  }
0xf8: {  	v58 =	vld [tilespmem:s12+$0xFA40];
	v3 =	vadd.f32 v5, v3;
	v43 =	vadd.f32 v8, v6  }
0xf9: {  	v59 =	vld [tilespmem:s12+$0x12240];
	v0 =	vadd.f32 v40, v0  }
0xfa: {  	v56 =	vld [tilespmem:s12+$0xAA40];
	v3 =	vadd.f32 v43, v3;
	v47 =	vadd.f32 v7, v9  }
0xfb: {  	v57 =	vld [tilespmem:s12+$0xD240];
	v48 =	vadd.f32 v11, v10;
	v2 =	vadd.f32 v42, v41  }
0xfc: {  	[tilespmem:s12+$0x17250] =	vst v0;
	v1 =	vadd.f32 v45, v44;
	v0 =	vadd.f32 v49, v46  }
0xfd: {  	v60 =	vadd.f32 v51, v50;
	v61 =	vadd.f32 v53, v52  }
0xfe: {  	v62 =	vadd.f32 v59, v58;
	v1 =	vadd.f32 v1, v2  }
0xff: {  	[tilespmem:s12+$0x17254] =	vst v3;
	v5 =	vadd.f32 v48, v47;
	v2 =	vadd.f32 v55, v54  }
0x100: {  	v0 =	vadd.f32 v60, v0;
	[tilespmem:s12+$0x17210] =	vst v1;
	v1 =	vadd.f32 v57, v56  }
0x101: {  	[tilespmem:s12+$0x17200] =	vst v5;
	v2 =	vadd.f32 v2, v61  }
0x102: {  	s10 =	sadd.s32 s8, s10;
	[tilespmem:s12+$0x17220] =	vst v0;
	v63 =	vadd.f32 v62, v1  }
0x103: {  	s10 =	sshll.u32 s10, $0x4;
	[tilespmem:s12+$0x17230] =	vst v2  }
0x104: {  	s9 =	sadd.s32 $0x1, s9;
	s10 =	sadd.s32 s7, s10;
	[tilespmem:s12+$0x17240] =	vst v63  }
0x105: {  	[hbm4b:s10+s2] =	stream.linear.scatter [tilespmem:s0], [sflag:$0x4], $0x2800, $0x38;
	[tilespmem:$0x19A00] =	vst v63  }
0x106: {  	p0 =	sne.s32 s9, $0x4;
	_ =	swait.ge [sflag:s17], $0x2800  }
.Ltmp2:
0x107: {  	[sflag:s17] =	ssyncset.done $0x0;
	(pc) =	sbr.rel @p0 .LBB2_2-.Ltmp2, $4  }
0x108: {  	[sflag:s17] =	ssyncadd.s32 $0xFFFFD800  }
0x109: {  	_ =	swait.ge [sflag:s18], $0x2800  }
0x10a: {  	[sflag:s18] =	ssyncset.done $0x0  }
0x10b: {  	[sflag:s18] =	ssyncadd.s32 $0xFFFFD800  }
0x10c: {  	s19 =	sadd.s32 $0x1, s19;
	s9 =	rddreg [dreg:$0x6]  }
0x10d: {  	p0 =	sne.s32 s19, s9  }
.Ltmp3:
0x10e: {  	_ = 	snop;
	(pc) =	sbr.rel @p0 .LBB2_1-.Ltmp3, $1  }
0x10f: {  	_ =	sdelay $0x3  }
0x110: {  	_ =	sfence.sel $0x180000  }
0x111: {  	[bflag:$0x0] =	sbarrier.arrive $0xFFFF  }
0x112: {  	_ =	strace $0x90000050  }
0x113: {  	s0 =	stileid.u32;
	[bflag:$0x2] =	sbarrier.arrive $0xFFFF  }
0x114: {  	p0 =	sne.s32 s0, $0x0;
	s0 =	rddreg [dreg:$0x1]  }
0x115: {  	s0 =	sadd.s32 @!p0 $0x100000, s0  }
0x116: {  	[sflag:s0] =	ssyncadd.tile.s32 @!p0 $0x1;
	_ =	shalt  }
.Lfunc_end2:
_tile_overlayer_lowered:
.L_overlay_start_2:
0x117: {  	(tag) =	ssettag $0x2  }
0x118: {  	s0 =	rddreg [dreg:$0x0];
	s2 =	stileid.u32  }
0x119: {  	s1 =	rddreg [dreg:$0x1];
	p0 =	sne.s32 s2, $0x0  }
0x11a: {  	s3 =	rddreg [dreg:$0x2];
	[bflag:$0x3] =	sbarrier.arrive $0xFFFF;
	s2 =	simm.s32 @!p0 $0x1C05  }
0x11b: {  	[timem:s3], [sflag:s2] =	dma.local @!p0 [hbm:s0], s1  }
0x11c: {  	s0 =	simm.s32 @!p0 $0x5  }
0x11d: {  	_ =	swait.ge @!p0 [sflag:s0], s1  }
0x11e: {  	s1 =	ssub.s32 @!p0 $0x0, s1;
	[sflag:s0] =	ssyncset.done @!p0 $0x0  }
0x11f: {  	[sflag:s0] =	ssyncadd.s32 @!p0 s1  }
0x120: {  	[bflag:$0x3] =	sbarrier.arrive $0xFFFF  }
0x121: {  	_ =	shalt  }

// kernel: kernel.16.cloned.1.call-start
scs
__scs_entry_jumppad:
0x0: {  	(pc) =	sbr.rel $0x88, $3  }
0x1: {  	(tag) =	ssettag $0x0;
	lr =	simm.s32 $0x1  }
0x2: {  	[smem:$0x3F97] =	sst lr;
	_ =	strace $0xD0000000  }
0x3: {  	_ = 	snop  }
0x4: {  	_ = 	snop  }
0x5: {  	_ = 	snop  }
0x6: {  	_ = 	snop  }
0x7: {  	_ = 	snop  }
__scs_overlays_trampoline_lowered:
0x8: {  	[smem:$0x3FA6] =	sst s0  }
0x9: {  	[smem:$0x3FA7] =	sst s1  }
0xa: {  	[smem:$0x3FA8] =	sst s2  }
0xb: {  	[smem:$0x3FA9] =	sst s3  }
0xc: {  	[smem:$0x3FAA] =	sst s4  }
0xd: {  	[smem:$0x3FAB] =	sst s5  }
0xe: {  	[smem:$0x3FAC] =	sst s6  }
0xf: {  	[smem:$0x3FAD] =	sst s7  }
0x10: {  	[smem:$0x3FAE] =	sst s8  }
0x11: {  	[smem:$0x3FAF] =	sst s9;
	s0 =	simm.s32 @!p0 $0x0  }
0x12: {  	s1 =	sld [smem:$0x3F95];
	s0 =	simm.s32 @p0 $0x1  }
0x13: {  	[smem:$0x3FB0] =	sst s0;
	s0 =	simm.s32 @!p1 $0x0  }
0x14: {  	s2 =	sld [smem:$0x3F94];
	s0 =	simm.s32 @p1 $0x1  }
0x15: {  	[smem:$0x3FB1] =	sst s0;
	s0 =	simm.s32 @!p2 $0x0  }
0x16: {  	s3 =	sld [smem:$0x3FDB];
	s0 =	simm.s32 @p2 $0x1  }
0x17: {  	s4 =	simm.s32 $0x1BF5;
	[smem:$0x3FB3] =	sst s0  }
0x18: {  	s0 =	sld [smem:$0x3F96];
	_ =	swait.ge [sflag:s4], $0x0  }
0x19: {  	s7 =	sld [smem:$0x3F97]  }
0x1a: {  	s8 =	sadd.s32 $0xFFFFE003, lr  }
0x1b: {  	s9 =	sadd.s32 $0xFFFFFEF7, lr;
	s5 =	simm.s32 $0xFFFFFFFF;
	p2 =	slt.u32 s8, $0xFFFFF086  }
0x1c: {  	p1 =	slt.u32 s9, $0xF7A;
	s5 =	simm.s32 @!p2 $0x0  }
0x1d: {  	s5 =	simm.s32 @p1 $0x1;
	p0 =	seq.s32 s7, s2  }
0x1e: {  	s7 =	smul.u32 @!p0 $0xF7A, s2;
	p2 =	seq.s32 @!p0 s5, $0x0  }
0x1f: {  	s9 =	smul.u32 $0xF7A, s1;
	s8 =	simm.s32 @!p0 $0x1BF5;
	p2 =	por !p2, p0  }
0x20: {  	[sflag:s8] =	ssyncset.s32 @!p0 $0xFFFFF086;
	s6 =	sadd.s32 @!p0 s3, s7;
	s7 =	simm.s32 @!p0 $0x108  }
0x21: {  	s3 =	sadd.s32 s3, s9;
	s6 =	sadd.s32 @!p0 $0x88, s6;
	s7 =	simm.s32 @p2 $0x1082  }
0x22: {  	[simem:s7], [sflag:s8] =	dma.local @!p0 [hbm:s6], $0xF7A  }
0x23: {  	s9 =	sor.u32 $0xD0000000, s2;
	s6 =	simm.s32 $0x108;
	_ =	swait.ge @!p0 [sflag:s8], $0x0  }
0x24: {  	s3 =	sadd.s32 $0x88, s3;
	s6 =	simm.s32 @!p1 $0x1082;
	[sflag:s4] =	ssyncset.s32 $0xFFFFF086  }
0x25: {  	[simem:s6], [sflag:s4] =	dma.local [hbm:s3], $0xF7A  }
0x26: {  	[smem:$0x3F97] =	sst s1;
	(tag) =	ssettag s2;
	_ =	strace s9  }
0x27: {  	s1 =	sld [smem:$0x3FA7]  }
0x28: {  	s2 =	sld [smem:$0x3FA8]  }
0x29: {  	s4 =	sld [smem:$0x3FAA]  }
0x2a: {  	p0 =	seq.s32 s5, $0x0;
	s5 =	sld [smem:$0x3FAB]  }
0x2b: {  	s6 =	sld [smem:$0x3FAC]  }
0x2c: {  	s7 =	sld [smem:$0x3FAD]  }
0x2d: {  	s3 =	simm.s32 $0x108;
	s8 =	sld [smem:$0x3FAE]  }
0x2e: {  	s3 =	simm.s32 @!p0 $0x1082;
	s9 =	sld [smem:$0x3FAF]  }
0x2f: {  	lr =	sadd.s32 s0, s3;
	s0 =	sld [smem:$0x3FA6]  }
0x30: {  	s3 =	sld [smem:$0x3FA9]  }
0x31: {  	[smem:$0x3FB2] =	sst s10  }
0x32: {  	s10 =	sld [smem:$0x3FB0];
	_ =	sdelay $0x3  }
0x33: {  	p0 =	seq.s32 s10, $0x1;
	s10 =	sld [smem:$0x3FB2];
	_ =	sdelay $0x3  }
0x34: {  	[smem:$0x3FB2] =	sst s10  }
0x35: {  	s10 =	sld [smem:$0x3FB1];
	_ =	sdelay $0x3  }
0x36: {  	p1 =	seq.s32 s10, $0x1;
	s10 =	sld [smem:$0x3FB2];
	_ =	sdelay $0x3  }
0x37: {  	[smem:$0x3FB2] =	sst s10  }
0x38: {  	s10 =	sld [smem:$0x3FB3]  }
0x39: {  	_ = 	snop;
	(pc) =	sbr.ind lr, $3  }
0x3a: {  	_ = 	snop  }
0x3b: {  	_ = 	snop  }
0x3c: {  	p2 =	seq.s32 s10, $0x1;
	s10 =	sld [smem:$0x3FB2]  }
0x3d: {  	_ =	shalt  }
0x3e: {  	_ =	shalt  }
0x3f: {  	_ =	shalt  }
0x40: {  	_ =	shalt  }
0x41: {  	_ =	shalt  }
0x42: {  	_ =	shalt  }
0x43: {  	_ =	shalt  }
0x44: {  	_ =	shalt  }
0x45: {  	_ =	shalt  }
0x46: {  	_ =	shalt  }
0x47: {  	_ =	shalt  }
0x48: {  	_ =	shalt  }
0x49: {  	_ =	shalt  }
0x4a: {  	_ =	shalt  }
0x4b: {  	_ =	shalt  }
0x4c: {  	_ =	shalt  }
0x4d: {  	_ =	shalt  }
0x4e: {  	_ =	shalt  }
0x4f: {  	_ =	shalt  }
0x50: {  	_ =	shalt  }
0x51: {  	_ =	shalt  }
0x52: {  	_ =	shalt  }
0x53: {  	_ =	shalt  }
0x54: {  	_ =	shalt  }
0x55: {  	_ =	shalt  }
0x56: {  	_ =	shalt  }
0x57: {  	_ =	shalt  }
0x58: {  	_ =	shalt  }
0x59: {  	_ =	shalt  }
0x5a: {  	_ =	shalt  }
0x5b: {  	_ =	shalt  }
0x5c: {  	_ =	shalt  }
0x5d: {  	_ =	shalt  }
0x5e: {  	_ =	shalt  }
0x5f: {  	_ =	shalt  }
0x60: {  	_ =	shalt  }
0x61: {  	_ =	shalt  }
0x62: {  	_ =	shalt  }
0x63: {  	_ =	shalt  }
0x64: {  	_ =	shalt  }
0x65: {  	_ =	shalt  }
0x66: {  	_ =	shalt  }
0x67: {  	_ =	shalt  }
0x68: {  	_ =	shalt  }
0x69: {  	_ =	shalt  }
0x6a: {  	_ =	shalt  }
0x6b: {  	_ =	shalt  }
0x6c: {  	_ =	shalt  }
0x6d: {  	_ =	shalt  }
0x6e: {  	_ =	shalt  }
0x6f: {  	_ =	shalt  }
0x70: {  	_ =	shalt  }
0x71: {  	_ =	shalt  }
0x72: {  	_ =	shalt  }
0x73: {  	_ =	shalt  }
0x74: {  	_ =	shalt  }
0x75: {  	_ =	shalt  }
0x76: {  	_ =	shalt  }
0x77: {  	_ =	shalt  }
0x78: {  	_ =	shalt  }
0x79: {  	_ =	shalt  }
0x7a: {  	_ =	shalt  }
0x7b: {  	_ =	shalt  }
0x7c: {  	_ =	shalt  }
0x7d: {  	_ =	shalt  }
0x7e: {  	_ =	shalt  }
0x7f: {  	_ =	shalt  }
0x80: {  	_ =	shalt  }
0x81: {  	_ =	shalt  }
0x82: {  	_ =	shalt  }
0x83: {  	_ =	shalt  }
0x84: {  	_ =	shalt  }
0x85: {  	_ =	shalt  }
0x86: {  	_ =	shalt  }
0x87: {  	_ =	shalt  }
.Lfunc_end0:
.L_simem_size_0:
called_computation.1_lowered:
.L_overlay_start_0:
0x88: {  	s2 =	sld [smem:$0x3FD9]  }
0x89: {  	s3 =	sld [smem:$0x3FFE];
	_ =	sdelay $0x1  }
0x8a: {  	s1 =	srdreg.scid  }
0x8b: {  	s0 =	sand.u32 $0x1, s1  }
0x8c: {  	s17 =	sshll.u32 s0, $0xA;
	s2 =	sadd.s32 s3, s2  }
0x8d: {  	s2 =	sadd.s32 s2, s17  }
0x8e: {  	[smem:$0x3FBE] =	sst s2  }
0x8f: {  	_ = 	snop  }
0x90: {  	(tm) =	ssettm $0x1  }
0x91: {  	s18 =	sld [smem:$0x3FFB];
	_ =	sdelay $0x3  }
0x92: {  	_ =	strace s18  }
0x93: {  	s2 =	sld [smem:$0x3FFC];
	_ =	sdelay $0x3  }
0x94: {  	_ =	strace s2  }
0x95: {  	s2 =	sld [smem:$0x3FFD];
	_ =	sdelay $0x3  }
0x96: {  	_ =	strace s2  }
0x97: {  	_ =	strace $0x8FFFFFFF  }
0x98: {  	s19 =	sld [smem:$0x3FDB];
	_ =	sdelay $0x1  }
0x99: {  	s20 =	simm.s32 $_scs_section_size  }
0x9a: {  	s4 =	simm.s32 $_size__tile_overlayer_lowered;
	s5 =	simm.s32 $_tile_overlayer_lowered  }
0x9b: {  	s6 =	simm.s32 $0x1BFF;
	s21 =	sshll.u32 s5, $0x1;
	s3 =	sadd.s32 s20, s19  }
0x9c: {  	s22 =	simm.s32 $0x0;
	s4 =	sshll.u32 s4, $0x1;
	s5 =	sadd.s32 s21, s3  }
0x9d: {  	[timem:s22], [sflag:s6] =	dma.local [hbm:s5], s4  }
0x9e: {  	_ =	swait.ge [sflag:s6], s4  }
0x9f: {  	s4 =	ssub.s32 $0x0, s4;
	[sflag:s6] =	ssyncset.done $0x0  }
0xa0: {  	[sflag:s6] =	ssyncadd.s32 s4;
	_ =	sdelay $0x1  }
0xa1: {  	s23 =	simm.s32 $0x1B8B  }
0xa2: {  	_ =	swait.ge [sflag:s23], $0x1  }
0xa3: {  	[sflag:s23] =	ssyncset.done $0x0  }
0xa4: {  	[sflag:s23] =	ssyncadd.s32 $0xFFFFFFFF  }
0xa5: {  	s4 =	sld [smem:$0x0]  }
0xa6: {  	s5 =	sand.u32 $0xFFFFFFFE, s1  }
0xa7: {  	p0 =	sne.s32 s1, s5  }
0xa8: {  	s5 =	sshll.u32 @p0 s5, $0xE  }
0xa9: {  	s5 =	sadd.s32 @p0 $0x11B8D, s5;
	s6 =	sshll.u32 @p0 s4, $0x11  }
0xaa: {  	s5 =	sor.u32 @p0 s6, s5  }
0xab: {  	[sflag:s5] =	ssyncadd.remote.s32 @p0 $0x1;
	_ =	sdelay $0x1  }
0xac: {  	s5 =	simm.s32 @p0 $0x1B8D  }
0xad: {  	_ =	swait.eq @p0 [sflag:s5], $0x1  }
0xae: {  	[sflag:s5] =	ssyncadd.s32 @p0 $0xFFFFFFFF  }
0xaf: {  	s6 =	sshll.u32 @!p0 s1, $0xE  }
0xb0: {  	s6 =	sor.u32 @!p0 $0x4000, s6;
	s5 =	simm.s32 @!p0 $0x1B8D  }
0xb1: {  	s4 =	sshll.u32 @!p0 s4, $0x11;
	s6 =	sadd.s32 @!p0 $0x11B8D, s6;
	_ =	swait.eq @!p0 [sflag:s5], $0x1  }
0xb2: {  	s4 =	sor.u32 @!p0 s4, s6;
	[sflag:s5] =	ssyncadd.s32 @!p0 $0xFFFFFFFF  }
0xb3: {  	s25 =	simm.s32 $0x1B8E;
	s24 =	sld [smem:$0x3FFE];
	[sflag:s4] =	ssyncadd.remote.s32 @!p0 $0x1  }
0xb4: {  	s26 =	simm.s32 $execute0_lowered;
	[smem:$0x3FD2] =	sst s25  }
0xb5: {  	s5 =	sshll.u32 s26, $0x1;
	_ =	strace $0x8000004C;
	[dreg:$0x1] =	wrdreg $0xFFFFFFFF  }
0xb6: {  	s28 =	simm.s32 $_size_execute0_lowered;
	s3 =	sadd.s32 s3, s5;
	[dreg:$0x0] =	wrdreg $0x0  }
0xb7: {  	s5 =	sshll.u32 s28, $0x1;
	[dreg:$0x2] =	wrdreg s3  }
0xb8: {  	[dreg:$0x3] =	wrdreg s5  }
0xb9: {  	[dreg:$0x4] =	wrdreg $0xC0  }
0xba: {  	_ =	task [dreg:s22], $0x5FFFF  }
0xbb: {  	[dreg:$0x1] =	wrdreg $0xFFFFFFFF  }
0xbc: {  	[dreg:$0x0] =	wrdreg $0x60  }
0xbd: {  	[dreg:$0x2] =	wrdreg s24  }
0xbe: {  	[dreg:$0x3] =	wrdreg $0xA  }
0xbf: {  	_ =	task.clear_ibuf [dreg:s22], $0x4FFFF;
	_ =	strace $0x9000004C  }
0xc0: {  	s29 =	simm.s32 $0xA;
	_ =	strace $0x8000004E  }
0xc1: {  	_ =	swait.ge [sflag:s29], $0x1  }
0xc2: {  	[sflag:s29] =	ssyncadd.s32 $0xFFFFFFFF  }
0xc3: {  	_ =	strace $0x9000004E  }
0xc4: {  	_ =	sfence  }
0xc5: {  	s30 =	sld [smem:$0x0];
	_ =	sdelay $0x2  }
0xc6: {  	s31 =	sshll.u32 s1, $0xD;
	s1 =	sshrl.u32 s1, $0x2  }
0xc7: {  	s4 =	sand.u32 $0x4000, s31;
	s1 =	sadd.s32 s1, s30  }
0xc8: {  	s0 =	sor.u32 s4, s0;
	s1 =	sshll.u32 s1, $0x11  }
0xc9: {  	s0 =	sor.u32 s1, s0  }
0xca: {  	s0 =	sadd.s32 $0x8F2B, s0  }
0xcb: {  	[sflag:s0] =	ssyncadd.remote.s32 $0x1  }
0xcc: {  	_ =	sfence.sel $0xFFFF  }
0xcd: {  	[dreg:$0x0] =	wrdreg $0xFFFFFFFF;
	(pc) =	sbr.abs _section_cstart, $3  }
0xce: {  	[dreg:$0x1] =	wrdreg $0xFFFFFFFF  }
0xcf: {  	_ =	task.clear_ibuf [dreg:s22], $0x2FFFF;
	_ =	strace $0x9FFFFFFF  }
0xd0: {  	(tm) =	ssettm $0x7FFFFFFF  }
0xd1: {  	_ =	shalt  }
tec
execute0_lowered:
.L_overlay_start_1:
0x0: {  	(tag) =	ssettag $0x1  }
0x1: {  	s0 =	srdreg.scid  }
0x2: {  	s2 =	stileid.u32;
	s7 =	rddreg [dreg:$0x0];
	s15 =	simm.s32 $0x200  }
0x3: {  	s16 =	simm.s32 $0x5;
	s20 =	simm.s32 $0x50;
	s21 =	simm.s32 $0xA00  }
0x4: {  	s22 =	simm.s32 $0x3200;
	s28 =	simm.s32 $0xFA00;
	s29 =	simm.s32 $0x12200  }
0x5: {  	s30 =	simm.s32 $0x1;
	s31 =	simm.s32 $0x14A00;
	s0 =	sand.u32 $0x1, s0  }
0x6: {  	s17 =	simm.s32 $0x3;
	s18 =	simm.s32 $0x4;
	s1 =	sshll.u32 s0, $0x4  }
0x7: {  	s19 =	simm.s32 $0x0;
	s4 =	sadd.s32 $0x196400, s7;
	s1 =	sor.u32 s2, s1  }
0x8: {  	s5 =	sadd.s32 $0x31CE00, s7;
	s0 =	ssub.s32 $0x2, s0;
	s3 =	smul.u32 $0xA00, s1  }
0x9: {  	s6 =	sadd.s32 $0x4A3800, s7;
	s2 =	simm.s32 $0x0;
	s8 =	sshrl.u32 s0, $0x1  }
0xa: {  	[smem:$0x7FF] =	sst s2;
	s0 =	ssub.s32 s0, s8;
	s3 =	sshrl.u32 s3, $0x3  }
0xb: {  	s8 =	smul.u32 $0x280, s1;
	s0 =	smax.u32 s0, $0x1;
	s9 =	sadd.s32 s3, s7  }
0xc: {  	_ =	strace $0x8000004D;
	[dreg:$0x6] =	wrdreg s0;
	s23 =	sadd.s32 $0x5A00, s9  }
0xd: {  	s1 =	simm.s32 $0x2;
	s24 =	sadd.s32 $0x5A10, s9;
	[dreg:$0x2] =	wrdreg s23  }
0xe: {  	s0 =	simm.s32 $0x17200;
	s25 =	sadd.s32 $0x5A20, s9;
	[dreg:$0x3] =	wrdreg s24  }
0xf: {  	s3 =	sadd.s32 $0xFA00, s7;
	s26 =	sadd.s32 $0x5A30, s9;
	[dreg:$0x4] =	wrdreg s25  }
0x10: {  	s7 =	sadd.s32 $0x78D800, s7;
	[dreg:$0x5] =	wrdreg s26;
	s23 =	simm.s32 $0x5A00  }
0x11: {  	s24 =	simm.s32 $0x8200;
	s25 =	simm.s32 $0xAA00;
	s26 =	simm.s32 $0xD200  }
.LBB2_1:
0x12: {  	s9 =	rddreg [dreg:$0x2];
	s10 =	simm.s32 $0x80  }
0x13: {  	[tilespmem:s2], [sflag:$0x5] =	stream.strided.gather [hbm4b:s9+s10], $0x280, s15, s10, $0x38;
	[tilespmem:$0x19A00] =	vst v63  }
0x14: {  	_ =	swait.ge [sflag:s16], $0x280  }
0x15: {  	[sflag:s16] =	ssyncset.done $0x0  }
0x16: {  	s11 =	simm.s32 $0x280;
	s14 =	rddreg [dreg:$0x3];
	[sflag:s16] =	ssyncadd.s32 $0xFFFFFD80  }
0x17: {  	[tilespmem:s11], [sflag:$0x5] =	stream.strided.gather [hbm4b:s14+s10], $0x280, s15, s10, $0x38;
	[tilespmem:$0x19A00] =	vst v63  }
0x18: {  	_ =	swait.ge [sflag:s16], $0x280  }
0x19: {  	[sflag:s16] =	ssyncset.done $0x0  }
0x1a: {  	s12 =	simm.s32 $0x500;
	s11 =	rddreg [dreg:$0x4];
	[sflag:s16] =	ssyncadd.s32 $0xFFFFFD80  }
0x1b: {  	[tilespmem:s12], [sflag:$0x5] =	stream.strided.gather [hbm4b:s11+s10], $0x280, s15, s10, $0x38;
	[tilespmem:$0x19A00] =	vst v63  }
0x1c: {  	_ =	swait.ge [sflag:s16], $0x280  }
0x1d: {  	[sflag:s16] =	ssyncset.done $0x0  }
0x1e: {  	s14 =	simm.s32 $0x780;
	s13 =	rddreg [dreg:$0x5];
	[sflag:s16] =	ssyncadd.s32 $0xFFFFFD80  }
0x1f: {  	[tilespmem:s14], [sflag:$0x5] =	stream.strided.gather [hbm4b:s13+s10], $0x280, s15, s10, $0x38;
	[tilespmem:$0x19A00] =	vst v63  }
0x20: {  	_ =	swait.ge [sflag:s16], $0x280  }
0x21: {  	[sflag:s16] =	ssyncset.done $0x0  }
0x22: {  	s9 =	simm.s32 $0x0;
	[sflag:s16] =	ssyncadd.s32 $0xFFFFFD80  }
.LBB2_2:
0x23: {  	s11 =	smul.u32 $0xA0, s9;
	_ =	sdelay $0x1  }
0x24: {  	[tilespmem:s21], [sflag:$0x1] =	stream.indirect.gather [hbm4b:s3+s20], $0x80, s11, s20, $0xb8;
	[tilespmem:$0x19A00] =	vst v63  }
0x25: {  	s10 =	sadd.s32 $0x280, s11  }
0x26: {  	[tilespmem:s22], [sflag:$0x1] =	stream.indirect.gather [hbm4b:s4+s20], $0x80, s10, s20, $0xb8;
	[tilespmem:$0x19A00] =	vst v63  }
0x27: {  	s14 =	sadd.s32 $0x500, s11  }
0x28: {  	[tilespmem:s23], [sflag:$0x1] =	stream.indirect.gather [hbm4b:s5+s20], $0x80, s14, s20, $0xb8;
	[tilespmem:$0x19A00] =	vst v63  }
0x29: {  	s12 =	sadd.s32 $0x780, s11  }
0x2a: {  	[tilespmem:s24], [sflag:$0x1] =	stream.indirect.gather [hbm4b:s6+s20], $0x80, s12, s20, $0xb8;
	[tilespmem:$0x19A00] =	vst v63  }
0x2b: {  	s10 =	sadd.s32 $0x50, s11  }
0x2c: {  	[tilespmem:s25], [sflag:$0x2] =	stream.indirect.gather [hbm4b:s3+s20], $0x80, s10, s20, $0xb8;
	[tilespmem:$0x19A00] =	vst v63  }
0x2d: {  	s12 =	sadd.s32 $0x2D0, s11  }
0x2e: {  	[tilespmem:s26], [sflag:$0x2] =	stream.indirect.gather [hbm4b:s4+s20], $0x80, s12, s20, $0xb8;
	[tilespmem:$0x19A00] =	vst v63  }
0x2f: {  	s13 =	sadd.s32 $0x550, s11  }
0x30: {  	[tilespmem:s28], [sflag:$0x2] =	stream.indirect.gather [hbm4b:s5+s20], $0x80, s13, s20, $0xb8;
	[tilespmem:$0x19A00] =	vst v63  }
0x31: {  	s14 =	sadd.s32 $0x7D0, s11  }
0x32: {  	[tilespmem:s29], [sflag:$0x2] =	stream.indirect.gather [hbm4b:s6+s20], $0x80, s14, s20, $0xb8;
	[tilespmem:$0x19A00] =	vst v63  }
0x33: {  	_ =	swait.ge [sflag:s30], $0x2800  }
0x34: {  	[sflag:s30] =	ssyncset.done $0x0  }
0x35: {  	[sflag:s30] =	ssyncadd.s32 $0xFFFFD800  }
0x36: {  	_ =	swait.ge [sflag:s30], $0x2800  }
0x37: {  	[sflag:s30] =	ssyncset.done $0x0  }
0x38: {  	[sflag:s30] =	ssyncadd.s32 $0xFFFFD800  }
0x39: {  	_ =	swait.ge [sflag:s30], $0x2800  }
0x3a: {  	[sflag:s30] =	ssyncset.done $0x0  }
0x3b: {  	[sflag:s30] =	ssyncadd.s32 $0xFFFFD800  }
0x3c: {  	_ =	swait.ge [sflag:s30], $0x2800  }
0x3d: {  	[sflag:s30] =	ssyncset.done $0x0  }
0x3e: {  	s12 =	simm.s32 $0x0;
	[sflag:s30] =	ssyncadd.s32 $0xFFFFD800  }
0x3f: {  	v0 =	vld [tilespmem:s12+$0xA50]  }
0x40: {  	v1 =	vld [tilespmem:s12+$0x3250]  }
0x41: {  	v2 =	vld [tilespmem:s12+$0x5A50]  }
0x42: {  	v3 =	vld [tilespmem:s12+$0x8250]  }
0x43: {  	v4 =	vld [tilespmem:s12+$0xA54]  }
0x44: {  	v5 =	vld [tilespmem:s12+$0x3254]  }
0x45: {  	v6 =	vld [tilespmem:s12+$0x5A54]  }
0x46: {  	v7 =	vld [tilespmem:s12+$0x8254]  }
0x47: {  	v8 =	vld [tilespmem:s12+$0xA00]  }
0x48: {  	v10 =	vld [tilespmem:s12+$0x5A00]  }
0x49: {  	v11 =	vld [tilespmem:s12+$0x8200]  }
0x4a: {  	v9 =	vld [tilespmem:s12+$0x3200]  }
0x4b: {  	v0 =	vadd.f32 v1, v0;
	v1 =	vadd.f32 v3, v2;
	v2 =	vld [tilespmem:s12+$0xA10]  }
0x4c: {  	v3 =	vadd.f32 v5, v4;
	v4 =	vld [tilespmem:s12+$0x3210]  }
0x4d: {  	v5 =	vadd.f32 v7, v6;
	v6 =	vld [tilespmem:s12+$0x8210]  }
0x4e: {  	v7 =	vadd.f32 v11, v10;
	v0 =	vadd.f32 v1, v0;
	v1 =	vld [tilespmem:s12+$0x5A10]  }
0x4f: {  	v3 =	vadd.f32 v5, v3;
	v5 =	vadd.f32 v9, v8;
	v8 =	vld [tilespmem:s12+$0x8220]  }
0x50: {  	[tilespmem:s12+$0x14A50] =	vst v0;
	v0 =	vld [tilespmem:s12+$0xA20]  }
0x51: {  	v5 =	vadd.f32 v7, v5;
	v7 =	vld [tilespmem:s12+$0x5A20]  }
0x52: {  	[tilespmem:s12+$0x14A54] =	vst v3;
	v3 =	vld [tilespmem:s12+$0x3220]  }
0x53: {  	v2 =	vadd.f32 v4, v2;
	v4 =	vld [tilespmem:s12+$0xA30];
	v1 =	vadd.f32 v6, v1  }
0x54: {  	[tilespmem:s12+$0x14A00] =	vst v5;
	v5 =	vld [tilespmem:s12+$0x3230]  }
0x55: {  	v6 =	vld [tilespmem:s12+$0x8230];
	v1 =	vadd.f32 v1, v2  }
0x56: {  	v2 =	vld [tilespmem:s12+$0x5A30]  }
0x57: {  	v62 =	vld [tilespmem:s12+$0xA40];
	v0 =	vadd.f32 v3, v0;
	[tilespmem:s12+$0x14A10] =	vst v1;
	v1 =	vadd.f32 v8, v7  }
0x58: {  	v63 =	vld [tilespmem:s12+$0x8240]  }
0x59: {  	v7 =	vld [tilespmem:s12+$0x3240];
	v1 =	vadd.f32 v1, v0  }
0x5a: {  	s13 =	simm.s32 $0x80;
	v8 =	vld [tilespmem:s12+$0x5A40]  }
0x5b: {  	v3 =	vadd.f32 v5, v4;
	v0 =	vld [tilespmem:s13+$0xA50];
	v4 =	vadd.f32 v6, v2;
	[tilespmem:s12+$0x14A20] =	vst v1  }
0x5c: {  	v1 =	vld [tilespmem:s13+$0x3250]  }
0x5d: {  	v2 =	vld [tilespmem:s13+$0x5A50];
	v5 =	vadd.f32 v4, v3  }
0x5e: {  	v4 =	vld [tilespmem:s13+$0x8250]  }
0x5f: {  	v3 =	vld [tilespmem:s13+$0xA54];
	v7 =	vadd.f32 v7, v62;
	v8 =	vadd.f32 v63, v8;
	[tilespmem:s12+$0x14A30] =	vst v5  }
0x60: {  	v5 =	vld [tilespmem:s13+$0x3254]  }
0x61: {  	s14 =	simm.s32 $0x400;
	v7 =	vadd.f32 v8, v7;
	v6 =	vld [tilespmem:s13+$0x5A54]  }
.LBB2_3:
0x62: {  	p0 =	sne.s32 s14, $0x9E00;
	v8 =	vld [tilespmem:s13+$0x8254]  }
0x63: {  	v9 =	vld [tilespmem:s13+$0xA00];
	[tilespmem:s12+$0x14A40] =	vst v7;
	s12 =	smov.u32 s13  }
0x64: {  	v7 =	vld [tilespmem:s12+$0x3200]  }
0x65: {  	v10 =	vld [tilespmem:s12+$0x5A00]  }
0x66: {  	v0 =	vadd.f32 v1, v0;
	v1 =	vadd.f32 v4, v2;
	v11 =	vld [tilespmem:s12+$0x8200]  }
0x67: {  	v3 =	vadd.f32 v5, v3;
	v2 =	vld [tilespmem:s12+$0xA10];
	v4 =	vadd.f32 v8, v6  }
0x68: {  	v0 =	vadd.f32 v1, v0;
	v5 =	vld [tilespmem:s12+$0x3210]  }
0x69: {  	v1 =	vadd.f32 v7, v9;
	v6 =	vld [tilespmem:s12+$0x5A10];
	v3 =	vadd.f32 v4, v3  }
0x6a: {  	v4 =	vld [tilespmem:s12+$0x8210];
	[tilespmem:s12+$0x14A50] =	vst v0  }
0x6b: {  	v0 =	vadd.f32 v11, v10;
	v7 =	vld [tilespmem:s12+$0xA20];
	[tilespmem:s12+$0x14A54] =	vst v3  }
0x6c: {  	v3 =	vld [tilespmem:s12+$0x3220]  }
0x6d: {  	v0 =	vadd.f32 v0, v1;
	v1 =	vadd.f32 v5, v2;
	v2 =	vld [tilespmem:s12+$0x5A20]  }
0x6e: {  	v5 =	vld [tilespmem:s12+$0x8220]  }
0x6f: {  	[tilespmem:s12+$0x14A00] =	vst v0;
	v0 =	vadd.f32 v4, v6;
	v4 =	vld [tilespmem:s12+$0xA30]  }
0x70: {  	v6 =	vld [tilespmem:s12+$0x3230]  }
0x71: {  	v0 =	vadd.f32 v0, v1;
	v1 =	vadd.f32 v3, v7;
	v3 =	vld [tilespmem:s12+$0x5A30]  }
0x72: {  	v7 =	vld [tilespmem:s12+$0x8230]  }
0x73: {  	[tilespmem:s12+$0x14A10] =	vst v0;
	v0 =	vadd.f32 v5, v2;
	v5 =	vld [tilespmem:s12+$0xA40]  }
0x74: {  	v8 =	vld [tilespmem:s12+$0x3240]  }
0x75: {  	v1 =	vadd.f32 v0, v1;
	v4 =	vadd.f32 v6, v4;
	v6 =	vld [tilespmem:s12+$0x5A40]  }
0x76: {  	s13 =	sshra.s32 s14, $0x2;
	v9 =	vld [tilespmem:s12+$0x8240]  }
0x77: {  	v0 =	vld [tilespmem:s13+$0xA50];
	[tilespmem:s12+$0x14A20] =	vst v1;
	v3 =	vadd.f32 v7, v3  }
0x78: {  	v1 =	vld [tilespmem:s13+$0x3250]  }
.Ltmp0:
0x79: {  	v2 =	vld [tilespmem:s13+$0x5A50];
	v7 =	vadd.f32 v3, v4;
	v8 =	vadd.f32 v8, v5;
	(pc) =	sbr.rel @p0 .LBB2_3-.Ltmp0, $4  }
0x7a: {  	v4 =	vld [tilespmem:s13+$0x8250]  }
0x7b: {  	v3 =	vld [tilespmem:s13+$0xA54];
	[tilespmem:s12+$0x14A30] =	vst v7;
	v7 =	vadd.f32 v9, v6  }
0x7c: {  	v5 =	vld [tilespmem:s13+$0x3254]  }
0x7d: {  	s14 =	sadd.s32 $0x200, s14;
	v6 =	vld [tilespmem:s13+$0x5A54];
	v7 =	vadd.f32 v7, v8  }
0x7e: {  	v8 =	vld [tilespmem:s13+$0x8254]  }
0x7f: {  	v9 =	vld [tilespmem:s13+$0xA00];
	[tilespmem:s12+$0x14A40] =	vst v7  }
0x80: {  	v7 =	vld [tilespmem:s13+$0x3200]  }
0x81: {  	v10 =	vld [tilespmem:s13+$0x5A00]  }
0x82: {  	v11 =	vld [tilespmem:s13+$0x8200]  }
0x83: {  	v0 =	vadd.f32 v1, v0;
	v1 =	vadd.f32 v4, v2;
	v2 =	vld [tilespmem:s13+$0xA10]  }
0x84: {  	v4 =	vld [tilespmem:s13+$0x3210]  }
0x85: {  	v56 =	vld [tilespmem:s13+$0x3240]  }
0x86: {  	v57 =	vld [tilespmem:s13+$0x5A40]  }
0x87: {  	v58 =	vld [tilespmem:s13+$0x8240]  }
0x88: {  	v0 =	vadd.f32 v1, v0;
	v1 =	vld [tilespmem:s13+$0x5A10]  }
0x89: {  	v3 =	vadd.f32 v5, v3;
	v5 =	vadd.f32 v8, v6;
	v6 =	vld [tilespmem:s13+$0x8210]  }
0x8a: {  	[tilespmem:s13+$0x14A50] =	vst v0;
	v0 =	vld [tilespmem:s13+$0xA20]  }
0x8b: {  	v8 =	vld [tilespmem:s13+$0x8220];
	v3 =	vadd.f32 v5, v3;
	v5 =	vadd.f32 v7, v9  }
0x8c: {  	v7 =	vadd.f32 v11, v10;
	v2 =	vadd.f32 v4, v2;
	v4 =	vld [tilespmem:s13+$0xA30]  }
0x8d: {  	[tilespmem:s13+$0x14A54] =	vst v3;
	v3 =	vld [tilespmem:s13+$0x3220]  }
0x8e: {  	v5 =	vadd.f32 v7, v5;
	v7 =	vld [tilespmem:s13+$0x5A20];
	v1 =	vadd.f32 v6, v1  }
0x8f: {  	v6 =	vld [tilespmem:s13+$0x8230]  }
0x90: {  	[tilespmem:s13+$0x14A00] =	vst v5;
	v5 =	vld [tilespmem:s13+$0x3230];
	v1 =	vadd.f32 v1, v2  }
0x91: {  	v2 =	vld [tilespmem:s13+$0x5A30]  }
0x92: {  	[tilespmem:s13+$0x14A10] =	vst v1;
	v1 =	vld [tilespmem:s13+$0xA40]  }
0x93: {  	v0 =	vadd.f32 v3, v0;
	v3 =	vadd.f32 v8, v7;
	_ =	sdelay $0x1  }
0x94: {  	v0 =	vadd.f32 v3, v0  }
0x95: {  	v3 =	vadd.f32 v5, v4;
	v2 =	vadd.f32 v6, v2  }
0x96: {  	v4 =	vadd.f32 v58, v57;
	v1 =	vadd.f32 v56, v1  }
0x97: {  	v2 =	vadd.f32 v2, v3  }
0x98: {  	s11 =	sadd.s32 s8, s11;
	[tilespmem:s13+$0x14A20] =	vst v0;
	v0 =	vadd.f32 v4, v1  }
0x99: {  	s11 =	sshll.u32 s11, $0x4;
	[tilespmem:s13+$0x14A30] =	vst v2  }
0x9a: {  	s14 =	simm.s32 $0x0;
	s11 =	sadd.s32 s7, s11;
	[tilespmem:s13+$0x14A40] =	vst v0  }
0x9b: {  	[hbm4b:s11+s14] =	stream.linear.scatter [tilespmem:s31], [sflag:$0x3], $0x2800, $0x38;
	[tilespmem:$0x19A00] =	vst v63  }
0x9c: {  	_ =	swait.ge [sflag:s1], $0x2800  }
0x9d: {  	[sflag:s1] =	ssyncset.done $0x0  }
0x9e: {  	[sflag:s1] =	ssyncadd.s32 $0xFFFFD800  }
0x9f: {  	_ =	swait.ge [sflag:s1], $0x2800  }
0xa0: {  	[sflag:s1] =	ssyncset.done $0x0  }
0xa1: {  	[sflag:s1] =	ssyncadd.s32 $0xFFFFD800  }
0xa2: {  	_ =	swait.ge [sflag:s1], $0x2800  }
0xa3: {  	[sflag:s1] =	ssyncset.done $0x0  }
0xa4: {  	[sflag:s1] =	ssyncadd.s32 $0xFFFFD800  }
0xa5: {  	_ =	swait.ge [sflag:s1], $0x2800  }
0xa6: {  	[sflag:s1] =	ssyncset.done $0x0  }
0xa7: {  	s11 =	simm.s32 $0x0;
	[sflag:s1] =	ssyncadd.s32 $0xFFFFD800  }
0xa8: {  	v0 =	vld [tilespmem:s11+$0xAA50]  }
0xa9: {  	v1 =	vld [tilespmem:s11+$0xD250]  }
0xaa: {  	v2 =	vld [tilespmem:s11+$0xFA50]  }
0xab: {  	v3 =	vld [tilespmem:s11+$0x12250]  }
0xac: {  	v4 =	vld [tilespmem:s11+$0xAA54]  }
0xad: {  	v5 =	vld [tilespmem:s11+$0xD254]  }
0xae: {  	v6 =	vld [tilespmem:s11+$0xFA54]  }
0xaf: {  	v7 =	vld [tilespmem:s11+$0x12254]  }
0xb0: {  	v8 =	vld [tilespmem:s11+$0xAA00]  }
0xb1: {  	v60 =	vld [tilespmem:s11+$0xFA00]  }
0xb2: {  	v61 =	vld [tilespmem:s11+$0x12200]  }
0xb3: {  	v59 =	vld [tilespmem:s11+$0xD200]  }
0xb4: {  	v0 =	vadd.f32 v1, v0;
	v1 =	vadd.f32 v3, v2;
	v2 =	vld [tilespmem:s11+$0xAA10]  }
0xb5: {  	v3 =	vadd.f32 v5, v4;
	v4 =	vld [tilespmem:s11+$0xD210]  }
0xb6: {  	v5 =	vadd.f32 v7, v6;
	v6 =	vld [tilespmem:s11+$0x12210]  }
0xb7: {  	v7 =	vadd.f32 v61, v60;
	v0 =	vadd.f32 v1, v0;
	v1 =	vld [tilespmem:s11+$0xFA10]  }
0xb8: {  	v3 =	vadd.f32 v5, v3;
	v5 =	vadd.f32 v59, v8;
	v8 =	vld [tilespmem:s11+$0x12220]  }
0xb9: {  	[tilespmem:s11+$0x17250] =	vst v0;
	v0 =	vld [tilespmem:s11+$0xAA20]  }
0xba: {  	v5 =	vadd.f32 v7, v5;
	v7 =	vld [tilespmem:s11+$0xFA20]  }
0xbb: {  	[tilespmem:s11+$0x17254] =	vst v3;
	v3 =	vld [tilespmem:s11+$0xD220]  }
0xbc: {  	v2 =	vadd.f32 v4, v2;
	v4 =	vld [tilespmem:s11+$0xAA30];
	v1 =	vadd.f32 v6, v1  }
0xbd: {  	[tilespmem:s11+$0x17200] =	vst v5;
	v5 =	vld [tilespmem:s11+$0xD230]  }
0xbe: {  	v6 =	vld [tilespmem:s11+$0x12230];
	v1 =	vadd.f32 v1, v2  }
0xbf: {  	v2 =	vld [tilespmem:s11+$0xFA30]  }
0xc0: {  	v62 =	vld [tilespmem:s11+$0xAA40];
	v0 =	vadd.f32 v3, v0;
	[tilespmem:s11+$0x17210] =	vst v1;
	v1 =	vadd.f32 v8, v7  }
0xc1: {  	v63 =	vld [tilespmem:s11+$0x12240]  }
0xc2: {  	v7 =	vld [tilespmem:s11+$0xD240];
	v1 =	vadd.f32 v1, v0  }
0xc3: {  	s12 =	simm.s32 $0x80;
	v8 =	vld [tilespmem:s11+$0xFA40]  }
0xc4: {  	v3 =	vadd.f32 v5, v4;
	v0 =	vld [tilespmem:s12+$0xAA50];
	v4 =	vadd.f32 v6, v2;
	[tilespmem:s11+$0x17220] =	vst v1  }
0xc5: {  	v1 =	vld [tilespmem:s12+$0xD250]  }
0xc6: {  	v2 =	vld [tilespmem:s12+$0xFA50];
	v5 =	vadd.f32 v4, v3  }
0xc7: {  	v4 =	vld [tilespmem:s12+$0x12250]  }
0xc8: {  	v3 =	vld [tilespmem:s12+$0xAA54];
	v7 =	vadd.f32 v7, v62;
	v8 =	vadd.f32 v63, v8;
	[tilespmem:s11+$0x17230] =	vst v5  }
0xc9: {  	v5 =	vld [tilespmem:s12+$0xD254]  }
0xca: {  	s13 =	simm.s32 $0x400;
	v7 =	vadd.f32 v8, v7;
	v6 =	vld [tilespmem:s12+$0xFA54]  }
.LBB2_5:
0xcb: {  	p0 =	sne.s32 s13, $0x9E00;
	v8 =	vld [tilespmem:s12+$0x12254]  }
0xcc: {  	v9 =	vld [tilespmem:s12+$0xAA00];
	[tilespmem:s11+$0x17240] =	vst v7;
	s11 =	smov.u32 s12  }
0xcd: {  	v7 =	vld [tilespmem:s11+$0xD200]  }
0xce: {  	v10 =	vld [tilespmem:s11+$0xFA00]  }
0xcf: {  	v0 =	vadd.f32 v1, v0;
	v1 =	vadd.f32 v4, v2;
	v11 =	vld [tilespmem:s11+$0x12200]  }
0xd0: {  	v3 =	vadd.f32 v5, v3;
	v2 =	vld [tilespmem:s11+$0xAA10];
	v4 =	vadd.f32 v8, v6  }
0xd1: {  	v0 =	vadd.f32 v1, v0;
	v5 =	vld [tilespmem:s11+$0xD210]  }
0xd2: {  	v1 =	vadd.f32 v7, v9;
	v6 =	vld [tilespmem:s11+$0xFA10];
	v3 =	vadd.f32 v4, v3  }
0xd3: {  	v4 =	vld [tilespmem:s11+$0x12210];
	[tilespmem:s11+$0x17250] =	vst v0  }
0xd4: {  	v0 =	vadd.f32 v11, v10;
	v7 =	vld [tilespmem:s11+$0xAA20];
	[tilespmem:s11+$0x17254] =	vst v3  }
0xd5: {  	v3 =	vld [tilespmem:s11+$0xD220]  }
0xd6: {  	v0 =	vadd.f32 v0, v1;
	v1 =	vadd.f32 v5, v2;
	v2 =	vld [tilespmem:s11+$0xFA20]  }
0xd7: {  	v5 =	vld [tilespmem:s11+$0x12220]  }
0xd8: {  	[tilespmem:s11+$0x17200] =	vst v0;
	v0 =	vadd.f32 v4, v6;
	v4 =	vld [tilespmem:s11+$0xAA30]  }
0xd9: {  	v6 =	vld [tilespmem:s11+$0xD230]  }
0xda: {  	v0 =	vadd.f32 v0, v1;
	v1 =	vadd.f32 v3, v7;
	v3 =	vld [tilespmem:s11+$0xFA30]  }
0xdb: {  	v7 =	vld [tilespmem:s11+$0x12230]  }
0xdc: {  	[tilespmem:s11+$0x17210] =	vst v0;
	v0 =	vadd.f32 v5, v2;
	v5 =	vld [tilespmem:s11+$0xAA40]  }
0xdd: {  	v8 =	vld [tilespmem:s11+$0xD240]  }
0xde: {  	v1 =	vadd.f32 v0, v1;
	v4 =	vadd.f32 v6, v4;
	v6 =	vld [tilespmem:s11+$0xFA40]  }
0xdf: {  	s12 =	sshra.s32 s13, $0x2;
	v9 =	vld [tilespmem:s11+$0x12240]  }
0xe0: {  	v0 =	vld [tilespmem:s12+$0xAA50];
	[tilespmem:s11+$0x17220] =	vst v1;
	v3 =	vadd.f32 v7, v3  }
0xe1: {  	v1 =	vld [tilespmem:s12+$0xD250]  }
.Ltmp1:
0xe2: {  	v2 =	vld [tilespmem:s12+$0xFA50];
	v7 =	vadd.f32 v3, v4;
	v8 =	vadd.f32 v8, v5;
	(pc) =	sbr.rel @p0 .LBB2_5-.Ltmp1, $4  }
0xe3: {  	v4 =	vld [tilespmem:s12+$0x12250]  }
0xe4: {  	v3 =	vld [tilespmem:s12+$0xAA54];
	[tilespmem:s11+$0x17230] =	vst v7;
	v7 =	vadd.f32 v9, v6  }
0xe5: {  	v5 =	vld [tilespmem:s12+$0xD254]  }
0xe6: {  	s13 =	sadd.s32 $0x200, s13;
	v6 =	vld [tilespmem:s12+$0xFA54];
	v7 =	vadd.f32 v7, v8  }
0xe7: {  	v8 =	vld [tilespmem:s12+$0x12254]  }
0xe8: {  	v9 =	vld [tilespmem:s12+$0xAA00];
	[tilespmem:s11+$0x17240] =	vst v7  }
0xe9: {  	v7 =	vld [tilespmem:s12+$0xD200]  }
0xea: {  	v10 =	vld [tilespmem:s12+$0xFA00]  }
0xeb: {  	v11 =	vld [tilespmem:s12+$0x12200]  }
0xec: {  	v41 =	vld [tilespmem:s12+$0xAA10]  }
0xed: {  	v42 =	vld [tilespmem:s12+$0xD210]  }
0xee: {  	v44 =	vld [tilespmem:s12+$0xFA10]  }
0xef: {  	v45 =	vld [tilespmem:s12+$0x12210]  }
0xf0: {  	v46 =	vld [tilespmem:s12+$0xAA20]  }
0xf1: {  	v49 =	vld [tilespmem:s12+$0xD220]  }
0xf2: {  	v50 =	vld [tilespmem:s12+$0xFA20]  }
0xf3: {  	v51 =	vld [tilespmem:s12+$0x12220]  }
0xf4: {  	v52 =	vld [tilespmem:s12+$0xAA30]  }
0xf5: {  	v53 =	vld [tilespmem:s12+$0xD230]  }
0xf6: {  	v54 =	vld [tilespmem:s12+$0xFA30]  }
0xf7: {  	v0 =	vadd.f32 v1, v0;
	v40 =	vadd.f32 v4, v2;
	v55 =	vld [tilespmem:s12+$0x12230]  }
0xf8: {  	v58 =	vld [tilespmem:s12+$0xFA40];
	v3 =	vadd.f32 v5, v3;
	v43 =	vadd.f32 v8, v6  }
0xf9: {  	v59 =	vld [tilespmem:s12+$0x12240];
	v0 =	vadd.f32 v40, v0  }
0xfa: {  	v56 =	vld [tilespmem:s12+$0xAA40];
	v3 =	vadd.f32 v43, v3;
	v47 =	vadd.f32 v7, v9  }
0xfb: {  	v57 =	vld [tilespmem:s12+$0xD240];
	v48 =	vadd.f32 v11, v10;
	v2 =	vadd.f32 v42, v41  }
0xfc: {  	[tilespmem:s12+$0x17250] =	vst v0;
	v1 =	vadd.f32 v45, v44;
	v0 =	vadd.f32 v49, v46  }
0xfd: {  	v60 =	vadd.f32 v51, v50;
	v61 =	vadd.f32 v53, v52  }
0xfe: {  	v62 =	vadd.f32 v59, v58;
	v1 =	vadd.f32 v1, v2  }
0xff: {  	[tilespmem:s12+$0x17254] =	vst v3;
	v5 =	vadd.f32 v48, v47;
	v2 =	vadd.f32 v55, v54  }
0x100: {  	v0 =	vadd.f32 v60, v0;
	[tilespmem:s12+$0x17210] =	vst v1;
	v1 =	vadd.f32 v57, v56  }
0x101: {  	[tilespmem:s12+$0x17200] =	vst v5;
	v2 =	vadd.f32 v2, v61  }
0x102: {  	s10 =	sadd.s32 s8, s10;
	[tilespmem:s12+$0x17220] =	vst v0;
	v63 =	vadd.f32 v62, v1  }
0x103: {  	s10 =	sshll.u32 s10, $0x4;
	[tilespmem:s12+$0x17230] =	vst v2  }
0x104: {  	s9 =	sadd.s32 $0x1, s9;
	s10 =	sadd.s32 s7, s10;
	[tilespmem:s12+$0x17240] =	vst v63  }
0x105: {  	[hbm4b:s10+s2] =	stream.linear.scatter [tilespmem:s0], [sflag:$0x4], $0x2800, $0x38;
	[tilespmem:$0x19A00] =	vst v63  }
0x106: {  	p0 =	sne.s32 s9, $0x4;
	_ =	swait.ge [sflag:s17], $0x2800  }
.Ltmp2:
0x107: {  	[sflag:s17] =	ssyncset.done $0x0;
	(pc) =	sbr.rel @p0 .LBB2_2-.Ltmp2, $4  }
0x108: {  	[sflag:s17] =	ssyncadd.s32 $0xFFFFD800  }
0x109: {  	_ =	swait.ge [sflag:s18], $0x2800  }
0x10a: {  	[sflag:s18] =	ssyncset.done $0x0  }
0x10b: {  	[sflag:s18] =	ssyncadd.s32 $0xFFFFD800  }
0x10c: {  	s19 =	sadd.s32 $0x1, s19;
	s9 =	rddreg [dreg:$0x6]  }
0x10d: {  	p0 =	sne.s32 s19, s9  }
.Ltmp3:
0x10e: {  	_ = 	snop;
	(pc) =	sbr.rel @p0 .LBB2_1-.Ltmp3, $1  }
0x10f: {  	_ =	sdelay $0x3  }
0x110: {  	_ =	sfence.sel $0x180000  }
0x111: {  	[bflag:$0x0] =	sbarrier.arrive $0xFFFF  }
0x112: {  	_ =	strace $0x9000004D  }
0x113: {  	s0 =	stileid.u32;
	[bflag:$0x2] =	sbarrier.arrive $0xFFFF  }
0x114: {  	p0 =	sne.s32 s0, $0x0;
	s0 =	rddreg [dreg:$0x1]  }
0x115: {  	s0 =	sadd.s32 @!p0 $0x100000, s0  }
0x116: {  	[sflag:s0] =	ssyncadd.tile.s32 @!p0 $0x1;
	_ =	shalt  }
.Lfunc_end2:
_tile_overlayer_lowered:
.L_overlay_start_2:
0x117: {  	(tag) =	ssettag $0x2  }
0x118: {  	s0 =	rddreg [dreg:$0x0];
	s2 =	stileid.u32  }
0x119: {  	s1 =	rddreg [dreg:$0x1];
	p0 =	sne.s32 s2, $0x0  }
0x11a: {  	s3 =	rddreg [dreg:$0x2];
	[bflag:$0x3] =	sbarrier.arrive $0xFFFF;
	s2 =	simm.s32 @!p0 $0x1C05  }
0x11b: {  	[timem:s3], [sflag:s2] =	dma.local @!p0 [hbm:s0], s1  }
0x11c: {  	s0 =	simm.s32 @!p0 $0x5  }
0x11d: {  	_ =	swait.ge @!p0 [sflag:s0], s1  }
0x11e: {  	s1 =	ssub.s32 @!p0 $0x0, s1;
	[sflag:s0] =	ssyncset.done @!p0 $0x0  }
0x11f: {  	[sflag:s0] =	ssyncadd.s32 @!p0 s1  }
0x120: {  	[bflag:$0x3] =	sbarrier.arrive $0xFFFF  }
0x121: {  	_ =	shalt  }

// kernel: kernel.19.cloned.1.call-start
scs
__scs_entry_jumppad:
0x0: {  	(pc) =	sbr.rel $0x88, $3  }
0x1: {  	(tag) =	ssettag $0x0;
	lr =	simm.s32 $0x1  }
0x2: {  	[smem:$0x3F97] =	sst lr;
	_ =	strace $0xD0000000  }
0x3: {  	_ = 	snop  }
0x4: {  	_ = 	snop  }
0x5: {  	_ = 	snop  }
0x6: {  	_ = 	snop  }
0x7: {  	_ = 	snop  }
__scs_overlays_trampoline_lowered:
0x8: {  	[smem:$0x3FA6] =	sst s0  }
0x9: {  	[smem:$0x3FA7] =	sst s1  }
0xa: {  	[smem:$0x3FA8] =	sst s2  }
0xb: {  	[smem:$0x3FA9] =	sst s3  }
0xc: {  	[smem:$0x3FAA] =	sst s4  }
0xd: {  	[smem:$0x3FAB] =	sst s5  }
0xe: {  	[smem:$0x3FAC] =	sst s6  }
0xf: {  	[smem:$0x3FAD] =	sst s7  }
0x10: {  	[smem:$0x3FAE] =	sst s8  }
0x11: {  	[smem:$0x3FAF] =	sst s9;
	s0 =	simm.s32 @!p0 $0x0  }
0x12: {  	s1 =	sld [smem:$0x3F95];
	s0 =	simm.s32 @p0 $0x1  }
0x13: {  	[smem:$0x3FB0] =	sst s0;
	s0 =	simm.s32 @!p1 $0x0  }
0x14: {  	s2 =	sld [smem:$0x3F94];
	s0 =	simm.s32 @p1 $0x1  }
0x15: {  	[smem:$0x3FB1] =	sst s0;
	s0 =	simm.s32 @!p2 $0x0  }
0x16: {  	s3 =	sld [smem:$0x3FDB];
	s0 =	simm.s32 @p2 $0x1  }
0x17: {  	s4 =	simm.s32 $0x1BF5;
	[smem:$0x3FB3] =	sst s0  }
0x18: {  	s0 =	sld [smem:$0x3F96];
	_ =	swait.ge [sflag:s4], $0x0  }
0x19: {  	s7 =	sld [smem:$0x3F97]  }
0x1a: {  	s8 =	sadd.s32 $0xFFFFE003, lr  }
0x1b: {  	s9 =	sadd.s32 $0xFFFFFEF7, lr;
	s5 =	simm.s32 $0xFFFFFFFF;
	p2 =	slt.u32 s8, $0xFFFFF086  }
0x1c: {  	p1 =	slt.u32 s9, $0xF7A;
	s5 =	simm.s32 @!p2 $0x0  }
0x1d: {  	s5 =	simm.s32 @p1 $0x1;
	p0 =	seq.s32 s7, s2  }
0x1e: {  	s7 =	smul.u32 @!p0 $0xF7A, s2;
	p2 =	seq.s32 @!p0 s5, $0x0  }
0x1f: {  	s9 =	smul.u32 $0xF7A, s1;
	s8 =	simm.s32 @!p0 $0x1BF5;
	p2 =	por !p2, p0  }
0x20: {  	[sflag:s8] =	ssyncset.s32 @!p0 $0xFFFFF086;
	s6 =	sadd.s32 @!p0 s3, s7;
	s7 =	simm.s32 @!p0 $0x108  }
0x21: {  	s3 =	sadd.s32 s3, s9;
	s6 =	sadd.s32 @!p0 $0x88, s6;
	s7 =	simm.s32 @p2 $0x1082  }
0x22: {  	[simem:s7], [sflag:s8] =	dma.local @!p0 [hbm:s6], $0xF7A  }
0x23: {  	s9 =	sor.u32 $0xD0000000, s2;
	s6 =	simm.s32 $0x108;
	_ =	swait.ge @!p0 [sflag:s8], $0x0  }
0x24: {  	s3 =	sadd.s32 $0x88, s3;
	s6 =	simm.s32 @!p1 $0x1082;
	[sflag:s4] =	ssyncset.s32 $0xFFFFF086  }
0x25: {  	[simem:s6], [sflag:s4] =	dma.local [hbm:s3], $0xF7A  }
0x26: {  	[smem:$0x3F97] =	sst s1;
	(tag) =	ssettag s2;
	_ =	strace s9  }
0x27: {  	s1 =	sld [smem:$0x3FA7]  }
0x28: {  	s2 =	sld [smem:$0x3FA8]  }
0x29: {  	s4 =	sld [smem:$0x3FAA]  }
0x2a: {  	p0 =	seq.s32 s5, $0x0;
	s5 =	sld [smem:$0x3FAB]  }
0x2b: {  	s6 =	sld [smem:$0x3FAC]  }
0x2c: {  	s7 =	sld [smem:$0x3FAD]  }
0x2d: {  	s3 =	simm.s32 $0x108;
	s8 =	sld [smem:$0x3FAE]  }
0x2e: {  	s3 =	simm.s32 @!p0 $0x1082;
	s9 =	sld [smem:$0x3FAF]  }
0x2f: {  	lr =	sadd.s32 s0, s3;
	s0 =	sld [smem:$0x3FA6]  }
0x30: {  	s3 =	sld [smem:$0x3FA9]  }
0x31: {  	[smem:$0x3FB2] =	sst s10  }
0x32: {  	s10 =	sld [smem:$0x3FB0];
	_ =	sdelay $0x3  }
0x33: {  	p0 =	seq.s32 s10, $0x1;
	s10 =	sld [smem:$0x3FB2];
	_ =	sdelay $0x3  }
0x34: {  	[smem:$0x3FB2] =	sst s10  }
0x35: {  	s10 =	sld [smem:$0x3FB1];
	_ =	sdelay $0x3  }
0x36: {  	p1 =	seq.s32 s10, $0x1;
	s10 =	sld [smem:$0x3FB2];
	_ =	sdelay $0x3  }
0x37: {  	[smem:$0x3FB2] =	sst s10  }
0x38: {  	s10 =	sld [smem:$0x3FB3]  }
0x39: {  	_ = 	snop;
	(pc) =	sbr.ind lr, $3  }
0x3a: {  	_ = 	snop  }
0x3b: {  	_ = 	snop  }
0x3c: {  	p2 =	seq.s32 s10, $0x1;
	s10 =	sld [smem:$0x3FB2]  }
0x3d: {  	_ =	shalt  }
0x3e: {  	_ =	shalt  }
0x3f: {  	_ =	shalt  }
0x40: {  	_ =	shalt  }
0x41: {  	_ =	shalt  }
0x42: {  	_ =	shalt  }
0x43: {  	_ =	shalt  }
0x44: {  	_ =	shalt  }
0x45: {  	_ =	shalt  }
0x46: {  	_ =	shalt  }
0x47: {  	_ =	shalt  }
0x48: {  	_ =	shalt  }
0x49: {  	_ =	shalt  }
0x4a: {  	_ =	shalt  }
0x4b: {  	_ =	shalt  }
0x4c: {  	_ =	shalt  }
0x4d: {  	_ =	shalt  }
0x4e: {  	_ =	shalt  }
0x4f: {  	_ =	shalt  }
0x50: {  	_ =	shalt  }
0x51: {  	_ =	shalt  }
0x52: {  	_ =	shalt  }
0x53: {  	_ =	shalt  }
0x54: {  	_ =	shalt  }
0x55: {  	_ =	shalt  }
0x56: {  	_ =	shalt  }
0x57: {  	_ =	shalt  }
0x58: {  	_ =	shalt  }
0x59: {  	_ =	shalt  }
0x5a: {  	_ =	shalt  }
0x5b: {  	_ =	shalt  }
0x5c: {  	_ =	shalt  }
0x5d: {  	_ =	shalt  }
0x5e: {  	_ =	shalt  }
0x5f: {  	_ =	shalt  }
0x60: {  	_ =	shalt  }
0x61: {  	_ =	shalt  }
0x62: {  	_ =	shalt  }
0x63: {  	_ =	shalt  }
0x64: {  	_ =	shalt  }
0x65: {  	_ =	shalt  }
0x66: {  	_ =	shalt  }
0x67: {  	_ =	shalt  }
0x68: {  	_ =	shalt  }
0x69: {  	_ =	shalt  }
0x6a: {  	_ =	shalt  }
0x6b: {  	_ =	shalt  }
0x6c: {  	_ =	shalt  }
0x6d: {  	_ =	shalt  }
0x6e: {  	_ =	shalt  }
0x6f: {  	_ =	shalt  }
0x70: {  	_ =	shalt  }
0x71: {  	_ =	shalt  }
0x72: {  	_ =	shalt  }
0x73: {  	_ =	shalt  }
0x74: {  	_ =	shalt  }
0x75: {  	_ =	shalt  }
0x76: {  	_ =	shalt  }
0x77: {  	_ =	shalt  }
0x78: {  	_ =	shalt  }
0x79: {  	_ =	shalt  }
0x7a: {  	_ =	shalt  }
0x7b: {  	_ =	shalt  }
0x7c: {  	_ =	shalt  }
0x7d: {  	_ =	shalt  }
0x7e: {  	_ =	shalt  }
0x7f: {  	_ =	shalt  }
0x80: {  	_ =	shalt  }
0x81: {  	_ =	shalt  }
0x82: {  	_ =	shalt  }
0x83: {  	_ =	shalt  }
0x84: {  	_ =	shalt  }
0x85: {  	_ =	shalt  }
0x86: {  	_ =	shalt  }
0x87: {  	_ =	shalt  }
.Lfunc_end0:
.L_simem_size_0:
called_computation.2_lowered:
.L_overlay_start_0:
0x88: {  	s2 =	sld [smem:$0x3FD9]  }
0x89: {  	s3 =	sld [smem:$0x3FFE];
	_ =	sdelay $0x1  }
0x8a: {  	s1 =	srdreg.scid  }
0x8b: {  	s0 =	sand.u32 $0x1, s1  }
0x8c: {  	s17 =	sshll.u32 s0, $0xA;
	s2 =	sadd.s32 s3, s2  }
0x8d: {  	s2 =	sadd.s32 s2, s17  }
0x8e: {  	[smem:$0x3FBE] =	sst s2  }
0x8f: {  	_ = 	snop  }
0x90: {  	(tm) =	ssettm $0x1  }
0x91: {  	s18 =	sld [smem:$0x3FFB];
	_ =	sdelay $0x3  }
0x92: {  	_ =	strace s18  }
0x93: {  	s2 =	sld [smem:$0x3FFC];
	_ =	sdelay $0x3  }
0x94: {  	_ =	strace s2  }
0x95: {  	s2 =	sld [smem:$0x3FFD];
	_ =	sdelay $0x3  }
0x96: {  	_ =	strace s2  }
0x97: {  	_ =	strace $0x8FFFFFFF  }
0x98: {  	s19 =	sld [smem:$0x3FDB];
	_ =	sdelay $0x1  }
0x99: {  	s20 =	simm.s32 $_scs_section_size  }
0x9a: {  	s4 =	simm.s32 $_size__tile_overlayer_lowered;
	s5 =	simm.s32 $_tile_overlayer_lowered  }
0x9b: {  	s6 =	simm.s32 $0x1BFF;
	s21 =	sshll.u32 s5, $0x1;
	s3 =	sadd.s32 s20, s19  }
0x9c: {  	s22 =	simm.s32 $0x0;
	s4 =	sshll.u32 s4, $0x1;
	s5 =	sadd.s32 s21, s3  }
0x9d: {  	[timem:s22], [sflag:s6] =	dma.local [hbm:s5], s4  }
0x9e: {  	_ =	swait.ge [sflag:s6], s4  }
0x9f: {  	s4 =	ssub.s32 $0x0, s4;
	[sflag:s6] =	ssyncset.done $0x0  }
0xa0: {  	[sflag:s6] =	ssyncadd.s32 s4;
	_ =	sdelay $0x1  }
0xa1: {  	s23 =	simm.s32 $0x1B8B  }
0xa2: {  	_ =	swait.ge [sflag:s23], $0x1  }
0xa3: {  	[sflag:s23] =	ssyncset.done $0x0  }
0xa4: {  	[sflag:s23] =	ssyncadd.s32 $0xFFFFFFFF  }
0xa5: {  	s4 =	sld [smem:$0x0]  }
0xa6: {  	s5 =	sand.u32 $0xFFFFFFFE, s1  }
0xa7: {  	p0 =	sne.s32 s1, s5  }
0xa8: {  	s5 =	sshll.u32 @p0 s5, $0xE  }
0xa9: {  	s5 =	sadd.s32 @p0 $0x11B8D, s5;
	s6 =	sshll.u32 @p0 s4, $0x11  }
0xaa: {  	s5 =	sor.u32 @p0 s6, s5  }
0xab: {  	[sflag:s5] =	ssyncadd.remote.s32 @p0 $0x1;
	_ =	sdelay $0x1  }
0xac: {  	s5 =	simm.s32 @p0 $0x1B8D  }
0xad: {  	_ =	swait.eq @p0 [sflag:s5], $0x1  }
0xae: {  	[sflag:s5] =	ssyncadd.s32 @p0 $0xFFFFFFFF  }
0xaf: {  	s6 =	sshll.u32 @!p0 s1, $0xE  }
0xb0: {  	s6 =	sor.u32 @!p0 $0x4000, s6;
	s5 =	simm.s32 @!p0 $0x1B8D  }
0xb1: {  	s4 =	sshll.u32 @!p0 s4, $0x11;
	s6 =	sadd.s32 @!p0 $0x11B8D, s6;
	_ =	swait.eq @!p0 [sflag:s5], $0x1  }
0xb2: {  	s4 =	sor.u32 @!p0 s4, s6;
	[sflag:s5] =	ssyncadd.s32 @!p0 $0xFFFFFFFF  }
0xb3: {  	s25 =	simm.s32 $0x1B8E;
	s24 =	sld [smem:$0x3FFE];
	[sflag:s4] =	ssyncadd.remote.s32 @!p0 $0x1  }
0xb4: {  	s26 =	simm.s32 $execute0_lowered;
	[smem:$0x3FD2] =	sst s25  }
0xb5: {  	s5 =	sshll.u32 s26, $0x1;
	_ =	strace $0x80000049;
	[dreg:$0x1] =	wrdreg $0xFFFFFFFF  }
0xb6: {  	s28 =	simm.s32 $_size_execute0_lowered;
	s3 =	sadd.s32 s3, s5;
	[dreg:$0x0] =	wrdreg $0x0  }
0xb7: {  	s5 =	sshll.u32 s28, $0x1;
	[dreg:$0x2] =	wrdreg s3  }
0xb8: {  	[dreg:$0x3] =	wrdreg s5  }
0xb9: {  	[dreg:$0x4] =	wrdreg $0xC0  }
0xba: {  	_ =	task [dreg:s22], $0x5FFFF  }
0xbb: {  	[dreg:$0x1] =	wrdreg $0xFFFFFFFF  }
0xbc: {  	[dreg:$0x0] =	wrdreg $0x60  }
0xbd: {  	[dreg:$0x2] =	wrdreg s24  }
0xbe: {  	[dreg:$0x3] =	wrdreg $0xB  }
0xbf: {  	_ =	task.clear_ibuf [dreg:s22], $0x4FFFF;
	_ =	strace $0x90000049  }
0xc0: {  	s29 =	simm.s32 $0xB;
	_ =	strace $0x8000004B  }
0xc1: {  	_ =	swait.ge [sflag:s29], $0x1  }
0xc2: {  	[sflag:s29] =	ssyncadd.s32 $0xFFFFFFFF  }
0xc3: {  	_ =	strace $0x9000004B  }
0xc4: {  	_ =	sfence  }
0xc5: {  	s30 =	sld [smem:$0x0];
	_ =	sdelay $0x2  }
0xc6: {  	s31 =	sshll.u32 s1, $0xD;
	s1 =	sshrl.u32 s1, $0x2  }
0xc7: {  	s4 =	sand.u32 $0x4000, s31;
	s1 =	sadd.s32 s1, s30  }
0xc8: {  	s0 =	sor.u32 s4, s0;
	s1 =	sshll.u32 s1, $0x11  }
0xc9: {  	s0 =	sor.u32 s1, s0  }
0xca: {  	s0 =	sadd.s32 $0x8F2B, s0  }
0xcb: {  	[sflag:s0] =	ssyncadd.remote.s32 $0x1  }
0xcc: {  	_ =	sfence.sel $0xFFFF  }
0xcd: {  	[dreg:$0x0] =	wrdreg $0xFFFFFFFF;
	(pc) =	sbr.abs _section_cstart, $3  }
0xce: {  	[dreg:$0x1] =	wrdreg $0xFFFFFFFF  }
0xcf: {  	_ =	task.clear_ibuf [dreg:s22], $0x2FFFF;
	_ =	strace $0x9FFFFFFF  }
0xd0: {  	(tm) =	ssettm $0x7FFFFFFF  }
0xd1: {  	_ =	shalt  }
tec
execute0_lowered:
.L_overlay_start_1:
0x0: {  	(tag) =	ssettag $0x1  }
0x1: {  	s0 =	srdreg.scid  }
0x2: {  	s2 =	stileid.u32;
	s7 =	rddreg [dreg:$0x0];
	s15 =	simm.s32 $0x200  }
0x3: {  	s16 =	simm.s32 $0x5;
	s20 =	simm.s32 $0x50;
	s21 =	simm.s32 $0xA00  }
0x4: {  	s22 =	simm.s32 $0x3200;
	s28 =	simm.s32 $0xFA00;
	s29 =	simm.s32 $0x12200  }
0x5: {  	s30 =	simm.s32 $0x1;
	s31 =	simm.s32 $0x14A00;
	s0 =	sand.u32 $0x1, s0  }
0x6: {  	s17 =	simm.s32 $0x3;
	s18 =	simm.s32 $0x4;
	s1 =	sshll.u32 s0, $0x4  }
0x7: {  	s19 =	simm.s32 $0x0;
	s4 =	sadd.s32 $0x196400, s7;
	s1 =	sor.u32 s2, s1  }
0x8: {  	s5 =	sadd.s32 $0x31CE00, s7;
	s0 =	ssub.s32 $0x2, s0;
	s3 =	smul.u32 $0xA00, s1  }
0x9: {  	s6 =	sadd.s32 $0x4A3800, s7;
	s2 =	simm.s32 $0x0;
	s8 =	sshrl.u32 s0, $0x1  }
0xa: {  	[smem:$0x7FF] =	sst s2;
	s0 =	ssub.s32 s0, s8;
	s3 =	sshrl.u32 s3, $0x3  }
0xb: {  	s8 =	smul.u32 $0x280, s1;
	s0 =	smax.u32 s0, $0x1;
	s9 =	sadd.s32 s3, s7  }
0xc: {  	_ =	strace $0x8000004A;
	[dreg:$0x6] =	wrdreg s0;
	s23 =	sadd.s32 $0x8200, s9  }
0xd: {  	s1 =	simm.s32 $0x2;
	s24 =	sadd.s32 $0x8210, s9;
	[dreg:$0x2] =	wrdreg s23  }
0xe: {  	s0 =	simm.s32 $0x17200;
	s25 =	sadd.s32 $0x8220, s9;
	[dreg:$0x3] =	wrdreg s24  }
0xf: {  	s3 =	sadd.s32 $0xFA00, s7;
	s26 =	sadd.s32 $0x8230, s9;
	[dreg:$0x4] =	wrdreg s25  }
0x10: {  	s7 =	sadd.s32 $0x73D800, s7;
	[dreg:$0x5] =	wrdreg s26;
	s23 =	simm.s32 $0x5A00  }
0x11: {  	s24 =	simm.s32 $0x8200;
	s25 =	simm.s32 $0xAA00;
	s26 =	simm.s32 $0xD200  }
.LBB2_1:
0x12: {  	s9 =	rddreg [dreg:$0x2];
	s10 =	simm.s32 $0x80  }
0x13: {  	[tilespmem:s2], [sflag:$0x5] =	stream.strided.gather [hbm4b:s9+s10], $0x280, s15, s10, $0x38;
	[tilespmem:$0x19A00] =	vst v63  }
0x14: {  	_ =	swait.ge [sflag:s16], $0x280  }
0x15: {  	[sflag:s16] =	ssyncset.done $0x0  }
0x16: {  	s11 =	simm.s32 $0x280;
	s14 =	rddreg [dreg:$0x3];
	[sflag:s16] =	ssyncadd.s32 $0xFFFFFD80  }
0x17: {  	[tilespmem:s11], [sflag:$0x5] =	stream.strided.gather [hbm4b:s14+s10], $0x280, s15, s10, $0x38;
	[tilespmem:$0x19A00] =	vst v63  }
0x18: {  	_ =	swait.ge [sflag:s16], $0x280  }
0x19: {  	[sflag:s16] =	ssyncset.done $0x0  }
0x1a: {  	s12 =	simm.s32 $0x500;
	s11 =	rddreg [dreg:$0x4];
	[sflag:s16] =	ssyncadd.s32 $0xFFFFFD80  }
0x1b: {  	[tilespmem:s12], [sflag:$0x5] =	stream.strided.gather [hbm4b:s11+s10], $0x280, s15, s10, $0x38;
	[tilespmem:$0x19A00] =	vst v63  }
0x1c: {  	_ =	swait.ge [sflag:s16], $0x280  }
0x1d: {  	[sflag:s16] =	ssyncset.done $0x0  }
0x1e: {  	s14 =	simm.s32 $0x780;
	s13 =	rddreg [dreg:$0x5];
	[sflag:s16] =	ssyncadd.s32 $0xFFFFFD80  }
0x1f: {  	[tilespmem:s14], [sflag:$0x5] =	stream.strided.gather [hbm4b:s13+s10], $0x280, s15, s10, $0x38;
	[tilespmem:$0x19A00] =	vst v63  }
0x20: {  	_ =	swait.ge [sflag:s16], $0x280  }
0x21: {  	[sflag:s16] =	ssyncset.done $0x0  }
0x22: {  	s9 =	simm.s32 $0x0;
	[sflag:s16] =	ssyncadd.s32 $0xFFFFFD80  }
.LBB2_2:
0x23: {  	s11 =	smul.u32 $0xA0, s9;
	_ =	sdelay $0x1  }
0x24: {  	[tilespmem:s21], [sflag:$0x1] =	stream.indirect.gather [hbm4b:s3+s20], $0x80, s11, s20, $0xb8;
	[tilespmem:$0x19A00] =	vst v63  }
0x25: {  	s10 =	sadd.s32 $0x280, s11  }
0x26: {  	[tilespmem:s22], [sflag:$0x1] =	stream.indirect.gather [hbm4b:s4+s20], $0x80, s10, s20, $0xb8;
	[tilespmem:$0x19A00] =	vst v63  }
0x27: {  	s14 =	sadd.s32 $0x500, s11  }
0x28: {  	[tilespmem:s23], [sflag:$0x1] =	stream.indirect.gather [hbm4b:s5+s20], $0x80, s14, s20, $0xb8;
	[tilespmem:$0x19A00] =	vst v63  }
0x29: {  	s12 =	sadd.s32 $0x780, s11  }
0x2a: {  	[tilespmem:s24], [sflag:$0x1] =	stream.indirect.gather [hbm4b:s6+s20], $0x80, s12, s20, $0xb8;
	[tilespmem:$0x19A00] =	vst v63  }
0x2b: {  	s10 =	sadd.s32 $0x50, s11  }
0x2c: {  	[tilespmem:s25], [sflag:$0x2] =	stream.indirect.gather [hbm4b:s3+s20], $0x80, s10, s20, $0xb8;
	[tilespmem:$0x19A00] =	vst v63  }
0x2d: {  	s12 =	sadd.s32 $0x2D0, s11  }
0x2e: {  	[tilespmem:s26], [sflag:$0x2] =	stream.indirect.gather [hbm4b:s4+s20], $0x80, s12, s20, $0xb8;
	[tilespmem:$0x19A00] =	vst v63  }
0x2f: {  	s13 =	sadd.s32 $0x550, s11  }
0x30: {  	[tilespmem:s28], [sflag:$0x2] =	stream.indirect.gather [hbm4b:s5+s20], $0x80, s13, s20, $0xb8;
	[tilespmem:$0x19A00] =	vst v63  }
0x31: {  	s14 =	sadd.s32 $0x7D0, s11  }
0x32: {  	[tilespmem:s29], [sflag:$0x2] =	stream.indirect.gather [hbm4b:s6+s20], $0x80, s14, s20, $0xb8;
	[tilespmem:$0x19A00] =	vst v63  }
0x33: {  	_ =	swait.ge [sflag:s30], $0x2800  }
0x34: {  	[sflag:s30] =	ssyncset.done $0x0  }
0x35: {  	[sflag:s30] =	ssyncadd.s32 $0xFFFFD800  }
0x36: {  	_ =	swait.ge [sflag:s30], $0x2800  }
0x37: {  	[sflag:s30] =	ssyncset.done $0x0  }
0x38: {  	[sflag:s30] =	ssyncadd.s32 $0xFFFFD800  }
0x39: {  	_ =	swait.ge [sflag:s30], $0x2800  }
0x3a: {  	[sflag:s30] =	ssyncset.done $0x0  }
0x3b: {  	[sflag:s30] =	ssyncadd.s32 $0xFFFFD800  }
0x3c: {  	_ =	swait.ge [sflag:s30], $0x2800  }
0x3d: {  	[sflag:s30] =	ssyncset.done $0x0  }
0x3e: {  	s12 =	simm.s32 $0x0;
	[sflag:s30] =	ssyncadd.s32 $0xFFFFD800  }
0x3f: {  	v0 =	vld [tilespmem:s12+$0xA50]  }
0x40: {  	v1 =	vld [tilespmem:s12+$0x3250]  }
0x41: {  	v2 =	vld [tilespmem:s12+$0x5A50]  }
0x42: {  	v3 =	vld [tilespmem:s12+$0x8250]  }
0x43: {  	v4 =	vld [tilespmem:s12+$0xA54]  }
0x44: {  	v5 =	vld [tilespmem:s12+$0x3254]  }
0x45: {  	v6 =	vld [tilespmem:s12+$0x5A54]  }
0x46: {  	v7 =	vld [tilespmem:s12+$0x8254]  }
0x47: {  	v8 =	vld [tilespmem:s12+$0xA00]  }
0x48: {  	v10 =	vld [tilespmem:s12+$0x5A00]  }
0x49: {  	v11 =	vld [tilespmem:s12+$0x8200]  }
0x4a: {  	v9 =	vld [tilespmem:s12+$0x3200]  }
0x4b: {  	v0 =	vadd.f32 v1, v0;
	v1 =	vadd.f32 v3, v2;
	v2 =	vld [tilespmem:s12+$0xA10]  }
0x4c: {  	v3 =	vadd.f32 v5, v4;
	v4 =	vld [tilespmem:s12+$0x3210]  }
0x4d: {  	v5 =	vadd.f32 v7, v6;
	v6 =	vld [tilespmem:s12+$0x8210]  }
0x4e: {  	v7 =	vadd.f32 v11, v10;
	v0 =	vadd.f32 v1, v0;
	v1 =	vld [tilespmem:s12+$0x5A10]  }
0x4f: {  	v3 =	vadd.f32 v5, v3;
	v5 =	vadd.f32 v9, v8;
	v8 =	vld [tilespmem:s12+$0x8220]  }
0x50: {  	[tilespmem:s12+$0x14A50] =	vst v0;
	v0 =	vld [tilespmem:s12+$0xA20]  }
0x51: {  	v5 =	vadd.f32 v7, v5;
	v7 =	vld [tilespmem:s12+$0x5A20]  }
0x52: {  	[tilespmem:s12+$0x14A54] =	vst v3;
	v3 =	vld [tilespmem:s12+$0x3220]  }
0x53: {  	v2 =	vadd.f32 v4, v2;
	v4 =	vld [tilespmem:s12+$0xA30];
	v1 =	vadd.f32 v6, v1  }
0x54: {  	[tilespmem:s12+$0x14A00] =	vst v5;
	v5 =	vld [tilespmem:s12+$0x3230]  }
0x55: {  	v6 =	vld [tilespmem:s12+$0x8230];
	v1 =	vadd.f32 v1, v2  }
0x56: {  	v2 =	vld [tilespmem:s12+$0x5A30]  }
0x57: {  	v62 =	vld [tilespmem:s12+$0xA40];
	v0 =	vadd.f32 v3, v0;
	[tilespmem:s12+$0x14A10] =	vst v1;
	v1 =	vadd.f32 v8, v7  }
0x58: {  	v63 =	vld [tilespmem:s12+$0x8240]  }
0x59: {  	v7 =	vld [tilespmem:s12+$0x3240];
	v1 =	vadd.f32 v1, v0  }
0x5a: {  	s13 =	simm.s32 $0x80;
	v8 =	vld [tilespmem:s12+$0x5A40]  }
0x5b: {  	v3 =	vadd.f32 v5, v4;
	v0 =	vld [tilespmem:s13+$0xA50];
	v4 =	vadd.f32 v6, v2;
	[tilespmem:s12+$0x14A20] =	vst v1  }
0x5c: {  	v1 =	vld [tilespmem:s13+$0x3250]  }
0x5d: {  	v2 =	vld [tilespmem:s13+$0x5A50];
	v5 =	vadd.f32 v4, v3  }
0x5e: {  	v4 =	vld [tilespmem:s13+$0x8250]  }
0x5f: {  	v3 =	vld [tilespmem:s13+$0xA54];
	v7 =	vadd.f32 v7, v62;
	v8 =	vadd.f32 v63, v8;
	[tilespmem:s12+$0x14A30] =	vst v5  }
0x60: {  	v5 =	vld [tilespmem:s13+$0x3254]  }
0x61: {  	s14 =	simm.s32 $0x400;
	v7 =	vadd.f32 v8, v7;
	v6 =	vld [tilespmem:s13+$0x5A54]  }
.LBB2_3:
0x62: {  	p0 =	sne.s32 s14, $0x9E00;
	v8 =	vld [tilespmem:s13+$0x8254]  }
0x63: {  	v9 =	vld [tilespmem:s13+$0xA00];
	[tilespmem:s12+$0x14A40] =	vst v7;
	s12 =	smov.u32 s13  }
0x64: {  	v7 =	vld [tilespmem:s12+$0x3200]  }
0x65: {  	v10 =	vld [tilespmem:s12+$0x5A00]  }
0x66: {  	v0 =	vadd.f32 v1, v0;
	v1 =	vadd.f32 v4, v2;
	v11 =	vld [tilespmem:s12+$0x8200]  }
0x67: {  	v3 =	vadd.f32 v5, v3;
	v2 =	vld [tilespmem:s12+$0xA10];
	v4 =	vadd.f32 v8, v6  }
0x68: {  	v0 =	vadd.f32 v1, v0;
	v5 =	vld [tilespmem:s12+$0x3210]  }
0x69: {  	v1 =	vadd.f32 v7, v9;
	v6 =	vld [tilespmem:s12+$0x5A10];
	v3 =	vadd.f32 v4, v3  }
0x6a: {  	v4 =	vld [tilespmem:s12+$0x8210];
	[tilespmem:s12+$0x14A50] =	vst v0  }
0x6b: {  	v0 =	vadd.f32 v11, v10;
	v7 =	vld [tilespmem:s12+$0xA20];
	[tilespmem:s12+$0x14A54] =	vst v3  }
0x6c: {  	v3 =	vld [tilespmem:s12+$0x3220]  }
0x6d: {  	v0 =	vadd.f32 v0, v1;
	v1 =	vadd.f32 v5, v2;
	v2 =	vld [tilespmem:s12+$0x5A20]  }
0x6e: {  	v5 =	vld [tilespmem:s12+$0x8220]  }
0x6f: {  	[tilespmem:s12+$0x14A00] =	vst v0;
	v0 =	vadd.f32 v4, v6;
	v4 =	vld [tilespmem:s12+$0xA30]  }
0x70: {  	v6 =	vld [tilespmem:s12+$0x3230]  }
0x71: {  	v0 =	vadd.f32 v0, v1;
	v1 =	vadd.f32 v3, v7;
	v3 =	vld [tilespmem:s12+$0x5A30]  }
0x72: {  	v7 =	vld [tilespmem:s12+$0x8230]  }
0x73: {  	[tilespmem:s12+$0x14A10] =	vst v0;
	v0 =	vadd.f32 v5, v2;
	v5 =	vld [tilespmem:s12+$0xA40]  }
0x74: {  	v8 =	vld [tilespmem:s12+$0x3240]  }
0x75: {  	v1 =	vadd.f32 v0, v1;
	v4 =	vadd.f32 v6, v4;
	v6 =	vld [tilespmem:s12+$0x5A40]  }
0x76: {  	s13 =	sshra.s32 s14, $0x2;
	v9 =	vld [tilespmem:s12+$0x8240]  }
0x77: {  	v0 =	vld [tilespmem:s13+$0xA50];
	[tilespmem:s12+$0x14A20] =	vst v1;
	v3 =	vadd.f32 v7, v3  }
0x78: {  	v1 =	vld [tilespmem:s13+$0x3250]  }
.Ltmp0:
0x79: {  	v2 =	vld [tilespmem:s13+$0x5A50];
	v7 =	vadd.f32 v3, v4;
	v8 =	vadd.f32 v8, v5;
	(pc) =	sbr.rel @p0 .LBB2_3-.Ltmp0, $4  }
0x7a: {  	v4 =	vld [tilespmem:s13+$0x8250]  }
0x7b: {  	v3 =	vld [tilespmem:s13+$0xA54];
	[tilespmem:s12+$0x14A30] =	vst v7;
	v7 =	vadd.f32 v9, v6  }
0x7c: {  	v5 =	vld [tilespmem:s13+$0x3254]  }
0x7d: {  	s14 =	sadd.s32 $0x200, s14;
	v6 =	vld [tilespmem:s13+$0x5A54];
	v7 =	vadd.f32 v7, v8  }
0x7e: {  	v8 =	vld [tilespmem:s13+$0x8254]  }
0x7f: {  	v9 =	vld [tilespmem:s13+$0xA00];
	[tilespmem:s12+$0x14A40] =	vst v7  }
0x80: {  	v7 =	vld [tilespmem:s13+$0x3200]  }
0x81: {  	v10 =	vld [tilespmem:s13+$0x5A00]  }
0x82: {  	v11 =	vld [tilespmem:s13+$0x8200]  }
0x83: {  	v0 =	vadd.f32 v1, v0;
	v1 =	vadd.f32 v4, v2;
	v2 =	vld [tilespmem:s13+$0xA10]  }
0x84: {  	v4 =	vld [tilespmem:s13+$0x3210]  }
0x85: {  	v56 =	vld [tilespmem:s13+$0x3240]  }
0x86: {  	v57 =	vld [tilespmem:s13+$0x5A40]  }
0x87: {  	v58 =	vld [tilespmem:s13+$0x8240]  }
0x88: {  	v0 =	vadd.f32 v1, v0;
	v1 =	vld [tilespmem:s13+$0x5A10]  }
0x89: {  	v3 =	vadd.f32 v5, v3;
	v5 =	vadd.f32 v8, v6;
	v6 =	vld [tilespmem:s13+$0x8210]  }
0x8a: {  	[tilespmem:s13+$0x14A50] =	vst v0;
	v0 =	vld [tilespmem:s13+$0xA20]  }
0x8b: {  	v8 =	vld [tilespmem:s13+$0x8220];
	v3 =	vadd.f32 v5, v3;
	v5 =	vadd.f32 v7, v9  }
0x8c: {  	v7 =	vadd.f32 v11, v10;
	v2 =	vadd.f32 v4, v2;
	v4 =	vld [tilespmem:s13+$0xA30]  }
0x8d: {  	[tilespmem:s13+$0x14A54] =	vst v3;
	v3 =	vld [tilespmem:s13+$0x3220]  }
0x8e: {  	v5 =	vadd.f32 v7, v5;
	v7 =	vld [tilespmem:s13+$0x5A20];
	v1 =	vadd.f32 v6, v1  }
0x8f: {  	v6 =	vld [tilespmem:s13+$0x8230]  }
0x90: {  	[tilespmem:s13+$0x14A00] =	vst v5;
	v5 =	vld [tilespmem:s13+$0x3230];
	v1 =	vadd.f32 v1, v2  }
0x91: {  	v2 =	vld [tilespmem:s13+$0x5A30]  }
0x92: {  	[tilespmem:s13+$0x14A10] =	vst v1;
	v1 =	vld [tilespmem:s13+$0xA40]  }
0x93: {  	v0 =	vadd.f32 v3, v0;
	v3 =	vadd.f32 v8, v7;
	_ =	sdelay $0x1  }
0x94: {  	v0 =	vadd.f32 v3, v0  }
0x95: {  	v3 =	vadd.f32 v5, v4;
	v2 =	vadd.f32 v6, v2  }
0x96: {  	v4 =	vadd.f32 v58, v57;
	v1 =	vadd.f32 v56, v1  }
0x97: {  	v2 =	vadd.f32 v2, v3  }
0x98: {  	s11 =	sadd.s32 s8, s11;
	[tilespmem:s13+$0x14A20] =	vst v0;
	v0 =	vadd.f32 v4, v1  }
0x99: {  	s11 =	sshll.u32 s11, $0x4;
	[tilespmem:s13+$0x14A30] =	vst v2  }
0x9a: {  	s14 =	simm.s32 $0x0;
	s11 =	sadd.s32 s7, s11;
	[tilespmem:s13+$0x14A40] =	vst v0  }
0x9b: {  	[hbm4b:s11+s14] =	stream.linear.scatter [tilespmem:s31], [sflag:$0x3], $0x2800, $0x38;
	[tilespmem:$0x19A00] =	vst v63  }
0x9c: {  	_ =	swait.ge [sflag:s1], $0x2800  }
0x9d: {  	[sflag:s1] =	ssyncset.done $0x0  }
0x9e: {  	[sflag:s1] =	ssyncadd.s32 $0xFFFFD800  }
0x9f: {  	_ =	swait.ge [sflag:s1], $0x2800  }
0xa0: {  	[sflag:s1] =	ssyncset.done $0x0  }
0xa1: {  	[sflag:s1] =	ssyncadd.s32 $0xFFFFD800  }
0xa2: {  	_ =	swait.ge [sflag:s1], $0x2800  }
0xa3: {  	[sflag:s1] =	ssyncset.done $0x0  }
0xa4: {  	[sflag:s1] =	ssyncadd.s32 $0xFFFFD800  }
0xa5: {  	_ =	swait.ge [sflag:s1], $0x2800  }
0xa6: {  	[sflag:s1] =	ssyncset.done $0x0  }
0xa7: {  	s11 =	simm.s32 $0x0;
	[sflag:s1] =	ssyncadd.s32 $0xFFFFD800  }
0xa8: {  	v0 =	vld [tilespmem:s11+$0xAA50]  }
0xa9: {  	v1 =	vld [tilespmem:s11+$0xD250]  }
0xaa: {  	v2 =	vld [tilespmem:s11+$0xFA50]  }
0xab: {  	v3 =	vld [tilespmem:s11+$0x12250]  }
0xac: {  	v4 =	vld [tilespmem:s11+$0xAA54]  }
0xad: {  	v5 =	vld [tilespmem:s11+$0xD254]  }
0xae: {  	v6 =	vld [tilespmem:s11+$0xFA54]  }
0xaf: {  	v7 =	vld [tilespmem:s11+$0x12254]  }
0xb0: {  	v8 =	vld [tilespmem:s11+$0xAA00]  }
0xb1: {  	v60 =	vld [tilespmem:s11+$0xFA00]  }
0xb2: {  	v61 =	vld [tilespmem:s11+$0x12200]  }
0xb3: {  	v59 =	vld [tilespmem:s11+$0xD200]  }
0xb4: {  	v0 =	vadd.f32 v1, v0;
	v1 =	vadd.f32 v3, v2;
	v2 =	vld [tilespmem:s11+$0xAA10]  }
0xb5: {  	v3 =	vadd.f32 v5, v4;
	v4 =	vld [tilespmem:s11+$0xD210]  }
0xb6: {  	v5 =	vadd.f32 v7, v6;
	v6 =	vld [tilespmem:s11+$0x12210]  }
0xb7: {  	v7 =	vadd.f32 v61, v60;
	v0 =	vadd.f32 v1, v0;
	v1 =	vld [tilespmem:s11+$0xFA10]  }
0xb8: {  	v3 =	vadd.f32 v5, v3;
	v5 =	vadd.f32 v59, v8;
	v8 =	vld [tilespmem:s11+$0x12220]  }
0xb9: {  	[tilespmem:s11+$0x17250] =	vst v0;
	v0 =	vld [tilespmem:s11+$0xAA20]  }
0xba: {  	v5 =	vadd.f32 v7, v5;
	v7 =	vld [tilespmem:s11+$0xFA20]  }
0xbb: {  	[tilespmem:s11+$0x17254] =	vst v3;
	v3 =	vld [tilespmem:s11+$0xD220]  }
0xbc: {  	v2 =	vadd.f32 v4, v2;
	v4 =	vld [tilespmem:s11+$0xAA30];
	v1 =	vadd.f32 v6, v1  }
0xbd: {  	[tilespmem:s11+$0x17200] =	vst v5;
	v5 =	vld [tilespmem:s11+$0xD230]  }
0xbe: {  	v6 =	vld [tilespmem:s11+$0x12230];
	v1 =	vadd.f32 v1, v2  }
0xbf: {  	v2 =	vld [tilespmem:s11+$0xFA30]  }
0xc0: {  	v62 =	vld [tilespmem:s11+$0xAA40];
	v0 =	vadd.f32 v3, v0;
	[tilespmem:s11+$0x17210] =	vst v1;
	v1 =	vadd.f32 v8, v7  }
0xc1: {  	v63 =	vld [tilespmem:s11+$0x12240]  }
0xc2: {  	v7 =	vld [tilespmem:s11+$0xD240];
	v1 =	vadd.f32 v1, v0  }
0xc3: {  	s12 =	simm.s32 $0x80;
	v8 =	vld [tilespmem:s11+$0xFA40]  }
0xc4: {  	v3 =	vadd.f32 v5, v4;
	v0 =	vld [tilespmem:s12+$0xAA50];
	v4 =	vadd.f32 v6, v2;
	[tilespmem:s11+$0x17220] =	vst v1  }
0xc5: {  	v1 =	vld [tilespmem:s12+$0xD250]  }
0xc6: {  	v2 =	vld [tilespmem:s12+$0xFA50];
	v5 =	vadd.f32 v4, v3  }
0xc7: {  	v4 =	vld [tilespmem:s12+$0x12250]  }
0xc8: {  	v3 =	vld [tilespmem:s12+$0xAA54];
	v7 =	vadd.f32 v7, v62;
	v8 =	vadd.f32 v63, v8;
	[tilespmem:s11+$0x17230] =	vst v5  }
0xc9: {  	v5 =	vld [tilespmem:s12+$0xD254]  }
0xca: {  	s13 =	simm.s32 $0x400;
	v7 =	vadd.f32 v8, v7;
	v6 =	vld [tilespmem:s12+$0xFA54]  }
.LBB2_5:
0xcb: {  	p0 =	sne.s32 s13, $0x9E00;
	v8 =	vld [tilespmem:s12+$0x12254]  }
0xcc: {  	v9 =	vld [tilespmem:s12+$0xAA00];
	[tilespmem:s11+$0x17240] =	vst v7;
	s11 =	smov.u32 s12  }
0xcd: {  	v7 =	vld [tilespmem:s11+$0xD200]  }
0xce: {  	v10 =	vld [tilespmem:s11+$0xFA00]  }
0xcf: {  	v0 =	vadd.f32 v1, v0;
	v1 =	vadd.f32 v4, v2;
	v11 =	vld [tilespmem:s11+$0x12200]  }
0xd0: {  	v3 =	vadd.f32 v5, v3;
	v2 =	vld [tilespmem:s11+$0xAA10];
	v4 =	vadd.f32 v8, v6  }
0xd1: {  	v0 =	vadd.f32 v1, v0;
	v5 =	vld [tilespmem:s11+$0xD210]  }
0xd2: {  	v1 =	vadd.f32 v7, v9;
	v6 =	vld [tilespmem:s11+$0xFA10];
	v3 =	vadd.f32 v4, v3  }
0xd3: {  	v4 =	vld [tilespmem:s11+$0x12210];
	[tilespmem:s11+$0x17250] =	vst v0  }
0xd4: {  	v0 =	vadd.f32 v11, v10;
	v7 =	vld [tilespmem:s11+$0xAA20];
	[tilespmem:s11+$0x17254] =	vst v3  }
0xd5: {  	v3 =	vld [tilespmem:s11+$0xD220]  }
0xd6: {  	v0 =	vadd.f32 v0, v1;
	v1 =	vadd.f32 v5, v2;
	v2 =	vld [tilespmem:s11+$0xFA20]  }
0xd7: {  	v5 =	vld [tilespmem:s11+$0x12220]  }
0xd8: {  	[tilespmem:s11+$0x17200] =	vst v0;
	v0 =	vadd.f32 v4, v6;
	v4 =	vld [tilespmem:s11+$0xAA30]  }
0xd9: {  	v6 =	vld [tilespmem:s11+$0xD230]  }
0xda: {  	v0 =	vadd.f32 v0, v1;
	v1 =	vadd.f32 v3, v7;
	v3 =	vld [tilespmem:s11+$0xFA30]  }
0xdb: {  	v7 =	vld [tilespmem:s11+$0x12230]  }
0xdc: {  	[tilespmem:s11+$0x17210] =	vst v0;
	v0 =	vadd.f32 v5, v2;
	v5 =	vld [tilespmem:s11+$0xAA40]  }
0xdd: {  	v8 =	vld [tilespmem:s11+$0xD240]  }
0xde: {  	v1 =	vadd.f32 v0, v1;
	v4 =	vadd.f32 v6, v4;
	v6 =	vld [tilespmem:s11+$0xFA40]  }
0xdf: {  	s12 =	sshra.s32 s13, $0x2;
	v9 =	vld [tilespmem:s11+$0x12240]  }
0xe0: {  	v0 =	vld [tilespmem:s12+$0xAA50];
	[tilespmem:s11+$0x17220] =	vst v1;
	v3 =	vadd.f32 v7, v3  }
0xe1: {  	v1 =	vld [tilespmem:s12+$0xD250]  }
.Ltmp1:
0xe2: {  	v2 =	vld [tilespmem:s12+$0xFA50];
	v7 =	vadd.f32 v3, v4;
	v8 =	vadd.f32 v8, v5;
	(pc) =	sbr.rel @p0 .LBB2_5-.Ltmp1, $4  }
0xe3: {  	v4 =	vld [tilespmem:s12+$0x12250]  }
0xe4: {  	v3 =	vld [tilespmem:s12+$0xAA54];
	[tilespmem:s11+$0x17230] =	vst v7;
	v7 =	vadd.f32 v9, v6  }
0xe5: {  	v5 =	vld [tilespmem:s12+$0xD254]  }
0xe6: {  	s13 =	sadd.s32 $0x200, s13;
	v6 =	vld [tilespmem:s12+$0xFA54];
	v7 =	vadd.f32 v7, v8  }
0xe7: {  	v8 =	vld [tilespmem:s12+$0x12254]  }
0xe8: {  	v9 =	vld [tilespmem:s12+$0xAA00];
	[tilespmem:s11+$0x17240] =	vst v7  }
0xe9: {  	v7 =	vld [tilespmem:s12+$0xD200]  }
0xea: {  	v10 =	vld [tilespmem:s12+$0xFA00]  }
0xeb: {  	v11 =	vld [tilespmem:s12+$0x12200]  }
0xec: {  	v41 =	vld [tilespmem:s12+$0xAA10]  }
0xed: {  	v42 =	vld [tilespmem:s12+$0xD210]  }
0xee: {  	v44 =	vld [tilespmem:s12+$0xFA10]  }
0xef: {  	v45 =	vld [tilespmem:s12+$0x12210]  }
0xf0: {  	v46 =	vld [tilespmem:s12+$0xAA20]  }
0xf1: {  	v49 =	vld [tilespmem:s12+$0xD220]  }
0xf2: {  	v50 =	vld [tilespmem:s12+$0xFA20]  }
0xf3: {  	v51 =	vld [tilespmem:s12+$0x12220]  }
0xf4: {  	v52 =	vld [tilespmem:s12+$0xAA30]  }
0xf5: {  	v53 =	vld [tilespmem:s12+$0xD230]  }
0xf6: {  	v54 =	vld [tilespmem:s12+$0xFA30]  }
0xf7: {  	v0 =	vadd.f32 v1, v0;
	v40 =	vadd.f32 v4, v2;
	v55 =	vld [tilespmem:s12+$0x12230]  }
0xf8: {  	v58 =	vld [tilespmem:s12+$0xFA40];
	v3 =	vadd.f32 v5, v3;
	v43 =	vadd.f32 v8, v6  }
0xf9: {  	v59 =	vld [tilespmem:s12+$0x12240];
	v0 =	vadd.f32 v40, v0  }
0xfa: {  	v56 =	vld [tilespmem:s12+$0xAA40];
	v3 =	vadd.f32 v43, v3;
	v47 =	vadd.f32 v7, v9  }
0xfb: {  	v57 =	vld [tilespmem:s12+$0xD240];
	v48 =	vadd.f32 v11, v10;
	v2 =	vadd.f32 v42, v41  }
0xfc: {  	[tilespmem:s12+$0x17250] =	vst v0;
	v1 =	vadd.f32 v45, v44;
	v0 =	vadd.f32 v49, v46  }
0xfd: {  	v60 =	vadd.f32 v51, v50;
	v61 =	vadd.f32 v53, v52  }
0xfe: {  	v62 =	vadd.f32 v59, v58;
	v1 =	vadd.f32 v1, v2  }
0xff: {  	[tilespmem:s12+$0x17254] =	vst v3;
	v5 =	vadd.f32 v48, v47;
	v2 =	vadd.f32 v55, v54  }
0x100: {  	v0 =	vadd.f32 v60, v0;
	[tilespmem:s12+$0x17210] =	vst v1;
	v1 =	vadd.f32 v57, v56  }
0x101: {  	[tilespmem:s12+$0x17200] =	vst v5;
	v2 =	vadd.f32 v2, v61  }
0x102: {  	s10 =	sadd.s32 s8, s10;
	[tilespmem:s12+$0x17220] =	vst v0;
	v63 =	vadd.f32 v62, v1  }
0x103: {  	s10 =	sshll.u32 s10, $0x4;
	[tilespmem:s12+$0x17230] =	vst v2  }
0x104: {  	s9 =	sadd.s32 $0x1, s9;
	s10 =	sadd.s32 s7, s10;
	[tilespmem:s12+$0x17240] =	vst v63  }
0x105: {  	[hbm4b:s10+s2] =	stream.linear.scatter [tilespmem:s0], [sflag:$0x4], $0x2800, $0x38;
	[tilespmem:$0x19A00] =	vst v63  }
0x106: {  	p0 =	sne.s32 s9, $0x4;
	_ =	swait.ge [sflag:s17], $0x2800  }
.Ltmp2:
0x107: {  	[sflag:s17] =	ssyncset.done $0x0;
	(pc) =	sbr.rel @p0 .LBB2_2-.Ltmp2, $4  }
0x108: {  	[sflag:s17] =	ssyncadd.s32 $0xFFFFD800  }
0x109: {  	_ =	swait.ge [sflag:s18], $0x2800  }
0x10a: {  	[sflag:s18] =	ssyncset.done $0x0  }
0x10b: {  	[sflag:s18] =	ssyncadd.s32 $0xFFFFD800  }
0x10c: {  	s19 =	sadd.s32 $0x1, s19;
	s9 =	rddreg [dreg:$0x6]  }
0x10d: {  	p0 =	sne.s32 s19, s9  }
.Ltmp3:
0x10e: {  	_ = 	snop;
	(pc) =	sbr.rel @p0 .LBB2_1-.Ltmp3, $1  }
0x10f: {  	_ =	sdelay $0x3  }
0x110: {  	_ =	sfence.sel $0x180000  }
0x111: {  	[bflag:$0x0] =	sbarrier.arrive $0xFFFF  }
0x112: {  	_ =	strace $0x9000004A  }
0x113: {  	s0 =	stileid.u32;
	[bflag:$0x2] =	sbarrier.arrive $0xFFFF  }
0x114: {  	p0 =	sne.s32 s0, $0x0;
	s0 =	rddreg [dreg:$0x1]  }
0x115: {  	s0 =	sadd.s32 @!p0 $0x100000, s0  }
0x116: {  	[sflag:s0] =	ssyncadd.tile.s32 @!p0 $0x1;
	_ =	shalt  }
.Lfunc_end2:
_tile_overlayer_lowered:
.L_overlay_start_2:
0x117: {  	(tag) =	ssettag $0x2  }
0x118: {  	s0 =	rddreg [dreg:$0x0];
	s2 =	stileid.u32  }
0x119: {  	s1 =	rddreg [dreg:$0x1];
	p0 =	sne.s32 s2, $0x0  }
0x11a: {  	s3 =	rddreg [dreg:$0x2];
	[bflag:$0x3] =	sbarrier.arrive $0xFFFF;
	s2 =	simm.s32 @!p0 $0x1C05  }
0x11b: {  	[timem:s3], [sflag:s2] =	dma.local @!p0 [hbm:s0], s1  }
0x11c: {  	s0 =	simm.s32 @!p0 $0x5  }
0x11d: {  	_ =	swait.ge @!p0 [sflag:s0], s1  }
0x11e: {  	s1 =	ssub.s32 @!p0 $0x0, s1;
	[sflag:s0] =	ssyncset.done @!p0 $0x0  }
0x11f: {  	[sflag:s0] =	ssyncadd.s32 @!p0 s1  }
0x120: {  	[bflag:$0x3] =	sbarrier.arrive $0xFFFF  }
0x121: {  	_ =	shalt  }

// kernel: kernel.22.cloned.1.call-start
scs
__scs_entry_jumppad:
0x0: {  	(pc) =	sbr.rel $0x88, $3  }
0x1: {  	(tag) =	ssettag $0x0;
	lr =	simm.s32 $0x1  }
0x2: {  	[smem:$0x3F97] =	sst lr;
	_ =	strace $0xD0000000  }
0x3: {  	_ = 	snop  }
0x4: {  	_ = 	snop  }
0x5: {  	_ = 	snop  }
0x6: {  	_ = 	snop  }
0x7: {  	_ = 	snop  }
__scs_overlays_trampoline_lowered:
0x8: {  	[smem:$0x3FA6] =	sst s0  }
0x9: {  	[smem:$0x3FA7] =	sst s1  }
0xa: {  	[smem:$0x3FA8] =	sst s2  }
0xb: {  	[smem:$0x3FA9] =	sst s3  }
0xc: {  	[smem:$0x3FAA] =	sst s4  }
0xd: {  	[smem:$0x3FAB] =	sst s5  }
0xe: {  	[smem:$0x3FAC] =	sst s6  }
0xf: {  	[smem:$0x3FAD] =	sst s7  }
0x10: {  	[smem:$0x3FAE] =	sst s8  }
0x11: {  	[smem:$0x3FAF] =	sst s9;
	s0 =	simm.s32 @!p0 $0x0  }
0x12: {  	s1 =	sld [smem:$0x3F95];
	s0 =	simm.s32 @p0 $0x1  }
0x13: {  	[smem:$0x3FB0] =	sst s0;
	s0 =	simm.s32 @!p1 $0x0  }
0x14: {  	s2 =	sld [smem:$0x3F94];
	s0 =	simm.s32 @p1 $0x1  }
0x15: {  	[smem:$0x3FB1] =	sst s0;
	s0 =	simm.s32 @!p2 $0x0  }
0x16: {  	s3 =	sld [smem:$0x3FDB];
	s0 =	simm.s32 @p2 $0x1  }
0x17: {  	s4 =	simm.s32 $0x1BF5;
	[smem:$0x3FB3] =	sst s0  }
0x18: {  	s0 =	sld [smem:$0x3F96];
	_ =	swait.ge [sflag:s4], $0x0  }
0x19: {  	s7 =	sld [smem:$0x3F97]  }
0x1a: {  	s8 =	sadd.s32 $0xFFFFE003, lr  }
0x1b: {  	s9 =	sadd.s32 $0xFFFFFEF7, lr;
	s5 =	simm.s32 $0xFFFFFFFF;
	p2 =	slt.u32 s8, $0xFFFFF086  }
0x1c: {  	p1 =	slt.u32 s9, $0xF7A;
	s5 =	simm.s32 @!p2 $0x0  }
0x1d: {  	s5 =	simm.s32 @p1 $0x1;
	p0 =	seq.s32 s7, s2  }
0x1e: {  	s7 =	smul.u32 @!p0 $0xF7A, s2;
	p2 =	seq.s32 @!p0 s5, $0x0  }
0x1f: {  	s9 =	smul.u32 $0xF7A, s1;
	s8 =	simm.s32 @!p0 $0x1BF5;
	p2 =	por !p2, p0  }
0x20: {  	[sflag:s8] =	ssyncset.s32 @!p0 $0xFFFFF086;
	s6 =	sadd.s32 @!p0 s3, s7;
	s7 =	simm.s32 @!p0 $0x108  }
0x21: {  	s3 =	sadd.s32 s3, s9;
	s6 =	sadd.s32 @!p0 $0x88, s6;
	s7 =	simm.s32 @p2 $0x1082  }
0x22: {  	[simem:s7], [sflag:s8] =	dma.local @!p0 [hbm:s6], $0xF7A  }
0x23: {  	s9 =	sor.u32 $0xD0000000, s2;
	s6 =	simm.s32 $0x108;
	_ =	swait.ge @!p0 [sflag:s8], $0x0  }
0x24: {  	s3 =	sadd.s32 $0x88, s3;
	s6 =	simm.s32 @!p1 $0x1082;
	[sflag:s4] =	ssyncset.s32 $0xFFFFF086  }
0x25: {  	[simem:s6], [sflag:s4] =	dma.local [hbm:s3], $0xF7A  }
0x26: {  	[smem:$0x3F97] =	sst s1;
	(tag) =	ssettag s2;
	_ =	strace s9  }
0x27: {  	s1 =	sld [smem:$0x3FA7]  }
0x28: {  	s2 =	sld [smem:$0x3FA8]  }
0x29: {  	s4 =	sld [smem:$0x3FAA]  }
0x2a: {  	p0 =	seq.s32 s5, $0x0;
	s5 =	sld [smem:$0x3FAB]  }
0x2b: {  	s6 =	sld [smem:$0x3FAC]  }
0x2c: {  	s7 =	sld [smem:$0x3FAD]  }
0x2d: {  	s3 =	simm.s32 $0x108;
	s8 =	sld [smem:$0x3FAE]  }
0x2e: {  	s3 =	simm.s32 @!p0 $0x1082;
	s9 =	sld [smem:$0x3FAF]  }
0x2f: {  	lr =	sadd.s32 s0, s3;
	s0 =	sld [smem:$0x3FA6]  }
0x30: {  	s3 =	sld [smem:$0x3FA9]  }
0x31: {  	[smem:$0x3FB2] =	sst s10  }
0x32: {  	s10 =	sld [smem:$0x3FB0];
	_ =	sdelay $0x3  }
0x33: {  	p0 =	seq.s32 s10, $0x1;
	s10 =	sld [smem:$0x3FB2];
	_ =	sdelay $0x3  }
0x34: {  	[smem:$0x3FB2] =	sst s10  }
0x35: {  	s10 =	sld [smem:$0x3FB1];
	_ =	sdelay $0x3  }
0x36: {  	p1 =	seq.s32 s10, $0x1;
	s10 =	sld [smem:$0x3FB2];
	_ =	sdelay $0x3  }
0x37: {  	[smem:$0x3FB2] =	sst s10  }
0x38: {  	s10 =	sld [smem:$0x3FB3]  }
0x39: {  	_ = 	snop;
	(pc) =	sbr.ind lr, $3  }
0x3a: {  	_ = 	snop  }
0x3b: {  	_ = 	snop  }
0x3c: {  	p2 =	seq.s32 s10, $0x1;
	s10 =	sld [smem:$0x3FB2]  }
0x3d: {  	_ =	shalt  }
0x3e: {  	_ =	shalt  }
0x3f: {  	_ =	shalt  }
0x40: {  	_ =	shalt  }
0x41: {  	_ =	shalt  }
0x42: {  	_ =	shalt  }
0x43: {  	_ =	shalt  }
0x44: {  	_ =	shalt  }
0x45: {  	_ =	shalt  }
0x46: {  	_ =	shalt  }
0x47: {  	_ =	shalt  }
0x48: {  	_ =	shalt  }
0x49: {  	_ =	shalt  }
0x4a: {  	_ =	shalt  }
0x4b: {  	_ =	shalt  }
0x4c: {  	_ =	shalt  }
0x4d: {  	_ =	shalt  }
0x4e: {  	_ =	shalt  }
0x4f: {  	_ =	shalt  }
0x50: {  	_ =	shalt  }
0x51: {  	_ =	shalt  }
0x52: {  	_ =	shalt  }
0x53: {  	_ =	shalt  }
0x54: {  	_ =	shalt  }
0x55: {  	_ =	shalt  }
0x56: {  	_ =	shalt  }
0x57: {  	_ =	shalt  }
0x58: {  	_ =	shalt  }
0x59: {  	_ =	shalt  }
0x5a: {  	_ =	shalt  }
0x5b: {  	_ =	shalt  }
0x5c: {  	_ =	shalt  }
0x5d: {  	_ =	shalt  }
0x5e: {  	_ =	shalt  }
0x5f: {  	_ =	shalt  }
0x60: {  	_ =	shalt  }
0x61: {  	_ =	shalt  }
0x62: {  	_ =	shalt  }
0x63: {  	_ =	shalt  }
0x64: {  	_ =	shalt  }
0x65: {  	_ =	shalt  }
0x66: {  	_ =	shalt  }
0x67: {  	_ =	shalt  }
0x68: {  	_ =	shalt  }
0x69: {  	_ =	shalt  }
0x6a: {  	_ =	shalt  }
0x6b: {  	_ =	shalt  }
0x6c: {  	_ =	shalt  }
0x6d: {  	_ =	shalt  }
0x6e: {  	_ =	shalt  }
0x6f: {  	_ =	shalt  }
0x70: {  	_ =	shalt  }
0x71: {  	_ =	shalt  }
0x72: {  	_ =	shalt  }
0x73: {  	_ =	shalt  }
0x74: {  	_ =	shalt  }
0x75: {  	_ =	shalt  }
0x76: {  	_ =	shalt  }
0x77: {  	_ =	shalt  }
0x78: {  	_ =	shalt  }
0x79: {  	_ =	shalt  }
0x7a: {  	_ =	shalt  }
0x7b: {  	_ =	shalt  }
0x7c: {  	_ =	shalt  }
0x7d: {  	_ =	shalt  }
0x7e: {  	_ =	shalt  }
0x7f: {  	_ =	shalt  }
0x80: {  	_ =	shalt  }
0x81: {  	_ =	shalt  }
0x82: {  	_ =	shalt  }
0x83: {  	_ =	shalt  }
0x84: {  	_ =	shalt  }
0x85: {  	_ =	shalt  }
0x86: {  	_ =	shalt  }
0x87: {  	_ =	shalt  }
.Lfunc_end0:
.L_simem_size_0:
called_computation.3_lowered:
.L_overlay_start_0:
0x88: {  	s2 =	sld [smem:$0x3FD9]  }
0x89: {  	s3 =	sld [smem:$0x3FFE];
	_ =	sdelay $0x1  }
0x8a: {  	s1 =	srdreg.scid  }
0x8b: {  	s0 =	sand.u32 $0x1, s1  }
0x8c: {  	s16 =	sshll.u32 s0, $0xA;
	s2 =	sadd.s32 s3, s2  }
0x8d: {  	s2 =	sadd.s32 s2, s16  }
0x8e: {  	[smem:$0x3FBE] =	sst s2  }
0x8f: {  	_ = 	snop  }
0x90: {  	(tm) =	ssettm $0x1  }
0x91: {  	s17 =	sld [smem:$0x3FFB];
	_ =	sdelay $0x3  }
0x92: {  	_ =	strace s17  }
0x93: {  	s2 =	sld [smem:$0x3FFC];
	_ =	sdelay $0x3  }
0x94: {  	_ =	strace s2  }
0x95: {  	s2 =	sld [smem:$0x3FFD];
	_ =	sdelay $0x3  }
0x96: {  	_ =	strace s2  }
0x97: {  	_ =	strace $0x8FFFFFFF  }
0x98: {  	s18 =	sld [smem:$0x3FDB];
	_ =	sdelay $0x1  }
0x99: {  	s19 =	simm.s32 $_scs_section_size  }
0x9a: {  	s4 =	simm.s32 $_size__tile_overlayer_lowered;
	s5 =	simm.s32 $_tile_overlayer_lowered  }
0x9b: {  	s22 =	simm.s32 $0x1BFF;
	s21 =	sshll.u32 s5, $0x1;
	s2 =	sadd.s32 s19, s18  }
0x9c: {  	s6 =	simm.s32 $0x0;
	s20 =	sshll.u32 s4, $0x1;
	s4 =	sadd.s32 s21, s2  }
0x9d: {  	[timem:s6], [sflag:s22] =	dma.local [hbm:s4], s20  }
0x9e: {  	_ =	swait.ge [sflag:s22], s20  }
0x9f: {  	s3 =	ssub.s32 $0x0, s20;
	[sflag:s22] =	ssyncset.done $0x0  }
0xa0: {  	[sflag:s22] =	ssyncadd.s32 s3;
	_ =	sdelay $0x1  }
0xa1: {  	s23 =	simm.s32 $0x1B8B  }
0xa2: {  	_ =	swait.ge [sflag:s23], $0x1  }
0xa3: {  	[sflag:s23] =	ssyncset.done $0x0  }
0xa4: {  	s25 =	simm.s32 $0x1B8E;
	s24 =	sld [smem:$0x3FFE];
	[sflag:s23] =	ssyncadd.s32 $0xFFFFFFFF  }
0xa5: {  	s26 =	simm.s32 $execute0_lowered;
	[smem:$0x3FD2] =	sst s25  }
0xa6: {  	s4 =	sshll.u32 s26, $0x1;
	_ =	strace $0x80000046;
	[dreg:$0x1] =	wrdreg $0xFFFFFFFF  }
0xa7: {  	s28 =	simm.s32 $_size_execute0_lowered;
	s2 =	sadd.s32 s2, s4;
	[dreg:$0x0] =	wrdreg $0x0  }
0xa8: {  	s4 =	sshll.u32 s28, $0x1;
	[dreg:$0x2] =	wrdreg s2  }
0xa9: {  	[dreg:$0x3] =	wrdreg s4  }
0xaa: {  	[dreg:$0x4] =	wrdreg $0xC0  }
0xab: {  	_ =	task [dreg:s6], $0x5FFFF  }
0xac: {  	[dreg:$0x1] =	wrdreg $0xFFFFFFFF  }
0xad: {  	[dreg:$0x0] =	wrdreg $0x60  }
0xae: {  	[dreg:$0x2] =	wrdreg s24  }
0xaf: {  	[dreg:$0x3] =	wrdreg $0xC  }
0xb0: {  	_ =	task.clear_ibuf [dreg:s6], $0x4FFFF;
	_ =	strace $0x90000046  }
0xb1: {  	s29 =	simm.s32 $0xC;
	_ =	strace $0x80000048  }
0xb2: {  	_ =	swait.ge [sflag:s29], $0x1  }
0xb3: {  	[sflag:s29] =	ssyncadd.s32 $0xFFFFFFFF  }
0xb4: {  	_ =	strace $0x90000048  }
0xb5: {  	_ =	sfence  }
0xb6: {  	s30 =	sld [smem:$0x0];
	_ =	sdelay $0x2  }
0xb7: {  	s31 =	sshll.u32 s1, $0xD;
	s1 =	sshrl.u32 s1, $0x2  }
0xb8: {  	s3 =	sand.u32 $0x4000, s31;
	s1 =	sadd.s32 s1, s30  }
0xb9: {  	s0 =	sor.u32 s3, s0;
	s1 =	sshll.u32 s1, $0x11  }
0xba: {  	s0 =	sor.u32 s1, s0  }
0xbb: {  	s0 =	sadd.s32 $0x8F2B, s0  }
0xbc: {  	[sflag:s0] =	ssyncadd.remote.s32 $0x1  }
0xbd: {  	_ =	sfence.sel $0xFFFF  }
0xbe: {  	[dreg:$0x0] =	wrdreg $0xFFFFFFFF;
	(pc) =	sbr.abs _section_cstart, $3  }
0xbf: {  	[dreg:$0x1] =	wrdreg $0xFFFFFFFF  }
0xc0: {  	_ =	task.clear_ibuf [dreg:s6], $0x2FFFF;
	_ =	strace $0x9FFFFFFF  }
0xc1: {  	(tm) =	ssettm $0x7FFFFFFF  }
tec
execute0_lowered:
.L_overlay_start_1:
0x0: {  	(tag) =	ssettag $0x1  }
0x1: {  	s0 =	srdreg.scid  }
0x2: {  	s2 =	stileid.u32;
	s7 =	rddreg [dreg:$0x0];
	s15 =	simm.s32 $0x200  }
0x3: {  	s16 =	simm.s32 $0x5;
	s20 =	simm.s32 $0x50;
	s21 =	simm.s32 $0xA00  }
0x4: {  	s22 =	simm.s32 $0x3200;
	s28 =	simm.s32 $0xFA00;
	s29 =	simm.s32 $0x12200  }
0x5: {  	s30 =	simm.s32 $0x1;
	s31 =	simm.s32 $0x14A00;
	s0 =	sand.u32 $0x1, s0  }
0x6: {  	s17 =	simm.s32 $0x3;
	s18 =	simm.s32 $0x4;
	s1 =	sshll.u32 s0, $0x4  }
0x7: {  	s19 =	simm.s32 $0x0;
	s4 =	sadd.s32 $0x196400, s7;
	s1 =	sor.u32 s2, s1  }
0x8: {  	s5 =	sadd.s32 $0x31CE00, s7;
	s0 =	ssub.s32 $0x2, s0;
	s3 =	smul.u32 $0xA00, s1  }
0x9: {  	s6 =	sadd.s32 $0x4A3800, s7;
	s2 =	simm.s32 $0x0;
	s8 =	sshrl.u32 s0, $0x1  }
0xa: {  	[smem:$0x7FF] =	sst s2;
	s0 =	ssub.s32 s0, s8;
	s3 =	sshrl.u32 s3, $0x3  }
0xb: {  	s8 =	smul.u32 $0x280, s1;
	s0 =	smax.u32 s0, $0x1;
	s9 =	sadd.s32 s3, s7  }
0xc: {  	_ =	strace $0x80000047;
	[dreg:$0x6] =	wrdreg s0;
	s23 =	sadd.s32 $0xAA00, s9  }
0xd: {  	s1 =	simm.s32 $0x2;
	s24 =	sadd.s32 $0xAA10, s9;
	[dreg:$0x2] =	wrdreg s23  }
0xe: {  	s0 =	simm.s32 $0x17200;
	s25 =	sadd.s32 $0xAA20, s9;
	[dreg:$0x3] =	wrdreg s24  }
0xf: {  	s3 =	sadd.s32 $0xFA00, s7;
	s26 =	sadd.s32 $0xAA30, s9;
	[dreg:$0x4] =	wrdreg s25  }
0x10: {  	s7 =	sadd.s32 $0x6ED800, s7;
	[dreg:$0x5] =	wrdreg s26;
	s23 =	simm.s32 $0x5A00  }
0x11: {  	s24 =	simm.s32 $0x8200;
	s25 =	simm.s32 $0xAA00;
	s26 =	simm.s32 $0xD200  }
.LBB2_1:
0x12: {  	s9 =	rddreg [dreg:$0x2];
	s10 =	simm.s32 $0x80  }
0x13: {  	[tilespmem:s2], [sflag:$0x5] =	stream.strided.gather [hbm4b:s9+s10], $0x280, s15, s10, $0x38;
	[tilespmem:$0x19A00] =	vst v63  }
0x14: {  	_ =	swait.ge [sflag:s16], $0x280  }
0x15: {  	[sflag:s16] =	ssyncset.done $0x0  }
0x16: {  	s11 =	simm.s32 $0x280;
	s14 =	rddreg [dreg:$0x3];
	[sflag:s16] =	ssyncadd.s32 $0xFFFFFD80  }
0x17: {  	[tilespmem:s11], [sflag:$0x5] =	stream.strided.gather [hbm4b:s14+s10], $0x280, s15, s10, $0x38;
	[tilespmem:$0x19A00] =	vst v63  }
0x18: {  	_ =	swait.ge [sflag:s16], $0x280  }
0x19: {  	[sflag:s16] =	ssyncset.done $0x0  }
0x1a: {  	s12 =	simm.s32 $0x500;
	s11 =	rddreg [dreg:$0x4];
	[sflag:s16] =	ssyncadd.s32 $0xFFFFFD80  }
0x1b: {  	[tilespmem:s12], [sflag:$0x5] =	stream.strided.gather [hbm4b:s11+s10], $0x280, s15, s10, $0x38;
	[tilespmem:$0x19A00] =	vst v63  }
0x1c: {  	_ =	swait.ge [sflag:s16], $0x280  }
0x1d: {  	[sflag:s16] =	ssyncset.done $0x0  }
0x1e: {  	s14 =	simm.s32 $0x780;
	s13 =	rddreg [dreg:$0x5];
	[sflag:s16] =	ssyncadd.s32 $0xFFFFFD80  }
0x1f: {  	[tilespmem:s14], [sflag:$0x5] =	stream.strided.gather [hbm4b:s13+s10], $0x280, s15, s10, $0x38;
	[tilespmem:$0x19A00] =	vst v63  }
0x20: {  	_ =	swait.ge [sflag:s16], $0x280  }
0x21: {  	[sflag:s16] =	ssyncset.done $0x0  }
0x22: {  	s9 =	simm.s32 $0x0;
	[sflag:s16] =	ssyncadd.s32 $0xFFFFFD80  }
.LBB2_2:
0x23: {  	s11 =	smul.u32 $0xA0, s9;
	_ =	sdelay $0x1  }
0x24: {  	[tilespmem:s21], [sflag:$0x1] =	stream.indirect.gather [hbm4b:s3+s20], $0x80, s11, s20, $0xb8;
	[tilespmem:$0x19A00] =	vst v63  }
0x25: {  	s10 =	sadd.s32 $0x280, s11  }
0x26: {  	[tilespmem:s22], [sflag:$0x1] =	stream.indirect.gather [hbm4b:s4+s20], $0x80, s10, s20, $0xb8;
	[tilespmem:$0x19A00] =	vst v63  }
0x27: {  	s14 =	sadd.s32 $0x500, s11  }
0x28: {  	[tilespmem:s23], [sflag:$0x1] =	stream.indirect.gather [hbm4b:s5+s20], $0x80, s14, s20, $0xb8;
	[tilespmem:$0x19A00] =	vst v63  }
0x29: {  	s12 =	sadd.s32 $0x780, s11  }
0x2a: {  	[tilespmem:s24], [sflag:$0x1] =	stream.indirect.gather [hbm4b:s6+s20], $0x80, s12, s20, $0xb8;
	[tilespmem:$0x19A00] =	vst v63  }
0x2b: {  	s10 =	sadd.s32 $0x50, s11  }
0x2c: {  	[tilespmem:s25], [sflag:$0x2] =	stream.indirect.gather [hbm4b:s3+s20], $0x80, s10, s20, $0xb8;
	[tilespmem:$0x19A00] =	vst v63  }
0x2d: {  	s12 =	sadd.s32 $0x2D0, s11  }
0x2e: {  	[tilespmem:s26], [sflag:$0x2] =	stream.indirect.gather [hbm4b:s4+s20], $0x80, s12, s20, $0xb8;
	[tilespmem:$0x19A00] =	vst v63  }
0x2f: {  	s13 =	sadd.s32 $0x550, s11  }
0x30: {  	[tilespmem:s28], [sflag:$0x2] =	stream.indirect.gather [hbm4b:s5+s20], $0x80, s13, s20, $0xb8;
	[tilespmem:$0x19A00] =	vst v63  }
0x31: {  	s14 =	sadd.s32 $0x7D0, s11  }
0x32: {  	[tilespmem:s29], [sflag:$0x2] =	stream.indirect.gather [hbm4b:s6+s20], $0x80, s14, s20, $0xb8;
	[tilespmem:$0x19A00] =	vst v63  }
0x33: {  	_ =	swait.ge [sflag:s30], $0x2800  }
0x34: {  	[sflag:s30] =	ssyncset.done $0x0  }
0x35: {  	[sflag:s30] =	ssyncadd.s32 $0xFFFFD800  }
0x36: {  	_ =	swait.ge [sflag:s30], $0x2800  }
0x37: {  	[sflag:s30] =	ssyncset.done $0x0  }
0x38: {  	[sflag:s30] =	ssyncadd.s32 $0xFFFFD800  }
0x39: {  	_ =	swait.ge [sflag:s30], $0x2800  }
0x3a: {  	[sflag:s30] =	ssyncset.done $0x0  }
0x3b: {  	[sflag:s30] =	ssyncadd.s32 $0xFFFFD800  }
0x3c: {  	_ =	swait.ge [sflag:s30], $0x2800  }
0x3d: {  	[sflag:s30] =	ssyncset.done $0x0  }
0x3e: {  	s12 =	simm.s32 $0x0;
	[sflag:s30] =	ssyncadd.s32 $0xFFFFD800  }
0x3f: {  	v0 =	vld [tilespmem:s12+$0xA50]  }
0x40: {  	v1 =	vld [tilespmem:s12+$0x3250]  }
0x41: {  	v2 =	vld [tilespmem:s12+$0x5A50]  }
0x42: {  	v3 =	vld [tilespmem:s12+$0x8250]  }
0x43: {  	v4 =	vld [tilespmem:s12+$0xA54]  }
0x44: {  	v5 =	vld [tilespmem:s12+$0x3254]  }
0x45: {  	v6 =	vld [tilespmem:s12+$0x5A54]  }
0x46: {  	v7 =	vld [tilespmem:s12+$0x8254]  }
0x47: {  	v8 =	vld [tilespmem:s12+$0xA00]  }
0x48: {  	v10 =	vld [tilespmem:s12+$0x5A00]  }
0x49: {  	v11 =	vld [tilespmem:s12+$0x8200]  }
0x4a: {  	v9 =	vld [tilespmem:s12+$0x3200]  }
0x4b: {  	v0 =	vadd.f32 v1, v0;
	v1 =	vadd.f32 v3, v2;
	v2 =	vld [tilespmem:s12+$0xA10]  }
0x4c: {  	v3 =	vadd.f32 v5, v4;
	v4 =	vld [tilespmem:s12+$0x3210]  }
0x4d: {  	v5 =	vadd.f32 v7, v6;
	v6 =	vld [tilespmem:s12+$0x8210]  }
0x4e: {  	v7 =	vadd.f32 v11, v10;
	v0 =	vadd.f32 v1, v0;
	v1 =	vld [tilespmem:s12+$0x5A10]  }
0x4f: {  	v3 =	vadd.f32 v5, v3;
	v5 =	vadd.f32 v9, v8;
	v8 =	vld [tilespmem:s12+$0x8220]  }
0x50: {  	[tilespmem:s12+$0x14A50] =	vst v0;
	v0 =	vld [tilespmem:s12+$0xA20]  }
0x51: {  	v5 =	vadd.f32 v7, v5;
	v7 =	vld [tilespmem:s12+$0x5A20]  }
0x52: {  	[tilespmem:s12+$0x14A54] =	vst v3;
	v3 =	vld [tilespmem:s12+$0x3220]  }
0x53: {  	v2 =	vadd.f32 v4, v2;
	v4 =	vld [tilespmem:s12+$0xA30];
	v1 =	vadd.f32 v6, v1  }
0x54: {  	[tilespmem:s12+$0x14A00] =	vst v5;
	v5 =	vld [tilespmem:s12+$0x3230]  }
0x55: {  	v6 =	vld [tilespmem:s12+$0x8230];
	v1 =	vadd.f32 v1, v2  }
0x56: {  	v2 =	vld [tilespmem:s12+$0x5A30]  }
0x57: {  	v62 =	vld [tilespmem:s12+$0xA40];
	v0 =	vadd.f32 v3, v0;
	[tilespmem:s12+$0x14A10] =	vst v1;
	v1 =	vadd.f32 v8, v7  }
0x58: {  	v63 =	vld [tilespmem:s12+$0x8240]  }
0x59: {  	v7 =	vld [tilespmem:s12+$0x3240];
	v1 =	vadd.f32 v1, v0  }
0x5a: {  	s13 =	simm.s32 $0x80;
	v8 =	vld [tilespmem:s12+$0x5A40]  }
0x5b: {  	v3 =	vadd.f32 v5, v4;
	v0 =	vld [tilespmem:s13+$0xA50];
	v4 =	vadd.f32 v6, v2;
	[tilespmem:s12+$0x14A20] =	vst v1  }
0x5c: {  	v1 =	vld [tilespmem:s13+$0x3250]  }
0x5d: {  	v2 =	vld [tilespmem:s13+$0x5A50];
	v5 =	vadd.f32 v4, v3  }
0x5e: {  	v4 =	vld [tilespmem:s13+$0x8250]  }
0x5f: {  	v3 =	vld [tilespmem:s13+$0xA54];
	v7 =	vadd.f32 v7, v62;
	v8 =	vadd.f32 v63, v8;
	[tilespmem:s12+$0x14A30] =	vst v5  }
0x60: {  	v5 =	vld [tilespmem:s13+$0x3254]  }
0x61: {  	s14 =	simm.s32 $0x400;
	v7 =	vadd.f32 v8, v7;
	v6 =	vld [tilespmem:s13+$0x5A54]  }
.LBB2_3:
0x62: {  	p0 =	sne.s32 s14, $0x9E00;
	v8 =	vld [tilespmem:s13+$0x8254]  }
0x63: {  	v9 =	vld [tilespmem:s13+$0xA00];
	[tilespmem:s12+$0x14A40] =	vst v7;
	s12 =	smov.u32 s13  }
0x64: {  	v7 =	vld [tilespmem:s12+$0x3200]  }
0x65: {  	v10 =	vld [tilespmem:s12+$0x5A00]  }
0x66: {  	v0 =	vadd.f32 v1, v0;
	v1 =	vadd.f32 v4, v2;
	v11 =	vld [tilespmem:s12+$0x8200]  }
0x67: {  	v3 =	vadd.f32 v5, v3;
	v2 =	vld [tilespmem:s12+$0xA10];
	v4 =	vadd.f32 v8, v6  }
0x68: {  	v0 =	vadd.f32 v1, v0;
	v5 =	vld [tilespmem:s12+$0x3210]  }
0x69: {  	v1 =	vadd.f32 v7, v9;
	v6 =	vld [tilespmem:s12+$0x5A10];
	v3 =	vadd.f32 v4, v3  }
0x6a: {  	v4 =	vld [tilespmem:s12+$0x8210];
	[tilespmem:s12+$0x14A50] =	vst v0  }
0x6b: {  	v0 =	vadd.f32 v11, v10;
	v7 =	vld [tilespmem:s12+$0xA20];
	[tilespmem:s12+$0x14A54] =	vst v3  }
0x6c: {  	v3 =	vld [tilespmem:s12+$0x3220]  }
0x6d: {  	v0 =	vadd.f32 v0, v1;
	v1 =	vadd.f32 v5, v2;
	v2 =	vld [tilespmem:s12+$0x5A20]  }
0x6e: {  	v5 =	vld [tilespmem:s12+$0x8220]  }
0x6f: {  	[tilespmem:s12+$0x14A00] =	vst v0;
	v0 =	vadd.f32 v4, v6;
	v4 =	vld [tilespmem:s12+$0xA30]  }
0x70: {  	v6 =	vld [tilespmem:s12+$0x3230]  }
0x71: {  	v0 =	vadd.f32 v0, v1;
	v1 =	vadd.f32 v3, v7;
	v3 =	vld [tilespmem:s12+$0x5A30]  }
0x72: {  	v7 =	vld [tilespmem:s12+$0x8230]  }
0x73: {  	[tilespmem:s12+$0x14A10] =	vst v0;
	v0 =	vadd.f32 v5, v2;
	v5 =	vld [tilespmem:s12+$0xA40]  }
0x74: {  	v8 =	vld [tilespmem:s12+$0x3240]  }
0x75: {  	v1 =	vadd.f32 v0, v1;
	v4 =	vadd.f32 v6, v4;
	v6 =	vld [tilespmem:s12+$0x5A40]  }
0x76: {  	s13 =	sshra.s32 s14, $0x2;
	v9 =	vld [tilespmem:s12+$0x8240]  }
0x77: {  	v0 =	vld [tilespmem:s13+$0xA50];
	[tilespmem:s12+$0x14A20] =	vst v1;
	v3 =	vadd.f32 v7, v3  }
0x78: {  	v1 =	vld [tilespmem:s13+$0x3250]  }
.Ltmp0:
0x79: {  	v2 =	vld [tilespmem:s13+$0x5A50];
	v7 =	vadd.f32 v3, v4;
	v8 =	vadd.f32 v8, v5;
	(pc) =	sbr.rel @p0 .LBB2_3-.Ltmp0, $4  }
0x7a: {  	v4 =	vld [tilespmem:s13+$0x8250]  }
0x7b: {  	v3 =	vld [tilespmem:s13+$0xA54];
	[tilespmem:s12+$0x14A30] =	vst v7;
	v7 =	vadd.f32 v9, v6  }
0x7c: {  	v5 =	vld [tilespmem:s13+$0x3254]  }
0x7d: {  	s14 =	sadd.s32 $0x200, s14;
	v6 =	vld [tilespmem:s13+$0x5A54];
	v7 =	vadd.f32 v7, v8  }
0x7e: {  	v8 =	vld [tilespmem:s13+$0x8254]  }
0x7f: {  	v9 =	vld [tilespmem:s13+$0xA00];
	[tilespmem:s12+$0x14A40] =	vst v7  }
0x80: {  	v7 =	vld [tilespmem:s13+$0x3200]  }
0x81: {  	v10 =	vld [tilespmem:s13+$0x5A00]  }
0x82: {  	v11 =	vld [tilespmem:s13+$0x8200]  }
0x83: {  	v0 =	vadd.f32 v1, v0;
	v1 =	vadd.f32 v4, v2;
	v2 =	vld [tilespmem:s13+$0xA10]  }
0x84: {  	v4 =	vld [tilespmem:s13+$0x3210]  }
0x85: {  	v56 =	vld [tilespmem:s13+$0x3240]  }
0x86: {  	v57 =	vld [tilespmem:s13+$0x5A40]  }
0x87: {  	v58 =	vld [tilespmem:s13+$0x8240]  }
0x88: {  	v0 =	vadd.f32 v1, v0;
	v1 =	vld [tilespmem:s13+$0x5A10]  }
0x89: {  	v3 =	vadd.f32 v5, v3;
	v5 =	vadd.f32 v8, v6;
	v6 =	vld [tilespmem:s13+$0x8210]  }
0x8a: {  	[tilespmem:s13+$0x14A50] =	vst v0;
	v0 =	vld [tilespmem:s13+$0xA20]  }
0x8b: {  	v8 =	vld [tilespmem:s13+$0x8220];
	v3 =	vadd.f32 v5, v3;
	v5 =	vadd.f32 v7, v9  }
0x8c: {  	v7 =	vadd.f32 v11, v10;
	v2 =	vadd.f32 v4, v2;
	v4 =	vld [tilespmem:s13+$0xA30]  }
0x8d: {  	[tilespmem:s13+$0x14A54] =	vst v3;
	v3 =	vld [tilespmem:s13+$0x3220]  }
0x8e: {  	v5 =	vadd.f32 v7, v5;
	v7 =	vld [tilespmem:s13+$0x5A20];
	v1 =	vadd.f32 v6, v1  }
0x8f: {  	v6 =	vld [tilespmem:s13+$0x8230]  }
0x90: {  	[tilespmem:s13+$0x14A00] =	vst v5;
	v5 =	vld [tilespmem:s13+$0x3230];
	v1 =	vadd.f32 v1, v2  }
0x91: {  	v2 =	vld [tilespmem:s13+$0x5A30]  }
0x92: {  	[tilespmem:s13+$0x14A10] =	vst v1;
	v1 =	vld [tilespmem:s13+$0xA40]  }
0x93: {  	v0 =	vadd.f32 v3, v0;
	v3 =	vadd.f32 v8, v7;
	_ =	sdelay $0x1  }
0x94: {  	v0 =	vadd.f32 v3, v0  }
0x95: {  	v3 =	vadd.f32 v5, v4;
	v2 =	vadd.f32 v6, v2  }
0x96: {  	v4 =	vadd.f32 v58, v57;
	v1 =	vadd.f32 v56, v1  }
0x97: {  	v2 =	vadd.f32 v2, v3  }
0x98: {  	s11 =	sadd.s32 s8, s11;
	[tilespmem:s13+$0x14A20] =	vst v0;
	v0 =	vadd.f32 v4, v1  }
0x99: {  	s11 =	sshll.u32 s11, $0x4;
	[tilespmem:s13+$0x14A30] =	vst v2  }
0x9a: {  	s14 =	simm.s32 $0x0;
	s11 =	sadd.s32 s7, s11;
	[tilespmem:s13+$0x14A40] =	vst v0  }
0x9b: {  	[hbm4b:s11+s14] =	stream.linear.scatter [tilespmem:s31], [sflag:$0x3], $0x2800, $0x38;
	[tilespmem:$0x19A00] =	vst v63  }
0x9c: {  	_ =	swait.ge [sflag:s1], $0x2800  }
0x9d: {  	[sflag:s1] =	ssyncset.done $0x0  }
0x9e: {  	[sflag:s1] =	ssyncadd.s32 $0xFFFFD800  }
0x9f: {  	_ =	swait.ge [sflag:s1], $0x2800  }
0xa0: {  	[sflag:s1] =	ssyncset.done $0x0  }
0xa1: {  	[sflag:s1] =	ssyncadd.s32 $0xFFFFD800  }
0xa2: {  	_ =	swait.ge [sflag:s1], $0x2800  }
0xa3: {  	[sflag:s1] =	ssyncset.done $0x0  }
0xa4: {  	[sflag:s1] =	ssyncadd.s32 $0xFFFFD800  }
0xa5: {  	_ =	swait.ge [sflag:s1], $0x2800  }
0xa6: {  	[sflag:s1] =	ssyncset.done $0x0  }
0xa7: {  	s11 =	simm.s32 $0x0;
	[sflag:s1] =	ssyncadd.s32 $0xFFFFD800  }
0xa8: {  	v0 =	vld [tilespmem:s11+$0xAA50]  }
0xa9: {  	v1 =	vld [tilespmem:s11+$0xD250]  }
0xaa: {  	v2 =	vld [tilespmem:s11+$0xFA50]  }
0xab: {  	v3 =	vld [tilespmem:s11+$0x12250]  }
0xac: {  	v4 =	vld [tilespmem:s11+$0xAA54]  }
0xad: {  	v5 =	vld [tilespmem:s11+$0xD254]  }
0xae: {  	v6 =	vld [tilespmem:s11+$0xFA54]  }
0xaf: {  	v7 =	vld [tilespmem:s11+$0x12254]  }
0xb0: {  	v8 =	vld [tilespmem:s11+$0xAA00]  }
0xb1: {  	v60 =	vld [tilespmem:s11+$0xFA00]  }
0xb2: {  	v61 =	vld [tilespmem:s11+$0x12200]  }
0xb3: {  	v59 =	vld [tilespmem:s11+$0xD200]  }
0xb4: {  	v0 =	vadd.f32 v1, v0;
	v1 =	vadd.f32 v3, v2;
	v2 =	vld [tilespmem:s11+$0xAA10]  }
0xb5: {  	v3 =	vadd.f32 v5, v4;
	v4 =	vld [tilespmem:s11+$0xD210]  }
0xb6: {  	v5 =	vadd.f32 v7, v6;
	v6 =	vld [tilespmem:s11+$0x12210]  }
0xb7: {  	v7 =	vadd.f32 v61, v60;
	v0 =	vadd.f32 v1, v0;
	v1 =	vld [tilespmem:s11+$0xFA10]  }
0xb8: {  	v3 =	vadd.f32 v5, v3;
	v5 =	vadd.f32 v59, v8;
	v8 =	vld [tilespmem:s11+$0x12220]  }
0xb9: {  	[tilespmem:s11+$0x17250] =	vst v0;
	v0 =	vld [tilespmem:s11+$0xAA20]  }
0xba: {  	v5 =	vadd.f32 v7, v5;
	v7 =	vld [tilespmem:s11+$0xFA20]  }
0xbb: {  	[tilespmem:s11+$0x17254] =	vst v3;
	v3 =	vld [tilespmem:s11+$0xD220]  }
0xbc: {  	v2 =	vadd.f32 v4, v2;
	v4 =	vld [tilespmem:s11+$0xAA30];
	v1 =	vadd.f32 v6, v1  }
0xbd: {  	[tilespmem:s11+$0x17200] =	vst v5;
	v5 =	vld [tilespmem:s11+$0xD230]  }
0xbe: {  	v6 =	vld [tilespmem:s11+$0x12230];
	v1 =	vadd.f32 v1, v2  }
0xbf: {  	v2 =	vld [tilespmem:s11+$0xFA30]  }
0xc0: {  	v62 =	vld [tilespmem:s11+$0xAA40];
	v0 =	vadd.f32 v3, v0;
	[tilespmem:s11+$0x17210] =	vst v1;
	v1 =	vadd.f32 v8, v7  }
0xc1: {  	v63 =	vld [tilespmem:s11+$0x12240]  }
0xc2: {  	v7 =	vld [tilespmem:s11+$0xD240];
	v1 =	vadd.f32 v1, v0  }
0xc3: {  	s12 =	simm.s32 $0x80;
	v8 =	vld [tilespmem:s11+$0xFA40]  }
0xc4: {  	v3 =	vadd.f32 v5, v4;
	v0 =	vld [tilespmem:s12+$0xAA50];
	v4 =	vadd.f32 v6, v2;
	[tilespmem:s11+$0x17220] =	vst v1  }
0xc5: {  	v1 =	vld [tilespmem:s12+$0xD250]  }
0xc6: {  	v2 =	vld [tilespmem:s12+$0xFA50];
	v5 =	vadd.f32 v4, v3  }
0xc7: {  	v4 =	vld [tilespmem:s12+$0x12250]  }
0xc8: {  	v3 =	vld [tilespmem:s12+$0xAA54];
	v7 =	vadd.f32 v7, v62;
	v8 =	vadd.f32 v63, v8;
	[tilespmem:s11+$0x17230] =	vst v5  }
0xc9: {  	v5 =	vld [tilespmem:s12+$0xD254]  }
0xca: {  	s13 =	simm.s32 $0x400;
	v7 =	vadd.f32 v8, v7;
	v6 =	vld [tilespmem:s12+$0xFA54]  }
.LBB2_5:
0xcb: {  	p0 =	sne.s32 s13, $0x9E00;
	v8 =	vld [tilespmem:s12+$0x12254]  }
0xcc: {  	v9 =	vld [tilespmem:s12+$0xAA00];
	[tilespmem:s11+$0x17240] =	vst v7;
	s11 =	smov.u32 s12  }
0xcd: {  	v7 =	vld [tilespmem:s11+$0xD200]  }
0xce: {  	v10 =	vld [tilespmem:s11+$0xFA00]  }
0xcf: {  	v0 =	vadd.f32 v1, v0;
	v1 =	vadd.f32 v4, v2;
	v11 =	vld [tilespmem:s11+$0x12200]  }
0xd0: {  	v3 =	vadd.f32 v5, v3;
	v2 =	vld [tilespmem:s11+$0xAA10];
	v4 =	vadd.f32 v8, v6  }
0xd1: {  	v0 =	vadd.f32 v1, v0;
	v5 =	vld [tilespmem:s11+$0xD210]  }
0xd2: {  	v1 =	vadd.f32 v7, v9;
	v6 =	vld [tilespmem:s11+$0xFA10];
	v3 =	vadd.f32 v4, v3  }
0xd3: {  	v4 =	vld [tilespmem:s11+$0x12210];
	[tilespmem:s11+$0x17250] =	vst v0  }
0xd4: {  	v0 =	vadd.f32 v11, v10;
	v7 =	vld [tilespmem:s11+$0xAA20];
	[tilespmem:s11+$0x17254] =	vst v3  }
0xd5: {  	v3 =	vld [tilespmem:s11+$0xD220]  }
0xd6: {  	v0 =	vadd.f32 v0, v1;
	v1 =	vadd.f32 v5, v2;
	v2 =	vld [tilespmem:s11+$0xFA20]  }
0xd7: {  	v5 =	vld [tilespmem:s11+$0x12220]  }
0xd8: {  	[tilespmem:s11+$0x17200] =	vst v0;
	v0 =	vadd.f32 v4, v6;
	v4 =	vld [tilespmem:s11+$0xAA30]  }
0xd9: {  	v6 =	vld [tilespmem:s11+$0xD230]  }
0xda: {  	v0 =	vadd.f32 v0, v1;
	v1 =	vadd.f32 v3, v7;
	v3 =	vld [tilespmem:s11+$0xFA30]  }
0xdb: {  	v7 =	vld [tilespmem:s11+$0x12230]  }
0xdc: {  	[tilespmem:s11+$0x17210] =	vst v0;
	v0 =	vadd.f32 v5, v2;
	v5 =	vld [tilespmem:s11+$0xAA40]  }
0xdd: {  	v8 =	vld [tilespmem:s11+$0xD240]  }
0xde: {  	v1 =	vadd.f32 v0, v1;
	v4 =	vadd.f32 v6, v4;
	v6 =	vld [tilespmem:s11+$0xFA40]  }
0xdf: {  	s12 =	sshra.s32 s13, $0x2;
	v9 =	vld [tilespmem:s11+$0x12240]  }
0xe0: {  	v0 =	vld [tilespmem:s12+$0xAA50];
	[tilespmem:s11+$0x17220] =	vst v1;
	v3 =	vadd.f32 v7, v3  }
0xe1: {  	v1 =	vld [tilespmem:s12+$0xD250]  }
.Ltmp1:
0xe2: {  	v2 =	vld [tilespmem:s12+$0xFA50];
	v7 =	vadd.f32 v3, v4;
	v8 =	vadd.f32 v8, v5;
	(pc) =	sbr.rel @p0 .LBB2_5-.Ltmp1, $4  }
0xe3: {  	v4 =	vld [tilespmem:s12+$0x12250]  }
0xe4: {  	v3 =	vld [tilespmem:s12+$0xAA54];
	[tilespmem:s11+$0x17230] =	vst v7;
	v7 =	vadd.f32 v9, v6  }
0xe5: {  	v5 =	vld [tilespmem:s12+$0xD254]  }
0xe6: {  	s13 =	sadd.s32 $0x200, s13;
	v6 =	vld [tilespmem:s12+$0xFA54];
	v7 =	vadd.f32 v7, v8  }
0xe7: {  	v8 =	vld [tilespmem:s12+$0x12254]  }
0xe8: {  	v9 =	vld [tilespmem:s12+$0xAA00];
	[tilespmem:s11+$0x17240] =	vst v7  }
0xe9: {  	v7 =	vld [tilespmem:s12+$0xD200]  }
0xea: {  	v10 =	vld [tilespmem:s12+$0xFA00]  }
0xeb: {  	v11 =	vld [tilespmem:s12+$0x12200]  }
0xec: {  	v41 =	vld [tilespmem:s12+$0xAA10]  }
0xed: {  	v42 =	vld [tilespmem:s12+$0xD210]  }
0xee: {  	v44 =	vld [tilespmem:s12+$0xFA10]  }
0xef: {  	v45 =	vld [tilespmem:s12+$0x12210]  }
0xf0: {  	v46 =	vld [tilespmem:s12+$0xAA20]  }
0xf1: {  	v49 =	vld [tilespmem:s12+$0xD220]  }
0xf2: {  	v50 =	vld [tilespmem:s12+$0xFA20]  }
0xf3: {  	v51 =	vld [tilespmem:s12+$0x12220]  }
0xf4: {  	v52 =	vld [tilespmem:s12+$0xAA30]  }
0xf5: {  	v53 =	vld [tilespmem:s12+$0xD230]  }
0xf6: {  	v54 =	vld [tilespmem:s12+$0xFA30]  }
0xf7: {  	v0 =	vadd.f32 v1, v0;
	v40 =	vadd.f32 v4, v2;
	v55 =	vld [tilespmem:s12+$0x12230]  }
0xf8: {  	v58 =	vld [tilespmem:s12+$0xFA40];
	v3 =	vadd.f32 v5, v3;
	v43 =	vadd.f32 v8, v6  }
0xf9: {  	v59 =	vld [tilespmem:s12+$0x12240];
	v0 =	vadd.f32 v40, v0  }
0xfa: {  	v56 =	vld [tilespmem:s12+$0xAA40];
	v3 =	vadd.f32 v43, v3;
	v47 =	vadd.f32 v7, v9  }
0xfb: {  	v57 =	vld [tilespmem:s12+$0xD240];
	v48 =	vadd.f32 v11, v10;
	v2 =	vadd.f32 v42, v41  }
0xfc: {  	[tilespmem:s12+$0x17250] =	vst v0;
	v1 =	vadd.f32 v45, v44;
	v0 =	vadd.f32 v49, v46  }
0xfd: {  	v60 =	vadd.f32 v51, v50;
	v61 =	vadd.f32 v53, v52  }
0xfe: {  	v62 =	vadd.f32 v59, v58;
	v1 =	vadd.f32 v1, v2  }
0xff: {  	[tilespmem:s12+$0x17254] =	vst v3;
	v5 =	vadd.f32 v48, v47;
	v2 =	vadd.f32 v55, v54  }
0x100: {  	v0 =	vadd.f32 v60, v0;
	[tilespmem:s12+$0x17210] =	vst v1;
	v1 =	vadd.f32 v57, v56  }
0x101: {  	[tilespmem:s12+$0x17200] =	vst v5;
	v2 =	vadd.f32 v2, v61  }
0x102: {  	s10 =	sadd.s32 s8, s10;
	[tilespmem:s12+$0x17220] =	vst v0;
	v63 =	vadd.f32 v62, v1  }
0x103: {  	s10 =	sshll.u32 s10, $0x4;
	[tilespmem:s12+$0x17230] =	vst v2  }
0x104: {  	s9 =	sadd.s32 $0x1, s9;
	s10 =	sadd.s32 s7, s10;
	[tilespmem:s12+$0x17240] =	vst v63  }
0x105: {  	[hbm4b:s10+s2] =	stream.linear.scatter [tilespmem:s0], [sflag:$0x4], $0x2800, $0x38;
	[tilespmem:$0x19A00] =	vst v63  }
0x106: {  	p0 =	sne.s32 s9, $0x4;
	_ =	swait.ge [sflag:s17], $0x2800  }
.Ltmp2:
0x107: {  	[sflag:s17] =	ssyncset.done $0x0;
	(pc) =	sbr.rel @p0 .LBB2_2-.Ltmp2, $4  }
0x108: {  	[sflag:s17] =	ssyncadd.s32 $0xFFFFD800  }
0x109: {  	_ =	swait.ge [sflag:s18], $0x2800  }
0x10a: {  	[sflag:s18] =	ssyncset.done $0x0  }
0x10b: {  	[sflag:s18] =	ssyncadd.s32 $0xFFFFD800  }
0x10c: {  	s19 =	sadd.s32 $0x1, s19;
	s9 =	rddreg [dreg:$0x6]  }
0x10d: {  	p0 =	sne.s32 s19, s9  }
.Ltmp3:
0x10e: {  	_ = 	snop;
	(pc) =	sbr.rel @p0 .LBB2_1-.Ltmp3, $1  }
0x10f: {  	_ =	sdelay $0x3  }
0x110: {  	_ =	sfence.sel $0x180000  }
0x111: {  	[bflag:$0x0] =	sbarrier.arrive $0xFFFF  }
0x112: {  	_ =	strace $0x90000047  }
0x113: {  	s0 =	stileid.u32;
	[bflag:$0x2] =	sbarrier.arrive $0xFFFF  }
0x114: {  	p0 =	sne.s32 s0, $0x0;
	s0 =	rddreg [dreg:$0x1]  }
0x115: {  	s0 =	sadd.s32 @!p0 $0x100000, s0  }
0x116: {  	[sflag:s0] =	ssyncadd.tile.s32 @!p0 $0x1;
	_ =	shalt  }
.Lfunc_end2:
_tile_overlayer_lowered:
.L_overlay_start_2:
0x117: {  	(tag) =	ssettag $0x2  }
0x118: {  	s0 =	rddreg [dreg:$0x0];
	s2 =	stileid.u32  }
0x119: {  	s1 =	rddreg [dreg:$0x1];
	p0 =	sne.s32 s2, $0x0  }
0x11a: {  	s3 =	rddreg [dreg:$0x2];
	[bflag:$0x3] =	sbarrier.arrive $0xFFFF;
	s2 =	simm.s32 @!p0 $0x1C05  }
0x11b: {  	[timem:s3], [sflag:s2] =	dma.local @!p0 [hbm:s0], s1  }
0x11c: {  	s0 =	simm.s32 @!p0 $0x5  }
0x11d: {  	_ =	swait.ge @!p0 [sflag:s0], s1  }
0x11e: {  	s1 =	ssub.s32 @!p0 $0x0, s1;
	[sflag:s0] =	ssyncset.done @!p0 $0x0  }
0x11f: {  	[sflag:s0] =	ssyncadd.s32 @!p0 s1  }
0x120: {  	[bflag:$0x3] =	sbarrier.arrive $0xFFFF  }
0x121: {  	_ =	shalt  }

// kernel: kernel.25.cloned.1.call-start
scs
__scs_entry_jumppad:
0x0: {  	(pc) =	sbr.rel $0x88, $3  }
0x1: {  	(tag) =	ssettag $0x0;
	lr =	simm.s32 $0x1  }
0x2: {  	[smem:$0x3F97] =	sst lr;
	_ =	strace $0xD0000000  }
0x3: {  	_ = 	snop  }
0x4: {  	_ = 	snop  }
0x5: {  	_ = 	snop  }
0x6: {  	_ = 	snop  }
0x7: {  	_ = 	snop  }
__scs_overlays_trampoline_lowered:
0x8: {  	[smem:$0x3FA6] =	sst s0  }
0x9: {  	[smem:$0x3FA7] =	sst s1  }
0xa: {  	[smem:$0x3FA8] =	sst s2  }
0xb: {  	[smem:$0x3FA9] =	sst s3  }
0xc: {  	[smem:$0x3FAA] =	sst s4  }
0xd: {  	[smem:$0x3FAB] =	sst s5  }
0xe: {  	[smem:$0x3FAC] =	sst s6  }
0xf: {  	[smem:$0x3FAD] =	sst s7  }
0x10: {  	[smem:$0x3FAE] =	sst s8  }
0x11: {  	[smem:$0x3FAF] =	sst s9;
	s0 =	simm.s32 @!p0 $0x0  }
0x12: {  	s1 =	sld [smem:$0x3F95];
	s0 =	simm.s32 @p0 $0x1  }
0x13: {  	[smem:$0x3FB0] =	sst s0;
	s0 =	simm.s32 @!p1 $0x0  }
0x14: {  	s2 =	sld [smem:$0x3F94];
	s0 =	simm.s32 @p1 $0x1  }
0x15: {  	[smem:$0x3FB1] =	sst s0;
	s0 =	simm.s32 @!p2 $0x0  }
0x16: {  	s3 =	sld [smem:$0x3FDB];
	s0 =	simm.s32 @p2 $0x1  }
0x17: {  	s4 =	simm.s32 $0x1BF5;
	[smem:$0x3FB3] =	sst s0  }
0x18: {  	s0 =	sld [smem:$0x3F96];
	_ =	swait.ge [sflag:s4], $0x0  }
0x19: {  	s7 =	sld [smem:$0x3F97]  }
0x1a: {  	s8 =	sadd.s32 $0xFFFFE003, lr  }
0x1b: {  	s9 =	sadd.s32 $0xFFFFFEF7, lr;
	s5 =	simm.s32 $0xFFFFFFFF;
	p2 =	slt.u32 s8, $0xFFFFF086  }
0x1c: {  	p1 =	slt.u32 s9, $0xF7A;
	s5 =	simm.s32 @!p2 $0x0  }
0x1d: {  	s5 =	simm.s32 @p1 $0x1;
	p0 =	seq.s32 s7, s2  }
0x1e: {  	s7 =	smul.u32 @!p0 $0xF7A, s2;
	p2 =	seq.s32 @!p0 s5, $0x0  }
0x1f: {  	s9 =	smul.u32 $0xF7A, s1;
	s8 =	simm.s32 @!p0 $0x1BF5;
	p2 =	por !p2, p0  }
0x20: {  	[sflag:s8] =	ssyncset.s32 @!p0 $0xFFFFF086;
	s6 =	sadd.s32 @!p0 s3, s7;
	s7 =	simm.s32 @!p0 $0x108  }
0x21: {  	s3 =	sadd.s32 s3, s9;
	s6 =	sadd.s32 @!p0 $0x88, s6;
	s7 =	simm.s32 @p2 $0x1082  }
0x22: {  	[simem:s7], [sflag:s8] =	dma.local @!p0 [hbm:s6], $0xF7A  }
0x23: {  	s9 =	sor.u32 $0xD0000000, s2;
	s6 =	simm.s32 $0x108;
	_ =	swait.ge @!p0 [sflag:s8], $0x0  }
0x24: {  	s3 =	sadd.s32 $0x88, s3;
	s6 =	simm.s32 @!p1 $0x1082;
	[sflag:s4] =	ssyncset.s32 $0xFFFFF086  }
0x25: {  	[simem:s6], [sflag:s4] =	dma.local [hbm:s3], $0xF7A  }
0x26: {  	[smem:$0x3F97] =	sst s1;
	(tag) =	ssettag s2;
	_ =	strace s9  }
0x27: {  	s1 =	sld [smem:$0x3FA7]  }
0x28: {  	s2 =	sld [smem:$0x3FA8]  }
0x29: {  	s4 =	sld [smem:$0x3FAA]  }
0x2a: {  	p0 =	seq.s32 s5, $0x0;
	s5 =	sld [smem:$0x3FAB]  }
0x2b: {  	s6 =	sld [smem:$0x3FAC]  }
0x2c: {  	s7 =	sld [smem:$0x3FAD]  }
0x2d: {  	s3 =	simm.s32 $0x108;
	s8 =	sld [smem:$0x3FAE]  }
0x2e: {  	s3 =	simm.s32 @!p0 $0x1082;
	s9 =	sld [smem:$0x3FAF]  }
0x2f: {  	lr =	sadd.s32 s0, s3;
	s0 =	sld [smem:$0x3FA6]  }
0x30: {  	s3 =	sld [smem:$0x3FA9]  }
0x31: {  	[smem:$0x3FB2] =	sst s10  }
0x32: {  	s10 =	sld [smem:$0x3FB0];
	_ =	sdelay $0x3  }
0x33: {  	p0 =	seq.s32 s10, $0x1;
	s10 =	sld [smem:$0x3FB2];
	_ =	sdelay $0x3  }
0x34: {  	[smem:$0x3FB2] =	sst s10  }
0x35: {  	s10 =	sld [smem:$0x3FB1];
	_ =	sdelay $0x3  }
0x36: {  	p1 =	seq.s32 s10, $0x1;
	s10 =	sld [smem:$0x3FB2];
	_ =	sdelay $0x3  }
0x37: {  	[smem:$0x3FB2] =	sst s10  }
0x38: {  	s10 =	sld [smem:$0x3FB3]  }
0x39: {  	_ = 	snop;
	(pc) =	sbr.ind lr, $3  }
0x3a: {  	_ = 	snop  }
0x3b: {  	_ = 	snop  }
0x3c: {  	p2 =	seq.s32 s10, $0x1;
	s10 =	sld [smem:$0x3FB2]  }
0x3d: {  	_ =	shalt  }
0x3e: {  	_ =	shalt  }
0x3f: {  	_ =	shalt  }
0x40: {  	_ =	shalt  }
0x41: {  	_ =	shalt  }
0x42: {  	_ =	shalt  }
0x43: {  	_ =	shalt  }
0x44: {  	_ =	shalt  }
0x45: {  	_ =	shalt  }
0x46: {  	_ =	shalt  }
0x47: {  	_ =	shalt  }
0x48: {  	_ =	shalt  }
0x49: {  	_ =	shalt  }
0x4a: {  	_ =	shalt  }
0x4b: {  	_ =	shalt  }
0x4c: {  	_ =	shalt  }
0x4d: {  	_ =	shalt  }
0x4e: {  	_ =	shalt  }
0x4f: {  	_ =	shalt  }
0x50: {  	_ =	shalt  }
0x51: {  	_ =	shalt  }
0x52: {  	_ =	shalt  }
0x53: {  	_ =	shalt  }
0x54: {  	_ =	shalt  }
0x55: {  	_ =	shalt  }
0x56: {  	_ =	shalt  }
0x57: {  	_ =	shalt  }
0x58: {  	_ =	shalt  }
0x59: {  	_ =	shalt  }
0x5a: {  	_ =	shalt  }
0x5b: {  	_ =	shalt  }
0x5c: {  	_ =	shalt  }
0x5d: {  	_ =	shalt  }
0x5e: {  	_ =	shalt  }
0x5f: {  	_ =	shalt  }
0x60: {  	_ =	shalt  }
0x61: {  	_ =	shalt  }
0x62: {  	_ =	shalt  }
0x63: {  	_ =	shalt  }
0x64: {  	_ =	shalt  }
0x65: {  	_ =	shalt  }
0x66: {  	_ =	shalt  }
0x67: {  	_ =	shalt  }
0x68: {  	_ =	shalt  }
0x69: {  	_ =	shalt  }
0x6a: {  	_ =	shalt  }
0x6b: {  	_ =	shalt  }
0x6c: {  	_ =	shalt  }
0x6d: {  	_ =	shalt  }
0x6e: {  	_ =	shalt  }
0x6f: {  	_ =	shalt  }
0x70: {  	_ =	shalt  }
0x71: {  	_ =	shalt  }
0x72: {  	_ =	shalt  }
0x73: {  	_ =	shalt  }
0x74: {  	_ =	shalt  }
0x75: {  	_ =	shalt  }
0x76: {  	_ =	shalt  }
0x77: {  	_ =	shalt  }
0x78: {  	_ =	shalt  }
0x79: {  	_ =	shalt  }
0x7a: {  	_ =	shalt  }
0x7b: {  	_ =	shalt  }
0x7c: {  	_ =	shalt  }
0x7d: {  	_ =	shalt  }
0x7e: {  	_ =	shalt  }
0x7f: {  	_ =	shalt  }
0x80: {  	_ =	shalt  }
0x81: {  	_ =	shalt  }
0x82: {  	_ =	shalt  }
0x83: {  	_ =	shalt  }
0x84: {  	_ =	shalt  }
0x85: {  	_ =	shalt  }
0x86: {  	_ =	shalt  }
0x87: {  	_ =	shalt  }
.Lfunc_end0:
.L_simem_size_0:
called_computation.4_lowered:
.L_overlay_start_0:
0x88: {  	s2 =	sld [smem:$0x3FD9]  }
0x89: {  	s3 =	sld [smem:$0x3FFE];
	_ =	sdelay $0x1  }
0x8a: {  	s1 =	srdreg.scid  }
0x8b: {  	s0 =	sand.u32 $0x1, s1  }
0x8c: {  	s17 =	sshll.u32 s0, $0xA;
	s2 =	sadd.s32 s3, s2  }
0x8d: {  	s2 =	sadd.s32 s2, s17  }
0x8e: {  	[smem:$0x3FBE] =	sst s2  }
0x8f: {  	_ = 	snop  }
0x90: {  	(tm) =	ssettm $0x1  }
0x91: {  	s18 =	sld [smem:$0x3FFB];
	_ =	sdelay $0x3  }
0x92: {  	_ =	strace s18  }
0x93: {  	s2 =	sld [smem:$0x3FFC];
	_ =	sdelay $0x3  }
0x94: {  	_ =	strace s2  }
0x95: {  	s2 =	sld [smem:$0x3FFD];
	_ =	sdelay $0x3  }
0x96: {  	_ =	strace s2  }
0x97: {  	_ =	strace $0x8FFFFFFF  }
0x98: {  	s19 =	sld [smem:$0x3FDB];
	_ =	sdelay $0x1  }
0x99: {  	s20 =	simm.s32 $_scs_section_size  }
0x9a: {  	s4 =	simm.s32 $_size__tile_overlayer_lowered;
	s5 =	simm.s32 $_tile_overlayer_lowered  }
0x9b: {  	s6 =	simm.s32 $0x1BFF;
	s21 =	sshll.u32 s5, $0x1;
	s3 =	sadd.s32 s20, s19  }
0x9c: {  	s22 =	simm.s32 $0x0;
	s4 =	sshll.u32 s4, $0x1;
	s5 =	sadd.s32 s21, s3  }
0x9d: {  	[timem:s22], [sflag:s6] =	dma.local [hbm:s5], s4  }
0x9e: {  	_ =	swait.ge [sflag:s6], s4  }
0x9f: {  	s4 =	ssub.s32 $0x0, s4;
	[sflag:s6] =	ssyncset.done $0x0  }
0xa0: {  	[sflag:s6] =	ssyncadd.s32 s4;
	_ =	sdelay $0x1  }
0xa1: {  	s23 =	simm.s32 $0x1B8B  }
0xa2: {  	_ =	swait.ge [sflag:s23], $0x1  }
0xa3: {  	[sflag:s23] =	ssyncset.done $0x0  }
0xa4: {  	[sflag:s23] =	ssyncadd.s32 $0xFFFFFFFF  }
0xa5: {  	s4 =	sld [smem:$0x0]  }
0xa6: {  	s5 =	sand.u32 $0xFFFFFFFE, s1  }
0xa7: {  	p0 =	sne.s32 s1, s5  }
0xa8: {  	s5 =	sshll.u32 @p0 s5, $0xE  }
0xa9: {  	s5 =	sadd.s32 @p0 $0x11B8D, s5;
	s6 =	sshll.u32 @p0 s4, $0x11  }
0xaa: {  	s5 =	sor.u32 @p0 s6, s5  }
0xab: {  	[sflag:s5] =	ssyncadd.remote.s32 @p0 $0x1;
	_ =	sdelay $0x1  }
0xac: {  	s5 =	simm.s32 @p0 $0x1B8D  }
0xad: {  	_ =	swait.eq @p0 [sflag:s5], $0x1  }
0xae: {  	[sflag:s5] =	ssyncadd.s32 @p0 $0xFFFFFFFF  }
0xaf: {  	s6 =	sshll.u32 @!p0 s1, $0xE  }
0xb0: {  	s6 =	sor.u32 @!p0 $0x4000, s6;
	s5 =	simm.s32 @!p0 $0x1B8D  }
0xb1: {  	s4 =	sshll.u32 @!p0 s4, $0x11;
	s6 =	sadd.s32 @!p0 $0x11B8D, s6;
	_ =	swait.eq @!p0 [sflag:s5], $0x1  }
0xb2: {  	s4 =	sor.u32 @!p0 s4, s6;
	[sflag:s5] =	ssyncadd.s32 @!p0 $0xFFFFFFFF  }
0xb3: {  	s25 =	simm.s32 $0x1B8E;
	s24 =	sld [smem:$0x3FFE];
	[sflag:s4] =	ssyncadd.remote.s32 @!p0 $0x1  }
0xb4: {  	s26 =	simm.s32 $execute0_lowered;
	[smem:$0x3FD2] =	sst s25  }
0xb5: {  	s5 =	sshll.u32 s26, $0x1;
	_ =	strace $0x80000052;
	[dreg:$0x1] =	wrdreg $0xFFFFFFFF  }
0xb6: {  	s28 =	simm.s32 $_size_execute0_lowered;
	s3 =	sadd.s32 s3, s5;
	[dreg:$0x0] =	wrdreg $0x0  }
0xb7: {  	s5 =	sshll.u32 s28, $0x1;
	[dreg:$0x2] =	wrdreg s3  }
0xb8: {  	[dreg:$0x3] =	wrdreg s5  }
0xb9: {  	[dreg:$0x4] =	wrdreg $0xC0  }
0xba: {  	_ =	task [dreg:s22], $0x5FFFF  }
0xbb: {  	[dreg:$0x1] =	wrdreg $0xFFFFFFFF  }
0xbc: {  	[dreg:$0x0] =	wrdreg $0x60  }
0xbd: {  	[dreg:$0x2] =	wrdreg s24  }
0xbe: {  	[dreg:$0x3] =	wrdreg $0xD  }
0xbf: {  	_ =	task.clear_ibuf [dreg:s22], $0x4FFFF;
	_ =	strace $0x90000052  }
0xc0: {  	s29 =	simm.s32 $0xD;
	_ =	strace $0x80000054  }
0xc1: {  	_ =	swait.ge [sflag:s29], $0x1  }
0xc2: {  	[sflag:s29] =	ssyncadd.s32 $0xFFFFFFFF  }
0xc3: {  	_ =	strace $0x90000054  }
0xc4: {  	_ =	sfence  }
0xc5: {  	s30 =	sld [smem:$0x0];
	_ =	sdelay $0x2  }
0xc6: {  	s31 =	sshll.u32 s1, $0xD;
	s1 =	sshrl.u32 s1, $0x2  }
0xc7: {  	s4 =	sand.u32 $0x4000, s31;
	s1 =	sadd.s32 s1, s30  }
0xc8: {  	s0 =	sor.u32 s4, s0;
	s1 =	sshll.u32 s1, $0x11  }
0xc9: {  	s0 =	sor.u32 s1, s0  }
0xca: {  	s0 =	sadd.s32 $0x8F2B, s0  }
0xcb: {  	[sflag:s0] =	ssyncadd.remote.s32 $0x1  }
0xcc: {  	_ =	sfence.sel $0xFFFF  }
0xcd: {  	[dreg:$0x0] =	wrdreg $0xFFFFFFFF;
	(pc) =	sbr.abs _section_cstart, $3  }
0xce: {  	[dreg:$0x1] =	wrdreg $0xFFFFFFFF  }
0xcf: {  	_ =	task.clear_ibuf [dreg:s22], $0x2FFFF;
	_ =	strace $0x9FFFFFFF  }
0xd0: {  	(tm) =	ssettm $0x7FFFFFFF  }
0xd1: {  	_ =	shalt  }
tec
execute0_lowered:
.L_overlay_start_1:
0x0: {  	(tag) =	ssettag $0x1  }
0x1: {  	s0 =	srdreg.scid  }
0x2: {  	s2 =	stileid.u32;
	s7 =	rddreg [dreg:$0x0];
	s15 =	simm.s32 $0x200  }
0x3: {  	s16 =	simm.s32 $0x5;
	s20 =	simm.s32 $0x50;
	s21 =	simm.s32 $0xA00  }
0x4: {  	s22 =	simm.s32 $0x3200;
	s28 =	simm.s32 $0xFA00;
	s29 =	simm.s32 $0x12200  }
0x5: {  	s30 =	simm.s32 $0x1;
	s31 =	simm.s32 $0x14A00;
	s0 =	sand.u32 $0x1, s0  }
0x6: {  	s17 =	simm.s32 $0x3;
	s18 =	simm.s32 $0x4;
	s1 =	sshll.u32 s0, $0x4  }
0x7: {  	s19 =	simm.s32 $0x0;
	s4 =	sadd.s32 $0x196400, s7;
	s1 =	sor.u32 s2, s1  }
0x8: {  	s5 =	sadd.s32 $0x31CE00, s7;
	s0 =	ssub.s32 $0x2, s0;
	s3 =	smul.u32 $0xA00, s1  }
0x9: {  	s6 =	sadd.s32 $0x4A3800, s7;
	s2 =	simm.s32 $0x0;
	s8 =	sshrl.u32 s0, $0x1  }
0xa: {  	[smem:$0x7FF] =	sst s2;
	s0 =	ssub.s32 s0, s8;
	s3 =	sshrl.u32 s3, $0x3  }
0xb: {  	s8 =	smul.u32 $0x280, s1;
	s0 =	smax.u32 s0, $0x1;
	s9 =	sadd.s32 s3, s7  }
0xc: {  	_ =	strace $0x80000053;
	[dreg:$0x6] =	wrdreg s0;
	s23 =	sadd.s32 $0xD200, s9  }
0xd: {  	s1 =	simm.s32 $0x2;
	s24 =	sadd.s32 $0xD210, s9;
	[dreg:$0x2] =	wrdreg s23  }
0xe: {  	s0 =	simm.s32 $0x17200;
	s25 =	sadd.s32 $0xD220, s9;
	[dreg:$0x3] =	wrdreg s24  }
0xf: {  	s3 =	sadd.s32 $0xFA00, s7;
	s26 =	sadd.s32 $0xD230, s9;
	[dreg:$0x4] =	wrdreg s25  }
0x10: {  	s7 =	sadd.s32 $0x82D800, s7;
	[dreg:$0x5] =	wrdreg s26;
	s23 =	simm.s32 $0x5A00  }
0x11: {  	s24 =	simm.s32 $0x8200;
	s25 =	simm.s32 $0xAA00;
	s26 =	simm.s32 $0xD200  }
.LBB2_1:
0x12: {  	s9 =	rddreg [dreg:$0x2];
	s10 =	simm.s32 $0x80  }
0x13: {  	[tilespmem:s2], [sflag:$0x5] =	stream.strided.gather [hbm4b:s9+s10], $0x280, s15, s10, $0x38;
	[tilespmem:$0x19A00] =	vst v63  }
0x14: {  	_ =	swait.ge [sflag:s16], $0x280  }
0x15: {  	[sflag:s16] =	ssyncset.done $0x0  }
0x16: {  	s11 =	simm.s32 $0x280;
	s14 =	rddreg [dreg:$0x3];
	[sflag:s16] =	ssyncadd.s32 $0xFFFFFD80  }
0x17: {  	[tilespmem:s11], [sflag:$0x5] =	stream.strided.gather [hbm4b:s14+s10], $0x280, s15, s10, $0x38;
	[tilespmem:$0x19A00] =	vst v63  }
0x18: {  	_ =	swait.ge [sflag:s16], $0x280  }
0x19: {  	[sflag:s16] =	ssyncset.done $0x0  }
0x1a: {  	s12 =	simm.s32 $0x500;
	s11 =	rddreg [dreg:$0x4];
	[sflag:s16] =	ssyncadd.s32 $0xFFFFFD80  }
0x1b: {  	[tilespmem:s12], [sflag:$0x5] =	stream.strided.gather [hbm4b:s11+s10], $0x280, s15, s10, $0x38;
	[tilespmem:$0x19A00] =	vst v63  }
0x1c: {  	_ =	swait.ge [sflag:s16], $0x280  }
0x1d: {  	[sflag:s16] =	ssyncset.done $0x0  }
0x1e: {  	s14 =	simm.s32 $0x780;
	s13 =	rddreg [dreg:$0x5];
	[sflag:s16] =	ssyncadd.s32 $0xFFFFFD80  }
0x1f: {  	[tilespmem:s14], [sflag:$0x5] =	stream.strided.gather [hbm4b:s13+s10], $0x280, s15, s10, $0x38;
	[tilespmem:$0x19A00] =	vst v63  }
0x20: {  	_ =	swait.ge [sflag:s16], $0x280  }
0x21: {  	[sflag:s16] =	ssyncset.done $0x0  }
0x22: {  	s9 =	simm.s32 $0x0;
	[sflag:s16] =	ssyncadd.s32 $0xFFFFFD80  }
.LBB2_2:
0x23: {  	s11 =	smul.u32 $0xA0, s9;
	_ =	sdelay $0x1  }
0x24: {  	[tilespmem:s21], [sflag:$0x1] =	stream.indirect.gather [hbm4b:s3+s20], $0x80, s11, s20, $0xb8;
	[tilespmem:$0x19A00] =	vst v63  }
0x25: {  	s10 =	sadd.s32 $0x280, s11  }
0x26: {  	[tilespmem:s22], [sflag:$0x1] =	stream.indirect.gather [hbm4b:s4+s20], $0x80, s10, s20, $0xb8;
	[tilespmem:$0x19A00] =	vst v63  }
0x27: {  	s14 =	sadd.s32 $0x500, s11  }
0x28: {  	[tilespmem:s23], [sflag:$0x1] =	stream.indirect.gather [hbm4b:s5+s20], $0x80, s14, s20, $0xb8;
	[tilespmem:$0x19A00] =	vst v63  }
0x29: {  	s12 =	sadd.s32 $0x780, s11  }
0x2a: {  	[tilespmem:s24], [sflag:$0x1] =	stream.indirect.gather [hbm4b:s6+s20], $0x80, s12, s20, $0xb8;
	[tilespmem:$0x19A00] =	vst v63  }
0x2b: {  	s10 =	sadd.s32 $0x50, s11  }
0x2c: {  	[tilespmem:s25], [sflag:$0x2] =	stream.indirect.gather [hbm4b:s3+s20], $0x80, s10, s20, $0xb8;
	[tilespmem:$0x19A00] =	vst v63  }
0x2d: {  	s12 =	sadd.s32 $0x2D0, s11  }
0x2e: {  	[tilespmem:s26], [sflag:$0x2] =	stream.indirect.gather [hbm4b:s4+s20], $0x80, s12, s20, $0xb8;
	[tilespmem:$0x19A00] =	vst v63  }
0x2f: {  	s13 =	sadd.s32 $0x550, s11  }
0x30: {  	[tilespmem:s28], [sflag:$0x2] =	stream.indirect.gather [hbm4b:s5+s20], $0x80, s13, s20, $0xb8;
	[tilespmem:$0x19A00] =	vst v63  }
0x31: {  	s14 =	sadd.s32 $0x7D0, s11  }
0x32: {  	[tilespmem:s29], [sflag:$0x2] =	stream.indirect.gather [hbm4b:s6+s20], $0x80, s14, s20, $0xb8;
	[tilespmem:$0x19A00] =	vst v63  }
0x33: {  	_ =	swait.ge [sflag:s30], $0x2800  }
0x34: {  	[sflag:s30] =	ssyncset.done $0x0  }
0x35: {  	[sflag:s30] =	ssyncadd.s32 $0xFFFFD800  }
0x36: {  	_ =	swait.ge [sflag:s30], $0x2800  }
0x37: {  	[sflag:s30] =	ssyncset.done $0x0  }
0x38: {  	[sflag:s30] =	ssyncadd.s32 $0xFFFFD800  }
0x39: {  	_ =	swait.ge [sflag:s30], $0x2800  }
0x3a: {  	[sflag:s30] =	ssyncset.done $0x0  }
0x3b: {  	[sflag:s30] =	ssyncadd.s32 $0xFFFFD800  }
0x3c: {  	_ =	swait.ge [sflag:s30], $0x2800  }
0x3d: {  	[sflag:s30] =	ssyncset.done $0x0  }
0x3e: {  	s12 =	simm.s32 $0x0;
	[sflag:s30] =	ssyncadd.s32 $0xFFFFD800  }
0x3f: {  	v0 =	vld [tilespmem:s12+$0xA50]  }
0x40: {  	v1 =	vld [tilespmem:s12+$0x3250]  }
0x41: {  	v2 =	vld [tilespmem:s12+$0x5A50]  }
0x42: {  	v3 =	vld [tilespmem:s12+$0x8250]  }
0x43: {  	v4 =	vld [tilespmem:s12+$0xA54]  }
0x44: {  	v5 =	vld [tilespmem:s12+$0x3254]  }
0x45: {  	v6 =	vld [tilespmem:s12+$0x5A54]  }
0x46: {  	v7 =	vld [tilespmem:s12+$0x8254]  }
0x47: {  	v8 =	vld [tilespmem:s12+$0xA00]  }
0x48: {  	v10 =	vld [tilespmem:s12+$0x5A00]  }
0x49: {  	v11 =	vld [tilespmem:s12+$0x8200]  }
0x4a: {  	v9 =	vld [tilespmem:s12+$0x3200]  }
0x4b: {  	v0 =	vadd.f32 v1, v0;
	v1 =	vadd.f32 v3, v2;
	v2 =	vld [tilespmem:s12+$0xA10]  }
0x4c: {  	v3 =	vadd.f32 v5, v4;
	v4 =	vld [tilespmem:s12+$0x3210]  }
0x4d: {  	v5 =	vadd.f32 v7, v6;
	v6 =	vld [tilespmem:s12+$0x8210]  }
0x4e: {  	v7 =	vadd.f32 v11, v10;
	v0 =	vadd.f32 v1, v0;
	v1 =	vld [tilespmem:s12+$0x5A10]  }
0x4f: {  	v3 =	vadd.f32 v5, v3;
	v5 =	vadd.f32 v9, v8;
	v8 =	vld [tilespmem:s12+$0x8220]  }
0x50: {  	[tilespmem:s12+$0x14A50] =	vst v0;
	v0 =	vld [tilespmem:s12+$0xA20]  }
0x51: {  	v5 =	vadd.f32 v7, v5;
	v7 =	vld [tilespmem:s12+$0x5A20]  }
0x52: {  	[tilespmem:s12+$0x14A54] =	vst v3;
	v3 =	vld [tilespmem:s12+$0x3220]  }
0x53: {  	v2 =	vadd.f32 v4, v2;
	v4 =	vld [tilespmem:s12+$0xA30];
	v1 =	vadd.f32 v6, v1  }
0x54: {  	[tilespmem:s12+$0x14A00] =	vst v5;
	v5 =	vld [tilespmem:s12+$0x3230]  }
0x55: {  	v6 =	vld [tilespmem:s12+$0x8230];
	v1 =	vadd.f32 v1, v2  }
0x56: {  	v2 =	vld [tilespmem:s12+$0x5A30]  }
0x57: {  	v62 =	vld [tilespmem:s12+$0xA40];
	v0 =	vadd.f32 v3, v0;
	[tilespmem:s12+$0x14A10] =	vst v1;
	v1 =	vadd.f32 v8, v7  }
0x58: {  	v63 =	vld [tilespmem:s12+$0x8240]  }
0x59: {  	v7 =	vld [tilespmem:s12+$0x3240];
	v1 =	vadd.f32 v1, v0  }
0x5a: {  	s13 =	simm.s32 $0x80;
	v8 =	vld [tilespmem:s12+$0x5A40]  }
0x5b: {  	v3 =	vadd.f32 v5, v4;
	v0 =	vld [tilespmem:s13+$0xA50];
	v4 =	vadd.f32 v6, v2;
	[tilespmem:s12+$0x14A20] =	vst v1  }
0x5c: {  	v1 =	vld [tilespmem:s13+$0x3250]  }
0x5d: {  	v2 =	vld [tilespmem:s13+$0x5A50];
	v5 =	vadd.f32 v4, v3  }
0x5e: {  	v4 =	vld [tilespmem:s13+$0x8250]  }
0x5f: {  	v3 =	vld [tilespmem:s13+$0xA54];
	v7 =	vadd.f32 v7, v62;
	v8 =	vadd.f32 v63, v8;
	[tilespmem:s12+$0x14A30] =	vst v5  }
0x60: {  	v5 =	vld [tilespmem:s13+$0x3254]  }
0x61: {  	s14 =	simm.s32 $0x400;
	v7 =	vadd.f32 v8, v7;
	v6 =	vld [tilespmem:s13+$0x5A54]  }
.LBB2_3:
0x62: {  	p0 =	sne.s32 s14, $0x9E00;
	v8 =	vld [tilespmem:s13+$0x8254]  }
0x63: {  	v9 =	vld [tilespmem:s13+$0xA00];
	[tilespmem:s12+$0x14A40] =	vst v7;
	s12 =	smov.u32 s13  }
0x64: {  	v7 =	vld [tilespmem:s12+$0x3200]  }
0x65: {  	v10 =	vld [tilespmem:s12+$0x5A00]  }
0x66: {  	v0 =	vadd.f32 v1, v0;
	v1 =	vadd.f32 v4, v2;
	v11 =	vld [tilespmem:s12+$0x8200]  }
0x67: {  	v3 =	vadd.f32 v5, v3;
	v2 =	vld [tilespmem:s12+$0xA10];
	v4 =	vadd.f32 v8, v6  }
0x68: {  	v0 =	vadd.f32 v1, v0;
	v5 =	vld [tilespmem:s12+$0x3210]  }
0x69: {  	v1 =	vadd.f32 v7, v9;
	v6 =	vld [tilespmem:s12+$0x5A10];
	v3 =	vadd.f32 v4, v3  }
0x6a: {  	v4 =	vld [tilespmem:s12+$0x8210];
	[tilespmem:s12+$0x14A50] =	vst v0  }
0x6b: {  	v0 =	vadd.f32 v11, v10;
	v7 =	vld [tilespmem:s12+$0xA20];
	[tilespmem:s12+$0x14A54] =	vst v3  }
0x6c: {  	v3 =	vld [tilespmem:s12+$0x3220]  }
0x6d: {  	v0 =	vadd.f32 v0, v1;
	v1 =	vadd.f32 v5, v2;
	v2 =	vld [tilespmem:s12+$0x5A20]  }
0x6e: {  	v5 =	vld [tilespmem:s12+$0x8220]  }
0x6f: {  	[tilespmem:s12+$0x14A00] =	vst v0;
	v0 =	vadd.f32 v4, v6;
	v4 =	vld [tilespmem:s12+$0xA30]  }
0x70: {  	v6 =	vld [tilespmem:s12+$0x3230]  }
0x71: {  	v0 =	vadd.f32 v0, v1;
	v1 =	vadd.f32 v3, v7;
	v3 =	vld [tilespmem:s12+$0x5A30]  }
0x72: {  	v7 =	vld [tilespmem:s12+$0x8230]  }
0x73: {  	[tilespmem:s12+$0x14A10] =	vst v0;
	v0 =	vadd.f32 v5, v2;
	v5 =	vld [tilespmem:s12+$0xA40]  }
0x74: {  	v8 =	vld [tilespmem:s12+$0x3240]  }
0x75: {  	v1 =	vadd.f32 v0, v1;
	v4 =	vadd.f32 v6, v4;
	v6 =	vld [tilespmem:s12+$0x5A40]  }
0x76: {  	s13 =	sshra.s32 s14, $0x2;
	v9 =	vld [tilespmem:s12+$0x8240]  }
0x77: {  	v0 =	vld [tilespmem:s13+$0xA50];
	[tilespmem:s12+$0x14A20] =	vst v1;
	v3 =	vadd.f32 v7, v3  }
0x78: {  	v1 =	vld [tilespmem:s13+$0x3250]  }
.Ltmp0:
0x79: {  	v2 =	vld [tilespmem:s13+$0x5A50];
	v7 =	vadd.f32 v3, v4;
	v8 =	vadd.f32 v8, v5;
	(pc) =	sbr.rel @p0 .LBB2_3-.Ltmp0, $4  }
0x7a: {  	v4 =	vld [tilespmem:s13+$0x8250]  }
0x7b: {  	v3 =	vld [tilespmem:s13+$0xA54];
	[tilespmem:s12+$0x14A30] =	vst v7;
	v7 =	vadd.f32 v9, v6  }
0x7c: {  	v5 =	vld [tilespmem:s13+$0x3254]  }
0x7d: {  	s14 =	sadd.s32 $0x200, s14;
	v6 =	vld [tilespmem:s13+$0x5A54];
	v7 =	vadd.f32 v7, v8  }
0x7e: {  	v8 =	vld [tilespmem:s13+$0x8254]  }
0x7f: {  	v9 =	vld [tilespmem:s13+$0xA00];
	[tilespmem:s12+$0x14A40] =	vst v7  }
0x80: {  	v7 =	vld [tilespmem:s13+$0x3200]  }
0x81: {  	v10 =	vld [tilespmem:s13+$0x5A00]  }
0x82: {  	v11 =	vld [tilespmem:s13+$0x8200]  }
0x83: {  	v0 =	vadd.f32 v1, v0;
	v1 =	vadd.f32 v4, v2;
	v2 =	vld [tilespmem:s13+$0xA10]  }
0x84: {  	v4 =	vld [tilespmem:s13+$0x3210]  }
0x85: {  	v56 =	vld [tilespmem:s13+$0x3240]  }
0x86: {  	v57 =	vld [tilespmem:s13+$0x5A40]  }
0x87: {  	v58 =	vld [tilespmem:s13+$0x8240]  }
0x88: {  	v0 =	vadd.f32 v1, v0;
	v1 =	vld [tilespmem:s13+$0x5A10]  }
0x89: {  	v3 =	vadd.f32 v5, v3;
	v5 =	vadd.f32 v8, v6;
	v6 =	vld [tilespmem:s13+$0x8210]  }
0x8a: {  	[tilespmem:s13+$0x14A50] =	vst v0;
	v0 =	vld [tilespmem:s13+$0xA20]  }
0x8b: {  	v8 =	vld [tilespmem:s13+$0x8220];
	v3 =	vadd.f32 v5, v3;
	v5 =	vadd.f32 v7, v9  }
0x8c: {  	v7 =	vadd.f32 v11, v10;
	v2 =	vadd.f32 v4, v2;
	v4 =	vld [tilespmem:s13+$0xA30]  }
0x8d: {  	[tilespmem:s13+$0x14A54] =	vst v3;
	v3 =	vld [tilespmem:s13+$0x3220]  }
0x8e: {  	v5 =	vadd.f32 v7, v5;
	v7 =	vld [tilespmem:s13+$0x5A20];
	v1 =	vadd.f32 v6, v1  }
0x8f: {  	v6 =	vld [tilespmem:s13+$0x8230]  }
0x90: {  	[tilespmem:s13+$0x14A00] =	vst v5;
	v5 =	vld [tilespmem:s13+$0x3230];
	v1 =	vadd.f32 v1, v2  }
0x91: {  	v2 =	vld [tilespmem:s13+$0x5A30]  }
0x92: {  	[tilespmem:s13+$0x14A10] =	vst v1;
	v1 =	vld [tilespmem:s13+$0xA40]  }
0x93: {  	v0 =	vadd.f32 v3, v0;
	v3 =	vadd.f32 v8, v7;
	_ =	sdelay $0x1  }
0x94: {  	v0 =	vadd.f32 v3, v0  }
0x95: {  	v3 =	vadd.f32 v5, v4;
	v2 =	vadd.f32 v6, v2  }
0x96: {  	v4 =	vadd.f32 v58, v57;
	v1 =	vadd.f32 v56, v1  }
0x97: {  	v2 =	vadd.f32 v2, v3  }
0x98: {  	s11 =	sadd.s32 s8, s11;
	[tilespmem:s13+$0x14A20] =	vst v0;
	v0 =	vadd.f32 v4, v1  }
0x99: {  	s11 =	sshll.u32 s11, $0x4;
	[tilespmem:s13+$0x14A30] =	vst v2  }
0x9a: {  	s14 =	simm.s32 $0x0;
	s11 =	sadd.s32 s7, s11;
	[tilespmem:s13+$0x14A40] =	vst v0  }
0x9b: {  	[hbm4b:s11+s14] =	stream.linear.scatter [tilespmem:s31], [sflag:$0x3], $0x2800, $0x38;
	[tilespmem:$0x19A00] =	vst v63  }
0x9c: {  	_ =	swait.ge [sflag:s1], $0x2800  }
0x9d: {  	[sflag:s1] =	ssyncset.done $0x0  }
0x9e: {  	[sflag:s1] =	ssyncadd.s32 $0xFFFFD800  }
0x9f: {  	_ =	swait.ge [sflag:s1], $0x2800  }
0xa0: {  	[sflag:s1] =	ssyncset.done $0x0  }
0xa1: {  	[sflag:s1] =	ssyncadd.s32 $0xFFFFD800  }
0xa2: {  	_ =	swait.ge [sflag:s1], $0x2800  }
0xa3: {  	[sflag:s1] =	ssyncset.done $0x0  }
0xa4: {  	[sflag:s1] =	ssyncadd.s32 $0xFFFFD800  }
0xa5: {  	_ =	swait.ge [sflag:s1], $0x2800  }
0xa6: {  	[sflag:s1] =	ssyncset.done $0x0  }
0xa7: {  	s11 =	simm.s32 $0x0;
	[sflag:s1] =	ssyncadd.s32 $0xFFFFD800  }
0xa8: {  	v0 =	vld [tilespmem:s11+$0xAA50]  }
0xa9: {  	v1 =	vld [tilespmem:s11+$0xD250]  }
0xaa: {  	v2 =	vld [tilespmem:s11+$0xFA50]  }
0xab: {  	v3 =	vld [tilespmem:s11+$0x12250]  }
0xac: {  	v4 =	vld [tilespmem:s11+$0xAA54]  }
0xad: {  	v5 =	vld [tilespmem:s11+$0xD254]  }
0xae: {  	v6 =	vld [tilespmem:s11+$0xFA54]  }
0xaf: {  	v7 =	vld [tilespmem:s11+$0x12254]  }
0xb0: {  	v8 =	vld [tilespmem:s11+$0xAA00]  }
0xb1: {  	v60 =	vld [tilespmem:s11+$0xFA00]  }
0xb2: {  	v61 =	vld [tilespmem:s11+$0x12200]  }
0xb3: {  	v59 =	vld [tilespmem:s11+$0xD200]  }
0xb4: {  	v0 =	vadd.f32 v1, v0;
	v1 =	vadd.f32 v3, v2;
	v2 =	vld [tilespmem:s11+$0xAA10]  }
0xb5: {  	v3 =	vadd.f32 v5, v4;
	v4 =	vld [tilespmem:s11+$0xD210]  }
0xb6: {  	v5 =	vadd.f32 v7, v6;
	v6 =	vld [tilespmem:s11+$0x12210]  }
0xb7: {  	v7 =	vadd.f32 v61, v60;
	v0 =	vadd.f32 v1, v0;
	v1 =	vld [tilespmem:s11+$0xFA10]  }
0xb8: {  	v3 =	vadd.f32 v5, v3;
	v5 =	vadd.f32 v59, v8;
	v8 =	vld [tilespmem:s11+$0x12220]  }
0xb9: {  	[tilespmem:s11+$0x17250] =	vst v0;
	v0 =	vld [tilespmem:s11+$0xAA20]  }
0xba: {  	v5 =	vadd.f32 v7, v5;
	v7 =	vld [tilespmem:s11+$0xFA20]  }
0xbb: {  	[tilespmem:s11+$0x17254] =	vst v3;
	v3 =	vld [tilespmem:s11+$0xD220]  }
0xbc: {  	v2 =	vadd.f32 v4, v2;
	v4 =	vld [tilespmem:s11+$0xAA30];
	v1 =	vadd.f32 v6, v1  }
0xbd: {  	[tilespmem:s11+$0x17200] =	vst v5;
	v5 =	vld [tilespmem:s11+$0xD230]  }
0xbe: {  	v6 =	vld [tilespmem:s11+$0x12230];
	v1 =	vadd.f32 v1, v2  }
0xbf: {  	v2 =	vld [tilespmem:s11+$0xFA30]  }
0xc0: {  	v62 =	vld [tilespmem:s11+$0xAA40];
	v0 =	vadd.f32 v3, v0;
	[tilespmem:s11+$0x17210] =	vst v1;
	v1 =	vadd.f32 v8, v7  }
0xc1: {  	v63 =	vld [tilespmem:s11+$0x12240]  }
0xc2: {  	v7 =	vld [tilespmem:s11+$0xD240];
	v1 =	vadd.f32 v1, v0  }
0xc3: {  	s12 =	simm.s32 $0x80;
	v8 =	vld [tilespmem:s11+$0xFA40]  }
0xc4: {  	v3 =	vadd.f32 v5, v4;
	v0 =	vld [tilespmem:s12+$0xAA50];
	v4 =	vadd.f32 v6, v2;
	[tilespmem:s11+$0x17220] =	vst v1  }
0xc5: {  	v1 =	vld [tilespmem:s12+$0xD250]  }
0xc6: {  	v2 =	vld [tilespmem:s12+$0xFA50];
	v5 =	vadd.f32 v4, v3  }
0xc7: {  	v4 =	vld [tilespmem:s12+$0x12250]  }
0xc8: {  	v3 =	vld [tilespmem:s12+$0xAA54];
	v7 =	vadd.f32 v7, v62;
	v8 =	vadd.f32 v63, v8;
	[tilespmem:s11+$0x17230] =	vst v5  }
0xc9: {  	v5 =	vld [tilespmem:s12+$0xD254]  }
0xca: {  	s13 =	simm.s32 $0x400;
	v7 =	vadd.f32 v8, v7;
	v6 =	vld [tilespmem:s12+$0xFA54]  }
.LBB2_5:
0xcb: {  	p0 =	sne.s32 s13, $0x9E00;
	v8 =	vld [tilespmem:s12+$0x12254]  }
0xcc: {  	v9 =	vld [tilespmem:s12+$0xAA00];
	[tilespmem:s11+$0x17240] =	vst v7;
	s11 =	smov.u32 s12  }
0xcd: {  	v7 =	vld [tilespmem:s11+$0xD200]  }
0xce: {  	v10 =	vld [tilespmem:s11+$0xFA00]  }
0xcf: {  	v0 =	vadd.f32 v1, v0;
	v1 =	vadd.f32 v4, v2;
	v11 =	vld [tilespmem:s11+$0x12200]  }
0xd0: {  	v3 =	vadd.f32 v5, v3;
	v2 =	vld [tilespmem:s11+$0xAA10];
	v4 =	vadd.f32 v8, v6  }
0xd1: {  	v0 =	vadd.f32 v1, v0;
	v5 =	vld [tilespmem:s11+$0xD210]  }
0xd2: {  	v1 =	vadd.f32 v7, v9;
	v6 =	vld [tilespmem:s11+$0xFA10];
	v3 =	vadd.f32 v4, v3  }
0xd3: {  	v4 =	vld [tilespmem:s11+$0x12210];
	[tilespmem:s11+$0x17250] =	vst v0  }
0xd4: {  	v0 =	vadd.f32 v11, v10;
	v7 =	vld [tilespmem:s11+$0xAA20];
	[tilespmem:s11+$0x17254] =	vst v3  }
0xd5: {  	v3 =	vld [tilespmem:s11+$0xD220]  }
0xd6: {  	v0 =	vadd.f32 v0, v1;
	v1 =	vadd.f32 v5, v2;
	v2 =	vld [tilespmem:s11+$0xFA20]  }
0xd7: {  	v5 =	vld [tilespmem:s11+$0x12220]  }
0xd8: {  	[tilespmem:s11+$0x17200] =	vst v0;
	v0 =	vadd.f32 v4, v6;
	v4 =	vld [tilespmem:s11+$0xAA30]  }
0xd9: {  	v6 =	vld [tilespmem:s11+$0xD230]  }
0xda: {  	v0 =	vadd.f32 v0, v1;
	v1 =	vadd.f32 v3, v7;
	v3 =	vld [tilespmem:s11+$0xFA30]  }
0xdb: {  	v7 =	vld [tilespmem:s11+$0x12230]  }
0xdc: {  	[tilespmem:s11+$0x17210] =	vst v0;
	v0 =	vadd.f32 v5, v2;
	v5 =	vld [tilespmem:s11+$0xAA40]  }
0xdd: {  	v8 =	vld [tilespmem:s11+$0xD240]  }
0xde: {  	v1 =	vadd.f32 v0, v1;
	v4 =	vadd.f32 v6, v4;
	v6 =	vld [tilespmem:s11+$0xFA40]  }
0xdf: {  	s12 =	sshra.s32 s13, $0x2;
	v9 =	vld [tilespmem:s11+$0x12240]  }
0xe0: {  	v0 =	vld [tilespmem:s12+$0xAA50];
	[tilespmem:s11+$0x17220] =	vst v1;
	v3 =	vadd.f32 v7, v3  }
0xe1: {  	v1 =	vld [tilespmem:s12+$0xD250]  }
.Ltmp1:
0xe2: {  	v2 =	vld [tilespmem:s12+$0xFA50];
	v7 =	vadd.f32 v3, v4;
	v8 =	vadd.f32 v8, v5;
	(pc) =	sbr.rel @p0 .LBB2_5-.Ltmp1, $4  }
0xe3: {  	v4 =	vld [tilespmem:s12+$0x12250]  }
0xe4: {  	v3 =	vld [tilespmem:s12+$0xAA54];
	[tilespmem:s11+$0x17230] =	vst v7;
	v7 =	vadd.f32 v9, v6  }
0xe5: {  	v5 =	vld [tilespmem:s12+$0xD254]  }
0xe6: {  	s13 =	sadd.s32 $0x200, s13;
	v6 =	vld [tilespmem:s12+$0xFA54];
	v7 =	vadd.f32 v7, v8  }
0xe7: {  	v8 =	vld [tilespmem:s12+$0x12254]  }
0xe8: {  	v9 =	vld [tilespmem:s12+$0xAA00];
	[tilespmem:s11+$0x17240] =	vst v7  }
0xe9: {  	v7 =	vld [tilespmem:s12+$0xD200]  }
0xea: {  	v10 =	vld [tilespmem:s12+$0xFA00]  }
0xeb: {  	v11 =	vld [tilespmem:s12+$0x12200]  }
0xec: {  	v41 =	vld [tilespmem:s12+$0xAA10]  }
0xed: {  	v42 =	vld [tilespmem:s12+$0xD210]  }
0xee: {  	v44 =	vld [tilespmem:s12+$0xFA10]  }
0xef: {  	v45 =	vld [tilespmem:s12+$0x12210]  }
0xf0: {  	v46 =	vld [tilespmem:s12+$0xAA20]  }
0xf1: {  	v49 =	vld [tilespmem:s12+$0xD220]  }
0xf2: {  	v50 =	vld [tilespmem:s12+$0xFA20]  }
0xf3: {  	v51 =	vld [tilespmem:s12+$0x12220]  }
0xf4: {  	v52 =	vld [tilespmem:s12+$0xAA30]  }
0xf5: {  	v53 =	vld [tilespmem:s12+$0xD230]  }
0xf6: {  	v54 =	vld [tilespmem:s12+$0xFA30]  }
0xf7: {  	v0 =	vadd.f32 v1, v0;
	v40 =	vadd.f32 v4, v2;
	v55 =	vld [tilespmem:s12+$0x12230]  }
0xf8: {  	v58 =	vld [tilespmem:s12+$0xFA40];
	v3 =	vadd.f32 v5, v3;
	v43 =	vadd.f32 v8, v6  }
0xf9: {  	v59 =	vld [tilespmem:s12+$0x12240];
	v0 =	vadd.f32 v40, v0  }
0xfa: {  	v56 =	vld [tilespmem:s12+$0xAA40];
	v3 =	vadd.f32 v43, v3;
	v47 =	vadd.f32 v7, v9  }
0xfb: {  	v57 =	vld [tilespmem:s12+$0xD240];
	v48 =	vadd.f32 v11, v10;
	v2 =	vadd.f32 v42, v41  }
0xfc: {  	[tilespmem:s12+$0x17250] =	vst v0;
	v1 =	vadd.f32 v45, v44;
	v0 =	vadd.f32 v49, v46  }
0xfd: {  	v60 =	vadd.f32 v51, v50;
	v61 =	vadd.f32 v53, v52  }
0xfe: {  	v62 =	vadd.f32 v59, v58;
	v1 =	vadd.f32 v1, v2  }
0xff: {  	[tilespmem:s12+$0x17254] =	vst v3;
	v5 =	vadd.f32 v48, v47;
	v2 =	vadd.f32 v55, v54  }
0x100: {  	v0 =	vadd.f32 v60, v0;
	[tilespmem:s12+$0x17210] =	vst v1;
	v1 =	vadd.f32 v57, v56  }
0x101: {  	[tilespmem:s12+$0x17200] =	vst v5;
	v2 =	vadd.f32 v2, v61  }
0x102: {  	s10 =	sadd.s32 s8, s10;
	[tilespmem:s12+$0x17220] =	vst v0;
	v63 =	vadd.f32 v62, v1  }
0x103: {  	s10 =	sshll.u32 s10, $0x4;
	[tilespmem:s12+$0x17230] =	vst v2  }
0x104: {  	s9 =	sadd.s32 $0x1, s9;
	s10 =	sadd.s32 s7, s10;
	[tilespmem:s12+$0x17240] =	vst v63  }
0x105: {  	[hbm4b:s10+s2] =	stream.linear.scatter [tilespmem:s0], [sflag:$0x4], $0x2800, $0x38;
	[tilespmem:$0x19A00] =	vst v63  }
0x106: {  	p0 =	sne.s32 s9, $0x4;
	_ =	swait.ge [sflag:s17], $0x2800  }
.Ltmp2:
0x107: {  	[sflag:s17] =	ssyncset.done $0x0;
	(pc) =	sbr.rel @p0 .LBB2_2-.Ltmp2, $4  }
0x108: {  	[sflag:s17] =	ssyncadd.s32 $0xFFFFD800  }
0x109: {  	_ =	swait.ge [sflag:s18], $0x2800  }
0x10a: {  	[sflag:s18] =	ssyncset.done $0x0  }
0x10b: {  	[sflag:s18] =	ssyncadd.s32 $0xFFFFD800  }
0x10c: {  	s19 =	sadd.s32 $0x1, s19;
	s9 =	rddreg [dreg:$0x6]  }
0x10d: {  	p0 =	sne.s32 s19, s9  }
.Ltmp3:
0x10e: {  	_ = 	snop;
	(pc) =	sbr.rel @p0 .LBB2_1-.Ltmp3, $1  }
0x10f: {  	_ =	sdelay $0x3  }
0x110: {  	_ =	sfence.sel $0x180000  }
0x111: {  	[bflag:$0x0] =	sbarrier.arrive $0xFFFF  }
0x112: {  	_ =	strace $0x90000053  }
0x113: {  	s0 =	stileid.u32;
	[bflag:$0x2] =	sbarrier.arrive $0xFFFF  }
0x114: {  	p0 =	sne.s32 s0, $0x0;
	s0 =	rddreg [dreg:$0x1]  }
0x115: {  	s0 =	sadd.s32 @!p0 $0x100000, s0  }
0x116: {  	[sflag:s0] =	ssyncadd.tile.s32 @!p0 $0x1;
	_ =	shalt  }
.Lfunc_end2:
_tile_overlayer_lowered:
.L_overlay_start_2:
0x117: {  	(tag) =	ssettag $0x2  }
0x118: {  	s0 =	rddreg [dreg:$0x0];
	s2 =	stileid.u32  }
0x119: {  	s1 =	rddreg [dreg:$0x1];
	p0 =	sne.s32 s2, $0x0  }
0x11a: {  	s3 =	rddreg [dreg:$0x2];
	[bflag:$0x3] =	sbarrier.arrive $0xFFFF;
	s2 =	simm.s32 @!p0 $0x1C05  }
0x11b: {  	[timem:s3], [sflag:s2] =	dma.local @!p0 [hbm:s0], s1  }
0x11c: {  	s0 =	simm.s32 @!p0 $0x5  }
0x11d: {  	_ =	swait.ge @!p0 [sflag:s0], s1  }
0x11e: {  	s1 =	ssub.s32 @!p0 $0x0, s1;
	[sflag:s0] =	ssyncset.done @!p0 $0x0  }
0x11f: {  	[sflag:s0] =	ssyncadd.s32 @!p0 s1  }
0x120: {  	[bflag:$0x3] =	sbarrier.arrive $0xFFFF  }
0x121: {  	_ =	shalt  }

</sc_bundles>
